<compile_context>
chip_gen: v7x
topology: tpu7x:2x2x1
jax: 0.10.2.dev20260603
libtpu: 0.0.44.dev20260713+nightly
codegen_flags: <defaults>
</compile_context>

<pallas_src>
import functools
import jax
import jax.numpy as jnp
from jax import lax
from jax.experimental import pallas as pl
from jax.experimental.pallas import tpu as pltpu
from jax.experimental.pallas import tpu_sc as plsc

N = 10000
E = 160000
IN = 16
HID = 16
OUT = 16
ED = 16
H = 128

NC = 2
NS = 16
NW = NC * NS
CH = 128
NCHT = E // CH
NHALF = 2
NCHH = NCHT // NHALF
EH = NCHH * CH
RPS = 632
NP = NS * RPS

BE = 3200
BR = BE // 8

_MESH = plsc.VectorSubcoreMesh(core_axis_name="c", subcore_axis_name="s")
_SC_PARAMS = pltpu.CompilerParams(use_tc_tiling_on_sc=False)



def _make_gather(chunk0):
    nchw = NCHH // NW
    nxtra = NCHH - nchw * NW

    @functools.partial(
        pl.kernel,
        out_type=jax.ShapeDtypeStruct((EH, 16), jnp.float32),
        mesh=_MESH,
        scratch_types=[
            pltpu.VMEM((nchw + 1, CH), jnp.int32),
            pltpu.VMEM(((nchw + 1) * CH, 16), jnp.float32),
            pltpu.SemaphoreType.DMA,
        ],
        compiler_params=_SC_PARAMS,
    )
    def gather(tab_hbm, idx_hbm, out_hbm, idx_v, rows_v, sem):
        c = lax.axis_index("c")
        s = lax.axis_index("s")
        wid = s * NC + c
        extra = jnp.where(wid < nxtra, 1, 0)
        crel = wid * nchw + jnp.minimum(wid, nxtra)
        cabs = chunk0 + crel
        nch = nchw + extra
        pltpu.sync_copy(idx_hbm.at[pl.ds(cabs, nchw)],
                        idx_v.at[pl.ds(0, nchw)])

        @pl.when(extra == 1)
        def _():
            pltpu.sync_copy(idx_hbm.at[pl.ds(cabs + nchw, 1)],
                            idx_v.at[pl.ds(nchw, 1)])

        def fire(j, carry):
            pltpu.async_copy(tab_hbm.at[idx_v.at[j]],
                             rows_v.at[pl.ds(j * CH, CH)], sem)
            return carry

        lax.fori_loop(0, nch, fire, 0)

        def drain(j, carry):
            pltpu.make_async_copy(tab_hbm.at[idx_v.at[0]],
                                  rows_v.at[pl.ds(0, CH)], sem).wait()
            return carry

        lax.fori_loop(0, nch, drain, 0)
        pltpu.sync_copy(rows_v.at[pl.ds(0, nchw * CH)],
                        out_hbm.at[pl.ds(crel * CH, nchw * CH)])

        @pl.when(extra == 1)
        def _():
            pltpu.sync_copy(rows_v.at[pl.ds(nchw * CH, CH)],
                            out_hbm.at[pl.ds((crel + nchw) * CH, CH)])

    return gather



def _make_scatter(chunk0, with_cnt):
    nchw = NCHH // NW
    nxtra = NCHH - nchw * NW
    out_t = jax.ShapeDtypeStruct((NC * NP, 16), jnp.float32)
    scratch = [
        pltpu.VMEM((nchw + 1, CH), jnp.int32),
        pltpu.VMEM(((nchw + 1) * CH, 16), jnp.float32),
        pltpu.VMEM_SHARED((NP, 16), jnp.float32),
        pltpu.SemaphoreType.DMA,
    ]
    if with_cnt:
        out_t = (out_t, jax.ShapeDtypeStruct((NC * NP, 16), jnp.float32))
        scratch = scratch[:2] + [
            pltpu.VMEM((CH, 16), jnp.float32),
            pltpu.VMEM_SHARED((NP, 16), jnp.float32),
        ] + scratch[2:]

    def body(idx_hbm, vals_hbm, zeros_hbm, *rest):
        if with_cnt:
            (ones_hbm, out_hbm, cout_hbm, idx_v, vals_v, ones_v, cacc_sh,
             acc_sh, sem) = rest
        else:
            (out_hbm, idx_v, vals_v, acc_sh, sem) = rest
        c = lax.axis_index("c")
        s = lax.axis_index("s")
        wid = s * NC + c
        extra = jnp.where(wid < nxtra, 1, 0)
        crel = wid * nchw + jnp.minimum(wid, nxtra)
        cabs = chunk0 + crel
        nch = nchw + extra
        pltpu.sync_copy(zeros_hbm.at[pl.ds(s * RPS, RPS)],
                        acc_sh.at[pl.ds(s * RPS, RPS)])
        if with_cnt:
            pltpu.sync_copy(zeros_hbm.at[pl.ds(s * RPS, RPS)],
                            cacc_sh.at[pl.ds(s * RPS, RPS)])
            pltpu.sync_copy(ones_hbm, ones_v)
        pltpu.sync_copy(idx_hbm.at[pl.ds(cabs, nchw)],
                        idx_v.at[pl.ds(0, nchw)])
        pltpu.sync_copy(vals_hbm.at[pl.ds(crel * CH, nchw * CH)],
                        vals_v.at[pl.ds(0, nchw * CH)])

        @pl.when(extra == 1)
        def _():
            pltpu.sync_copy(idx_hbm.at[pl.ds(cabs + nchw, 1)],
                            idx_v.at[pl.ds(nchw, 1)])
            pltpu.sync_copy(vals_hbm.at[pl.ds((crel + nchw) * CH, CH)],
                            vals_v.at[pl.ds(nchw * CH, CH)])

        plsc.subcore_barrier()

        def fire(j, carry):
            pltpu.async_copy(vals_v.at[pl.ds(j * CH, CH)],
                             acc_sh.at[idx_v.at[j]], sem, add=True)
            if with_cnt:
                pltpu.async_copy(ones_v, cacc_sh.at[idx_v.at[j]], sem,
                                 add=True)
            return carry

        lax.fori_loop(0, nch, fire, 0)
        n_waits = nch * 2 if with_cnt else nch

        def drain(j, carry):
            pltpu.make_async_copy(vals_v.at[pl.ds(0, CH)],
                                  acc_sh.at[idx_v.at[0]], sem).wait()
            return carry

        lax.fori_loop(0, n_waits, drain, 0)
        plsc.subcore_barrier()
        pltpu.sync_copy(acc_sh.at[pl.ds(s * RPS, RPS)],
                        out_hbm.at[pl.ds(c * NP + s * RPS, RPS)])
        if with_cnt:
            pltpu.sync_copy(cacc_sh.at[pl.ds(s * RPS, RPS)],
                            cout_hbm.at[pl.ds(c * NP + s * RPS, RPS)])

    return functools.partial(
        pl.kernel, mesh=_MESH, compiler_params=_SC_PARAMS,
        out_type=out_t, scratch_types=scratch)(body)


_gather_h = tuple(_make_gather(h * NCHH) for h in range(NHALF))
_scatter_cnt_h = tuple(_make_scatter(h * NCHH, True) for h in range(NHALF))
_scatter_h = tuple(_make_scatter(h * NCHH, False) for h in range(NHALF))



def _unpack(ap):
    return jnp.concatenate([ap[:, 16 * k:16 * (k + 1)] for k in range(8)],
                           axis=0)


def _pack(a):
    r = a.shape[0] // 8
    return jnp.concatenate([a[r * k:r * (k + 1), :] for k in range(8)],
                           axis=1)


def _msg_body(ea_ref, xs_ref, w1_ref, b1_ref, w2_ref, b2_ref, p_ref, q_ref,
              out_ref):
    ea = _unpack(ea_ref[...]).astype(jnp.bfloat16)
    xs = _unpack(xs_ref[...])
    h = jnp.maximum(
        jnp.dot(ea, w1_ref[...].astype(jnp.bfloat16),
                preferred_element_type=jnp.float32)
        + b1_ref[...], 0.0)
    wf = jnp.dot(h.astype(jnp.bfloat16), w2_ref[...].astype(jnp.bfloat16),
                 preferred_element_type=jnp.float32) + b2_ref[...]
    xr = jnp.dot(xs, p_ref[...], preferred_element_type=jnp.float32)
    msg = jnp.dot(xr * wf, q_ref[...], preferred_element_type=jnp.float32)
    out_ref[...] = _pack(msg)


def _edge_messages(half, ea2, xs2, w1, b1, w2, b2, ic, oc):
    grid = EH // BE
    off = half * grid
    ii = jnp.arange(ic * oc) // oc
    oo = jnp.arange(ic * oc) % oc
    p_mat = (ii[None, :] == jnp.arange(ic)[:, None]).astype(jnp.float32)
    q_mat = (oo[:, None] == jnp.arange(oc)[None, :]).astype(jnp.float32)
    b1r = b1.reshape(1, -1)
    b2r = b2.reshape(1, -1)

    def fixed(a):
        return pl.BlockSpec(a.shape, lambda i: (0,) * a.ndim)

    return pl.pallas_call(
        _msg_body,
        grid=(grid,),
        in_specs=[
            pl.BlockSpec((BR, 128), lambda i: (i + off, 0)),
            pl.BlockSpec((BR, 128), lambda i: (i, 0)),
            fixed(w1), fixed(b1r), fixed(w2), fixed(b2r),
            fixed(p_mat), fixed(q_mat),
        ],
        out_specs=pl.BlockSpec((BR, 128), lambda i: (i, 0)),
        out_shape=jax.ShapeDtypeStruct((EH // 8, 128), jnp.float32),
    )(ea2, xs2, w1, b1r, w2, b2r, p_mat, q_mat)



_NR = N // 8
_NPR = NP // 8


def _node_body(x_ref, *rest, do_relu):
    s_refs = rest[:NHALF]
    c_refs = rest[NHALF:2 * NHALF]
    root_ref, bias_ref, out_ref = rest[2 * NHALF:]

    def tot(refs):
        return sum(r[0:_NR] + r[_NPR:_NPR + _NR] for r in refs)

    s = tot(s_refs)
    inv = 1.0 / jnp.maximum(tot(c_refs), 1.0)
    x = _unpack(x_ref[...])
    r = jnp.dot(x, root_ref[...], preferred_element_type=jnp.float32)
    o = _pack(r) + s * inv + bias_ref[...]
    if do_relu:
        o = jnp.maximum(o, 0.0)
    out_ref[...] = o


def _node_combine(x2, s_parts, c_parts, root, bias, do_relu):
    bias_t = jnp.tile(bias.reshape(1, -1), (1, 8))
    return pl.pallas_call(
        functools.partial(_node_body, do_relu=do_relu),
        out_shape=jax.ShapeDtypeStruct((_NR, 128), jnp.float32),
    )(x2, *s_parts, *c_parts, root, bias_t)


def kernel(x, edge_index, edge_attr, nn1_w1, nn1_b1, nn1_w2, nn1_b2, root1,
           bias1, nn2_w1, nn2_b1, nn2_w2, nn2_b2, root2, bias2):
    src2 = edge_index[0].astype(jnp.int32).reshape(NCHT, CH)
    dst2 = edge_index[1].astype(jnp.int32).reshape(NCHT, CH)
    ea2 = edge_attr.reshape(E // 8, 128)
    x2 = x.reshape(_NR, 128)
    zeros_np = jnp.zeros((NP, 16), jnp.float32)
    ones_ch = jnp.ones((CH, 16), jnp.float32)

    def packp(a):
        return a.reshape(NC * NP // 8, 128)

    xs_h = [_gather_h[h](x, src2) for h in range(NHALF)]
    s1 = []
    c1 = []
    for h in range(NHALF):
        m = _edge_messages(h, ea2, xs_h[h].reshape(EH // 8, 128),
                           nn1_w1, nn1_b1, nn1_w2, nn1_b2, IN, HID)
        s, c = _scatter_cnt_h[h](dst2, m.reshape(EH, 16), zeros_np, ones_ch)
        s1.append(packp(s))
        c1.append(packp(c))
    h2 = _node_combine(x2, s1, c1, root1, bias1, True)

    hh = h2.reshape(N, 16)
    hs_h = [_gather_h[h](hh, src2) for h in range(NHALF)]
    s2 = []
    for h in range(NHALF):
        m = _edge_messages(h, ea2, hs_h[h].reshape(EH // 8, 128),
                           nn2_w1, nn2_b1, nn2_w2, nn2_b2, HID, OUT)
        s2.append(packp(_scatter_h[h](dst2, m.reshape(EH, 16), zeros_np)))
    out2 = _node_combine(h2, s2, c1, root2, bias2, False)
    return out2.reshape(N, 16)

# --- scband reference (transcript-rebuilt; emitter-appended) ---
"""Pipeline reference for scband-nnconv-net-17145509446430 (READ-ONLY COPY).

The authoritative reference and input builder live on the scoring server;
editing this copy changes nothing except your own understanding.
"""

import jax, jax.numpy as jnp
import numpy as np

N = 10000
E = 160000
IN = 16
HID = 16
OUT = 16
ED = 16
H = 128


def setup_inputs(seed: int = 0) -> dict:
    key = jax.random.key(seed)
    ks = jax.random.split(key, 16)
    x = jax.random.normal(ks[0], (N, IN), dtype=jnp.float32)
    edge_index = jax.random.randint(ks[1], (2, E), 0, N, dtype=jnp.int64)
    edge_attr = jax.random.normal(ks[2], (E, ED), dtype=jnp.float32)
    s = 0.1
    nn1_w1 = jax.random.normal(ks[3], (ED, H), dtype=jnp.float32) * s
    nn1_b1 = jnp.zeros((H,), dtype=jnp.float32)
    nn1_w2 = jax.random.normal(ks[4], (H, IN * HID), dtype=jnp.float32) * s
    nn1_b2 = jnp.zeros((IN * HID,), dtype=jnp.float32)
    root1 = jax.random.normal(ks[5], (IN, HID), dtype=jnp.float32) * s
    bias1 = jnp.zeros((HID,), dtype=jnp.float32)
    nn2_w1 = jax.random.normal(ks[6], (ED, H), dtype=jnp.float32) * s
    nn2_b1 = jnp.zeros((H,), dtype=jnp.float32)
    nn2_w2 = jax.random.normal(ks[7], (H, HID * OUT), dtype=jnp.float32) * s
    nn2_b2 = jnp.zeros((HID * OUT,), dtype=jnp.float32)
    root2 = jax.random.normal(ks[8], (HID, OUT), dtype=jnp.float32) * s
    bias2 = jnp.zeros((OUT,), dtype=jnp.float32)
    return {
        "x": x, "edge_index": edge_index, "edge_attr": edge_attr,
        "nn1_w1": nn1_w1, "nn1_b1": nn1_b1, "nn1_w2": nn1_w2, "nn1_b2": nn1_b2,
        "root1": root1, "bias1": bias1,
        "nn2_w1": nn2_w1, "nn2_b1": nn2_b1, "nn2_w2": nn2_w2, "nn2_b2": nn2_b2,
        "root2": root2, "bias2": bias2,
    }


def _nnconv(x, src, dst, edge_attr, w1, b1, w2, b2, root, bias, ic, oc):
    # edge-conditioned weight MLP: Linear -> ReLU -> Linear
    h = jax.nn.relu(edge_attr @ w1 + b1)
    W = (h @ w2 + b2).reshape(-1, ic, oc)  # [E, ic, oc]
    # message: x_j @ W_e  (gather on src)
    msg = jnp.einsum('ei,eio->eo', x[src], W)  # [E, oc]
    n = x.shape[0]
    summed = jax.ops.segment_sum(msg, dst, num_segments=n)
    cnt = jax.ops.segment_sum(jnp.ones((msg.shape[0],), dtype=msg.dtype), dst, num_segments=n)
    mean = summed / jnp.clip(cnt, 1.0, None)[:, None]
    # root transform + bias (NNConv default root_weight=True, bias=True)
    return x @ root + mean + bias


def reference(x, edge_index, edge_attr, nn1_w1, nn1_b1, nn1_w2, nn1_b2, root1, bias1,
              nn2_w1, nn2_b1, nn2_w2, nn2_b2, root2, bias2):
    src = edge_index[0]
    dst = edge_index[1]
    h = jax.nn.relu(_nnconv(x, src, dst, edge_attr, nn1_w1, nn1_b1, nn1_w2, nn1_b2, root1, bias1, IN, HID))
    out = _nnconv(h, src, dst, edge_attr, nn2_w1, nn2_b1, nn2_w2, nn2_b2, root2, bias2, HID, OUT)
    return out

if __name__ == "__main__":
    import jax
    _d = setup_inputs()
    print(jax.jit(kernel)(*tuple(_d.values())))

</pallas_src>

<mosaic_0001>
#map = affine_map<(d0, d1) -> (0, 0)>
module attributes {stable_mosaic.version = 14 : i64} {
  func.func @gather(%arg0: i32, %arg1: i32, %arg2: memref<10000x16xf32, #tpu.memory_space<hbm>>, %arg3: memref<1250x128xi32, #tpu.memory_space<hbm>>, %arg4: memref<80000x16xf32, #tpu.memory_space<hbm>>, %arg5: memref<20x128xi32, #tpu.memory_space<vmem>>, %arg6: memref<2560x16xf32, #tpu.memory_space<vmem>>, %arg7: memref<!tpu.dma_semaphore, #tpu.memory_space<semaphore_mem>>) attributes {dimension_semantics = [#tpu.dimension_semantics<core_parallel>, #tpu.dimension_semantics<subcore_parallel>], iteration_bounds = array<i64: 2, 16>, scalar_prefetch = 0 : i64, scratch_operands = 3 : i64, tpu.core_type = #tpu.core_type<sc_vector_subcore>, window_params = [{transform_indices = #map}, {transform_indices = #map}, {transform_indices = #map}]} {
    %mul3A = arith.constant 2 : i32
    %mul3A_0 = arith.muli %arg1, %mul3A : i32
    %add3A = arith.addi %mul3A_0, %arg0 : i32
    %lt3A = arith.constant 17 : i32
    %lt3A_1 = arith.cmpi slt, %add3A, %lt3A : i32
    %jit3A = arith.constant 1 : i32
    %jit3A_2 = arith.constant 0 : i32
    %select_n3A = arith.select %lt3A_1, %jit3A, %jit3A_2 : i32
    %mul3A_3 = arith.constant 19 : i32
    %mul3A_4 = arith.muli %add3A, %mul3A_3 : i32
    %min3A = arith.constant 17 : i32
    %min3A_5 = arith.minsi %add3A, %min3A : i32
    %add3A_6 = arith.addi %mul3A_4, %min3A_5 : i32
    %add3A_7 = arith.constant 625 : i32
    %add3A_8 = arith.addi %add3A_7, %add3A_6 : i32
    %add3A_9 = arith.constant 19 : i32
    %add3A_10 = arith.addi %add3A_9, %select_n3A : i32
    "tpu.region"() ({
      %run_scoped3A = tpu.sem_alloc : memref<!tpu.dma_semaphore, #tpu.memory_space<semaphore_mem>>
      %dma_start3A = arith.constant 0 : i32
      %dma_start3A_39 = arith.constant 0 : i32
      %dma_start3A_40 = tpu.memref_slice %arg5[%dma_start3A, %dma_start3A_39] : memref<20x128xi32, #tpu.memory_space<vmem>> -> memref<19x128xi32, #tpu.memory_space<vmem>>
      %dma_start3A_41 = arith.constant 0 : i32
      %dma_start3A_42 = tpu.memref_slice %arg3[%add3A_8, %dma_start3A_41] : memref<1250x128xi32, #tpu.memory_space<hbm>> -> memref<19x128xi32, #tpu.memory_space<hbm>>
      %dma_start3A_43 = arith.constant 0 : i32
      %dma_start3A_44 = arith.constant 0 : i32
      %dma_start3A_45 = tpu.memref_slice %arg5[%dma_start3A_43, %dma_start3A_44] : memref<20x128xi32, #tpu.memory_space<vmem>> -> memref<19x128xi32, #tpu.memory_space<vmem>>
      %dma_start3A_46 = arith.constant 0 : i32
      %dma_start3A_47 = tpu.memref_slice %arg3[%add3A_8, %dma_start3A_46] : memref<1250x128xi32, #tpu.memory_space<hbm>> -> memref<19x128xi32, #tpu.memory_space<hbm>>
      tpu.enqueue_dma source(%dma_start3A_47 : memref<19x128xi32, #tpu.memory_space<hbm>>) target(%dma_start3A_45 : memref<19x128xi32, #tpu.memory_space<vmem>>) target_semaphore(%run_scoped3A : memref<!tpu.dma_semaphore, #tpu.memory_space<semaphore_mem>>)
      %dma_wait3A = arith.constant 0 : i32
      %dma_wait3A_48 = arith.constant 0 : i32
      %dma_wait3A_49 = tpu.memref_slice %arg5[%dma_wait3A, %dma_wait3A_48] : memref<20x128xi32, #tpu.memory_space<vmem>> -> memref<19x128xi32, #tpu.memory_space<vmem>>
      %dma_wait3A_50 = arith.constant 0 : i32
      %dma_wait3A_51 = tpu.memref_slice %arg3[%add3A_8, %dma_wait3A_50] : memref<1250x128xi32, #tpu.memory_space<hbm>> -> memref<19x128xi32, #tpu.memory_space<hbm>>
      %dma_wait3A_52 = arith.constant 0 : i32
      %dma_wait3A_53 = arith.constant 0 : i32
      %dma_wait3A_54 = tpu.memref_slice %arg5[%dma_wait3A_52, %dma_wait3A_53] : memref<20x128xi32, #tpu.memory_space<vmem>> -> memref<19x128xi32, #tpu.memory_space<vmem>>
      %dma_wait3A_55 = arith.constant 0 : i32
      %dma_wait3A_56 = tpu.memref_slice %arg3[%add3A_8, %dma_wait3A_55] : memref<1250x128xi32, #tpu.memory_space<hbm>> -> memref<19x128xi32, #tpu.memory_space<hbm>>
      tpu.wait_dma2 semaphore(%run_scoped3A : memref<!tpu.dma_semaphore, #tpu.memory_space<semaphore_mem>>) src(%dma_wait3A_56 : memref<19x128xi32, #tpu.memory_space<hbm>>) dst(%dma_wait3A_54 : memref<19x128xi32, #tpu.memory_space<vmem>>)
      tpu.yield
    }) : () -> ()
    %eq3A = arith.constant 1 : i32
    %eq3A_11 = arith.cmpi eq, %select_n3A, %eq3A : i32
    %convert_element_type3A = arith.extui %eq3A_11 : i1 to i32
    %cond3A = arith.constant 0 : i32
    %cond3A_12 = arith.cmpi ne, %convert_element_type3A, %cond3A : i32
    scf.if %cond3A_12 {
      %add3A_39 = arith.constant 19 : i32
      %add3A_40 = arith.addi %add3A_8, %add3A_39 : i32
      "tpu.region"() ({
        %run_scoped3A = tpu.sem_alloc : memref<!tpu.dma_semaphore, #tpu.memory_space<semaphore_mem>>
        %dma_start3A = arith.constant 19 : i32
        %dma_start3A_41 = arith.constant 0 : i32
        %dma_start3A_42 = tpu.memref_slice %arg5[%dma_start3A, %dma_start3A_41] : memref<20x128xi32, #tpu.memory_space<vmem>> -> memref<1x128xi32, #tpu.memory_space<vmem>>
        %dma_start3A_43 = arith.constant 0 : i32
        %dma_start3A_44 = tpu.memref_slice %arg3[%add3A_40, %dma_start3A_43] : memref<1250x128xi32, #tpu.memory_space<hbm>> -> memref<1x128xi32, #tpu.memory_space<hbm>>
        %dma_start3A_45 = arith.constant 19 : i32
        %dma_start3A_46 = arith.constant 0 : i32
        %dma_start3A_47 = tpu.memref_slice %arg5[%dma_start3A_45, %dma_start3A_46] : memref<20x128xi32, #tpu.memory_space<vmem>> -> memref<1x128xi32, #tpu.memory_space<vmem>>
        %dma_start3A_48 = arith.constant 0 : i32
        %dma_start3A_49 = tpu.memref_slice %arg3[%add3A_40, %dma_start3A_48] : memref<1250x128xi32, #tpu.memory_space<hbm>> -> memref<1x128xi32, #tpu.memory_space<hbm>>
        tpu.enqueue_dma source(%dma_start3A_49 : memref<1x128xi32, #tpu.memory_space<hbm>>) target(%dma_start3A_47 : memref<1x128xi32, #tpu.memory_space<vmem>>) target_semaphore(%run_scoped3A : memref<!tpu.dma_semaphore, #tpu.memory_space<semaphore_mem>>)
        %dma_wait3A = arith.constant 19 : i32
        %dma_wait3A_50 = arith.constant 0 : i32
        %dma_wait3A_51 = tpu.memref_slice %arg5[%dma_wait3A, %dma_wait3A_50] : memref<20x128xi32, #tpu.memory_space<vmem>> -> memref<1x128xi32, #tpu.memory_space<vmem>>
        %dma_wait3A_52 = arith.constant 0 : i32
        %dma_wait3A_53 = tpu.memref_slice %arg3[%add3A_40, %dma_wait3A_52] : memref<1250x128xi32, #tpu.memory_space<hbm>> -> memref<1x128xi32, #tpu.memory_space<hbm>>
        %dma_wait3A_54 = arith.constant 19 : i32
        %dma_wait3A_55 = arith.constant 0 : i32
        %dma_wait3A_56 = tpu.memref_slice %arg5[%dma_wait3A_54, %dma_wait3A_55] : memref<20x128xi32, #tpu.memory_space<vmem>> -> memref<1x128xi32, #tpu.memory_space<vmem>>
        %dma_wait3A_57 = arith.constant 0 : i32
        %dma_wait3A_58 = tpu.memref_slice %arg3[%add3A_40, %dma_wait3A_57] : memref<1250x128xi32, #tpu.memory_space<hbm>> -> memref<1x128xi32, #tpu.memory_space<hbm>>
        tpu.wait_dma2 semaphore(%run_scoped3A : memref<!tpu.dma_semaphore, #tpu.memory_space<semaphore_mem>>) src(%dma_wait3A_58 : memref<1x128xi32, #tpu.memory_space<hbm>>) dst(%dma_wait3A_56 : memref<1x128xi32, #tpu.memory_space<vmem>>)
        tpu.yield
      }) : () -> ()
    } else {
    }
    %while3A = arith.constant 0 : i32
    %while3A_13 = arith.constant 0 : i32
    %while3A_14 = arith.subi %add3A_10, %while3A_13 : i32
    %while3A_15 = arith.addi %while3A_13, %while3A_14 : i32
    %while3A_16 = arith.constant 1 : i32
    %while3A_17 = arith.divsi %while3A_14, %while3A_16 : i32
    %while3A_18 = arith.muli %while3A_17, %while3A_16 : i32
    %while3A_19 = arith.addi %while3A_13, %while3A_18 : i32
    %while3A_20 = arith.constant 1 : i32
    scf.for %while3A_39 = %while3A_13 to %while3A_19 step %while3A_20  : i32 {
      %mul3A_40 = arith.constant 128 : i32
      %mul3A_41 = arith.muli %while3A_39, %mul3A_40 : i32
      %dma_start3A = arith.constant 0 : i32
      %dma_start3A_42 = tpu.memref_slice %arg6[%mul3A_41, %dma_start3A] : memref<2560x16xf32, #tpu.memory_space<vmem>> -> memref<128x16xf32, #tpu.memory_space<vmem>>
      %dma_start3A_43 = arith.constant 0 : i32
      %dma_start3A_44 = tpu.memref_slice %arg5[%while3A_39, %dma_start3A_43] : memref<20x128xi32, #tpu.memory_space<vmem>> -> memref<1x128xi32, #tpu.memory_space<vmem>>
      %dma_start3A_45 = tpu.memref_squeeze %dma_start3A_44 : memref<1x128xi32, #tpu.memory_space<vmem>> -> memref<128xi32, #tpu.memory_space<vmem>>
      %dma_start3A_46 = arith.constant 0 : i32
      %dma_start3A_47 = arith.constant 0 : i32
      %dma_start3A_48 = tpu.memref_slice %arg2[%dma_start3A_46, %dma_start3A_47] : memref<10000x16xf32, #tpu.memory_space<hbm>> -> memref<10000x16xf32, #tpu.memory_space<hbm>>
      tpu.enqueue_indirect_dma source(%dma_start3A_48 : memref<10000x16xf32, #tpu.memory_space<hbm>>) target(%dma_start3A_42 : memref<128x16xf32, #tpu.memory_space<vmem>>) offsets(%dma_start3A_45 : memref<128xi32, #tpu.memory_space<vmem>>) semaphore(%arg7 : memref<!tpu.dma_semaphore, #tpu.memory_space<semaphore_mem>>)
    }
    %while3A_21 = arith.constant 1 : i32
    scf.for %while3A_39 = %while3A_19 to %while3A_15 step %while3A_21  : i32 {
      %mul3A_40 = arith.constant 128 : i32
      %mul3A_41 = arith.muli %while3A_39, %mul3A_40 : i32
      %dma_start3A = arith.constant 0 : i32
      %dma_start3A_42 = tpu.memref_slice %arg6[%mul3A_41, %dma_start3A] : memref<2560x16xf32, #tpu.memory_space<vmem>> -> memref<128x16xf32, #tpu.memory_space<vmem>>
      %dma_start3A_43 = arith.constant 0 : i32
      %dma_start3A_44 = tpu.memref_slice %arg5[%while3A_39, %dma_start3A_43] : memref<20x128xi32, #tpu.memory_space<vmem>> -> memref<1x128xi32, #tpu.memory_space<vmem>>
      %dma_start3A_45 = tpu.memref_squeeze %dma_start3A_44 : memref<1x128xi32, #tpu.memory_space<vmem>> -> memref<128xi32, #tpu.memory_space<vmem>>
      %dma_start3A_46 = arith.constant 0 : i32
      %dma_start3A_47 = arith.constant 0 : i32
      %dma_start3A_48 = tpu.memref_slice %arg2[%dma_start3A_46, %dma_start3A_47] : memref<10000x16xf32, #tpu.memory_space<hbm>> -> memref<10000x16xf32, #tpu.memory_space<hbm>>
      tpu.enqueue_indirect_dma source(%dma_start3A_48 : memref<10000x16xf32, #tpu.memory_space<hbm>>) target(%dma_start3A_42 : memref<128x16xf32, #tpu.memory_space<vmem>>) offsets(%dma_start3A_45 : memref<128xi32, #tpu.memory_space<vmem>>) semaphore(%arg7 : memref<!tpu.dma_semaphore, #tpu.memory_space<semaphore_mem>>)
    }
    %while3A_22 = arith.constant 0 : i32
    %while3A_23 = arith.constant 0 : i32
    %while3A_24 = arith.subi %add3A_10, %while3A_23 : i32
    %while3A_25 = arith.addi %while3A_23, %while3A_24 : i32
    %while3A_26 = arith.constant 1 : i32
    %while3A_27 = arith.divsi %while3A_24, %while3A_26 : i32
    %while3A_28 = arith.muli %while3A_27, %while3A_26 : i32
    %while3A_29 = arith.addi %while3A_23, %while3A_28 : i32
    %while3A_30 = arith.constant 1 : i32
    scf.for %while3A_39 = %while3A_23 to %while3A_29 step %while3A_30  : i32 {
      %dma_wait3A = arith.constant 0 : i32
      %dma_wait3A_40 = arith.constant 0 : i32
      %dma_wait3A_41 = arith.constant 0 : i32
      %dma_wait3A_42 = tpu.memref_slice %arg6[%dma_wait3A_40, %dma_wait3A_41] : memref<2560x16xf32, #tpu.memory_space<vmem>> -> memref<128x16xf32, #tpu.memory_space<vmem>>
      %dma_wait3A_43 = arith.constant 0 : i32
      %dma_wait3A_44 = tpu.memref_slice %arg5[%dma_wait3A, %dma_wait3A_43] : memref<20x128xi32, #tpu.memory_space<vmem>> -> memref<1x128xi32, #tpu.memory_space<vmem>>
      %dma_wait3A_45 = tpu.memref_squeeze %dma_wait3A_44 : memref<1x128xi32, #tpu.memory_space<vmem>> -> memref<128xi32, #tpu.memory_space<vmem>>
      %dma_wait3A_46 = arith.constant 0 : i32
      %dma_wait3A_47 = arith.constant 0 : i32
      %dma_wait3A_48 = tpu.memref_slice %arg2[%dma_wait3A_46, %dma_wait3A_47] : memref<10000x16xf32, #tpu.memory_space<hbm>> -> memref<10000x16xf32, #tpu.memory_space<hbm>>
      tpu.wait_indirect_dma semaphore(%arg7 : memref<!tpu.dma_semaphore, #tpu.memory_space<semaphore_mem>>) src(%dma_wait3A_48 : memref<10000x16xf32, #tpu.memory_space<hbm>>) dst(%dma_wait3A_42 : memref<128x16xf32, #tpu.memory_space<vmem>>)
    }
    %while3A_31 = arith.constant 1 : i32
    scf.for %while3A_39 = %while3A_29 to %while3A_25 step %while3A_31  : i32 {
      %dma_wait3A = arith.constant 0 : i32
      %dma_wait3A_40 = arith.constant 0 : i32
      %dma_wait3A_41 = arith.constant 0 : i32
      %dma_wait3A_42 = tpu.memref_slice %arg6[%dma_wait3A_40, %dma_wait3A_41] : memref<2560x16xf32, #tpu.memory_space<vmem>> -> memref<128x16xf32, #tpu.memory_space<vmem>>
      %dma_wait3A_43 = arith.constant 0 : i32
      %dma_wait3A_44 = tpu.memref_slice %arg5[%dma_wait3A, %dma_wait3A_43] : memref<20x128xi32, #tpu.memory_space<vmem>> -> memref<1x128xi32, #tpu.memory_space<vmem>>
      %dma_wait3A_45 = tpu.memref_squeeze %dma_wait3A_44 : memref<1x128xi32, #tpu.memory_space<vmem>> -> memref<128xi32, #tpu.memory_space<vmem>>
      %dma_wait3A_46 = arith.constant 0 : i32
      %dma_wait3A_47 = arith.constant 0 : i32
      %dma_wait3A_48 = tpu.memref_slice %arg2[%dma_wait3A_46, %dma_wait3A_47] : memref<10000x16xf32, #tpu.memory_space<hbm>> -> memref<10000x16xf32, #tpu.memory_space<hbm>>
      tpu.wait_indirect_dma semaphore(%arg7 : memref<!tpu.dma_semaphore, #tpu.memory_space<semaphore_mem>>) src(%dma_wait3A_48 : memref<10000x16xf32, #tpu.memory_space<hbm>>) dst(%dma_wait3A_42 : memref<128x16xf32, #tpu.memory_space<vmem>>)
    }
    %mul3A_32 = arith.constant 128 : i32
    %mul3A_33 = arith.muli %add3A_6, %mul3A_32 : i32
    "tpu.region"() ({
      %run_scoped3A = tpu.sem_alloc : memref<!tpu.dma_semaphore, #tpu.memory_space<semaphore_mem>>
      %dma_start3A = arith.constant 0 : i32
      %dma_start3A_39 = arith.constant 0 : i32
      %dma_start3A_40 = tpu.memref_slice %arg6[%dma_start3A, %dma_start3A_39] : memref<2560x16xf32, #tpu.memory_space<vmem>> -> memref<2432x16xf32, #tpu.memory_space<vmem>>
      %dma_start3A_41 = arith.constant 0 : i32
      %dma_start3A_42 = tpu.memref_slice %arg4[%mul3A_33, %dma_start3A_41] : memref<80000x16xf32, #tpu.memory_space<hbm>> -> memref<2432x16xf32, #tpu.memory_space<hbm>>
      %dma_start3A_43 = arith.constant 0 : i32
      %dma_start3A_44 = tpu.memref_slice %arg4[%mul3A_33, %dma_start3A_43] : memref<80000x16xf32, #tpu.memory_space<hbm>> -> memref<2432x16xf32, #tpu.memory_space<hbm>>
      %dma_start3A_45 = arith.constant 0 : i32
      %dma_start3A_46 = arith.constant 0 : i32
      %dma_start3A_47 = tpu.memref_slice %arg6[%dma_start3A_45, %dma_start3A_46] : memref<2560x16xf32, #tpu.memory_space<vmem>> -> memref<2432x16xf32, #tpu.memory_space<vmem>>
      tpu.enqueue_dma source(%dma_start3A_47 : memref<2432x16xf32, #tpu.memory_space<vmem>>) target(%dma_start3A_44 : memref<2432x16xf32, #tpu.memory_space<hbm>>) target_semaphore(%run_scoped3A : memref<!tpu.dma_semaphore, #tpu.memory_space<semaphore_mem>>)
      %dma_wait3A = arith.constant 0 : i32
      %dma_wait3A_48 = arith.constant 0 : i32
      %dma_wait3A_49 = tpu.memref_slice %arg6[%dma_wait3A, %dma_wait3A_48] : memref<2560x16xf32, #tpu.memory_space<vmem>> -> memref<2432x16xf32, #tpu.memory_space<vmem>>
      %dma_wait3A_50 = arith.constant 0 : i32
      %dma_wait3A_51 = tpu.memref_slice %arg4[%mul3A_33, %dma_wait3A_50] : memref<80000x16xf32, #tpu.memory_space<hbm>> -> memref<2432x16xf32, #tpu.memory_space<hbm>>
      %dma_wait3A_52 = arith.constant 0 : i32
      %dma_wait3A_53 = tpu.memref_slice %arg4[%mul3A_33, %dma_wait3A_52] : memref<80000x16xf32, #tpu.memory_space<hbm>> -> memref<2432x16xf32, #tpu.memory_space<hbm>>
      %dma_wait3A_54 = arith.constant 0 : i32
      %dma_wait3A_55 = arith.constant 0 : i32
      %dma_wait3A_56 = tpu.memref_slice %arg6[%dma_wait3A_54, %dma_wait3A_55] : memref<2560x16xf32, #tpu.memory_space<vmem>> -> memref<2432x16xf32, #tpu.memory_space<vmem>>
      tpu.wait_dma2 semaphore(%run_scoped3A : memref<!tpu.dma_semaphore, #tpu.memory_space<semaphore_mem>>) src(%dma_wait3A_56 : memref<2432x16xf32, #tpu.memory_space<vmem>>) dst(%dma_wait3A_53 : memref<2432x16xf32, #tpu.memory_space<hbm>>)
      tpu.yield
    }) : () -> ()
    %eq3A_34 = arith.constant 1 : i32
    %eq3A_35 = arith.cmpi eq, %select_n3A, %eq3A_34 : i32
    %convert_element_type3A_36 = arith.extui %eq3A_35 : i1 to i32
    %cond3A_37 = arith.constant 0 : i32
    %cond3A_38 = arith.cmpi ne, %convert_element_type3A_36, %cond3A_37 : i32
    scf.if %cond3A_38 {
      %add3A_39 = arith.constant 19 : i32
      %add3A_40 = arith.addi %add3A_6, %add3A_39 : i32
      %mul3A_41 = arith.constant 128 : i32
      %mul3A_42 = arith.muli %add3A_40, %mul3A_41 : i32
      "tpu.region"() ({
        %run_scoped3A = tpu.sem_alloc : memref<!tpu.dma_semaphore, #tpu.memory_space<semaphore_mem>>
        %dma_start3A = arith.constant 2432 : i32
        %dma_start3A_43 = arith.constant 0 : i32
        %dma_start3A_44 = tpu.memref_slice %arg6[%dma_start3A, %dma_start3A_43] : memref<2560x16xf32, #tpu.memory_space<vmem>> -> memref<128x16xf32, #tpu.memory_space<vmem>>
        %dma_start3A_45 = arith.constant 0 : i32
        %dma_start3A_46 = tpu.memref_slice %arg4[%mul3A_42, %dma_start3A_45] : memref<80000x16xf32, #tpu.memory_space<hbm>> -> memref<128x16xf32, #tpu.memory_space<hbm>>
        %dma_start3A_47 = arith.constant 0 : i32
        %dma_start3A_48 = tpu.memref_slice %arg4[%mul3A_42, %dma_start3A_47] : memref<80000x16xf32, #tpu.memory_space<hbm>> -> memref<128x16xf32, #tpu.memory_space<hbm>>
        %dma_start3A_49 = arith.constant 2432 : i32
        %dma_start3A_50 = arith.constant 0 : i32
        %dma_start3A_51 = tpu.memref_slice %arg6[%dma_start3A_49, %dma_start3A_50] : memref<2560x16xf32, #tpu.memory_space<vmem>> -> memref<128x16xf32, #tpu.memory_space<vmem>>
        tpu.enqueue_dma source(%dma_start3A_51 : memref<128x16xf32, #tpu.memory_space<vmem>>) target(%dma_start3A_48 : memref<128x16xf32, #tpu.memory_space<hbm>>) target_semaphore(%run_scoped3A : memref<!tpu.dma_semaphore, #tpu.memory_space<semaphore_mem>>)
        %dma_wait3A = arith.constant 2432 : i32
        %dma_wait3A_52 = arith.constant 0 : i32
        %dma_wait3A_53 = tpu.memref_slice %arg6[%dma_wait3A, %dma_wait3A_52] : memref<2560x16xf32, #tpu.memory_space<vmem>> -> memref<128x16xf32, #tpu.memory_space<vmem>>
        %dma_wait3A_54 = arith.constant 0 : i32
        %dma_wait3A_55 = tpu.memref_slice %arg4[%mul3A_42, %dma_wait3A_54] : memref<80000x16xf32, #tpu.memory_space<hbm>> -> memref<128x16xf32, #tpu.memory_space<hbm>>
        %dma_wait3A_56 = arith.constant 0 : i32
        %dma_wait3A_57 = tpu.memref_slice %arg4[%mul3A_42, %dma_wait3A_56] : memref<80000x16xf32, #tpu.memory_space<hbm>> -> memref<128x16xf32, #tpu.memory_space<hbm>>
        %dma_wait3A_58 = arith.constant 2432 : i32
        %dma_wait3A_59 = arith.constant 0 : i32
        %dma_wait3A_60 = tpu.memref_slice %arg6[%dma_wait3A_58, %dma_wait3A_59] : memref<2560x16xf32, #tpu.memory_space<vmem>> -> memref<128x16xf32, #tpu.memory_space<vmem>>
        tpu.wait_dma2 semaphore(%run_scoped3A : memref<!tpu.dma_semaphore, #tpu.memory_space<semaphore_mem>>) src(%dma_wait3A_60 : memref<128x16xf32, #tpu.memory_space<vmem>>) dst(%dma_wait3A_57 : memref<128x16xf32, #tpu.memory_space<hbm>>)
        tpu.yield
      }) : () -> ()
    } else {
    }
    return
  }
}

#map = affine_map<(d0, d1) -> (0, 0)>
module attributes {stable_mosaic.version = 14 : i64} {
  func.func @gather(%arg0: i32, %arg1: i32, %arg2: memref<10000x16xf32, #tpu.memory_space<hbm>>, %arg3: memref<1250x128xi32, #tpu.memory_space<hbm>>, %arg4: memref<80000x16xf32, #tpu.memory_space<hbm>>, %arg5: memref<20x128xi32, #tpu.memory_space<vmem>>, %arg6: memref<2560x16xf32, #tpu.memory_space<vmem>>, %arg7: memref<!tpu.dma_semaphore, #tpu.memory_space<semaphore_mem>>) attributes {dimension_semantics = [#tpu.dimension_semantics<core_parallel>, #tpu.dimension_semantics<subcore_parallel>], iteration_bounds = array<i64: 2, 16>, scalar_prefetch = 0 : i64, scratch_operands = 3 : i64, tpu.core_type = #tpu.core_type<sc_vector_subcore>, window_params = [{transform_indices = #map}, {transform_indices = #map}, {transform_indices = #map}]} {
    %mul3A = arith.constant 2 : i32
    %mul3A_0 = arith.muli %arg1, %mul3A : i32
    %add3A = arith.addi %mul3A_0, %arg0 : i32
    %lt3A = arith.constant 17 : i32
    %lt3A_1 = arith.cmpi slt, %add3A, %lt3A : i32
    %jit3A = arith.constant 1 : i32
    %jit3A_2 = arith.constant 0 : i32
    %select_n3A = arith.select %lt3A_1, %jit3A, %jit3A_2 : i32
    %mul3A_3 = arith.constant 19 : i32
    %mul3A_4 = arith.muli %add3A, %mul3A_3 : i32
    %min3A = arith.constant 17 : i32
    %min3A_5 = arith.minsi %add3A, %min3A : i32
    %add3A_6 = arith.addi %mul3A_4, %min3A_5 : i32
    %add3A_7 = arith.constant 0 : i32
    %add3A_8 = arith.addi %add3A_7, %add3A_6 : i32
    %add3A_9 = arith.constant 19 : i32
    %add3A_10 = arith.addi %add3A_9, %select_n3A : i32
    "tpu.region"() ({
      %run_scoped3A = tpu.sem_alloc : memref<!tpu.dma_semaphore, #tpu.memory_space<semaphore_mem>>
      %dma_start3A = arith.constant 0 : i32
      %dma_start3A_39 = arith.constant 0 : i32
      %dma_start3A_40 = tpu.memref_slice %arg5[%dma_start3A, %dma_start3A_39] : memref<20x128xi32, #tpu.memory_space<vmem>> -> memref<19x128xi32, #tpu.memory_space<vmem>>
      %dma_start3A_41 = arith.constant 0 : i32
      %dma_start3A_42 = tpu.memref_slice %arg3[%add3A_8, %dma_start3A_41] : memref<1250x128xi32, #tpu.memory_space<hbm>> -> memref<19x128xi32, #tpu.memory_space<hbm>>
      %dma_start3A_43 = arith.constant 0 : i32
      %dma_start3A_44 = arith.constant 0 : i32
      %dma_start3A_45 = tpu.memref_slice %arg5[%dma_start3A_43, %dma_start3A_44] : memref<20x128xi32, #tpu.memory_space<vmem>> -> memref<19x128xi32, #tpu.memory_space<vmem>>
      %dma_start3A_46 = arith.constant 0 : i32
      %dma_start3A_47 = tpu.memref_slice %arg3[%add3A_8, %dma_start3A_46] : memref<1250x128xi32, #tpu.memory_space<hbm>> -> memref<19x128xi32, #tpu.memory_space<hbm>>
      tpu.enqueue_dma source(%dma_start3A_47 : memref<19x128xi32, #tpu.memory_space<hbm>>) target(%dma_start3A_45 : memref<19x128xi32, #tpu.memory_space<vmem>>) target_semaphore(%run_scoped3A : memref<!tpu.dma_semaphore, #tpu.memory_space<semaphore_mem>>)
      %dma_wait3A = arith.constant 0 : i32
      %dma_wait3A_48 = arith.constant 0 : i32
      %dma_wait3A_49 = tpu.memref_slice %arg5[%dma_wait3A, %dma_wait3A_48] : memref<20x128xi32, #tpu.memory_space<vmem>> -> memref<19x128xi32, #tpu.memory_space<vmem>>
      %dma_wait3A_50 = arith.constant 0 : i32
      %dma_wait3A_51 = tpu.memref_slice %arg3[%add3A_8, %dma_wait3A_50] : memref<1250x128xi32, #tpu.memory_space<hbm>> -> memref<19x128xi32, #tpu.memory_space<hbm>>
      %dma_wait3A_52 = arith.constant 0 : i32
      %dma_wait3A_53 = arith.constant 0 : i32
      %dma_wait3A_54 = tpu.memref_slice %arg5[%dma_wait3A_52, %dma_wait3A_53] : memref<20x128xi32, #tpu.memory_space<vmem>> -> memref<19x128xi32, #tpu.memory_space<vmem>>
      %dma_wait3A_55 = arith.constant 0 : i32
      %dma_wait3A_56 = tpu.memref_slice %arg3[%add3A_8, %dma_wait3A_55] : memref<1250x128xi32, #tpu.memory_space<hbm>> -> memref<19x128xi32, #tpu.memory_space<hbm>>
      tpu.wait_dma2 semaphore(%run_scoped3A : memref<!tpu.dma_semaphore, #tpu.memory_space<semaphore_mem>>) src(%dma_wait3A_56 : memref<19x128xi32, #tpu.memory_space<hbm>>) dst(%dma_wait3A_54 : memref<19x128xi32, #tpu.memory_space<vmem>>)
      tpu.yield
    }) : () -> ()
    %eq3A = arith.constant 1 : i32
    %eq3A_11 = arith.cmpi eq, %select_n3A, %eq3A : i32
    %convert_element_type3A = arith.extui %eq3A_11 : i1 to i32
    %cond3A = arith.constant 0 : i32
    %cond3A_12 = arith.cmpi ne, %convert_element_type3A, %cond3A : i32
    scf.if %cond3A_12 {
      %add3A_39 = arith.constant 19 : i32
      %add3A_40 = arith.addi %add3A_8, %add3A_39 : i32
      "tpu.region"() ({
        %run_scoped3A = tpu.sem_alloc : memref<!tpu.dma_semaphore, #tpu.memory_space<semaphore_mem>>
        %dma_start3A = arith.constant 19 : i32
        %dma_start3A_41 = arith.constant 0 : i32
        %dma_start3A_42 = tpu.memref_slice %arg5[%dma_start3A, %dma_start3A_41] : memref<20x128xi32, #tpu.memory_space<vmem>> -> memref<1x128xi32, #tpu.memory_space<vmem>>
        %dma_start3A_43 = arith.constant 0 : i32
        %dma_start3A_44 = tpu.memref_slice %arg3[%add3A_40, %dma_start3A_43] : memref<1250x128xi32, #tpu.memory_space<hbm>> -> memref<1x128xi32, #tpu.memory_space<hbm>>
        %dma_start3A_45 = arith.constant 19 : i32
        %dma_start3A_46 = arith.constant 0 : i32
        %dma_start3A_47 = tpu.memref_slice %arg5[%dma_start3A_45, %dma_start3A_46] : memref<20x128xi32, #tpu.memory_space<vmem>> -> memref<1x128xi32, #tpu.memory_space<vmem>>
        %dma_start3A_48 = arith.constant 0 : i32
        %dma_start3A_49 = tpu.memref_slice %arg3[%add3A_40, %dma_start3A_48] : memref<1250x128xi32, #tpu.memory_space<hbm>> -> memref<1x128xi32, #tpu.memory_space<hbm>>
        tpu.enqueue_dma source(%dma_start3A_49 : memref<1x128xi32, #tpu.memory_space<hbm>>) target(%dma_start3A_47 : memref<1x128xi32, #tpu.memory_space<vmem>>) target_semaphore(%run_scoped3A : memref<!tpu.dma_semaphore, #tpu.memory_space<semaphore_mem>>)
        %dma_wait3A = arith.constant 19 : i32
        %dma_wait3A_50 = arith.constant 0 : i32
        %dma_wait3A_51 = tpu.memref_slice %arg5[%dma_wait3A, %dma_wait3A_50] : memref<20x128xi32, #tpu.memory_space<vmem>> -> memref<1x128xi32, #tpu.memory_space<vmem>>
        %dma_wait3A_52 = arith.constant 0 : i32
        %dma_wait3A_53 = tpu.memref_slice %arg3[%add3A_40, %dma_wait3A_52] : memref<1250x128xi32, #tpu.memory_space<hbm>> -> memref<1x128xi32, #tpu.memory_space<hbm>>
        %dma_wait3A_54 = arith.constant 19 : i32
        %dma_wait3A_55 = arith.constant 0 : i32
        %dma_wait3A_56 = tpu.memref_slice %arg5[%dma_wait3A_54, %dma_wait3A_55] : memref<20x128xi32, #tpu.memory_space<vmem>> -> memref<1x128xi32, #tpu.memory_space<vmem>>
        %dma_wait3A_57 = arith.constant 0 : i32
        %dma_wait3A_58 = tpu.memref_slice %arg3[%add3A_40, %dma_wait3A_57] : memref<1250x128xi32, #tpu.memory_space<hbm>> -> memref<1x128xi32, #tpu.memory_space<hbm>>
        tpu.wait_dma2 semaphore(%run_scoped3A : memref<!tpu.dma_semaphore, #tpu.memory_space<semaphore_mem>>) src(%dma_wait3A_58 : memref<1x128xi32, #tpu.memory_space<hbm>>) dst(%dma_wait3A_56 : memref<1x128xi32, #tpu.memory_space<vmem>>)
        tpu.yield
      }) : () -> ()
    } else {
    }
    %while3A = arith.constant 0 : i32
    %while3A_13 = arith.constant 0 : i32
    %while3A_14 = arith.subi %add3A_10, %while3A_13 : i32
    %while3A_15 = arith.addi %while3A_13, %while3A_14 : i32
    %while3A_16 = arith.constant 1 : i32
    %while3A_17 = arith.divsi %while3A_14, %while3A_16 : i32
    %while3A_18 = arith.muli %while3A_17, %while3A_16 : i32
    %while3A_19 = arith.addi %while3A_13, %while3A_18 : i32
    %while3A_20 = arith.constant 1 : i32
    scf.for %while3A_39 = %while3A_13 to %while3A_19 step %while3A_20  : i32 {
      %mul3A_40 = arith.constant 128 : i32
      %mul3A_41 = arith.muli %while3A_39, %mul3A_40 : i32
      %dma_start3A = arith.constant 0 : i32
      %dma_start3A_42 = tpu.memref_slice %arg6[%mul3A_41, %dma_start3A] : memref<2560x16xf32, #tpu.memory_space<vmem>> -> memref<128x16xf32, #tpu.memory_space<vmem>>
      %dma_start3A_43 = arith.constant 0 : i32
      %dma_start3A_44 = tpu.memref_slice %arg5[%while3A_39, %dma_start3A_43] : memref<20x128xi32, #tpu.memory_space<vmem>> -> memref<1x128xi32, #tpu.memory_space<vmem>>
      %dma_start3A_45 = tpu.memref_squeeze %dma_start3A_44 : memref<1x128xi32, #tpu.memory_space<vmem>> -> memref<128xi32, #tpu.memory_space<vmem>>
      %dma_start3A_46 = arith.constant 0 : i32
      %dma_start3A_47 = arith.constant 0 : i32
      %dma_start3A_48 = tpu.memref_slice %arg2[%dma_start3A_46, %dma_start3A_47] : memref<10000x16xf32, #tpu.memory_space<hbm>> -> memref<10000x16xf32, #tpu.memory_space<hbm>>
      tpu.enqueue_indirect_dma source(%dma_start3A_48 : memref<10000x16xf32, #tpu.memory_space<hbm>>) target(%dma_start3A_42 : memref<128x16xf32, #tpu.memory_space<vmem>>) offsets(%dma_start3A_45 : memref<128xi32, #tpu.memory_space<vmem>>) semaphore(%arg7 : memref<!tpu.dma_semaphore, #tpu.memory_space<semaphore_mem>>)
    }
    %while3A_21 = arith.constant 1 : i32
    scf.for %while3A_39 = %while3A_19 to %while3A_15 step %while3A_21  : i32 {
      %mul3A_40 = arith.constant 128 : i32
      %mul3A_41 = arith.muli %while3A_39, %mul3A_40 : i32
      %dma_start3A = arith.constant 0 : i32
      %dma_start3A_42 = tpu.memref_slice %arg6[%mul3A_41, %dma_start3A] : memref<2560x16xf32, #tpu.memory_space<vmem>> -> memref<128x16xf32, #tpu.memory_space<vmem>>
      %dma_start3A_43 = arith.constant 0 : i32
      %dma_start3A_44 = tpu.memref_slice %arg5[%while3A_39, %dma_start3A_43] : memref<20x128xi32, #tpu.memory_space<vmem>> -> memref<1x128xi32, #tpu.memory_space<vmem>>
      %dma_start3A_45 = tpu.memref_squeeze %dma_start3A_44 : memref<1x128xi32, #tpu.memory_space<vmem>> -> memref<128xi32, #tpu.memory_space<vmem>>
      %dma_start3A_46 = arith.constant 0 : i32
      %dma_start3A_47 = arith.constant 0 : i32
      %dma_start3A_48 = tpu.memref_slice %arg2[%dma_start3A_46, %dma_start3A_47] : memref<10000x16xf32, #tpu.memory_space<hbm>> -> memref<10000x16xf32, #tpu.memory_space<hbm>>
      tpu.enqueue_indirect_dma source(%dma_start3A_48 : memref<10000x16xf32, #tpu.memory_space<hbm>>) target(%dma_start3A_42 : memref<128x16xf32, #tpu.memory_space<vmem>>) offsets(%dma_start3A_45 : memref<128xi32, #tpu.memory_space<vmem>>) semaphore(%arg7 : memref<!tpu.dma_semaphore, #tpu.memory_space<semaphore_mem>>)
    }
    %while3A_22 = arith.constant 0 : i32
    %while3A_23 = arith.constant 0 : i32
    %while3A_24 = arith.subi %add3A_10, %while3A_23 : i32
    %while3A_25 = arith.addi %while3A_23, %while3A_24 : i32
    %while3A_26 = arith.constant 1 : i32
    %while3A_27 = arith.divsi %while3A_24, %while3A_26 : i32
    %while3A_28 = arith.muli %while3A_27, %while3A_26 : i32
    %while3A_29 = arith.addi %while3A_23, %while3A_28 : i32
    %while3A_30 = arith.constant 1 : i32
    scf.for %while3A_39 = %while3A_23 to %while3A_29 step %while3A_30  : i32 {
      %dma_wait3A = arith.constant 0 : i32
      %dma_wait3A_40 = arith.constant 0 : i32
      %dma_wait3A_41 = arith.constant 0 : i32
      %dma_wait3A_42 = tpu.memref_slice %arg6[%dma_wait3A_40, %dma_wait3A_41] : memref<2560x16xf32, #tpu.memory_space<vmem>> -> memref<128x16xf32, #tpu.memory_space<vmem>>
      %dma_wait3A_43 = arith.constant 0 : i32
      %dma_wait3A_44 = tpu.memref_slice %arg5[%dma_wait3A, %dma_wait3A_43] : memref<20x128xi32, #tpu.memory_space<vmem>> -> memref<1x128xi32, #tpu.memory_space<vmem>>
      %dma_wait3A_45 = tpu.memref_squeeze %dma_wait3A_44 : memref<1x128xi32, #tpu.memory_space<vmem>> -> memref<128xi32, #tpu.memory_space<vmem>>
      %dma_wait3A_46 = arith.constant 0 : i32
      %dma_wait3A_47 = arith.constant 0 : i32
      %dma_wait3A_48 = tpu.memref_slice %arg2[%dma_wait3A_46, %dma_wait3A_47] : memref<10000x16xf32, #tpu.memory_space<hbm>> -> memref<10000x16xf32, #tpu.memory_space<hbm>>
      tpu.wait_indirect_dma semaphore(%arg7 : memref<!tpu.dma_semaphore, #tpu.memory_space<semaphore_mem>>) src(%dma_wait3A_48 : memref<10000x16xf32, #tpu.memory_space<hbm>>) dst(%dma_wait3A_42 : memref<128x16xf32, #tpu.memory_space<vmem>>)
    }
    %while3A_31 = arith.constant 1 : i32
    scf.for %while3A_39 = %while3A_29 to %while3A_25 step %while3A_31  : i32 {
      %dma_wait3A = arith.constant 0 : i32
      %dma_wait3A_40 = arith.constant 0 : i32
      %dma_wait3A_41 = arith.constant 0 : i32
      %dma_wait3A_42 = tpu.memref_slice %arg6[%dma_wait3A_40, %dma_wait3A_41] : memref<2560x16xf32, #tpu.memory_space<vmem>> -> memref<128x16xf32, #tpu.memory_space<vmem>>
      %dma_wait3A_43 = arith.constant 0 : i32
      %dma_wait3A_44 = tpu.memref_slice %arg5[%dma_wait3A, %dma_wait3A_43] : memref<20x128xi32, #tpu.memory_space<vmem>> -> memref<1x128xi32, #tpu.memory_space<vmem>>
      %dma_wait3A_45 = tpu.memref_squeeze %dma_wait3A_44 : memref<1x128xi32, #tpu.memory_space<vmem>> -> memref<128xi32, #tpu.memory_space<vmem>>
      %dma_wait3A_46 = arith.constant 0 : i32
      %dma_wait3A_47 = arith.constant 0 : i32
      %dma_wait3A_48 = tpu.memref_slice %arg2[%dma_wait3A_46, %dma_wait3A_47] : memref<10000x16xf32, #tpu.memory_space<hbm>> -> memref<10000x16xf32, #tpu.memory_space<hbm>>
      tpu.wait_indirect_dma semaphore(%arg7 : memref<!tpu.dma_semaphore, #tpu.memory_space<semaphore_mem>>) src(%dma_wait3A_48 : memref<10000x16xf32, #tpu.memory_space<hbm>>) dst(%dma_wait3A_42 : memref<128x16xf32, #tpu.memory_space<vmem>>)
    }
    %mul3A_32 = arith.constant 128 : i32
    %mul3A_33 = arith.muli %add3A_6, %mul3A_32 : i32
    "tpu.region"() ({
      %run_scoped3A = tpu.sem_alloc : memref<!tpu.dma_semaphore, #tpu.memory_space<semaphore_mem>>
      %dma_start3A = arith.constant 0 : i32
      %dma_start3A_39 = arith.constant 0 : i32
      %dma_start3A_40 = tpu.memref_slice %arg6[%dma_start3A, %dma_start3A_39] : memref<2560x16xf32, #tpu.memory_space<vmem>> -> memref<2432x16xf32, #tpu.memory_space<vmem>>
      %dma_start3A_41 = arith.constant 0 : i32
      %dma_start3A_42 = tpu.memref_slice %arg4[%mul3A_33, %dma_start3A_41] : memref<80000x16xf32, #tpu.memory_space<hbm>> -> memref<2432x16xf32, #tpu.memory_space<hbm>>
      %dma_start3A_43 = arith.constant 0 : i32
      %dma_start3A_44 = tpu.memref_slice %arg4[%mul3A_33, %dma_start3A_43] : memref<80000x16xf32, #tpu.memory_space<hbm>> -> memref<2432x16xf32, #tpu.memory_space<hbm>>
      %dma_start3A_45 = arith.constant 0 : i32
      %dma_start3A_46 = arith.constant 0 : i32
      %dma_start3A_47 = tpu.memref_slice %arg6[%dma_start3A_45, %dma_start3A_46] : memref<2560x16xf32, #tpu.memory_space<vmem>> -> memref<2432x16xf32, #tpu.memory_space<vmem>>
      tpu.enqueue_dma source(%dma_start3A_47 : memref<2432x16xf32, #tpu.memory_space<vmem>>) target(%dma_start3A_44 : memref<2432x16xf32, #tpu.memory_space<hbm>>) target_semaphore(%run_scoped3A : memref<!tpu.dma_semaphore, #tpu.memory_space<semaphore_mem>>)
      %dma_wait3A = arith.constant 0 : i32
      %dma_wait3A_48 = arith.constant 0 : i32
      %dma_wait3A_49 = tpu.memref_slice %arg6[%dma_wait3A, %dma_wait3A_48] : memref<2560x16xf32, #tpu.memory_space<vmem>> -> memref<2432x16xf32, #tpu.memory_space<vmem>>
      %dma_wait3A_50 = arith.constant 0 : i32
      %dma_wait3A_51 = tpu.memref_slice %arg4[%mul3A_33, %dma_wait3A_50] : memref<80000x16xf32, #tpu.memory_space<hbm>> -> memref<2432x16xf32, #tpu.memory_space<hbm>>
      %dma_wait3A_52 = arith.constant 0 : i32
      %dma_wait3A_53 = tpu.memref_slice %arg4[%mul3A_33, %dma_wait3A_52] : memref<80000x16xf32, #tpu.memory_space<hbm>> -> memref<2432x16xf32, #tpu.memory_space<hbm>>
      %dma_wait3A_54 = arith.constant 0 : i32
      %dma_wait3A_55 = arith.constant 0 : i32
      %dma_wait3A_56 = tpu.memref_slice %arg6[%dma_wait3A_54, %dma_wait3A_55] : memref<2560x16xf32, #tpu.memory_space<vmem>> -> memref<2432x16xf32, #tpu.memory_space<vmem>>
      tpu.wait_dma2 semaphore(%run_scoped3A : memref<!tpu.dma_semaphore, #tpu.memory_space<semaphore_mem>>) src(%dma_wait3A_56 : memref<2432x16xf32, #tpu.memory_space<vmem>>) dst(%dma_wait3A_53 : memref<2432x16xf32, #tpu.memory_space<hbm>>)
      tpu.yield
    }) : () -> ()
    %eq3A_34 = arith.constant 1 : i32
    %eq3A_35 = arith.cmpi eq, %select_n3A, %eq3A_34 : i32
    %convert_element_type3A_36 = arith.extui %eq3A_35 : i1 to i32
    %cond3A_37 = arith.constant 0 : i32
    %cond3A_38 = arith.cmpi ne, %convert_element_type3A_36, %cond3A_37 : i32
    scf.if %cond3A_38 {
      %add3A_39 = arith.constant 19 : i32
      %add3A_40 = arith.addi %add3A_6, %add3A_39 : i32
      %mul3A_41 = arith.constant 128 : i32
      %mul3A_42 = arith.muli %add3A_40, %mul3A_41 : i32
      "tpu.region"() ({
        %run_scoped3A = tpu.sem_alloc : memref<!tpu.dma_semaphore, #tpu.memory_space<semaphore_mem>>
        %dma_start3A = arith.constant 2432 : i32
        %dma_start3A_43 = arith.constant 0 : i32
        %dma_start3A_44 = tpu.memref_slice %arg6[%dma_start3A, %dma_start3A_43] : memref<2560x16xf32, #tpu.memory_space<vmem>> -> memref<128x16xf32, #tpu.memory_space<vmem>>
        %dma_start3A_45 = arith.constant 0 : i32
        %dma_start3A_46 = tpu.memref_slice %arg4[%mul3A_42, %dma_start3A_45] : memref<80000x16xf32, #tpu.memory_space<hbm>> -> memref<128x16xf32, #tpu.memory_space<hbm>>
        %dma_start3A_47 = arith.constant 0 : i32
        %dma_start3A_48 = tpu.memref_slice %arg4[%mul3A_42, %dma_start3A_47] : memref<80000x16xf32, #tpu.memory_space<hbm>> -> memref<128x16xf32, #tpu.memory_space<hbm>>
        %dma_start3A_49 = arith.constant 2432 : i32
        %dma_start3A_50 = arith.constant 0 : i32
        %dma_start3A_51 = tpu.memref_slice %arg6[%dma_start3A_49, %dma_start3A_50] : memref<2560x16xf32, #tpu.memory_space<vmem>> -> memref<128x16xf32, #tpu.memory_space<vmem>>
        tpu.enqueue_dma source(%dma_start3A_51 : memref<128x16xf32, #tpu.memory_space<vmem>>) target(%dma_start3A_48 : memref<128x16xf32, #tpu.memory_space<hbm>>) target_semaphore(%run_scoped3A : memref<!tpu.dma_semaphore, #tpu.memory_space<semaphore_mem>>)
        %dma_wait3A = arith.constant 2432 : i32
        %dma_wait3A_52 = arith.constant 0 : i32
        %dma_wait3A_53 = tpu.memref_slice %arg6[%dma_wait3A, %dma_wait3A_52] : memref<2560x16xf32, #tpu.memory_space<vmem>> -> memref<128x16xf32, #tpu.memory_space<vmem>>
        %dma_wait3A_54 = arith.constant 0 : i32
        %dma_wait3A_55 = tpu.memref_slice %arg4[%mul3A_42, %dma_wait3A_54] : memref<80000x16xf32, #tpu.memory_space<hbm>> -> memref<128x16xf32, #tpu.memory_space<hbm>>
        %dma_wait3A_56 = arith.constant 0 : i32
        %dma_wait3A_57 = tpu.memref_slice %arg4[%mul3A_42, %dma_wait3A_56] : memref<80000x16xf32, #tpu.memory_space<hbm>> -> memref<128x16xf32, #tpu.memory_space<hbm>>
        %dma_wait3A_58 = arith.constant 2432 : i32
        %dma_wait3A_59 = arith.constant 0 : i32
        %dma_wait3A_60 = tpu.memref_slice %arg6[%dma_wait3A_58, %dma_wait3A_59] : memref<2560x16xf32, #tpu.memory_space<vmem>> -> memref<128x16xf32, #tpu.memory_space<vmem>>
        tpu.wait_dma2 semaphore(%run_scoped3A : memref<!tpu.dma_semaphore, #tpu.memory_space<semaphore_mem>>) src(%dma_wait3A_60 : memref<128x16xf32, #tpu.memory_space<vmem>>) dst(%dma_wait3A_57 : memref<128x16xf32, #tpu.memory_space<hbm>>)
        tpu.yield
      }) : () -> ()
    } else {
    }
    return
  }
}

#map = affine_map<(d0, d1) -> (0, 0)>
module attributes {stable_mosaic.version = 14 : i64} {
  func.func @body(%arg0: i32, %arg1: i32, %arg2: memref<1250x128xi32, #tpu.memory_space<hbm>>, %arg3: memref<80000x16xf32, #tpu.memory_space<hbm>>, %arg4: memref<10112x16xf32, #tpu.memory_space<hbm>>, %arg5: memref<128x16xf32, #tpu.memory_space<hbm>>, %arg6: memref<20224x16xf32, #tpu.memory_space<hbm>>, %arg7: memref<20224x16xf32, #tpu.memory_space<hbm>>, %arg8: memref<20x128xi32, #tpu.memory_space<vmem>>, %arg9: memref<2560x16xf32, #tpu.memory_space<vmem>>, %arg10: memref<128x16xf32, #tpu.memory_space<vmem>>, %arg11: memref<10112x16xf32, #tpu.memory_space<vmem_shared>>, %arg12: memref<10112x16xf32, #tpu.memory_space<vmem_shared>>, %arg13: memref<!tpu.dma_semaphore, #tpu.memory_space<semaphore_mem>>) attributes {dimension_semantics = [#tpu.dimension_semantics<core_parallel>, #tpu.dimension_semantics<subcore_parallel>], iteration_bounds = array<i64: 2, 16>, scalar_prefetch = 0 : i64, scratch_operands = 6 : i64, tpu.core_type = #tpu.core_type<sc_vector_subcore>, window_params = [{transform_indices = #map}, {transform_indices = #map}, {transform_indices = #map}, {transform_indices = #map}, {transform_indices = #map}, {transform_indices = #map}]} {
    %mul3A = arith.constant 2 : i32
    %mul3A_0 = arith.muli %arg1, %mul3A : i32
    %add3A = arith.addi %mul3A_0, %arg0 : i32
    %lt3A = arith.constant 17 : i32
    %lt3A_1 = arith.cmpi slt, %add3A, %lt3A : i32
    %jit3A = arith.constant 1 : i32
    %jit3A_2 = arith.constant 0 : i32
    %select_n3A = arith.select %lt3A_1, %jit3A, %jit3A_2 : i32
    %mul3A_3 = arith.constant 19 : i32
    %mul3A_4 = arith.muli %add3A, %mul3A_3 : i32
    %min3A = arith.constant 17 : i32
    %min3A_5 = arith.minsi %add3A, %min3A : i32
    %add3A_6 = arith.addi %mul3A_4, %min3A_5 : i32
    %add3A_7 = arith.constant 625 : i32
    %add3A_8 = arith.addi %add3A_7, %add3A_6 : i32
    %add3A_9 = arith.constant 19 : i32
    %add3A_10 = arith.addi %add3A_9, %select_n3A : i32
    %mul3A_11 = arith.constant 632 : i32
    %mul3A_12 = arith.muli %arg1, %mul3A_11 : i32
    %mul3A_13 = arith.constant 632 : i32
    %mul3A_14 = arith.muli %arg1, %mul3A_13 : i32
    "tpu.region"() ({
      %run_scoped3A = tpu.sem_alloc : memref<!tpu.dma_semaphore, #tpu.memory_space<semaphore_mem>>
      %dma_start3A = arith.constant 0 : i32
      %dma_start3A_59 = tpu.memref_slice %arg12[%mul3A_14, %dma_start3A] : memref<10112x16xf32, #tpu.memory_space<vmem_shared>> -> memref<632x16xf32, #tpu.memory_space<vmem_shared>>
      %dma_start3A_60 = arith.constant 0 : i32
      %dma_start3A_61 = tpu.memref_slice %arg4[%mul3A_12, %dma_start3A_60] : memref<10112x16xf32, #tpu.memory_space<hbm>> -> memref<632x16xf32, #tpu.memory_space<hbm>>
      tpu.enqueue_dma source(%dma_start3A_61 : memref<632x16xf32, #tpu.memory_space<hbm>>) target(%dma_start3A_59 : memref<632x16xf32, #tpu.memory_space<vmem_shared>>) target_semaphore(%run_scoped3A : memref<!tpu.dma_semaphore, #tpu.memory_space<semaphore_mem>>)
      %dma_wait3A = arith.constant 0 : i32
      %dma_wait3A_62 = tpu.memref_slice %arg12[%mul3A_14, %dma_wait3A] : memref<10112x16xf32, #tpu.memory_space<vmem_shared>> -> memref<632x16xf32, #tpu.memory_space<vmem_shared>>
      %dma_wait3A_63 = arith.constant 0 : i32
      %dma_wait3A_64 = tpu.memref_slice %arg4[%mul3A_12, %dma_wait3A_63] : memref<10112x16xf32, #tpu.memory_space<hbm>> -> memref<632x16xf32, #tpu.memory_space<hbm>>
      tpu.wait_dma2 semaphore(%run_scoped3A : memref<!tpu.dma_semaphore, #tpu.memory_space<semaphore_mem>>) src(%dma_wait3A_64 : memref<632x16xf32, #tpu.memory_space<hbm>>) dst(%dma_wait3A_62 : memref<632x16xf32, #tpu.memory_space<vmem_shared>>)
      tpu.yield
    }) : () -> ()
    %mul3A_15 = arith.constant 632 : i32
    %mul3A_16 = arith.muli %arg1, %mul3A_15 : i32
    %mul3A_17 = arith.constant 632 : i32
    %mul3A_18 = arith.muli %arg1, %mul3A_17 : i32
    "tpu.region"() ({
      %run_scoped3A = tpu.sem_alloc : memref<!tpu.dma_semaphore, #tpu.memory_space<semaphore_mem>>
      %dma_start3A = arith.constant 0 : i32
      %dma_start3A_59 = tpu.memref_slice %arg11[%mul3A_18, %dma_start3A] : memref<10112x16xf32, #tpu.memory_space<vmem_shared>> -> memref<632x16xf32, #tpu.memory_space<vmem_shared>>
      %dma_start3A_60 = arith.constant 0 : i32
      %dma_start3A_61 = tpu.memref_slice %arg4[%mul3A_16, %dma_start3A_60] : memref<10112x16xf32, #tpu.memory_space<hbm>> -> memref<632x16xf32, #tpu.memory_space<hbm>>
      tpu.enqueue_dma source(%dma_start3A_61 : memref<632x16xf32, #tpu.memory_space<hbm>>) target(%dma_start3A_59 : memref<632x16xf32, #tpu.memory_space<vmem_shared>>) target_semaphore(%run_scoped3A : memref<!tpu.dma_semaphore, #tpu.memory_space<semaphore_mem>>)
      %dma_wait3A = arith.constant 0 : i32
      %dma_wait3A_62 = tpu.memref_slice %arg11[%mul3A_18, %dma_wait3A] : memref<10112x16xf32, #tpu.memory_space<vmem_shared>> -> memref<632x16xf32, #tpu.memory_space<vmem_shared>>
      %dma_wait3A_63 = arith.constant 0 : i32
      %dma_wait3A_64 = tpu.memref_slice %arg4[%mul3A_16, %dma_wait3A_63] : memref<10112x16xf32, #tpu.memory_space<hbm>> -> memref<632x16xf32, #tpu.memory_space<hbm>>
      tpu.wait_dma2 semaphore(%run_scoped3A : memref<!tpu.dma_semaphore, #tpu.memory_space<semaphore_mem>>) src(%dma_wait3A_64 : memref<632x16xf32, #tpu.memory_space<hbm>>) dst(%dma_wait3A_62 : memref<632x16xf32, #tpu.memory_space<vmem_shared>>)
      tpu.yield
    }) : () -> ()
    "tpu.region"() ({
      %run_scoped3A = tpu.sem_alloc : memref<!tpu.dma_semaphore, #tpu.memory_space<semaphore_mem>>
      tpu.enqueue_dma source(%arg5 : memref<128x16xf32, #tpu.memory_space<hbm>>) target(%arg10 : memref<128x16xf32, #tpu.memory_space<vmem>>) target_semaphore(%run_scoped3A : memref<!tpu.dma_semaphore, #tpu.memory_space<semaphore_mem>>)
      tpu.wait_dma2 semaphore(%run_scoped3A : memref<!tpu.dma_semaphore, #tpu.memory_space<semaphore_mem>>) src(%arg5 : memref<128x16xf32, #tpu.memory_space<hbm>>) dst(%arg10 : memref<128x16xf32, #tpu.memory_space<vmem>>)
      tpu.yield
    }) : () -> ()
    "tpu.region"() ({
      %run_scoped3A = tpu.sem_alloc : memref<!tpu.dma_semaphore, #tpu.memory_space<semaphore_mem>>
      %dma_start3A = arith.constant 0 : i32
      %dma_start3A_59 = arith.constant 0 : i32
      %dma_start3A_60 = tpu.memref_slice %arg8[%dma_start3A, %dma_start3A_59] : memref<20x128xi32, #tpu.memory_space<vmem>> -> memref<19x128xi32, #tpu.memory_space<vmem>>
      %dma_start3A_61 = arith.constant 0 : i32
      %dma_start3A_62 = tpu.memref_slice %arg2[%add3A_8, %dma_start3A_61] : memref<1250x128xi32, #tpu.memory_space<hbm>> -> memref<19x128xi32, #tpu.memory_space<hbm>>
      %dma_start3A_63 = arith.constant 0 : i32
      %dma_start3A_64 = arith.constant 0 : i32
      %dma_start3A_65 = tpu.memref_slice %arg8[%dma_start3A_63, %dma_start3A_64] : memref<20x128xi32, #tpu.memory_space<vmem>> -> memref<19x128xi32, #tpu.memory_space<vmem>>
      %dma_start3A_66 = arith.constant 0 : i32
      %dma_start3A_67 = tpu.memref_slice %arg2[%add3A_8, %dma_start3A_66] : memref<1250x128xi32, #tpu.memory_space<hbm>> -> memref<19x128xi32, #tpu.memory_space<hbm>>
      tpu.enqueue_dma source(%dma_start3A_67 : memref<19x128xi32, #tpu.memory_space<hbm>>) target(%dma_start3A_65 : memref<19x128xi32, #tpu.memory_space<vmem>>) target_semaphore(%run_scoped3A : memref<!tpu.dma_semaphore, #tpu.memory_space<semaphore_mem>>)
      %dma_wait3A = arith.constant 0 : i32
      %dma_wait3A_68 = arith.constant 0 : i32
      %dma_wait3A_69 = tpu.memref_slice %arg8[%dma_wait3A, %dma_wait3A_68] : memref<20x128xi32, #tpu.memory_space<vmem>> -> memref<19x128xi32, #tpu.memory_space<vmem>>
      %dma_wait3A_70 = arith.constant 0 : i32
      %dma_wait3A_71 = tpu.memref_slice %arg2[%add3A_8, %dma_wait3A_70] : memref<1250x128xi32, #tpu.memory_space<hbm>> -> memref<19x128xi32, #tpu.memory_space<hbm>>
      %dma_wait3A_72 = arith.constant 0 : i32
      %dma_wait3A_73 = arith.constant 0 : i32
      %dma_wait3A_74 = tpu.memref_slice %arg8[%dma_wait3A_72, %dma_wait3A_73] : memref<20x128xi32, #tpu.memory_space<vmem>> -> memref<19x128xi32, #tpu.memory_space<vmem>>
      %dma_wait3A_75 = arith.constant 0 : i32
      %dma_wait3A_76 = tpu.memref_slice %arg2[%add3A_8, %dma_wait3A_75] : memref<1250x128xi32, #tpu.memory_space<hbm>> -> memref<19x128xi32, #tpu.memory_space<hbm>>
      tpu.wait_dma2 semaphore(%run_scoped3A : memref<!tpu.dma_semaphore, #tpu.memory_space<semaphore_mem>>) src(%dma_wait3A_76 : memref<19x128xi32, #tpu.memory_space<hbm>>) dst(%dma_wait3A_74 : memref<19x128xi32, #tpu.memory_space<vmem>>)
      tpu.yield
    }) : () -> ()
    %mul3A_19 = arith.constant 128 : i32
    %mul3A_20 = arith.muli %add3A_6, %mul3A_19 : i32
    "tpu.region"() ({
      %run_scoped3A = tpu.sem_alloc : memref<!tpu.dma_semaphore, #tpu.memory_space<semaphore_mem>>
      %dma_start3A = arith.constant 0 : i32
      %dma_start3A_59 = arith.constant 0 : i32
      %dma_start3A_60 = tpu.memref_slice %arg9[%dma_start3A, %dma_start3A_59] : memref<2560x16xf32, #tpu.memory_space<vmem>> -> memref<2432x16xf32, #tpu.memory_space<vmem>>
      %dma_start3A_61 = arith.constant 0 : i32
      %dma_start3A_62 = tpu.memref_slice %arg3[%mul3A_20, %dma_start3A_61] : memref<80000x16xf32, #tpu.memory_space<hbm>> -> memref<2432x16xf32, #tpu.memory_space<hbm>>
      %dma_start3A_63 = arith.constant 0 : i32
      %dma_start3A_64 = arith.constant 0 : i32
      %dma_start3A_65 = tpu.memref_slice %arg9[%dma_start3A_63, %dma_start3A_64] : memref<2560x16xf32, #tpu.memory_space<vmem>> -> memref<2432x16xf32, #tpu.memory_space<vmem>>
      %dma_start3A_66 = arith.constant 0 : i32
      %dma_start3A_67 = tpu.memref_slice %arg3[%mul3A_20, %dma_start3A_66] : memref<80000x16xf32, #tpu.memory_space<hbm>> -> memref<2432x16xf32, #tpu.memory_space<hbm>>
      tpu.enqueue_dma source(%dma_start3A_67 : memref<2432x16xf32, #tpu.memory_space<hbm>>) target(%dma_start3A_65 : memref<2432x16xf32, #tpu.memory_space<vmem>>) target_semaphore(%run_scoped3A : memref<!tpu.dma_semaphore, #tpu.memory_space<semaphore_mem>>)
      %dma_wait3A = arith.constant 0 : i32
      %dma_wait3A_68 = arith.constant 0 : i32
      %dma_wait3A_69 = tpu.memref_slice %arg9[%dma_wait3A, %dma_wait3A_68] : memref<2560x16xf32, #tpu.memory_space<vmem>> -> memref<2432x16xf32, #tpu.memory_space<vmem>>
      %dma_wait3A_70 = arith.constant 0 : i32
      %dma_wait3A_71 = tpu.memref_slice %arg3[%mul3A_20, %dma_wait3A_70] : memref<80000x16xf32, #tpu.memory_space<hbm>> -> memref<2432x16xf32, #tpu.memory_space<hbm>>
      %dma_wait3A_72 = arith.constant 0 : i32
      %dma_wait3A_73 = arith.constant 0 : i32
      %dma_wait3A_74 = tpu.memref_slice %arg9[%dma_wait3A_72, %dma_wait3A_73] : memref<2560x16xf32, #tpu.memory_space<vmem>> -> memref<2432x16xf32, #tpu.memory_space<vmem>>
      %dma_wait3A_75 = arith.constant 0 : i32
      %dma_wait3A_76 = tpu.memref_slice %arg3[%mul3A_20, %dma_wait3A_75] : memref<80000x16xf32, #tpu.memory_space<hbm>> -> memref<2432x16xf32, #tpu.memory_space<hbm>>
      tpu.wait_dma2 semaphore(%run_scoped3A : memref<!tpu.dma_semaphore, #tpu.memory_space<semaphore_mem>>) src(%dma_wait3A_76 : memref<2432x16xf32, #tpu.memory_space<hbm>>) dst(%dma_wait3A_74 : memref<2432x16xf32, #tpu.memory_space<vmem>>)
      tpu.yield
    }) : () -> ()
    %eq3A = arith.constant 1 : i32
    %eq3A_21 = arith.cmpi eq, %select_n3A, %eq3A : i32
    %convert_element_type3A = arith.extui %eq3A_21 : i1 to i32
    %cond3A = arith.constant 0 : i32
    %cond3A_22 = arith.cmpi ne, %convert_element_type3A, %cond3A : i32
    scf.if %cond3A_22 {
      %add3A_59 = arith.constant 19 : i32
      %add3A_60 = arith.addi %add3A_8, %add3A_59 : i32
      "tpu.region"() ({
        %run_scoped3A = tpu.sem_alloc : memref<!tpu.dma_semaphore, #tpu.memory_space<semaphore_mem>>
        %dma_start3A = arith.constant 19 : i32
        %dma_start3A_65 = arith.constant 0 : i32
        %dma_start3A_66 = tpu.memref_slice %arg8[%dma_start3A, %dma_start3A_65] : memref<20x128xi32, #tpu.memory_space<vmem>> -> memref<1x128xi32, #tpu.memory_space<vmem>>
        %dma_start3A_67 = arith.constant 0 : i32
        %dma_start3A_68 = tpu.memref_slice %arg2[%add3A_60, %dma_start3A_67] : memref<1250x128xi32, #tpu.memory_space<hbm>> -> memref<1x128xi32, #tpu.memory_space<hbm>>
        %dma_start3A_69 = arith.constant 19 : i32
        %dma_start3A_70 = arith.constant 0 : i32
        %dma_start3A_71 = tpu.memref_slice %arg8[%dma_start3A_69, %dma_start3A_70] : memref<20x128xi32, #tpu.memory_space<vmem>> -> memref<1x128xi32, #tpu.memory_space<vmem>>
        %dma_start3A_72 = arith.constant 0 : i32
        %dma_start3A_73 = tpu.memref_slice %arg2[%add3A_60, %dma_start3A_72] : memref<1250x128xi32, #tpu.memory_space<hbm>> -> memref<1x128xi32, #tpu.memory_space<hbm>>
        tpu.enqueue_dma source(%dma_start3A_73 : memref<1x128xi32, #tpu.memory_space<hbm>>) target(%dma_start3A_71 : memref<1x128xi32, #tpu.memory_space<vmem>>) target_semaphore(%run_scoped3A : memref<!tpu.dma_semaphore, #tpu.memory_space<semaphore_mem>>)
        %dma_wait3A = arith.constant 19 : i32
        %dma_wait3A_74 = arith.constant 0 : i32
        %dma_wait3A_75 = tpu.memref_slice %arg8[%dma_wait3A, %dma_wait3A_74] : memref<20x128xi32, #tpu.memory_space<vmem>> -> memref<1x128xi32, #tpu.memory_space<vmem>>
        %dma_wait3A_76 = arith.constant 0 : i32
        %dma_wait3A_77 = tpu.memref_slice %arg2[%add3A_60, %dma_wait3A_76] : memref<1250x128xi32, #tpu.memory_space<hbm>> -> memref<1x128xi32, #tpu.memory_space<hbm>>
        %dma_wait3A_78 = arith.constant 19 : i32
        %dma_wait3A_79 = arith.constant 0 : i32
        %dma_wait3A_80 = tpu.memref_slice %arg8[%dma_wait3A_78, %dma_wait3A_79] : memref<20x128xi32, #tpu.memory_space<vmem>> -> memref<1x128xi32, #tpu.memory_space<vmem>>
        %dma_wait3A_81 = arith.constant 0 : i32
        %dma_wait3A_82 = tpu.memref_slice %arg2[%add3A_60, %dma_wait3A_81] : memref<1250x128xi32, #tpu.memory_space<hbm>> -> memref<1x128xi32, #tpu.memory_space<hbm>>
        tpu.wait_dma2 semaphore(%run_scoped3A : memref<!tpu.dma_semaphore, #tpu.memory_space<semaphore_mem>>) src(%dma_wait3A_82 : memref<1x128xi32, #tpu.memory_space<hbm>>) dst(%dma_wait3A_80 : memref<1x128xi32, #tpu.memory_space<vmem>>)
        tpu.yield
      }) : () -> ()
      %add3A_61 = arith.constant 19 : i32
      %add3A_62 = arith.addi %add3A_6, %add3A_61 : i32
      %mul3A_63 = arith.constant 128 : i32
      %mul3A_64 = arith.muli %add3A_62, %mul3A_63 : i32
      "tpu.region"() ({
        %run_scoped3A = tpu.sem_alloc : memref<!tpu.dma_semaphore, #tpu.memory_space<semaphore_mem>>
        %dma_start3A = arith.constant 2432 : i32
        %dma_start3A_65 = arith.constant 0 : i32
        %dma_start3A_66 = tpu.memref_slice %arg9[%dma_start3A, %dma_start3A_65] : memref<2560x16xf32, #tpu.memory_space<vmem>> -> memref<128x16xf32, #tpu.memory_space<vmem>>
        %dma_start3A_67 = arith.constant 0 : i32
        %dma_start3A_68 = tpu.memref_slice %arg3[%mul3A_64, %dma_start3A_67] : memref<80000x16xf32, #tpu.memory_space<hbm>> -> memref<128x16xf32, #tpu.memory_space<hbm>>
        %dma_start3A_69 = arith.constant 2432 : i32
        %dma_start3A_70 = arith.constant 0 : i32
        %dma_start3A_71 = tpu.memref_slice %arg9[%dma_start3A_69, %dma_start3A_70] : memref<2560x16xf32, #tpu.memory_space<vmem>> -> memref<128x16xf32, #tpu.memory_space<vmem>>
        %dma_start3A_72 = arith.constant 0 : i32
        %dma_start3A_73 = tpu.memref_slice %arg3[%mul3A_64, %dma_start3A_72] : memref<80000x16xf32, #tpu.memory_space<hbm>> -> memref<128x16xf32, #tpu.memory_space<hbm>>
        tpu.enqueue_dma source(%dma_start3A_73 : memref<128x16xf32, #tpu.memory_space<hbm>>) target(%dma_start3A_71 : memref<128x16xf32, #tpu.memory_space<vmem>>) target_semaphore(%run_scoped3A : memref<!tpu.dma_semaphore, #tpu.memory_space<semaphore_mem>>)
        %dma_wait3A = arith.constant 2432 : i32
        %dma_wait3A_74 = arith.constant 0 : i32
        %dma_wait3A_75 = tpu.memref_slice %arg9[%dma_wait3A, %dma_wait3A_74] : memref<2560x16xf32, #tpu.memory_space<vmem>> -> memref<128x16xf32, #tpu.memory_space<vmem>>
        %dma_wait3A_76 = arith.constant 0 : i32
        %dma_wait3A_77 = tpu.memref_slice %arg3[%mul3A_64, %dma_wait3A_76] : memref<80000x16xf32, #tpu.memory_space<hbm>> -> memref<128x16xf32, #tpu.memory_space<hbm>>
        %dma_wait3A_78 = arith.constant 2432 : i32
        %dma_wait3A_79 = arith.constant 0 : i32
        %dma_wait3A_80 = tpu.memref_slice %arg9[%dma_wait3A_78, %dma_wait3A_79] : memref<2560x16xf32, #tpu.memory_space<vmem>> -> memref<128x16xf32, #tpu.memory_space<vmem>>
        %dma_wait3A_81 = arith.constant 0 : i32
        %dma_wait3A_82 = tpu.memref_slice %arg3[%mul3A_64, %dma_wait3A_81] : memref<80000x16xf32, #tpu.memory_space<hbm>> -> memref<128x16xf32, #tpu.memory_space<hbm>>
        tpu.wait_dma2 semaphore(%run_scoped3A : memref<!tpu.dma_semaphore, #tpu.memory_space<semaphore_mem>>) src(%dma_wait3A_82 : memref<128x16xf32, #tpu.memory_space<hbm>>) dst(%dma_wait3A_80 : memref<128x16xf32, #tpu.memory_space<vmem>>)
        tpu.yield
      }) : () -> ()
    } else {
    }
    %barrier3A = arith.constant 0 : index
    tpu.barrier barrier_id(%barrier3A)
    %while3A = arith.constant 0 : i32
    %while3A_23 = arith.constant 0 : i32
    %while3A_24 = arith.subi %add3A_10, %while3A_23 : i32
    %while3A_25 = arith.addi %while3A_23, %while3A_24 : i32
    %while3A_26 = arith.constant 1 : i32
    %while3A_27 = arith.divsi %while3A_24, %while3A_26 : i32
    %while3A_28 = arith.muli %while3A_27, %while3A_26 : i32
    %while3A_29 = arith.addi %while3A_23, %while3A_28 : i32
    %while3A_30 = arith.constant 1 : i32
    scf.for %while3A_59 = %while3A_23 to %while3A_29 step %while3A_30  : i32 {
      %mul3A_60 = arith.constant 128 : i32
      %mul3A_61 = arith.muli %while3A_59, %mul3A_60 : i32
      %dma_start3A = arith.constant 0 : i32
      %dma_start3A_62 = tpu.memref_slice %arg9[%mul3A_61, %dma_start3A] : memref<2560x16xf32, #tpu.memory_space<vmem>> -> memref<128x16xf32, #tpu.memory_space<vmem>>
      %dma_start3A_63 = arith.constant 0 : i32
      %dma_start3A_64 = tpu.memref_slice %arg8[%while3A_59, %dma_start3A_63] : memref<20x128xi32, #tpu.memory_space<vmem>> -> memref<1x128xi32, #tpu.memory_space<vmem>>
      %dma_start3A_65 = tpu.memref_squeeze %dma_start3A_64 : memref<1x128xi32, #tpu.memory_space<vmem>> -> memref<128xi32, #tpu.memory_space<vmem>>
      %dma_start3A_66 = arith.constant 0 : i32
      %dma_start3A_67 = arith.constant 0 : i32
      %dma_start3A_68 = tpu.memref_slice %arg12[%dma_start3A_66, %dma_start3A_67] : memref<10112x16xf32, #tpu.memory_space<vmem_shared>> -> memref<10112x16xf32, #tpu.memory_space<vmem_shared>>
      tpu.enqueue_indirect_dma source(%dma_start3A_62 : memref<128x16xf32, #tpu.memory_space<vmem>>) target(%dma_start3A_68 : memref<10112x16xf32, #tpu.memory_space<vmem_shared>>) offsets(%dma_start3A_65 : memref<128xi32, #tpu.memory_space<vmem>>) semaphore(%arg13 : memref<!tpu.dma_semaphore, #tpu.memory_space<semaphore_mem>>) {add = true}
      %dma_start3A_69 = arith.constant 0 : i32
      %dma_start3A_70 = tpu.memref_slice %arg8[%while3A_59, %dma_start3A_69] : memref<20x128xi32, #tpu.memory_space<vmem>> -> memref<1x128xi32, #tpu.memory_space<vmem>>
      %dma_start3A_71 = tpu.memref_squeeze %dma_start3A_70 : memref<1x128xi32, #tpu.memory_space<vmem>> -> memref<128xi32, #tpu.memory_space<vmem>>
      %dma_start3A_72 = arith.constant 0 : i32
      %dma_start3A_73 = arith.constant 0 : i32
      %dma_start3A_74 = tpu.memref_slice %arg11[%dma_start3A_72, %dma_start3A_73] : memref<10112x16xf32, #tpu.memory_space<vmem_shared>> -> memref<10112x16xf32, #tpu.memory_space<vmem_shared>>
      tpu.enqueue_indirect_dma source(%arg10 : memref<128x16xf32, #tpu.memory_space<vmem>>) target(%dma_start3A_74 : memref<10112x16xf32, #tpu.memory_space<vmem_shared>>) offsets(%dma_start3A_71 : memref<128xi32, #tpu.memory_space<vmem>>) semaphore(%arg13 : memref<!tpu.dma_semaphore, #tpu.memory_space<semaphore_mem>>) {add = true}
    }
    %while3A_31 = arith.constant 1 : i32
    scf.for %while3A_59 = %while3A_29 to %while3A_25 step %while3A_31  : i32 {
      %mul3A_60 = arith.constant 128 : i32
      %mul3A_61 = arith.muli %while3A_59, %mul3A_60 : i32
      %dma_start3A = arith.constant 0 : i32
      %dma_start3A_62 = tpu.memref_slice %arg9[%mul3A_61, %dma_start3A] : memref<2560x16xf32, #tpu.memory_space<vmem>> -> memref<128x16xf32, #tpu.memory_space<vmem>>
      %dma_start3A_63 = arith.constant 0 : i32
      %dma_start3A_64 = tpu.memref_slice %arg8[%while3A_59, %dma_start3A_63] : memref<20x128xi32, #tpu.memory_space<vmem>> -> memref<1x128xi32, #tpu.memory_space<vmem>>
      %dma_start3A_65 = tpu.memref_squeeze %dma_start3A_64 : memref<1x128xi32, #tpu.memory_space<vmem>> -> memref<128xi32, #tpu.memory_space<vmem>>
      %dma_start3A_66 = arith.constant 0 : i32
      %dma_start3A_67 = arith.constant 0 : i32
      %dma_start3A_68 = tpu.memref_slice %arg12[%dma_start3A_66, %dma_start3A_67] : memref<10112x16xf32, #tpu.memory_space<vmem_shared>> -> memref<10112x16xf32, #tpu.memory_space<vmem_shared>>
      tpu.enqueue_indirect_dma source(%dma_start3A_62 : memref<128x16xf32, #tpu.memory_space<vmem>>) target(%dma_start3A_68 : memref<10112x16xf32, #tpu.memory_space<vmem_shared>>) offsets(%dma_start3A_65 : memref<128xi32, #tpu.memory_space<vmem>>) semaphore(%arg13 : memref<!tpu.dma_semaphore, #tpu.memory_space<semaphore_mem>>) {add = true}
      %dma_start3A_69 = arith.constant 0 : i32
      %dma_start3A_70 = tpu.memref_slice %arg8[%while3A_59, %dma_start3A_69] : memref<20x128xi32, #tpu.memory_space<vmem>> -> memref<1x128xi32, #tpu.memory_space<vmem>>
      %dma_start3A_71 = tpu.memref_squeeze %dma_start3A_70 : memref<1x128xi32, #tpu.memory_space<vmem>> -> memref<128xi32, #tpu.memory_space<vmem>>
      %dma_start3A_72 = arith.constant 0 : i32
      %dma_start3A_73 = arith.constant 0 : i32
      %dma_start3A_74 = tpu.memref_slice %arg11[%dma_start3A_72, %dma_start3A_73] : memref<10112x16xf32, #tpu.memory_space<vmem_shared>> -> memref<10112x16xf32, #tpu.memory_space<vmem_shared>>
      tpu.enqueue_indirect_dma source(%arg10 : memref<128x16xf32, #tpu.memory_space<vmem>>) target(%dma_start3A_74 : memref<10112x16xf32, #tpu.memory_space<vmem_shared>>) offsets(%dma_start3A_71 : memref<128xi32, #tpu.memory_space<vmem>>) semaphore(%arg13 : memref<!tpu.dma_semaphore, #tpu.memory_space<semaphore_mem>>) {add = true}
    }
    %mul3A_32 = arith.constant 2 : i32
    %mul3A_33 = arith.muli %add3A_10, %mul3A_32 : i32
    %while3A_34 = arith.constant 0 : i32
    %while3A_35 = arith.constant 0 : i32
    %while3A_36 = arith.subi %mul3A_33, %while3A_35 : i32
    %while3A_37 = arith.addi %while3A_35, %while3A_36 : i32
    %while3A_38 = arith.constant 1 : i32
    %while3A_39 = arith.divsi %while3A_36, %while3A_38 : i32
    %while3A_40 = arith.muli %while3A_39, %while3A_38 : i32
    %while3A_41 = arith.addi %while3A_35, %while3A_40 : i32
    %while3A_42 = arith.constant 1 : i32
    scf.for %while3A_59 = %while3A_35 to %while3A_41 step %while3A_42  : i32 {
      %dma_wait3A = arith.constant 0 : i32
      %dma_wait3A_60 = arith.constant 0 : i32
      %dma_wait3A_61 = arith.constant 0 : i32
      %dma_wait3A_62 = tpu.memref_slice %arg9[%dma_wait3A_60, %dma_wait3A_61] : memref<2560x16xf32, #tpu.memory_space<vmem>> -> memref<128x16xf32, #tpu.memory_space<vmem>>
      %dma_wait3A_63 = arith.constant 0 : i32
      %dma_wait3A_64 = tpu.memref_slice %arg8[%dma_wait3A, %dma_wait3A_63] : memref<20x128xi32, #tpu.memory_space<vmem>> -> memref<1x128xi32, #tpu.memory_space<vmem>>
      %dma_wait3A_65 = tpu.memref_squeeze %dma_wait3A_64 : memref<1x128xi32, #tpu.memory_space<vmem>> -> memref<128xi32, #tpu.memory_space<vmem>>
      %dma_wait3A_66 = arith.constant 0 : i32
      %dma_wait3A_67 = arith.constant 0 : i32
      %dma_wait3A_68 = tpu.memref_slice %arg12[%dma_wait3A_66, %dma_wait3A_67] : memref<10112x16xf32, #tpu.memory_space<vmem_shared>> -> memref<10112x16xf32, #tpu.memory_space<vmem_shared>>
      tpu.wait_indirect_dma semaphore(%arg13 : memref<!tpu.dma_semaphore, #tpu.memory_space<semaphore_mem>>) src(%dma_wait3A_62 : memref<128x16xf32, #tpu.memory_space<vmem>>) dst(%dma_wait3A_68 : memref<10112x16xf32, #tpu.memory_space<vmem_shared>>)
    }
    %while3A_43 = arith.constant 1 : i32
    scf.for %while3A_59 = %while3A_41 to %while3A_37 step %while3A_43  : i32 {
      %dma_wait3A = arith.constant 0 : i32
      %dma_wait3A_60 = arith.constant 0 : i32
      %dma_wait3A_61 = arith.constant 0 : i32
      %dma_wait3A_62 = tpu.memref_slice %arg9[%dma_wait3A_60, %dma_wait3A_61] : memref<2560x16xf32, #tpu.memory_space<vmem>> -> memref<128x16xf32, #tpu.memory_space<vmem>>
      %dma_wait3A_63 = arith.constant 0 : i32
      %dma_wait3A_64 = tpu.memref_slice %arg8[%dma_wait3A, %dma_wait3A_63] : memref<20x128xi32, #tpu.memory_space<vmem>> -> memref<1x128xi32, #tpu.memory_space<vmem>>
      %dma_wait3A_65 = tpu.memref_squeeze %dma_wait3A_64 : memref<1x128xi32, #tpu.memory_space<vmem>> -> memref<128xi32, #tpu.memory_space<vmem>>
      %dma_wait3A_66 = arith.constant 0 : i32
      %dma_wait3A_67 = arith.constant 0 : i32
      %dma_wait3A_68 = tpu.memref_slice %arg12[%dma_wait3A_66, %dma_wait3A_67] : memref<10112x16xf32, #tpu.memory_space<vmem_shared>> -> memref<10112x16xf32, #tpu.memory_space<vmem_shared>>
      tpu.wait_indirect_dma semaphore(%arg13 : memref<!tpu.dma_semaphore, #tpu.memory_space<semaphore_mem>>) src(%dma_wait3A_62 : memref<128x16xf32, #tpu.memory_space<vmem>>) dst(%dma_wait3A_68 : memref<10112x16xf32, #tpu.memory_space<vmem_shared>>)
    }
    %barrier3A_44 = arith.constant 0 : index
    tpu.barrier barrier_id(%barrier3A_44)
    %mul3A_45 = arith.constant 632 : i32
    %mul3A_46 = arith.muli %arg1, %mul3A_45 : i32
    %mul3A_47 = arith.constant 10112 : i32
    %mul3A_48 = arith.muli %arg0, %mul3A_47 : i32
    %mul3A_49 = arith.constant 632 : i32
    %mul3A_50 = arith.muli %arg1, %mul3A_49 : i32
    %add3A_51 = arith.addi %mul3A_48, %mul3A_50 : i32
    "tpu.region"() ({
      %run_scoped3A = tpu.sem_alloc : memref<!tpu.dma_semaphore, #tpu.memory_space<semaphore_mem>>
      %dma_start3A = arith.constant 0 : i32
      %dma_start3A_59 = tpu.memref_slice %arg6[%add3A_51, %dma_start3A] : memref<20224x16xf32, #tpu.memory_space<hbm>> -> memref<632x16xf32, #tpu.memory_space<hbm>>
      %dma_start3A_60 = arith.constant 0 : i32
      %dma_start3A_61 = tpu.memref_slice %arg12[%mul3A_46, %dma_start3A_60] : memref<10112x16xf32, #tpu.memory_space<vmem_shared>> -> memref<632x16xf32, #tpu.memory_space<vmem_shared>>
      tpu.enqueue_dma source(%dma_start3A_61 : memref<632x16xf32, #tpu.memory_space<vmem_shared>>) target(%dma_start3A_59 : memref<632x16xf32, #tpu.memory_space<hbm>>) target_semaphore(%run_scoped3A : memref<!tpu.dma_semaphore, #tpu.memory_space<semaphore_mem>>)
      %dma_wait3A = arith.constant 0 : i32
      %dma_wait3A_62 = tpu.memref_slice %arg6[%add3A_51, %dma_wait3A] : memref<20224x16xf32, #tpu.memory_space<hbm>> -> memref<632x16xf32, #tpu.memory_space<hbm>>
      %dma_wait3A_63 = arith.constant 0 : i32
      %dma_wait3A_64 = tpu.memref_slice %arg12[%mul3A_46, %dma_wait3A_63] : memref<10112x16xf32, #tpu.memory_space<vmem_shared>> -> memref<632x16xf32, #tpu.memory_space<vmem_shared>>
      tpu.wait_dma2 semaphore(%run_scoped3A : memref<!tpu.dma_semaphore, #tpu.memory_space<semaphore_mem>>) src(%dma_wait3A_64 : memref<632x16xf32, #tpu.memory_space<vmem_shared>>) dst(%dma_wait3A_62 : memref<632x16xf32, #tpu.memory_space<hbm>>)
      tpu.yield
    }) : () -> ()
    %mul3A_52 = arith.constant 632 : i32
    %mul3A_53 = arith.muli %arg1, %mul3A_52 : i32
    %mul3A_54 = arith.constant 10112 : i32
    %mul3A_55 = arith.muli %arg0, %mul3A_54 : i32
    %mul3A_56 = arith.constant 632 : i32
    %mul3A_57 = arith.muli %arg1, %mul3A_56 : i32
    %add3A_58 = arith.addi %mul3A_55, %mul3A_57 : i32
    "tpu.region"() ({
      %run_scoped3A = tpu.sem_alloc : memref<!tpu.dma_semaphore, #tpu.memory_space<semaphore_mem>>
      %dma_start3A = arith.constant 0 : i32
      %dma_start3A_59 = tpu.memref_slice %arg7[%add3A_58, %dma_start3A] : memref<20224x16xf32, #tpu.memory_space<hbm>> -> memref<632x16xf32, #tpu.memory_space<hbm>>
      %dma_start3A_60 = arith.constant 0 : i32
      %dma_start3A_61 = tpu.memref_slice %arg11[%mul3A_53, %dma_start3A_60] : memref<10112x16xf32, #tpu.memory_space<vmem_shared>> -> memref<632x16xf32, #tpu.memory_space<vmem_shared>>
      tpu.enqueue_dma source(%dma_start3A_61 : memref<632x16xf32, #tpu.memory_space<vmem_shared>>) target(%dma_start3A_59 : memref<632x16xf32, #tpu.memory_space<hbm>>) target_semaphore(%run_scoped3A : memref<!tpu.dma_semaphore, #tpu.memory_space<semaphore_mem>>)
      %dma_wait3A = arith.constant 0 : i32
      %dma_wait3A_62 = tpu.memref_slice %arg7[%add3A_58, %dma_wait3A] : memref<20224x16xf32, #tpu.memory_space<hbm>> -> memref<632x16xf32, #tpu.memory_space<hbm>>
      %dma_wait3A_63 = arith.constant 0 : i32
      %dma_wait3A_64 = tpu.memref_slice %arg11[%mul3A_53, %dma_wait3A_63] : memref<10112x16xf32, #tpu.memory_space<vmem_shared>> -> memref<632x16xf32, #tpu.memory_space<vmem_shared>>
      tpu.wait_dma2 semaphore(%run_scoped3A : memref<!tpu.dma_semaphore, #tpu.memory_space<semaphore_mem>>) src(%dma_wait3A_64 : memref<632x16xf32, #tpu.memory_space<vmem_shared>>) dst(%dma_wait3A_62 : memref<632x16xf32, #tpu.memory_space<hbm>>)
      tpu.yield
    }) : () -> ()
    return
  }
}

#map = affine_map<(d0, d1) -> (0, 0)>
module attributes {stable_mosaic.version = 14 : i64} {
  func.func @body(%arg0: i32, %arg1: i32, %arg2: memref<1250x128xi32, #tpu.memory_space<hbm>>, %arg3: memref<80000x16xf32, #tpu.memory_space<hbm>>, %arg4: memref<10112x16xf32, #tpu.memory_space<hbm>>, %arg5: memref<128x16xf32, #tpu.memory_space<hbm>>, %arg6: memref<20224x16xf32, #tpu.memory_space<hbm>>, %arg7: memref<20224x16xf32, #tpu.memory_space<hbm>>, %arg8: memref<20x128xi32, #tpu.memory_space<vmem>>, %arg9: memref<2560x16xf32, #tpu.memory_space<vmem>>, %arg10: memref<128x16xf32, #tpu.memory_space<vmem>>, %arg11: memref<10112x16xf32, #tpu.memory_space<vmem_shared>>, %arg12: memref<10112x16xf32, #tpu.memory_space<vmem_shared>>, %arg13: memref<!tpu.dma_semaphore, #tpu.memory_space<semaphore_mem>>) attributes {dimension_semantics = [#tpu.dimension_semantics<core_parallel>, #tpu.dimension_semantics<subcore_parallel>], iteration_bounds = array<i64: 2, 16>, scalar_prefetch = 0 : i64, scratch_operands = 6 : i64, tpu.core_type = #tpu.core_type<sc_vector_subcore>, window_params = [{transform_indices = #map}, {transform_indices = #map}, {transform_indices = #map}, {transform_indices = #map}, {transform_indices = #map}, {transform_indices = #map}]} {
    %mul3A = arith.constant 2 : i32
    %mul3A_0 = arith.muli %arg1, %mul3A : i32
    %add3A = arith.addi %mul3A_0, %arg0 : i32
    %lt3A = arith.constant 17 : i32
    %lt3A_1 = arith.cmpi slt, %add3A, %lt3A : i32
    %jit3A = arith.constant 1 : i32
    %jit3A_2 = arith.constant 0 : i32
    %select_n3A = arith.select %lt3A_1, %jit3A, %jit3A_2 : i32
    %mul3A_3 = arith.constant 19 : i32
    %mul3A_4 = arith.muli %add3A, %mul3A_3 : i32
    %min3A = arith.constant 17 : i32
    %min3A_5 = arith.minsi %add3A, %min3A : i32
    %add3A_6 = arith.addi %mul3A_4, %min3A_5 : i32
    %add3A_7 = arith.constant 0 : i32
    %add3A_8 = arith.addi %add3A_7, %add3A_6 : i32
    %add3A_9 = arith.constant 19 : i32
    %add3A_10 = arith.addi %add3A_9, %select_n3A : i32
    %mul3A_11 = arith.constant 632 : i32
    %mul3A_12 = arith.muli %arg1, %mul3A_11 : i32
    %mul3A_13 = arith.constant 632 : i32
    %mul3A_14 = arith.muli %arg1, %mul3A_13 : i32
    "tpu.region"() ({
      %run_scoped3A = tpu.sem_alloc : memref<!tpu.dma_semaphore, #tpu.memory_space<semaphore_mem>>
      %dma_start3A = arith.constant 0 : i32
      %dma_start3A_59 = tpu.memref_slice %arg12[%mul3A_14, %dma_start3A] : memref<10112x16xf32, #tpu.memory_space<vmem_shared>> -> memref<632x16xf32, #tpu.memory_space<vmem_shared>>
      %dma_start3A_60 = arith.constant 0 : i32
      %dma_start3A_61 = tpu.memref_slice %arg4[%mul3A_12, %dma_start3A_60] : memref<10112x16xf32, #tpu.memory_space<hbm>> -> memref<632x16xf32, #tpu.memory_space<hbm>>
      tpu.enqueue_dma source(%dma_start3A_61 : memref<632x16xf32, #tpu.memory_space<hbm>>) target(%dma_start3A_59 : memref<632x16xf32, #tpu.memory_space<vmem_shared>>) target_semaphore(%run_scoped3A : memref<!tpu.dma_semaphore, #tpu.memory_space<semaphore_mem>>)
      %dma_wait3A = arith.constant 0 : i32
      %dma_wait3A_62 = tpu.memref_slice %arg12[%mul3A_14, %dma_wait3A] : memref<10112x16xf32, #tpu.memory_space<vmem_shared>> -> memref<632x16xf32, #tpu.memory_space<vmem_shared>>
      %dma_wait3A_63 = arith.constant 0 : i32
      %dma_wait3A_64 = tpu.memref_slice %arg4[%mul3A_12, %dma_wait3A_63] : memref<10112x16xf32, #tpu.memory_space<hbm>> -> memref<632x16xf32, #tpu.memory_space<hbm>>
      tpu.wait_dma2 semaphore(%run_scoped3A : memref<!tpu.dma_semaphore, #tpu.memory_space<semaphore_mem>>) src(%dma_wait3A_64 : memref<632x16xf32, #tpu.memory_space<hbm>>) dst(%dma_wait3A_62 : memref<632x16xf32, #tpu.memory_space<vmem_shared>>)
      tpu.yield
    }) : () -> ()
    %mul3A_15 = arith.constant 632 : i32
    %mul3A_16 = arith.muli %arg1, %mul3A_15 : i32
    %mul3A_17 = arith.constant 632 : i32
    %mul3A_18 = arith.muli %arg1, %mul3A_17 : i32
    "tpu.region"() ({
      %run_scoped3A = tpu.sem_alloc : memref<!tpu.dma_semaphore, #tpu.memory_space<semaphore_mem>>
      %dma_start3A = arith.constant 0 : i32
      %dma_start3A_59 = tpu.memref_slice %arg11[%mul3A_18, %dma_start3A] : memref<10112x16xf32, #tpu.memory_space<vmem_shared>> -> memref<632x16xf32, #tpu.memory_space<vmem_shared>>
      %dma_start3A_60 = arith.constant 0 : i32
      %dma_start3A_61 = tpu.memref_slice %arg4[%mul3A_16, %dma_start3A_60] : memref<10112x16xf32, #tpu.memory_space<hbm>> -> memref<632x16xf32, #tpu.memory_space<hbm>>
      tpu.enqueue_dma source(%dma_start3A_61 : memref<632x16xf32, #tpu.memory_space<hbm>>) target(%dma_start3A_59 : memref<632x16xf32, #tpu.memory_space<vmem_shared>>) target_semaphore(%run_scoped3A : memref<!tpu.dma_semaphore, #tpu.memory_space<semaphore_mem>>)
      %dma_wait3A = arith.constant 0 : i32
      %dma_wait3A_62 = tpu.memref_slice %arg11[%mul3A_18, %dma_wait3A] : memref<10112x16xf32, #tpu.memory_space<vmem_shared>> -> memref<632x16xf32, #tpu.memory_space<vmem_shared>>
      %dma_wait3A_63 = arith.constant 0 : i32
      %dma_wait3A_64 = tpu.memref_slice %arg4[%mul3A_16, %dma_wait3A_63] : memref<10112x16xf32, #tpu.memory_space<hbm>> -> memref<632x16xf32, #tpu.memory_space<hbm>>
      tpu.wait_dma2 semaphore(%run_scoped3A : memref<!tpu.dma_semaphore, #tpu.memory_space<semaphore_mem>>) src(%dma_wait3A_64 : memref<632x16xf32, #tpu.memory_space<hbm>>) dst(%dma_wait3A_62 : memref<632x16xf32, #tpu.memory_space<vmem_shared>>)
      tpu.yield
    }) : () -> ()
    "tpu.region"() ({
      %run_scoped3A = tpu.sem_alloc : memref<!tpu.dma_semaphore, #tpu.memory_space<semaphore_mem>>
      tpu.enqueue_dma source(%arg5 : memref<128x16xf32, #tpu.memory_space<hbm>>) target(%arg10 : memref<128x16xf32, #tpu.memory_space<vmem>>) target_semaphore(%run_scoped3A : memref<!tpu.dma_semaphore, #tpu.memory_space<semaphore_mem>>)
      tpu.wait_dma2 semaphore(%run_scoped3A : memref<!tpu.dma_semaphore, #tpu.memory_space<semaphore_mem>>) src(%arg5 : memref<128x16xf32, #tpu.memory_space<hbm>>) dst(%arg10 : memref<128x16xf32, #tpu.memory_space<vmem>>)
      tpu.yield
    }) : () -> ()
    "tpu.region"() ({
      %run_scoped3A = tpu.sem_alloc : memref<!tpu.dma_semaphore, #tpu.memory_space<semaphore_mem>>
      %dma_start3A = arith.constant 0 : i32
      %dma_start3A_59 = arith.constant 0 : i32
      %dma_start3A_60 = tpu.memref_slice %arg8[%dma_start3A, %dma_start3A_59] : memref<20x128xi32, #tpu.memory_space<vmem>> -> memref<19x128xi32, #tpu.memory_space<vmem>>
      %dma_start3A_61 = arith.constant 0 : i32
      %dma_start3A_62 = tpu.memref_slice %arg2[%add3A_8, %dma_start3A_61] : memref<1250x128xi32, #tpu.memory_space<hbm>> -> memref<19x128xi32, #tpu.memory_space<hbm>>
      %dma_start3A_63 = arith.constant 0 : i32
      %dma_start3A_64 = arith.constant 0 : i32
      %dma_start3A_65 = tpu.memref_slice %arg8[%dma_start3A_63, %dma_start3A_64] : memref<20x128xi32, #tpu.memory_space<vmem>> -> memref<19x128xi32, #tpu.memory_space<vmem>>
      %dma_start3A_66 = arith.constant 0 : i32
      %dma_start3A_67 = tpu.memref_slice %arg2[%add3A_8, %dma_start3A_66] : memref<1250x128xi32, #tpu.memory_space<hbm>> -> memref<19x128xi32, #tpu.memory_space<hbm>>
      tpu.enqueue_dma source(%dma_start3A_67 : memref<19x128xi32, #tpu.memory_space<hbm>>) target(%dma_start3A_65 : memref<19x128xi32, #tpu.memory_space<vmem>>) target_semaphore(%run_scoped3A : memref<!tpu.dma_semaphore, #tpu.memory_space<semaphore_mem>>)
      %dma_wait3A = arith.constant 0 : i32
      %dma_wait3A_68 = arith.constant 0 : i32
      %dma_wait3A_69 = tpu.memref_slice %arg8[%dma_wait3A, %dma_wait3A_68] : memref<20x128xi32, #tpu.memory_space<vmem>> -> memref<19x128xi32, #tpu.memory_space<vmem>>
      %dma_wait3A_70 = arith.constant 0 : i32
      %dma_wait3A_71 = tpu.memref_slice %arg2[%add3A_8, %dma_wait3A_70] : memref<1250x128xi32, #tpu.memory_space<hbm>> -> memref<19x128xi32, #tpu.memory_space<hbm>>
      %dma_wait3A_72 = arith.constant 0 : i32
      %dma_wait3A_73 = arith.constant 0 : i32
      %dma_wait3A_74 = tpu.memref_slice %arg8[%dma_wait3A_72, %dma_wait3A_73] : memref<20x128xi32, #tpu.memory_space<vmem>> -> memref<19x128xi32, #tpu.memory_space<vmem>>
      %dma_wait3A_75 = arith.constant 0 : i32
      %dma_wait3A_76 = tpu.memref_slice %arg2[%add3A_8, %dma_wait3A_75] : memref<1250x128xi32, #tpu.memory_space<hbm>> -> memref<19x128xi32, #tpu.memory_space<hbm>>
      tpu.wait_dma2 semaphore(%run_scoped3A : memref<!tpu.dma_semaphore, #tpu.memory_space<semaphore_mem>>) src(%dma_wait3A_76 : memref<19x128xi32, #tpu.memory_space<hbm>>) dst(%dma_wait3A_74 : memref<19x128xi32, #tpu.memory_space<vmem>>)
      tpu.yield
    }) : () -> ()
    %mul3A_19 = arith.constant 128 : i32
    %mul3A_20 = arith.muli %add3A_6, %mul3A_19 : i32
    "tpu.region"() ({
      %run_scoped3A = tpu.sem_alloc : memref<!tpu.dma_semaphore, #tpu.memory_space<semaphore_mem>>
      %dma_start3A = arith.constant 0 : i32
      %dma_start3A_59 = arith.constant 0 : i32
      %dma_start3A_60 = tpu.memref_slice %arg9[%dma_start3A, %dma_start3A_59] : memref<2560x16xf32, #tpu.memory_space<vmem>> -> memref<2432x16xf32, #tpu.memory_space<vmem>>
      %dma_start3A_61 = arith.constant 0 : i32
      %dma_start3A_62 = tpu.memref_slice %arg3[%mul3A_20, %dma_start3A_61] : memref<80000x16xf32, #tpu.memory_space<hbm>> -> memref<2432x16xf32, #tpu.memory_space<hbm>>
      %dma_start3A_63 = arith.constant 0 : i32
      %dma_start3A_64 = arith.constant 0 : i32
      %dma_start3A_65 = tpu.memref_slice %arg9[%dma_start3A_63, %dma_start3A_64] : memref<2560x16xf32, #tpu.memory_space<vmem>> -> memref<2432x16xf32, #tpu.memory_space<vmem>>
      %dma_start3A_66 = arith.constant 0 : i32
      %dma_start3A_67 = tpu.memref_slice %arg3[%mul3A_20, %dma_start3A_66] : memref<80000x16xf32, #tpu.memory_space<hbm>> -> memref<2432x16xf32, #tpu.memory_space<hbm>>
      tpu.enqueue_dma source(%dma_start3A_67 : memref<2432x16xf32, #tpu.memory_space<hbm>>) target(%dma_start3A_65 : memref<2432x16xf32, #tpu.memory_space<vmem>>) target_semaphore(%run_scoped3A : memref<!tpu.dma_semaphore, #tpu.memory_space<semaphore_mem>>)
      %dma_wait3A = arith.constant 0 : i32
      %dma_wait3A_68 = arith.constant 0 : i32
      %dma_wait3A_69 = tpu.memref_slice %arg9[%dma_wait3A, %dma_wait3A_68] : memref<2560x16xf32, #tpu.memory_space<vmem>> -> memref<2432x16xf32, #tpu.memory_space<vmem>>
      %dma_wait3A_70 = arith.constant 0 : i32
      %dma_wait3A_71 = tpu.memref_slice %arg3[%mul3A_20, %dma_wait3A_70] : memref<80000x16xf32, #tpu.memory_space<hbm>> -> memref<2432x16xf32, #tpu.memory_space<hbm>>
      %dma_wait3A_72 = arith.constant 0 : i32
      %dma_wait3A_73 = arith.constant 0 : i32
      %dma_wait3A_74 = tpu.memref_slice %arg9[%dma_wait3A_72, %dma_wait3A_73] : memref<2560x16xf32, #tpu.memory_space<vmem>> -> memref<2432x16xf32, #tpu.memory_space<vmem>>
      %dma_wait3A_75 = arith.constant 0 : i32
      %dma_wait3A_76 = tpu.memref_slice %arg3[%mul3A_20, %dma_wait3A_75] : memref<80000x16xf32, #tpu.memory_space<hbm>> -> memref<2432x16xf32, #tpu.memory_space<hbm>>
      tpu.wait_dma2 semaphore(%run_scoped3A : memref<!tpu.dma_semaphore, #tpu.memory_space<semaphore_mem>>) src(%dma_wait3A_76 : memref<2432x16xf32, #tpu.memory_space<hbm>>) dst(%dma_wait3A_74 : memref<2432x16xf32, #tpu.memory_space<vmem>>)
      tpu.yield
    }) : () -> ()
    %eq3A = arith.constant 1 : i32
    %eq3A_21 = arith.cmpi eq, %select_n3A, %eq3A : i32
    %convert_element_type3A = arith.extui %eq3A_21 : i1 to i32
    %cond3A = arith.constant 0 : i32
    %cond3A_22 = arith.cmpi ne, %convert_element_type3A, %cond3A : i32
    scf.if %cond3A_22 {
      %add3A_59 = arith.constant 19 : i32
      %add3A_60 = arith.addi %add3A_8, %add3A_59 : i32
      "tpu.region"() ({
        %run_scoped3A = tpu.sem_alloc : memref<!tpu.dma_semaphore, #tpu.memory_space<semaphore_mem>>
        %dma_start3A = arith.constant 19 : i32
        %dma_start3A_65 = arith.constant 0 : i32
        %dma_start3A_66 = tpu.memref_slice %arg8[%dma_start3A, %dma_start3A_65] : memref<20x128xi32, #tpu.memory_space<vmem>> -> memref<1x128xi32, #tpu.memory_space<vmem>>
        %dma_start3A_67 = arith.constant 0 : i32
        %dma_start3A_68 = tpu.memref_slice %arg2[%add3A_60, %dma_start3A_67] : memref<1250x128xi32, #tpu.memory_space<hbm>> -> memref<1x128xi32, #tpu.memory_space<hbm>>
        %dma_start3A_69 = arith.constant 19 : i32
        %dma_start3A_70 = arith.constant 0 : i32
        %dma_start3A_71 = tpu.memref_slice %arg8[%dma_start3A_69, %dma_start3A_70] : memref<20x128xi32, #tpu.memory_space<vmem>> -> memref<1x128xi32, #tpu.memory_space<vmem>>
        %dma_start3A_72 = arith.constant 0 : i32
        %dma_start3A_73 = tpu.memref_slice %arg2[%add3A_60, %dma_start3A_72] : memref<1250x128xi32, #tpu.memory_space<hbm>> -> memref<1x128xi32, #tpu.memory_space<hbm>>
        tpu.enqueue_dma source(%dma_start3A_73 : memref<1x128xi32, #tpu.memory_space<hbm>>) target(%dma_start3A_71 : memref<1x128xi32, #tpu.memory_space<vmem>>) target_semaphore(%run_scoped3A : memref<!tpu.dma_semaphore, #tpu.memory_space<semaphore_mem>>)
        %dma_wait3A = arith.constant 19 : i32
        %dma_wait3A_74 = arith.constant 0 : i32
        %dma_wait3A_75 = tpu.memref_slice %arg8[%dma_wait3A, %dma_wait3A_74] : memref<20x128xi32, #tpu.memory_space<vmem>> -> memref<1x128xi32, #tpu.memory_space<vmem>>
        %dma_wait3A_76 = arith.constant 0 : i32
        %dma_wait3A_77 = tpu.memref_slice %arg2[%add3A_60, %dma_wait3A_76] : memref<1250x128xi32, #tpu.memory_space<hbm>> -> memref<1x128xi32, #tpu.memory_space<hbm>>
        %dma_wait3A_78 = arith.constant 19 : i32
        %dma_wait3A_79 = arith.constant 0 : i32
        %dma_wait3A_80 = tpu.memref_slice %arg8[%dma_wait3A_78, %dma_wait3A_79] : memref<20x128xi32, #tpu.memory_space<vmem>> -> memref<1x128xi32, #tpu.memory_space<vmem>>
        %dma_wait3A_81 = arith.constant 0 : i32
        %dma_wait3A_82 = tpu.memref_slice %arg2[%add3A_60, %dma_wait3A_81] : memref<1250x128xi32, #tpu.memory_space<hbm>> -> memref<1x128xi32, #tpu.memory_space<hbm>>
        tpu.wait_dma2 semaphore(%run_scoped3A : memref<!tpu.dma_semaphore, #tpu.memory_space<semaphore_mem>>) src(%dma_wait3A_82 : memref<1x128xi32, #tpu.memory_space<hbm>>) dst(%dma_wait3A_80 : memref<1x128xi32, #tpu.memory_space<vmem>>)
        tpu.yield
      }) : () -> ()
      %add3A_61 = arith.constant 19 : i32
      %add3A_62 = arith.addi %add3A_6, %add3A_61 : i32
      %mul3A_63 = arith.constant 128 : i32
      %mul3A_64 = arith.muli %add3A_62, %mul3A_63 : i32
      "tpu.region"() ({
        %run_scoped3A = tpu.sem_alloc : memref<!tpu.dma_semaphore, #tpu.memory_space<semaphore_mem>>
        %dma_start3A = arith.constant 2432 : i32
        %dma_start3A_65 = arith.constant 0 : i32
        %dma_start3A_66 = tpu.memref_slice %arg9[%dma_start3A, %dma_start3A_65] : memref<2560x16xf32, #tpu.memory_space<vmem>> -> memref<128x16xf32, #tpu.memory_space<vmem>>
        %dma_start3A_67 = arith.constant 0 : i32
        %dma_start3A_68 = tpu.memref_slice %arg3[%mul3A_64, %dma_start3A_67] : memref<80000x16xf32, #tpu.memory_space<hbm>> -> memref<128x16xf32, #tpu.memory_space<hbm>>
        %dma_start3A_69 = arith.constant 2432 : i32
        %dma_start3A_70 = arith.constant 0 : i32
        %dma_start3A_71 = tpu.memref_slice %arg9[%dma_start3A_69, %dma_start3A_70] : memref<2560x16xf32, #tpu.memory_space<vmem>> -> memref<128x16xf32, #tpu.memory_space<vmem>>
        %dma_start3A_72 = arith.constant 0 : i32
        %dma_start3A_73 = tpu.memref_slice %arg3[%mul3A_64, %dma_start3A_72] : memref<80000x16xf32, #tpu.memory_space<hbm>> -> memref<128x16xf32, #tpu.memory_space<hbm>>
        tpu.enqueue_dma source(%dma_start3A_73 : memref<128x16xf32, #tpu.memory_space<hbm>>) target(%dma_start3A_71 : memref<128x16xf32, #tpu.memory_space<vmem>>) target_semaphore(%run_scoped3A : memref<!tpu.dma_semaphore, #tpu.memory_space<semaphore_mem>>)
        %dma_wait3A = arith.constant 2432 : i32
        %dma_wait3A_74 = arith.constant 0 : i32
        %dma_wait3A_75 = tpu.memref_slice %arg9[%dma_wait3A, %dma_wait3A_74] : memref<2560x16xf32, #tpu.memory_space<vmem>> -> memref<128x16xf32, #tpu.memory_space<vmem>>
        %dma_wait3A_76 = arith.constant 0 : i32
        %dma_wait3A_77 = tpu.memref_slice %arg3[%mul3A_64, %dma_wait3A_76] : memref<80000x16xf32, #tpu.memory_space<hbm>> -> memref<128x16xf32, #tpu.memory_space<hbm>>
        %dma_wait3A_78 = arith.constant 2432 : i32
        %dma_wait3A_79 = arith.constant 0 : i32
        %dma_wait3A_80 = tpu.memref_slice %arg9[%dma_wait3A_78, %dma_wait3A_79] : memref<2560x16xf32, #tpu.memory_space<vmem>> -> memref<128x16xf32, #tpu.memory_space<vmem>>
        %dma_wait3A_81 = arith.constant 0 : i32
        %dma_wait3A_82 = tpu.memref_slice %arg3[%mul3A_64, %dma_wait3A_81] : memref<80000x16xf32, #tpu.memory_space<hbm>> -> memref<128x16xf32, #tpu.memory_space<hbm>>
        tpu.wait_dma2 semaphore(%run_scoped3A : memref<!tpu.dma_semaphore, #tpu.memory_space<semaphore_mem>>) src(%dma_wait3A_82 : memref<128x16xf32, #tpu.memory_space<hbm>>) dst(%dma_wait3A_80 : memref<128x16xf32, #tpu.memory_space<vmem>>)
        tpu.yield
      }) : () -> ()
    } else {
    }
    %barrier3A = arith.constant 0 : index
    tpu.barrier barrier_id(%barrier3A)
    %while3A = arith.constant 0 : i32
    %while3A_23 = arith.constant 0 : i32
    %while3A_24 = arith.subi %add3A_10, %while3A_23 : i32
    %while3A_25 = arith.addi %while3A_23, %while3A_24 : i32
    %while3A_26 = arith.constant 1 : i32
    %while3A_27 = arith.divsi %while3A_24, %while3A_26 : i32
    %while3A_28 = arith.muli %while3A_27, %while3A_26 : i32
    %while3A_29 = arith.addi %while3A_23, %while3A_28 : i32
    %while3A_30 = arith.constant 1 : i32
    scf.for %while3A_59 = %while3A_23 to %while3A_29 step %while3A_30  : i32 {
      %mul3A_60 = arith.constant 128 : i32
      %mul3A_61 = arith.muli %while3A_59, %mul3A_60 : i32
      %dma_start3A = arith.constant 0 : i32
      %dma_start3A_62 = tpu.memref_slice %arg9[%mul3A_61, %dma_start3A] : memref<2560x16xf32, #tpu.memory_space<vmem>> -> memref<128x16xf32, #tpu.memory_space<vmem>>
      %dma_start3A_63 = arith.constant 0 : i32
      %dma_start3A_64 = tpu.memref_slice %arg8[%while3A_59, %dma_start3A_63] : memref<20x128xi32, #tpu.memory_space<vmem>> -> memref<1x128xi32, #tpu.memory_space<vmem>>
      %dma_start3A_65 = tpu.memref_squeeze %dma_start3A_64 : memref<1x128xi32, #tpu.memory_space<vmem>> -> memref<128xi32, #tpu.memory_space<vmem>>
      %dma_start3A_66 = arith.constant 0 : i32
      %dma_start3A_67 = arith.constant 0 : i32
      %dma_start3A_68 = tpu.memref_slice %arg12[%dma_start3A_66, %dma_start3A_67] : memref<10112x16xf32, #tpu.memory_space<vmem_shared>> -> memref<10112x16xf32, #tpu.memory_space<vmem_shared>>
      tpu.enqueue_indirect_dma source(%dma_start3A_62 : memref<128x16xf32, #tpu.memory_space<vmem>>) target(%dma_start3A_68 : memref<10112x16xf32, #tpu.memory_space<vmem_shared>>) offsets(%dma_start3A_65 : memref<128xi32, #tpu.memory_space<vmem>>) semaphore(%arg13 : memref<!tpu.dma_semaphore, #tpu.memory_space<semaphore_mem>>) {add = true}
      %dma_start3A_69 = arith.constant 0 : i32
      %dma_start3A_70 = tpu.memref_slice %arg8[%while3A_59, %dma_start3A_69] : memref<20x128xi32, #tpu.memory_space<vmem>> -> memref<1x128xi32, #tpu.memory_space<vmem>>
      %dma_start3A_71 = tpu.memref_squeeze %dma_start3A_70 : memref<1x128xi32, #tpu.memory_space<vmem>> -> memref<128xi32, #tpu.memory_space<vmem>>
      %dma_start3A_72 = arith.constant 0 : i32
      %dma_start3A_73 = arith.constant 0 : i32
      %dma_start3A_74 = tpu.memref_slice %arg11[%dma_start3A_72, %dma_start3A_73] : memref<10112x16xf32, #tpu.memory_space<vmem_shared>> -> memref<10112x16xf32, #tpu.memory_space<vmem_shared>>
      tpu.enqueue_indirect_dma source(%arg10 : memref<128x16xf32, #tpu.memory_space<vmem>>) target(%dma_start3A_74 : memref<10112x16xf32, #tpu.memory_space<vmem_shared>>) offsets(%dma_start3A_71 : memref<128xi32, #tpu.memory_space<vmem>>) semaphore(%arg13 : memref<!tpu.dma_semaphore, #tpu.memory_space<semaphore_mem>>) {add = true}
    }
    %while3A_31 = arith.constant 1 : i32
    scf.for %while3A_59 = %while3A_29 to %while3A_25 step %while3A_31  : i32 {
      %mul3A_60 = arith.constant 128 : i32
      %mul3A_61 = arith.muli %while3A_59, %mul3A_60 : i32
      %dma_start3A = arith.constant 0 : i32
      %dma_start3A_62 = tpu.memref_slice %arg9[%mul3A_61, %dma_start3A] : memref<2560x16xf32, #tpu.memory_space<vmem>> -> memref<128x16xf32, #tpu.memory_space<vmem>>
      %dma_start3A_63 = arith.constant 0 : i32
      %dma_start3A_64 = tpu.memref_slice %arg8[%while3A_59, %dma_start3A_63] : memref<20x128xi32, #tpu.memory_space<vmem>> -> memref<1x128xi32, #tpu.memory_space<vmem>>
      %dma_start3A_65 = tpu.memref_squeeze %dma_start3A_64 : memref<1x128xi32, #tpu.memory_space<vmem>> -> memref<128xi32, #tpu.memory_space<vmem>>
      %dma_start3A_66 = arith.constant 0 : i32
      %dma_start3A_67 = arith.constant 0 : i32
      %dma_start3A_68 = tpu.memref_slice %arg12[%dma_start3A_66, %dma_start3A_67] : memref<10112x16xf32, #tpu.memory_space<vmem_shared>> -> memref<10112x16xf32, #tpu.memory_space<vmem_shared>>
      tpu.enqueue_indirect_dma source(%dma_start3A_62 : memref<128x16xf32, #tpu.memory_space<vmem>>) target(%dma_start3A_68 : memref<10112x16xf32, #tpu.memory_space<vmem_shared>>) offsets(%dma_start3A_65 : memref<128xi32, #tpu.memory_space<vmem>>) semaphore(%arg13 : memref<!tpu.dma_semaphore, #tpu.memory_space<semaphore_mem>>) {add = true}
      %dma_start3A_69 = arith.constant 0 : i32
      %dma_start3A_70 = tpu.memref_slice %arg8[%while3A_59, %dma_start3A_69] : memref<20x128xi32, #tpu.memory_space<vmem>> -> memref<1x128xi32, #tpu.memory_space<vmem>>
      %dma_start3A_71 = tpu.memref_squeeze %dma_start3A_70 : memref<1x128xi32, #tpu.memory_space<vmem>> -> memref<128xi32, #tpu.memory_space<vmem>>
      %dma_start3A_72 = arith.constant 0 : i32
      %dma_start3A_73 = arith.constant 0 : i32
      %dma_start3A_74 = tpu.memref_slice %arg11[%dma_start3A_72, %dma_start3A_73] : memref<10112x16xf32, #tpu.memory_space<vmem_shared>> -> memref<10112x16xf32, #tpu.memory_space<vmem_shared>>
      tpu.enqueue_indirect_dma source(%arg10 : memref<128x16xf32, #tpu.memory_space<vmem>>) target(%dma_start3A_74 : memref<10112x16xf32, #tpu.memory_space<vmem_shared>>) offsets(%dma_start3A_71 : memref<128xi32, #tpu.memory_space<vmem>>) semaphore(%arg13 : memref<!tpu.dma_semaphore, #tpu.memory_space<semaphore_mem>>) {add = true}
    }
    %mul3A_32 = arith.constant 2 : i32
    %mul3A_33 = arith.muli %add3A_10, %mul3A_32 : i32
    %while3A_34 = arith.constant 0 : i32
    %while3A_35 = arith.constant 0 : i32
    %while3A_36 = arith.subi %mul3A_33, %while3A_35 : i32
    %while3A_37 = arith.addi %while3A_35, %while3A_36 : i32
    %while3A_38 = arith.constant 1 : i32
    %while3A_39 = arith.divsi %while3A_36, %while3A_38 : i32
    %while3A_40 = arith.muli %while3A_39, %while3A_38 : i32
    %while3A_41 = arith.addi %while3A_35, %while3A_40 : i32
    %while3A_42 = arith.constant 1 : i32
    scf.for %while3A_59 = %while3A_35 to %while3A_41 step %while3A_42  : i32 {
      %dma_wait3A = arith.constant 0 : i32
      %dma_wait3A_60 = arith.constant 0 : i32
      %dma_wait3A_61 = arith.constant 0 : i32
      %dma_wait3A_62 = tpu.memref_slice %arg9[%dma_wait3A_60, %dma_wait3A_61] : memref<2560x16xf32, #tpu.memory_space<vmem>> -> memref<128x16xf32, #tpu.memory_space<vmem>>
      %dma_wait3A_63 = arith.constant 0 : i32
      %dma_wait3A_64 = tpu.memref_slice %arg8[%dma_wait3A, %dma_wait3A_63] : memref<20x128xi32, #tpu.memory_space<vmem>> -> memref<1x128xi32, #tpu.memory_space<vmem>>
      %dma_wait3A_65 = tpu.memref_squeeze %dma_wait3A_64 : memref<1x128xi32, #tpu.memory_space<vmem>> -> memref<128xi32, #tpu.memory_space<vmem>>
      %dma_wait3A_66 = arith.constant 0 : i32
      %dma_wait3A_67 = arith.constant 0 : i32
      %dma_wait3A_68 = tpu.memref_slice %arg12[%dma_wait3A_66, %dma_wait3A_67] : memref<10112x16xf32, #tpu.memory_space<vmem_shared>> -> memref<10112x16xf32, #tpu.memory_space<vmem_shared>>
      tpu.wait_indirect_dma semaphore(%arg13 : memref<!tpu.dma_semaphore, #tpu.memory_space<semaphore_mem>>) src(%dma_wait3A_62 : memref<128x16xf32, #tpu.memory_space<vmem>>) dst(%dma_wait3A_68 : memref<10112x16xf32, #tpu.memory_space<vmem_shared>>)
    }
    %while3A_43 = arith.constant 1 : i32
    scf.for %while3A_59 = %while3A_41 to %while3A_37 step %while3A_43  : i32 {
      %dma_wait3A = arith.constant 0 : i32
      %dma_wait3A_60 = arith.constant 0 : i32
      %dma_wait3A_61 = arith.constant 0 : i32
      %dma_wait3A_62 = tpu.memref_slice %arg9[%dma_wait3A_60, %dma_wait3A_61] : memref<2560x16xf32, #tpu.memory_space<vmem>> -> memref<128x16xf32, #tpu.memory_space<vmem>>
      %dma_wait3A_63 = arith.constant 0 : i32
      %dma_wait3A_64 = tpu.memref_slice %arg8[%dma_wait3A, %dma_wait3A_63] : memref<20x128xi32, #tpu.memory_space<vmem>> -> memref<1x128xi32, #tpu.memory_space<vmem>>
      %dma_wait3A_65 = tpu.memref_squeeze %dma_wait3A_64 : memref<1x128xi32, #tpu.memory_space<vmem>> -> memref<128xi32, #tpu.memory_space<vmem>>
      %dma_wait3A_66 = arith.constant 0 : i32
      %dma_wait3A_67 = arith.constant 0 : i32
      %dma_wait3A_68 = tpu.memref_slice %arg12[%dma_wait3A_66, %dma_wait3A_67] : memref<10112x16xf32, #tpu.memory_space<vmem_shared>> -> memref<10112x16xf32, #tpu.memory_space<vmem_shared>>
      tpu.wait_indirect_dma semaphore(%arg13 : memref<!tpu.dma_semaphore, #tpu.memory_space<semaphore_mem>>) src(%dma_wait3A_62 : memref<128x16xf32, #tpu.memory_space<vmem>>) dst(%dma_wait3A_68 : memref<10112x16xf32, #tpu.memory_space<vmem_shared>>)
    }
    %barrier3A_44 = arith.constant 0 : index
    tpu.barrier barrier_id(%barrier3A_44)
    %mul3A_45 = arith.constant 632 : i32
    %mul3A_46 = arith.muli %arg1, %mul3A_45 : i32
    %mul3A_47 = arith.constant 10112 : i32
    %mul3A_48 = arith.muli %arg0, %mul3A_47 : i32
    %mul3A_49 = arith.constant 632 : i32
    %mul3A_50 = arith.muli %arg1, %mul3A_49 : i32
    %add3A_51 = arith.addi %mul3A_48, %mul3A_50 : i32
    "tpu.region"() ({
      %run_scoped3A = tpu.sem_alloc : memref<!tpu.dma_semaphore, #tpu.memory_space<semaphore_mem>>
      %dma_start3A = arith.constant 0 : i32
      %dma_start3A_59 = tpu.memref_slice %arg6[%add3A_51, %dma_start3A] : memref<20224x16xf32, #tpu.memory_space<hbm>> -> memref<632x16xf32, #tpu.memory_space<hbm>>
      %dma_start3A_60 = arith.constant 0 : i32
      %dma_start3A_61 = tpu.memref_slice %arg12[%mul3A_46, %dma_start3A_60] : memref<10112x16xf32, #tpu.memory_space<vmem_shared>> -> memref<632x16xf32, #tpu.memory_space<vmem_shared>>
      tpu.enqueue_dma source(%dma_start3A_61 : memref<632x16xf32, #tpu.memory_space<vmem_shared>>) target(%dma_start3A_59 : memref<632x16xf32, #tpu.memory_space<hbm>>) target_semaphore(%run_scoped3A : memref<!tpu.dma_semaphore, #tpu.memory_space<semaphore_mem>>)
      %dma_wait3A = arith.constant 0 : i32
      %dma_wait3A_62 = tpu.memref_slice %arg6[%add3A_51, %dma_wait3A] : memref<20224x16xf32, #tpu.memory_space<hbm>> -> memref<632x16xf32, #tpu.memory_space<hbm>>
      %dma_wait3A_63 = arith.constant 0 : i32
      %dma_wait3A_64 = tpu.memref_slice %arg12[%mul3A_46, %dma_wait3A_63] : memref<10112x16xf32, #tpu.memory_space<vmem_shared>> -> memref<632x16xf32, #tpu.memory_space<vmem_shared>>
      tpu.wait_dma2 semaphore(%run_scoped3A : memref<!tpu.dma_semaphore, #tpu.memory_space<semaphore_mem>>) src(%dma_wait3A_64 : memref<632x16xf32, #tpu.memory_space<vmem_shared>>) dst(%dma_wait3A_62 : memref<632x16xf32, #tpu.memory_space<hbm>>)
      tpu.yield
    }) : () -> ()
    %mul3A_52 = arith.constant 632 : i32
    %mul3A_53 = arith.muli %arg1, %mul3A_52 : i32
    %mul3A_54 = arith.constant 10112 : i32
    %mul3A_55 = arith.muli %arg0, %mul3A_54 : i32
    %mul3A_56 = arith.constant 632 : i32
    %mul3A_57 = arith.muli %arg1, %mul3A_56 : i32
    %add3A_58 = arith.addi %mul3A_55, %mul3A_57 : i32
    "tpu.region"() ({
      %run_scoped3A = tpu.sem_alloc : memref<!tpu.dma_semaphore, #tpu.memory_space<semaphore_mem>>
      %dma_start3A = arith.constant 0 : i32
      %dma_start3A_59 = tpu.memref_slice %arg7[%add3A_58, %dma_start3A] : memref<20224x16xf32, #tpu.memory_space<hbm>> -> memref<632x16xf32, #tpu.memory_space<hbm>>
      %dma_start3A_60 = arith.constant 0 : i32
      %dma_start3A_61 = tpu.memref_slice %arg11[%mul3A_53, %dma_start3A_60] : memref<10112x16xf32, #tpu.memory_space<vmem_shared>> -> memref<632x16xf32, #tpu.memory_space<vmem_shared>>
      tpu.enqueue_dma source(%dma_start3A_61 : memref<632x16xf32, #tpu.memory_space<vmem_shared>>) target(%dma_start3A_59 : memref<632x16xf32, #tpu.memory_space<hbm>>) target_semaphore(%run_scoped3A : memref<!tpu.dma_semaphore, #tpu.memory_space<semaphore_mem>>)
      %dma_wait3A = arith.constant 0 : i32
      %dma_wait3A_62 = tpu.memref_slice %arg7[%add3A_58, %dma_wait3A] : memref<20224x16xf32, #tpu.memory_space<hbm>> -> memref<632x16xf32, #tpu.memory_space<hbm>>
      %dma_wait3A_63 = arith.constant 0 : i32
      %dma_wait3A_64 = tpu.memref_slice %arg11[%mul3A_53, %dma_wait3A_63] : memref<10112x16xf32, #tpu.memory_space<vmem_shared>> -> memref<632x16xf32, #tpu.memory_space<vmem_shared>>
      tpu.wait_dma2 semaphore(%run_scoped3A : memref<!tpu.dma_semaphore, #tpu.memory_space<semaphore_mem>>) src(%dma_wait3A_64 : memref<632x16xf32, #tpu.memory_space<vmem_shared>>) dst(%dma_wait3A_62 : memref<632x16xf32, #tpu.memory_space<hbm>>)
      tpu.yield
    }) : () -> ()
    return
  }
}

#map = affine_map<(d0, d1) -> (0, 0)>
module attributes {stable_mosaic.version = 14 : i64} {
  func.func @gather(%arg0: i32, %arg1: i32, %arg2: memref<10000x16xf32, #tpu.memory_space<hbm>>, %arg3: memref<1250x128xi32, #tpu.memory_space<hbm>>, %arg4: memref<80000x16xf32, #tpu.memory_space<hbm>>, %arg5: memref<20x128xi32, #tpu.memory_space<vmem>>, %arg6: memref<2560x16xf32, #tpu.memory_space<vmem>>, %arg7: memref<!tpu.dma_semaphore, #tpu.memory_space<semaphore_mem>>) attributes {dimension_semantics = [#tpu.dimension_semantics<core_parallel>, #tpu.dimension_semantics<subcore_parallel>], iteration_bounds = array<i64: 2, 16>, scalar_prefetch = 0 : i64, scratch_operands = 3 : i64, tpu.core_type = #tpu.core_type<sc_vector_subcore>, window_params = [{transform_indices = #map}, {transform_indices = #map}, {transform_indices = #map}]} {
    %mul3A = arith.constant 2 : i32
    %mul3A_0 = arith.muli %arg1, %mul3A : i32
    %add3A = arith.addi %mul3A_0, %arg0 : i32
    %lt3A = arith.constant 17 : i32
    %lt3A_1 = arith.cmpi slt, %add3A, %lt3A : i32
    %jit3A = arith.constant 1 : i32
    %jit3A_2 = arith.constant 0 : i32
    %select_n3A = arith.select %lt3A_1, %jit3A, %jit3A_2 : i32
    %mul3A_3 = arith.constant 19 : i32
    %mul3A_4 = arith.muli %add3A, %mul3A_3 : i32
    %min3A = arith.constant 17 : i32
    %min3A_5 = arith.minsi %add3A, %min3A : i32
    %add3A_6 = arith.addi %mul3A_4, %min3A_5 : i32
    %add3A_7 = arith.constant 0 : i32
    %add3A_8 = arith.addi %add3A_7, %add3A_6 : i32
    %add3A_9 = arith.constant 19 : i32
    %add3A_10 = arith.addi %add3A_9, %select_n3A : i32
    "tpu.region"() ({
      %run_scoped3A = tpu.sem_alloc : memref<!tpu.dma_semaphore, #tpu.memory_space<semaphore_mem>>
      %dma_start3A = arith.constant 0 : i32
      %dma_start3A_39 = arith.constant 0 : i32
      %dma_start3A_40 = tpu.memref_slice %arg5[%dma_start3A, %dma_start3A_39] : memref<20x128xi32, #tpu.memory_space<vmem>> -> memref<19x128xi32, #tpu.memory_space<vmem>>
      %dma_start3A_41 = arith.constant 0 : i32
      %dma_start3A_42 = tpu.memref_slice %arg3[%add3A_8, %dma_start3A_41] : memref<1250x128xi32, #tpu.memory_space<hbm>> -> memref<19x128xi32, #tpu.memory_space<hbm>>
      %dma_start3A_43 = arith.constant 0 : i32
      %dma_start3A_44 = arith.constant 0 : i32
      %dma_start3A_45 = tpu.memref_slice %arg5[%dma_start3A_43, %dma_start3A_44] : memref<20x128xi32, #tpu.memory_space<vmem>> -> memref<19x128xi32, #tpu.memory_space<vmem>>
      %dma_start3A_46 = arith.constant 0 : i32
      %dma_start3A_47 = tpu.memref_slice %arg3[%add3A_8, %dma_start3A_46] : memref<1250x128xi32, #tpu.memory_space<hbm>> -> memref<19x128xi32, #tpu.memory_space<hbm>>
      tpu.enqueue_dma source(%dma_start3A_47 : memref<19x128xi32, #tpu.memory_space<hbm>>) target(%dma_start3A_45 : memref<19x128xi32, #tpu.memory_space<vmem>>) target_semaphore(%run_scoped3A : memref<!tpu.dma_semaphore, #tpu.memory_space<semaphore_mem>>)
      %dma_wait3A = arith.constant 0 : i32
      %dma_wait3A_48 = arith.constant 0 : i32
      %dma_wait3A_49 = tpu.memref_slice %arg5[%dma_wait3A, %dma_wait3A_48] : memref<20x128xi32, #tpu.memory_space<vmem>> -> memref<19x128xi32, #tpu.memory_space<vmem>>
      %dma_wait3A_50 = arith.constant 0 : i32
      %dma_wait3A_51 = tpu.memref_slice %arg3[%add3A_8, %dma_wait3A_50] : memref<1250x128xi32, #tpu.memory_space<hbm>> -> memref<19x128xi32, #tpu.memory_space<hbm>>
      %dma_wait3A_52 = arith.constant 0 : i32
      %dma_wait3A_53 = arith.constant 0 : i32
      %dma_wait3A_54 = tpu.memref_slice %arg5[%dma_wait3A_52, %dma_wait3A_53] : memref<20x128xi32, #tpu.memory_space<vmem>> -> memref<19x128xi32, #tpu.memory_space<vmem>>
      %dma_wait3A_55 = arith.constant 0 : i32
      %dma_wait3A_56 = tpu.memref_slice %arg3[%add3A_8, %dma_wait3A_55] : memref<1250x128xi32, #tpu.memory_space<hbm>> -> memref<19x128xi32, #tpu.memory_space<hbm>>
      tpu.wait_dma2 semaphore(%run_scoped3A : memref<!tpu.dma_semaphore, #tpu.memory_space<semaphore_mem>>) src(%dma_wait3A_56 : memref<19x128xi32, #tpu.memory_space<hbm>>) dst(%dma_wait3A_54 : memref<19x128xi32, #tpu.memory_space<vmem>>)
      tpu.yield
    }) : () -> ()
    %eq3A = arith.constant 1 : i32
    %eq3A_11 = arith.cmpi eq, %select_n3A, %eq3A : i32
    %convert_element_type3A = arith.extui %eq3A_11 : i1 to i32
    %cond3A = arith.constant 0 : i32
    %cond3A_12 = arith.cmpi ne, %convert_element_type3A, %cond3A : i32
    scf.if %cond3A_12 {
      %add3A_39 = arith.constant 19 : i32
      %add3A_40 = arith.addi %add3A_8, %add3A_39 : i32
      "tpu.region"() ({
        %run_scoped3A = tpu.sem_alloc : memref<!tpu.dma_semaphore, #tpu.memory_space<semaphore_mem>>
        %dma_start3A = arith.constant 19 : i32
        %dma_start3A_41 = arith.constant 0 : i32
        %dma_start3A_42 = tpu.memref_slice %arg5[%dma_start3A, %dma_start3A_41] : memref<20x128xi32, #tpu.memory_space<vmem>> -> memref<1x128xi32, #tpu.memory_space<vmem>>
        %dma_start3A_43 = arith.constant 0 : i32
        %dma_start3A_44 = tpu.memref_slice %arg3[%add3A_40, %dma_start3A_43] : memref<1250x128xi32, #tpu.memory_space<hbm>> -> memref<1x128xi32, #tpu.memory_space<hbm>>
        %dma_start3A_45 = arith.constant 19 : i32
        %dma_start3A_46 = arith.constant 0 : i32
        %dma_start3A_47 = tpu.memref_slice %arg5[%dma_start3A_45, %dma_start3A_46] : memref<20x128xi32, #tpu.memory_space<vmem>> -> memref<1x128xi32, #tpu.memory_space<vmem>>
        %dma_start3A_48 = arith.constant 0 : i32
        %dma_start3A_49 = tpu.memref_slice %arg3[%add3A_40, %dma_start3A_48] : memref<1250x128xi32, #tpu.memory_space<hbm>> -> memref<1x128xi32, #tpu.memory_space<hbm>>
        tpu.enqueue_dma source(%dma_start3A_49 : memref<1x128xi32, #tpu.memory_space<hbm>>) target(%dma_start3A_47 : memref<1x128xi32, #tpu.memory_space<vmem>>) target_semaphore(%run_scoped3A : memref<!tpu.dma_semaphore, #tpu.memory_space<semaphore_mem>>)
        %dma_wait3A = arith.constant 19 : i32
        %dma_wait3A_50 = arith.constant 0 : i32
        %dma_wait3A_51 = tpu.memref_slice %arg5[%dma_wait3A, %dma_wait3A_50] : memref<20x128xi32, #tpu.memory_space<vmem>> -> memref<1x128xi32, #tpu.memory_space<vmem>>
        %dma_wait3A_52 = arith.constant 0 : i32
        %dma_wait3A_53 = tpu.memref_slice %arg3[%add3A_40, %dma_wait3A_52] : memref<1250x128xi32, #tpu.memory_space<hbm>> -> memref<1x128xi32, #tpu.memory_space<hbm>>
        %dma_wait3A_54 = arith.constant 19 : i32
        %dma_wait3A_55 = arith.constant 0 : i32
        %dma_wait3A_56 = tpu.memref_slice %arg5[%dma_wait3A_54, %dma_wait3A_55] : memref<20x128xi32, #tpu.memory_space<vmem>> -> memref<1x128xi32, #tpu.memory_space<vmem>>
        %dma_wait3A_57 = arith.constant 0 : i32
        %dma_wait3A_58 = tpu.memref_slice %arg3[%add3A_40, %dma_wait3A_57] : memref<1250x128xi32, #tpu.memory_space<hbm>> -> memref<1x128xi32, #tpu.memory_space<hbm>>
        tpu.wait_dma2 semaphore(%run_scoped3A : memref<!tpu.dma_semaphore, #tpu.memory_space<semaphore_mem>>) src(%dma_wait3A_58 : memref<1x128xi32, #tpu.memory_space<hbm>>) dst(%dma_wait3A_56 : memref<1x128xi32, #tpu.memory_space<vmem>>)
        tpu.yield
      }) : () -> ()
    } else {
    }
    %while3A = arith.constant 0 : i32
    %while3A_13 = arith.constant 0 : i32
    %while3A_14 = arith.subi %add3A_10, %while3A_13 : i32
    %while3A_15 = arith.addi %while3A_13, %while3A_14 : i32
    %while3A_16 = arith.constant 1 : i32
    %while3A_17 = arith.divsi %while3A_14, %while3A_16 : i32
    %while3A_18 = arith.muli %while3A_17, %while3A_16 : i32
    %while3A_19 = arith.addi %while3A_13, %while3A_18 : i32
    %while3A_20 = arith.constant 1 : i32
    scf.for %while3A_39 = %while3A_13 to %while3A_19 step %while3A_20  : i32 {
      %mul3A_40 = arith.constant 128 : i32
      %mul3A_41 = arith.muli %while3A_39, %mul3A_40 : i32
      %dma_start3A = arith.constant 0 : i32
      %dma_start3A_42 = tpu.memref_slice %arg6[%mul3A_41, %dma_start3A] : memref<2560x16xf32, #tpu.memory_space<vmem>> -> memref<128x16xf32, #tpu.memory_space<vmem>>
      %dma_start3A_43 = arith.constant 0 : i32
      %dma_start3A_44 = tpu.memref_slice %arg5[%while3A_39, %dma_start3A_43] : memref<20x128xi32, #tpu.memory_space<vmem>> -> memref<1x128xi32, #tpu.memory_space<vmem>>
      %dma_start3A_45 = tpu.memref_squeeze %dma_start3A_44 : memref<1x128xi32, #tpu.memory_space<vmem>> -> memref<128xi32, #tpu.memory_space<vmem>>
      %dma_start3A_46 = arith.constant 0 : i32
      %dma_start3A_47 = arith.constant 0 : i32
      %dma_start3A_48 = tpu.memref_slice %arg2[%dma_start3A_46, %dma_start3A_47] : memref<10000x16xf32, #tpu.memory_space<hbm>> -> memref<10000x16xf32, #tpu.memory_space<hbm>>
      tpu.enqueue_indirect_dma source(%dma_start3A_48 : memref<10000x16xf32, #tpu.memory_space<hbm>>) target(%dma_start3A_42 : memref<128x16xf32, #tpu.memory_space<vmem>>) offsets(%dma_start3A_45 : memref<128xi32, #tpu.memory_space<vmem>>) semaphore(%arg7 : memref<!tpu.dma_semaphore, #tpu.memory_space<semaphore_mem>>)
    }
    %while3A_21 = arith.constant 1 : i32
    scf.for %while3A_39 = %while3A_19 to %while3A_15 step %while3A_21  : i32 {
      %mul3A_40 = arith.constant 128 : i32
      %mul3A_41 = arith.muli %while3A_39, %mul3A_40 : i32
      %dma_start3A = arith.constant 0 : i32
      %dma_start3A_42 = tpu.memref_slice %arg6[%mul3A_41, %dma_start3A] : memref<2560x16xf32, #tpu.memory_space<vmem>> -> memref<128x16xf32, #tpu.memory_space<vmem>>
      %dma_start3A_43 = arith.constant 0 : i32
      %dma_start3A_44 = tpu.memref_slice %arg5[%while3A_39, %dma_start3A_43] : memref<20x128xi32, #tpu.memory_space<vmem>> -> memref<1x128xi32, #tpu.memory_space<vmem>>
      %dma_start3A_45 = tpu.memref_squeeze %dma_start3A_44 : memref<1x128xi32, #tpu.memory_space<vmem>> -> memref<128xi32, #tpu.memory_space<vmem>>
      %dma_start3A_46 = arith.constant 0 : i32
      %dma_start3A_47 = arith.constant 0 : i32
      %dma_start3A_48 = tpu.memref_slice %arg2[%dma_start3A_46, %dma_start3A_47] : memref<10000x16xf32, #tpu.memory_space<hbm>> -> memref<10000x16xf32, #tpu.memory_space<hbm>>
      tpu.enqueue_indirect_dma source(%dma_start3A_48 : memref<10000x16xf32, #tpu.memory_space<hbm>>) target(%dma_start3A_42 : memref<128x16xf32, #tpu.memory_space<vmem>>) offsets(%dma_start3A_45 : memref<128xi32, #tpu.memory_space<vmem>>) semaphore(%arg7 : memref<!tpu.dma_semaphore, #tpu.memory_space<semaphore_mem>>)
    }
    %while3A_22 = arith.constant 0 : i32
    %while3A_23 = arith.constant 0 : i32
    %while3A_24 = arith.subi %add3A_10, %while3A_23 : i32
    %while3A_25 = arith.addi %while3A_23, %while3A_24 : i32
    %while3A_26 = arith.constant 1 : i32
    %while3A_27 = arith.divsi %while3A_24, %while3A_26 : i32
    %while3A_28 = arith.muli %while3A_27, %while3A_26 : i32
    %while3A_29 = arith.addi %while3A_23, %while3A_28 : i32
    %while3A_30 = arith.constant 1 : i32
    scf.for %while3A_39 = %while3A_23 to %while3A_29 step %while3A_30  : i32 {
      %dma_wait3A = arith.constant 0 : i32
      %dma_wait3A_40 = arith.constant 0 : i32
      %dma_wait3A_41 = arith.constant 0 : i32
      %dma_wait3A_42 = tpu.memref_slice %arg6[%dma_wait3A_40, %dma_wait3A_41] : memref<2560x16xf32, #tpu.memory_space<vmem>> -> memref<128x16xf32, #tpu.memory_space<vmem>>
      %dma_wait3A_43 = arith.constant 0 : i32
      %dma_wait3A_44 = tpu.memref_slice %arg5[%dma_wait3A, %dma_wait3A_43] : memref<20x128xi32, #tpu.memory_space<vmem>> -> memref<1x128xi32, #tpu.memory_space<vmem>>
      %dma_wait3A_45 = tpu.memref_squeeze %dma_wait3A_44 : memref<1x128xi32, #tpu.memory_space<vmem>> -> memref<128xi32, #tpu.memory_space<vmem>>
      %dma_wait3A_46 = arith.constant 0 : i32
      %dma_wait3A_47 = arith.constant 0 : i32
      %dma_wait3A_48 = tpu.memref_slice %arg2[%dma_wait3A_46, %dma_wait3A_47] : memref<10000x16xf32, #tpu.memory_space<hbm>> -> memref<10000x16xf32, #tpu.memory_space<hbm>>
      tpu.wait_indirect_dma semaphore(%arg7 : memref<!tpu.dma_semaphore, #tpu.memory_space<semaphore_mem>>) src(%dma_wait3A_48 : memref<10000x16xf32, #tpu.memory_space<hbm>>) dst(%dma_wait3A_42 : memref<128x16xf32, #tpu.memory_space<vmem>>)
    }
    %while3A_31 = arith.constant 1 : i32
    scf.for %while3A_39 = %while3A_29 to %while3A_25 step %while3A_31  : i32 {
      %dma_wait3A = arith.constant 0 : i32
      %dma_wait3A_40 = arith.constant 0 : i32
      %dma_wait3A_41 = arith.constant 0 : i32
      %dma_wait3A_42 = tpu.memref_slice %arg6[%dma_wait3A_40, %dma_wait3A_41] : memref<2560x16xf32, #tpu.memory_space<vmem>> -> memref<128x16xf32, #tpu.memory_space<vmem>>
      %dma_wait3A_43 = arith.constant 0 : i32
      %dma_wait3A_44 = tpu.memref_slice %arg5[%dma_wait3A, %dma_wait3A_43] : memref<20x128xi32, #tpu.memory_space<vmem>> -> memref<1x128xi32, #tpu.memory_space<vmem>>
      %dma_wait3A_45 = tpu.memref_squeeze %dma_wait3A_44 : memref<1x128xi32, #tpu.memory_space<vmem>> -> memref<128xi32, #tpu.memory_space<vmem>>
      %dma_wait3A_46 = arith.constant 0 : i32
      %dma_wait3A_47 = arith.constant 0 : i32
      %dma_wait3A_48 = tpu.memref_slice %arg2[%dma_wait3A_46, %dma_wait3A_47] : memref<10000x16xf32, #tpu.memory_space<hbm>> -> memref<10000x16xf32, #tpu.memory_space<hbm>>
      tpu.wait_indirect_dma semaphore(%arg7 : memref<!tpu.dma_semaphore, #tpu.memory_space<semaphore_mem>>) src(%dma_wait3A_48 : memref<10000x16xf32, #tpu.memory_space<hbm>>) dst(%dma_wait3A_42 : memref<128x16xf32, #tpu.memory_space<vmem>>)
    }
    %mul3A_32 = arith.constant 128 : i32
    %mul3A_33 = arith.muli %add3A_6, %mul3A_32 : i32
    "tpu.region"() ({
      %run_scoped3A = tpu.sem_alloc : memref<!tpu.dma_semaphore, #tpu.memory_space<semaphore_mem>>
      %dma_start3A = arith.constant 0 : i32
      %dma_start3A_39 = arith.constant 0 : i32
      %dma_start3A_40 = tpu.memref_slice %arg6[%dma_start3A, %dma_start3A_39] : memref<2560x16xf32, #tpu.memory_space<vmem>> -> memref<2432x16xf32, #tpu.memory_space<vmem>>
      %dma_start3A_41 = arith.constant 0 : i32
      %dma_start3A_42 = tpu.memref_slice %arg4[%mul3A_33, %dma_start3A_41] : memref<80000x16xf32, #tpu.memory_space<hbm>> -> memref<2432x16xf32, #tpu.memory_space<hbm>>
      %dma_start3A_43 = arith.constant 0 : i32
      %dma_start3A_44 = tpu.memref_slice %arg4[%mul3A_33, %dma_start3A_43] : memref<80000x16xf32, #tpu.memory_space<hbm>> -> memref<2432x16xf32, #tpu.memory_space<hbm>>
      %dma_start3A_45 = arith.constant 0 : i32
      %dma_start3A_46 = arith.constant 0 : i32
      %dma_start3A_47 = tpu.memref_slice %arg6[%dma_start3A_45, %dma_start3A_46] : memref<2560x16xf32, #tpu.memory_space<vmem>> -> memref<2432x16xf32, #tpu.memory_space<vmem>>
      tpu.enqueue_dma source(%dma_start3A_47 : memref<2432x16xf32, #tpu.memory_space<vmem>>) target(%dma_start3A_44 : memref<2432x16xf32, #tpu.memory_space<hbm>>) target_semaphore(%run_scoped3A : memref<!tpu.dma_semaphore, #tpu.memory_space<semaphore_mem>>)
      %dma_wait3A = arith.constant 0 : i32
      %dma_wait3A_48 = arith.constant 0 : i32
      %dma_wait3A_49 = tpu.memref_slice %arg6[%dma_wait3A, %dma_wait3A_48] : memref<2560x16xf32, #tpu.memory_space<vmem>> -> memref<2432x16xf32, #tpu.memory_space<vmem>>
      %dma_wait3A_50 = arith.constant 0 : i32
      %dma_wait3A_51 = tpu.memref_slice %arg4[%mul3A_33, %dma_wait3A_50] : memref<80000x16xf32, #tpu.memory_space<hbm>> -> memref<2432x16xf32, #tpu.memory_space<hbm>>
      %dma_wait3A_52 = arith.constant 0 : i32
      %dma_wait3A_53 = tpu.memref_slice %arg4[%mul3A_33, %dma_wait3A_52] : memref<80000x16xf32, #tpu.memory_space<hbm>> -> memref<2432x16xf32, #tpu.memory_space<hbm>>
      %dma_wait3A_54 = arith.constant 0 : i32
      %dma_wait3A_55 = arith.constant 0 : i32
      %dma_wait3A_56 = tpu.memref_slice %arg6[%dma_wait3A_54, %dma_wait3A_55] : memref<2560x16xf32, #tpu.memory_space<vmem>> -> memref<2432x16xf32, #tpu.memory_space<vmem>>
      tpu.wait_dma2 semaphore(%run_scoped3A : memref<!tpu.dma_semaphore, #tpu.memory_space<semaphore_mem>>) src(%dma_wait3A_56 : memref<2432x16xf32, #tpu.memory_space<vmem>>) dst(%dma_wait3A_53 : memref<2432x16xf32, #tpu.memory_space<hbm>>)
      tpu.yield
    }) : () -> ()
    %eq3A_34 = arith.constant 1 : i32
    %eq3A_35 = arith.cmpi eq, %select_n3A, %eq3A_34 : i32
    %convert_element_type3A_36 = arith.extui %eq3A_35 : i1 to i32
    %cond3A_37 = arith.constant 0 : i32
    %cond3A_38 = arith.cmpi ne, %convert_element_type3A_36, %cond3A_37 : i32
    scf.if %cond3A_38 {
      %add3A_39 = arith.constant 19 : i32
      %add3A_40 = arith.addi %add3A_6, %add3A_39 : i32
      %mul3A_41 = arith.constant 128 : i32
      %mul3A_42 = arith.muli %add3A_40, %mul3A_41 : i32
      "tpu.region"() ({
        %run_scoped3A = tpu.sem_alloc : memref<!tpu.dma_semaphore, #tpu.memory_space<semaphore_mem>>
        %dma_start3A = arith.constant 2432 : i32
        %dma_start3A_43 = arith.constant 0 : i32
        %dma_start3A_44 = tpu.memref_slice %arg6[%dma_start3A, %dma_start3A_43] : memref<2560x16xf32, #tpu.memory_space<vmem>> -> memref<128x16xf32, #tpu.memory_space<vmem>>
        %dma_start3A_45 = arith.constant 0 : i32
        %dma_start3A_46 = tpu.memref_slice %arg4[%mul3A_42, %dma_start3A_45] : memref<80000x16xf32, #tpu.memory_space<hbm>> -> memref<128x16xf32, #tpu.memory_space<hbm>>
        %dma_start3A_47 = arith.constant 0 : i32
        %dma_start3A_48 = tpu.memref_slice %arg4[%mul3A_42, %dma_start3A_47] : memref<80000x16xf32, #tpu.memory_space<hbm>> -> memref<128x16xf32, #tpu.memory_space<hbm>>
        %dma_start3A_49 = arith.constant 2432 : i32
        %dma_start3A_50 = arith.constant 0 : i32
        %dma_start3A_51 = tpu.memref_slice %arg6[%dma_start3A_49, %dma_start3A_50] : memref<2560x16xf32, #tpu.memory_space<vmem>> -> memref<128x16xf32, #tpu.memory_space<vmem>>
        tpu.enqueue_dma source(%dma_start3A_51 : memref<128x16xf32, #tpu.memory_space<vmem>>) target(%dma_start3A_48 : memref<128x16xf32, #tpu.memory_space<hbm>>) target_semaphore(%run_scoped3A : memref<!tpu.dma_semaphore, #tpu.memory_space<semaphore_mem>>)
        %dma_wait3A = arith.constant 2432 : i32
        %dma_wait3A_52 = arith.constant 0 : i32
        %dma_wait3A_53 = tpu.memref_slice %arg6[%dma_wait3A, %dma_wait3A_52] : memref<2560x16xf32, #tpu.memory_space<vmem>> -> memref<128x16xf32, #tpu.memory_space<vmem>>
        %dma_wait3A_54 = arith.constant 0 : i32
        %dma_wait3A_55 = tpu.memref_slice %arg4[%mul3A_42, %dma_wait3A_54] : memref<80000x16xf32, #tpu.memory_space<hbm>> -> memref<128x16xf32, #tpu.memory_space<hbm>>
        %dma_wait3A_56 = arith.constant 0 : i32
        %dma_wait3A_57 = tpu.memref_slice %arg4[%mul3A_42, %dma_wait3A_56] : memref<80000x16xf32, #tpu.memory_space<hbm>> -> memref<128x16xf32, #tpu.memory_space<hbm>>
        %dma_wait3A_58 = arith.constant 2432 : i32
        %dma_wait3A_59 = arith.constant 0 : i32
        %dma_wait3A_60 = tpu.memref_slice %arg6[%dma_wait3A_58, %dma_wait3A_59] : memref<2560x16xf32, #tpu.memory_space<vmem>> -> memref<128x16xf32, #tpu.memory_space<vmem>>
        tpu.wait_dma2 semaphore(%run_scoped3A : memref<!tpu.dma_semaphore, #tpu.memory_space<semaphore_mem>>) src(%dma_wait3A_60 : memref<128x16xf32, #tpu.memory_space<vmem>>) dst(%dma_wait3A_57 : memref<128x16xf32, #tpu.memory_space<hbm>>)
        tpu.yield
      }) : () -> ()
    } else {
    }
    return
  }
}

#map = affine_map<(d0, d1) -> (0, 0)>
module attributes {stable_mosaic.version = 14 : i64} {
  func.func @body(%arg0: i32, %arg1: i32, %arg2: memref<1250x128xi32, #tpu.memory_space<hbm>>, %arg3: memref<80000x16xf32, #tpu.memory_space<hbm>>, %arg4: memref<10112x16xf32, #tpu.memory_space<hbm>>, %arg5: memref<20224x16xf32, #tpu.memory_space<hbm>>, %arg6: memref<20x128xi32, #tpu.memory_space<vmem>>, %arg7: memref<2560x16xf32, #tpu.memory_space<vmem>>, %arg8: memref<10112x16xf32, #tpu.memory_space<vmem_shared>>, %arg9: memref<!tpu.dma_semaphore, #tpu.memory_space<semaphore_mem>>) attributes {dimension_semantics = [#tpu.dimension_semantics<core_parallel>, #tpu.dimension_semantics<subcore_parallel>], iteration_bounds = array<i64: 2, 16>, scalar_prefetch = 0 : i64, scratch_operands = 4 : i64, tpu.core_type = #tpu.core_type<sc_vector_subcore>, window_params = [{transform_indices = #map}, {transform_indices = #map}, {transform_indices = #map}, {transform_indices = #map}]} {
    %mul3A = arith.constant 2 : i32
    %mul3A_0 = arith.muli %arg1, %mul3A : i32
    %add3A = arith.addi %mul3A_0, %arg0 : i32
    %lt3A = arith.constant 17 : i32
    %lt3A_1 = arith.cmpi slt, %add3A, %lt3A : i32
    %jit3A = arith.constant 1 : i32
    %jit3A_2 = arith.constant 0 : i32
    %select_n3A = arith.select %lt3A_1, %jit3A, %jit3A_2 : i32
    %mul3A_3 = arith.constant 19 : i32
    %mul3A_4 = arith.muli %add3A, %mul3A_3 : i32
    %min3A = arith.constant 17 : i32
    %min3A_5 = arith.minsi %add3A, %min3A : i32
    %add3A_6 = arith.addi %mul3A_4, %min3A_5 : i32
    %add3A_7 = arith.constant 0 : i32
    %add3A_8 = arith.addi %add3A_7, %add3A_6 : i32
    %add3A_9 = arith.constant 19 : i32
    %add3A_10 = arith.addi %add3A_9, %select_n3A : i32
    %mul3A_11 = arith.constant 632 : i32
    %mul3A_12 = arith.muli %arg1, %mul3A_11 : i32
    %mul3A_13 = arith.constant 632 : i32
    %mul3A_14 = arith.muli %arg1, %mul3A_13 : i32
    "tpu.region"() ({
      %run_scoped3A = tpu.sem_alloc : memref<!tpu.dma_semaphore, #tpu.memory_space<semaphore_mem>>
      %dma_start3A = arith.constant 0 : i32
      %dma_start3A_46 = tpu.memref_slice %arg8[%mul3A_14, %dma_start3A] : memref<10112x16xf32, #tpu.memory_space<vmem_shared>> -> memref<632x16xf32, #tpu.memory_space<vmem_shared>>
      %dma_start3A_47 = arith.constant 0 : i32
      %dma_start3A_48 = tpu.memref_slice %arg4[%mul3A_12, %dma_start3A_47] : memref<10112x16xf32, #tpu.memory_space<hbm>> -> memref<632x16xf32, #tpu.memory_space<hbm>>
      tpu.enqueue_dma source(%dma_start3A_48 : memref<632x16xf32, #tpu.memory_space<hbm>>) target(%dma_start3A_46 : memref<632x16xf32, #tpu.memory_space<vmem_shared>>) target_semaphore(%run_scoped3A : memref<!tpu.dma_semaphore, #tpu.memory_space<semaphore_mem>>)
      %dma_wait3A = arith.constant 0 : i32
      %dma_wait3A_49 = tpu.memref_slice %arg8[%mul3A_14, %dma_wait3A] : memref<10112x16xf32, #tpu.memory_space<vmem_shared>> -> memref<632x16xf32, #tpu.memory_space<vmem_shared>>
      %dma_wait3A_50 = arith.constant 0 : i32
      %dma_wait3A_51 = tpu.memref_slice %arg4[%mul3A_12, %dma_wait3A_50] : memref<10112x16xf32, #tpu.memory_space<hbm>> -> memref<632x16xf32, #tpu.memory_space<hbm>>
      tpu.wait_dma2 semaphore(%run_scoped3A : memref<!tpu.dma_semaphore, #tpu.memory_space<semaphore_mem>>) src(%dma_wait3A_51 : memref<632x16xf32, #tpu.memory_space<hbm>>) dst(%dma_wait3A_49 : memref<632x16xf32, #tpu.memory_space<vmem_shared>>)
      tpu.yield
    }) : () -> ()
    "tpu.region"() ({
      %run_scoped3A = tpu.sem_alloc : memref<!tpu.dma_semaphore, #tpu.memory_space<semaphore_mem>>
      %dma_start3A = arith.constant 0 : i32
      %dma_start3A_46 = arith.constant 0 : i32
      %dma_start3A_47 = tpu.memref_slice %arg6[%dma_start3A, %dma_start3A_46] : memref<20x128xi32, #tpu.memory_space<vmem>> -> memref<19x128xi32, #tpu.memory_space<vmem>>
      %dma_start3A_48 = arith.constant 0 : i32
      %dma_start3A_49 = tpu.memref_slice %arg2[%add3A_8, %dma_start3A_48] : memref<1250x128xi32, #tpu.memory_space<hbm>> -> memref<19x128xi32, #tpu.memory_space<hbm>>
      %dma_start3A_50 = arith.constant 0 : i32
      %dma_start3A_51 = arith.constant 0 : i32
      %dma_start3A_52 = tpu.memref_slice %arg6[%dma_start3A_50, %dma_start3A_51] : memref<20x128xi32, #tpu.memory_space<vmem>> -> memref<19x128xi32, #tpu.memory_space<vmem>>
      %dma_start3A_53 = arith.constant 0 : i32
      %dma_start3A_54 = tpu.memref_slice %arg2[%add3A_8, %dma_start3A_53] : memref<1250x128xi32, #tpu.memory_space<hbm>> -> memref<19x128xi32, #tpu.memory_space<hbm>>
      tpu.enqueue_dma source(%dma_start3A_54 : memref<19x128xi32, #tpu.memory_space<hbm>>) target(%dma_start3A_52 : memref<19x128xi32, #tpu.memory_space<vmem>>) target_semaphore(%run_scoped3A : memref<!tpu.dma_semaphore, #tpu.memory_space<semaphore_mem>>)
      %dma_wait3A = arith.constant 0 : i32
      %dma_wait3A_55 = arith.constant 0 : i32
      %dma_wait3A_56 = tpu.memref_slice %arg6[%dma_wait3A, %dma_wait3A_55] : memref<20x128xi32, #tpu.memory_space<vmem>> -> memref<19x128xi32, #tpu.memory_space<vmem>>
      %dma_wait3A_57 = arith.constant 0 : i32
      %dma_wait3A_58 = tpu.memref_slice %arg2[%add3A_8, %dma_wait3A_57] : memref<1250x128xi32, #tpu.memory_space<hbm>> -> memref<19x128xi32, #tpu.memory_space<hbm>>
      %dma_wait3A_59 = arith.constant 0 : i32
      %dma_wait3A_60 = arith.constant 0 : i32
      %dma_wait3A_61 = tpu.memref_slice %arg6[%dma_wait3A_59, %dma_wait3A_60] : memref<20x128xi32, #tpu.memory_space<vmem>> -> memref<19x128xi32, #tpu.memory_space<vmem>>
      %dma_wait3A_62 = arith.constant 0 : i32
      %dma_wait3A_63 = tpu.memref_slice %arg2[%add3A_8, %dma_wait3A_62] : memref<1250x128xi32, #tpu.memory_space<hbm>> -> memref<19x128xi32, #tpu.memory_space<hbm>>
      tpu.wait_dma2 semaphore(%run_scoped3A : memref<!tpu.dma_semaphore, #tpu.memory_space<semaphore_mem>>) src(%dma_wait3A_63 : memref<19x128xi32, #tpu.memory_space<hbm>>) dst(%dma_wait3A_61 : memref<19x128xi32, #tpu.memory_space<vmem>>)
      tpu.yield
    }) : () -> ()
    %mul3A_15 = arith.constant 128 : i32
    %mul3A_16 = arith.muli %add3A_6, %mul3A_15 : i32
    "tpu.region"() ({
      %run_scoped3A = tpu.sem_alloc : memref<!tpu.dma_semaphore, #tpu.memory_space<semaphore_mem>>
      %dma_start3A = arith.constant 0 : i32
      %dma_start3A_46 = arith.constant 0 : i32
      %dma_start3A_47 = tpu.memref_slice %arg7[%dma_start3A, %dma_start3A_46] : memref<2560x16xf32, #tpu.memory_space<vmem>> -> memref<2432x16xf32, #tpu.memory_space<vmem>>
      %dma_start3A_48 = arith.constant 0 : i32
      %dma_start3A_49 = tpu.memref_slice %arg3[%mul3A_16, %dma_start3A_48] : memref<80000x16xf32, #tpu.memory_space<hbm>> -> memref<2432x16xf32, #tpu.memory_space<hbm>>
      %dma_start3A_50 = arith.constant 0 : i32
      %dma_start3A_51 = arith.constant 0 : i32
      %dma_start3A_52 = tpu.memref_slice %arg7[%dma_start3A_50, %dma_start3A_51] : memref<2560x16xf32, #tpu.memory_space<vmem>> -> memref<2432x16xf32, #tpu.memory_space<vmem>>
      %dma_start3A_53 = arith.constant 0 : i32
      %dma_start3A_54 = tpu.memref_slice %arg3[%mul3A_16, %dma_start3A_53] : memref<80000x16xf32, #tpu.memory_space<hbm>> -> memref<2432x16xf32, #tpu.memory_space<hbm>>
      tpu.enqueue_dma source(%dma_start3A_54 : memref<2432x16xf32, #tpu.memory_space<hbm>>) target(%dma_start3A_52 : memref<2432x16xf32, #tpu.memory_space<vmem>>) target_semaphore(%run_scoped3A : memref<!tpu.dma_semaphore, #tpu.memory_space<semaphore_mem>>)
      %dma_wait3A = arith.constant 0 : i32
      %dma_wait3A_55 = arith.constant 0 : i32
      %dma_wait3A_56 = tpu.memref_slice %arg7[%dma_wait3A, %dma_wait3A_55] : memref<2560x16xf32, #tpu.memory_space<vmem>> -> memref<2432x16xf32, #tpu.memory_space<vmem>>
      %dma_wait3A_57 = arith.constant 0 : i32
      %dma_wait3A_58 = tpu.memref_slice %arg3[%mul3A_16, %dma_wait3A_57] : memref<80000x16xf32, #tpu.memory_space<hbm>> -> memref<2432x16xf32, #tpu.memory_space<hbm>>
      %dma_wait3A_59 = arith.constant 0 : i32
      %dma_wait3A_60 = arith.constant 0 : i32
      %dma_wait3A_61 = tpu.memref_slice %arg7[%dma_wait3A_59, %dma_wait3A_60] : memref<2560x16xf32, #tpu.memory_space<vmem>> -> memref<2432x16xf32, #tpu.memory_space<vmem>>
      %dma_wait3A_62 = arith.constant 0 : i32
      %dma_wait3A_63 = tpu.memref_slice %arg3[%mul3A_16, %dma_wait3A_62] : memref<80000x16xf32, #tpu.memory_space<hbm>> -> memref<2432x16xf32, #tpu.memory_space<hbm>>
      tpu.wait_dma2 semaphore(%run_scoped3A : memref<!tpu.dma_semaphore, #tpu.memory_space<semaphore_mem>>) src(%dma_wait3A_63 : memref<2432x16xf32, #tpu.memory_space<hbm>>) dst(%dma_wait3A_61 : memref<2432x16xf32, #tpu.memory_space<vmem>>)
      tpu.yield
    }) : () -> ()
    %eq3A = arith.constant 1 : i32
    %eq3A_17 = arith.cmpi eq, %select_n3A, %eq3A : i32
    %convert_element_type3A = arith.extui %eq3A_17 : i1 to i32
    %cond3A = arith.constant 0 : i32
    %cond3A_18 = arith.cmpi ne, %convert_element_type3A, %cond3A : i32
    scf.if %cond3A_18 {
      %add3A_46 = arith.constant 19 : i32
      %add3A_47 = arith.addi %add3A_8, %add3A_46 : i32
      "tpu.region"() ({
        %run_scoped3A = tpu.sem_alloc : memref<!tpu.dma_semaphore, #tpu.memory_space<semaphore_mem>>
        %dma_start3A = arith.constant 19 : i32
        %dma_start3A_52 = arith.constant 0 : i32
        %dma_start3A_53 = tpu.memref_slice %arg6[%dma_start3A, %dma_start3A_52] : memref<20x128xi32, #tpu.memory_space<vmem>> -> memref<1x128xi32, #tpu.memory_space<vmem>>
        %dma_start3A_54 = arith.constant 0 : i32
        %dma_start3A_55 = tpu.memref_slice %arg2[%add3A_47, %dma_start3A_54] : memref<1250x128xi32, #tpu.memory_space<hbm>> -> memref<1x128xi32, #tpu.memory_space<hbm>>
        %dma_start3A_56 = arith.constant 19 : i32
        %dma_start3A_57 = arith.constant 0 : i32
        %dma_start3A_58 = tpu.memref_slice %arg6[%dma_start3A_56, %dma_start3A_57] : memref<20x128xi32, #tpu.memory_space<vmem>> -> memref<1x128xi32, #tpu.memory_space<vmem>>
        %dma_start3A_59 = arith.constant 0 : i32
        %dma_start3A_60 = tpu.memref_slice %arg2[%add3A_47, %dma_start3A_59] : memref<1250x128xi32, #tpu.memory_space<hbm>> -> memref<1x128xi32, #tpu.memory_space<hbm>>
        tpu.enqueue_dma source(%dma_start3A_60 : memref<1x128xi32, #tpu.memory_space<hbm>>) target(%dma_start3A_58 : memref<1x128xi32, #tpu.memory_space<vmem>>) target_semaphore(%run_scoped3A : memref<!tpu.dma_semaphore, #tpu.memory_space<semaphore_mem>>)
        %dma_wait3A = arith.constant 19 : i32
        %dma_wait3A_61 = arith.constant 0 : i32
        %dma_wait3A_62 = tpu.memref_slice %arg6[%dma_wait3A, %dma_wait3A_61] : memref<20x128xi32, #tpu.memory_space<vmem>> -> memref<1x128xi32, #tpu.memory_space<vmem>>
        %dma_wait3A_63 = arith.constant 0 : i32
        %dma_wait3A_64 = tpu.memref_slice %arg2[%add3A_47, %dma_wait3A_63] : memref<1250x128xi32, #tpu.memory_space<hbm>> -> memref<1x128xi32, #tpu.memory_space<hbm>>
        %dma_wait3A_65 = arith.constant 19 : i32
        %dma_wait3A_66 = arith.constant 0 : i32
        %dma_wait3A_67 = tpu.memref_slice %arg6[%dma_wait3A_65, %dma_wait3A_66] : memref<20x128xi32, #tpu.memory_space<vmem>> -> memref<1x128xi32, #tpu.memory_space<vmem>>
        %dma_wait3A_68 = arith.constant 0 : i32
        %dma_wait3A_69 = tpu.memref_slice %arg2[%add3A_47, %dma_wait3A_68] : memref<1250x128xi32, #tpu.memory_space<hbm>> -> memref<1x128xi32, #tpu.memory_space<hbm>>
        tpu.wait_dma2 semaphore(%run_scoped3A : memref<!tpu.dma_semaphore, #tpu.memory_space<semaphore_mem>>) src(%dma_wait3A_69 : memref<1x128xi32, #tpu.memory_space<hbm>>) dst(%dma_wait3A_67 : memref<1x128xi32, #tpu.memory_space<vmem>>)
        tpu.yield
      }) : () -> ()
      %add3A_48 = arith.constant 19 : i32
      %add3A_49 = arith.addi %add3A_6, %add3A_48 : i32
      %mul3A_50 = arith.constant 128 : i32
      %mul3A_51 = arith.muli %add3A_49, %mul3A_50 : i32
      "tpu.region"() ({
        %run_scoped3A = tpu.sem_alloc : memref<!tpu.dma_semaphore, #tpu.memory_space<semaphore_mem>>
        %dma_start3A = arith.constant 2432 : i32
        %dma_start3A_52 = arith.constant 0 : i32
        %dma_start3A_53 = tpu.memref_slice %arg7[%dma_start3A, %dma_start3A_52] : memref<2560x16xf32, #tpu.memory_space<vmem>> -> memref<128x16xf32, #tpu.memory_space<vmem>>
        %dma_start3A_54 = arith.constant 0 : i32
        %dma_start3A_55 = tpu.memref_slice %arg3[%mul3A_51, %dma_start3A_54] : memref<80000x16xf32, #tpu.memory_space<hbm>> -> memref<128x16xf32, #tpu.memory_space<hbm>>
        %dma_start3A_56 = arith.constant 2432 : i32
        %dma_start3A_57 = arith.constant 0 : i32
        %dma_start3A_58 = tpu.memref_slice %arg7[%dma_start3A_56, %dma_start3A_57] : memref<2560x16xf32, #tpu.memory_space<vmem>> -> memref<128x16xf32, #tpu.memory_space<vmem>>
        %dma_start3A_59 = arith.constant 0 : i32
        %dma_start3A_60 = tpu.memref_slice %arg3[%mul3A_51, %dma_start3A_59] : memref<80000x16xf32, #tpu.memory_space<hbm>> -> memref<128x16xf32, #tpu.memory_space<hbm>>
        tpu.enqueue_dma source(%dma_start3A_60 : memref<128x16xf32, #tpu.memory_space<hbm>>) target(%dma_start3A_58 : memref<128x16xf32, #tpu.memory_space<vmem>>) target_semaphore(%run_scoped3A : memref<!tpu.dma_semaphore, #tpu.memory_space<semaphore_mem>>)
        %dma_wait3A = arith.constant 2432 : i32
        %dma_wait3A_61 = arith.constant 0 : i32
        %dma_wait3A_62 = tpu.memref_slice %arg7[%dma_wait3A, %dma_wait3A_61] : memref<2560x16xf32, #tpu.memory_space<vmem>> -> memref<128x16xf32, #tpu.memory_space<vmem>>
        %dma_wait3A_63 = arith.constant 0 : i32
        %dma_wait3A_64 = tpu.memref_slice %arg3[%mul3A_51, %dma_wait3A_63] : memref<80000x16xf32, #tpu.memory_space<hbm>> -> memref<128x16xf32, #tpu.memory_space<hbm>>
        %dma_wait3A_65 = arith.constant 2432 : i32
        %dma_wait3A_66 = arith.constant 0 : i32
        %dma_wait3A_67 = tpu.memref_slice %arg7[%dma_wait3A_65, %dma_wait3A_66] : memref<2560x16xf32, #tpu.memory_space<vmem>> -> memref<128x16xf32, #tpu.memory_space<vmem>>
        %dma_wait3A_68 = arith.constant 0 : i32
        %dma_wait3A_69 = tpu.memref_slice %arg3[%mul3A_51, %dma_wait3A_68] : memref<80000x16xf32, #tpu.memory_space<hbm>> -> memref<128x16xf32, #tpu.memory_space<hbm>>
        tpu.wait_dma2 semaphore(%run_scoped3A : memref<!tpu.dma_semaphore, #tpu.memory_space<semaphore_mem>>) src(%dma_wait3A_69 : memref<128x16xf32, #tpu.memory_space<hbm>>) dst(%dma_wait3A_67 : memref<128x16xf32, #tpu.memory_space<vmem>>)
        tpu.yield
      }) : () -> ()
    } else {
    }
    %barrier3A = arith.constant 0 : index
    tpu.barrier barrier_id(%barrier3A)
    %while3A = arith.constant 0 : i32
    %while3A_19 = arith.constant 0 : i32
    %while3A_20 = arith.subi %add3A_10, %while3A_19 : i32
    %while3A_21 = arith.addi %while3A_19, %while3A_20 : i32
    %while3A_22 = arith.constant 1 : i32
    %while3A_23 = arith.divsi %while3A_20, %while3A_22 : i32
    %while3A_24 = arith.muli %while3A_23, %while3A_22 : i32
    %while3A_25 = arith.addi %while3A_19, %while3A_24 : i32
    %while3A_26 = arith.constant 1 : i32
    scf.for %while3A_46 = %while3A_19 to %while3A_25 step %while3A_26  : i32 {
      %mul3A_47 = arith.constant 128 : i32
      %mul3A_48 = arith.muli %while3A_46, %mul3A_47 : i32
      %dma_start3A = arith.constant 0 : i32
      %dma_start3A_49 = tpu.memref_slice %arg7[%mul3A_48, %dma_start3A] : memref<2560x16xf32, #tpu.memory_space<vmem>> -> memref<128x16xf32, #tpu.memory_space<vmem>>
      %dma_start3A_50 = arith.constant 0 : i32
      %dma_start3A_51 = tpu.memref_slice %arg6[%while3A_46, %dma_start3A_50] : memref<20x128xi32, #tpu.memory_space<vmem>> -> memref<1x128xi32, #tpu.memory_space<vmem>>
      %dma_start3A_52 = tpu.memref_squeeze %dma_start3A_51 : memref<1x128xi32, #tpu.memory_space<vmem>> -> memref<128xi32, #tpu.memory_space<vmem>>
      %dma_start3A_53 = arith.constant 0 : i32
      %dma_start3A_54 = arith.constant 0 : i32
      %dma_start3A_55 = tpu.memref_slice %arg8[%dma_start3A_53, %dma_start3A_54] : memref<10112x16xf32, #tpu.memory_space<vmem_shared>> -> memref<10112x16xf32, #tpu.memory_space<vmem_shared>>
      tpu.enqueue_indirect_dma source(%dma_start3A_49 : memref<128x16xf32, #tpu.memory_space<vmem>>) target(%dma_start3A_55 : memref<10112x16xf32, #tpu.memory_space<vmem_shared>>) offsets(%dma_start3A_52 : memref<128xi32, #tpu.memory_space<vmem>>) semaphore(%arg9 : memref<!tpu.dma_semaphore, #tpu.memory_space<semaphore_mem>>) {add = true}
    }
    %while3A_27 = arith.constant 1 : i32
    scf.for %while3A_46 = %while3A_25 to %while3A_21 step %while3A_27  : i32 {
      %mul3A_47 = arith.constant 128 : i32
      %mul3A_48 = arith.muli %while3A_46, %mul3A_47 : i32
      %dma_start3A = arith.constant 0 : i32
      %dma_start3A_49 = tpu.memref_slice %arg7[%mul3A_48, %dma_start3A] : memref<2560x16xf32, #tpu.memory_space<vmem>> -> memref<128x16xf32, #tpu.memory_space<vmem>>
      %dma_start3A_50 = arith.constant 0 : i32
      %dma_start3A_51 = tpu.memref_slice %arg6[%while3A_46, %dma_start3A_50] : memref<20x128xi32, #tpu.memory_space<vmem>> -> memref<1x128xi32, #tpu.memory_space<vmem>>
      %dma_start3A_52 = tpu.memref_squeeze %dma_start3A_51 : memref<1x128xi32, #tpu.memory_space<vmem>> -> memref<128xi32, #tpu.memory_space<vmem>>
      %dma_start3A_53 = arith.constant 0 : i32
      %dma_start3A_54 = arith.constant 0 : i32
      %dma_start3A_55 = tpu.memref_slice %arg8[%dma_start3A_53, %dma_start3A_54] : memref<10112x16xf32, #tpu.memory_space<vmem_shared>> -> memref<10112x16xf32, #tpu.memory_space<vmem_shared>>
      tpu.enqueue_indirect_dma source(%dma_start3A_49 : memref<128x16xf32, #tpu.memory_space<vmem>>) target(%dma_start3A_55 : memref<10112x16xf32, #tpu.memory_space<vmem_shared>>) offsets(%dma_start3A_52 : memref<128xi32, #tpu.memory_space<vmem>>) semaphore(%arg9 : memref<!tpu.dma_semaphore, #tpu.memory_space<semaphore_mem>>) {add = true}
    }
    %while3A_28 = arith.constant 0 : i32
    %while3A_29 = arith.constant 0 : i32
    %while3A_30 = arith.subi %add3A_10, %while3A_29 : i32
    %while3A_31 = arith.addi %while3A_29, %while3A_30 : i32
    %while3A_32 = arith.constant 1 : i32
    %while3A_33 = arith.divsi %while3A_30, %while3A_32 : i32
    %while3A_34 = arith.muli %while3A_33, %while3A_32 : i32
    %while3A_35 = arith.addi %while3A_29, %while3A_34 : i32
    %while3A_36 = arith.constant 1 : i32
    scf.for %while3A_46 = %while3A_29 to %while3A_35 step %while3A_36  : i32 {
      %dma_wait3A = arith.constant 0 : i32
      %dma_wait3A_47 = arith.constant 0 : i32
      %dma_wait3A_48 = arith.constant 0 : i32
      %dma_wait3A_49 = tpu.memref_slice %arg7[%dma_wait3A_47, %dma_wait3A_48] : memref<2560x16xf32, #tpu.memory_space<vmem>> -> memref<128x16xf32, #tpu.memory_space<vmem>>
      %dma_wait3A_50 = arith.constant 0 : i32
      %dma_wait3A_51 = tpu.memref_slice %arg6[%dma_wait3A, %dma_wait3A_50] : memref<20x128xi32, #tpu.memory_space<vmem>> -> memref<1x128xi32, #tpu.memory_space<vmem>>
      %dma_wait3A_52 = tpu.memref_squeeze %dma_wait3A_51 : memref<1x128xi32, #tpu.memory_space<vmem>> -> memref<128xi32, #tpu.memory_space<vmem>>
      %dma_wait3A_53 = arith.constant 0 : i32
      %dma_wait3A_54 = arith.constant 0 : i32
      %dma_wait3A_55 = tpu.memref_slice %arg8[%dma_wait3A_53, %dma_wait3A_54] : memref<10112x16xf32, #tpu.memory_space<vmem_shared>> -> memref<10112x16xf32, #tpu.memory_space<vmem_shared>>
      tpu.wait_indirect_dma semaphore(%arg9 : memref<!tpu.dma_semaphore, #tpu.memory_space<semaphore_mem>>) src(%dma_wait3A_49 : memref<128x16xf32, #tpu.memory_space<vmem>>) dst(%dma_wait3A_55 : memref<10112x16xf32, #tpu.memory_space<vmem_shared>>)
    }
    %while3A_37 = arith.constant 1 : i32
    scf.for %while3A_46 = %while3A_35 to %while3A_31 step %while3A_37  : i32 {
      %dma_wait3A = arith.constant 0 : i32
      %dma_wait3A_47 = arith.constant 0 : i32
      %dma_wait3A_48 = arith.constant 0 : i32
      %dma_wait3A_49 = tpu.memref_slice %arg7[%dma_wait3A_47, %dma_wait3A_48] : memref<2560x16xf32, #tpu.memory_space<vmem>> -> memref<128x16xf32, #tpu.memory_space<vmem>>
      %dma_wait3A_50 = arith.constant 0 : i32
      %dma_wait3A_51 = tpu.memref_slice %arg6[%dma_wait3A, %dma_wait3A_50] : memref<20x128xi32, #tpu.memory_space<vmem>> -> memref<1x128xi32, #tpu.memory_space<vmem>>
      %dma_wait3A_52 = tpu.memref_squeeze %dma_wait3A_51 : memref<1x128xi32, #tpu.memory_space<vmem>> -> memref<128xi32, #tpu.memory_space<vmem>>
      %dma_wait3A_53 = arith.constant 0 : i32
      %dma_wait3A_54 = arith.constant 0 : i32
      %dma_wait3A_55 = tpu.memref_slice %arg8[%dma_wait3A_53, %dma_wait3A_54] : memref<10112x16xf32, #tpu.memory_space<vmem_shared>> -> memref<10112x16xf32, #tpu.memory_space<vmem_shared>>
      tpu.wait_indirect_dma semaphore(%arg9 : memref<!tpu.dma_semaphore, #tpu.memory_space<semaphore_mem>>) src(%dma_wait3A_49 : memref<128x16xf32, #tpu.memory_space<vmem>>) dst(%dma_wait3A_55 : memref<10112x16xf32, #tpu.memory_space<vmem_shared>>)
    }
    %barrier3A_38 = arith.constant 0 : index
    tpu.barrier barrier_id(%barrier3A_38)
    %mul3A_39 = arith.constant 632 : i32
    %mul3A_40 = arith.muli %arg1, %mul3A_39 : i32
    %mul3A_41 = arith.constant 10112 : i32
    %mul3A_42 = arith.muli %arg0, %mul3A_41 : i32
    %mul3A_43 = arith.constant 632 : i32
    %mul3A_44 = arith.muli %arg1, %mul3A_43 : i32
    %add3A_45 = arith.addi %mul3A_42, %mul3A_44 : i32
    "tpu.region"() ({
      %run_scoped3A = tpu.sem_alloc : memref<!tpu.dma_semaphore, #tpu.memory_space<semaphore_mem>>
      %dma_start3A = arith.constant 0 : i32
      %dma_start3A_46 = tpu.memref_slice %arg5[%add3A_45, %dma_start3A] : memref<20224x16xf32, #tpu.memory_space<hbm>> -> memref<632x16xf32, #tpu.memory_space<hbm>>
      %dma_start3A_47 = arith.constant 0 : i32
      %dma_start3A_48 = tpu.memref_slice %arg8[%mul3A_40, %dma_start3A_47] : memref<10112x16xf32, #tpu.memory_space<vmem_shared>> -> memref<632x16xf32, #tpu.memory_space<vmem_shared>>
      tpu.enqueue_dma source(%dma_start3A_48 : memref<632x16xf32, #tpu.memory_space<vmem_shared>>) target(%dma_start3A_46 : memref<632x16xf32, #tpu.memory_space<hbm>>) target_semaphore(%run_scoped3A : memref<!tpu.dma_semaphore, #tpu.memory_space<semaphore_mem>>)
      %dma_wait3A = arith.constant 0 : i32
      %dma_wait3A_49 = tpu.memref_slice %arg5[%add3A_45, %dma_wait3A] : memref<20224x16xf32, #tpu.memory_space<hbm>> -> memref<632x16xf32, #tpu.memory_space<hbm>>
      %dma_wait3A_50 = arith.constant 0 : i32
      %dma_wait3A_51 = tpu.memref_slice %arg8[%mul3A_40, %dma_wait3A_50] : memref<10112x16xf32, #tpu.memory_space<vmem_shared>> -> memref<632x16xf32, #tpu.memory_space<vmem_shared>>
      tpu.wait_dma2 semaphore(%run_scoped3A : memref<!tpu.dma_semaphore, #tpu.memory_space<semaphore_mem>>) src(%dma_wait3A_51 : memref<632x16xf32, #tpu.memory_space<vmem_shared>>) dst(%dma_wait3A_49 : memref<632x16xf32, #tpu.memory_space<hbm>>)
      tpu.yield
    }) : () -> ()
    return
  }
}

#map = affine_map<(d0, d1) -> (0, 0)>
module attributes {stable_mosaic.version = 14 : i64} {
  func.func @body(%arg0: i32, %arg1: i32, %arg2: memref<1250x128xi32, #tpu.memory_space<hbm>>, %arg3: memref<80000x16xf32, #tpu.memory_space<hbm>>, %arg4: memref<10112x16xf32, #tpu.memory_space<hbm>>, %arg5: memref<20224x16xf32, #tpu.memory_space<hbm>>, %arg6: memref<20x128xi32, #tpu.memory_space<vmem>>, %arg7: memref<2560x16xf32, #tpu.memory_space<vmem>>, %arg8: memref<10112x16xf32, #tpu.memory_space<vmem_shared>>, %arg9: memref<!tpu.dma_semaphore, #tpu.memory_space<semaphore_mem>>) attributes {dimension_semantics = [#tpu.dimension_semantics<core_parallel>, #tpu.dimension_semantics<subcore_parallel>], iteration_bounds = array<i64: 2, 16>, scalar_prefetch = 0 : i64, scratch_operands = 4 : i64, tpu.core_type = #tpu.core_type<sc_vector_subcore>, window_params = [{transform_indices = #map}, {transform_indices = #map}, {transform_indices = #map}, {transform_indices = #map}]} {
    %mul3A = arith.constant 2 : i32
    %mul3A_0 = arith.muli %arg1, %mul3A : i32
    %add3A = arith.addi %mul3A_0, %arg0 : i32
    %lt3A = arith.constant 17 : i32
    %lt3A_1 = arith.cmpi slt, %add3A, %lt3A : i32
    %jit3A = arith.constant 1 : i32
    %jit3A_2 = arith.constant 0 : i32
    %select_n3A = arith.select %lt3A_1, %jit3A, %jit3A_2 : i32
    %mul3A_3 = arith.constant 19 : i32
    %mul3A_4 = arith.muli %add3A, %mul3A_3 : i32
    %min3A = arith.constant 17 : i32
    %min3A_5 = arith.minsi %add3A, %min3A : i32
    %add3A_6 = arith.addi %mul3A_4, %min3A_5 : i32
    %add3A_7 = arith.constant 625 : i32
    %add3A_8 = arith.addi %add3A_7, %add3A_6 : i32
    %add3A_9 = arith.constant 19 : i32
    %add3A_10 = arith.addi %add3A_9, %select_n3A : i32
    %mul3A_11 = arith.constant 632 : i32
    %mul3A_12 = arith.muli %arg1, %mul3A_11 : i32
    %mul3A_13 = arith.constant 632 : i32
    %mul3A_14 = arith.muli %arg1, %mul3A_13 : i32
    "tpu.region"() ({
      %run_scoped3A = tpu.sem_alloc : memref<!tpu.dma_semaphore, #tpu.memory_space<semaphore_mem>>
      %dma_start3A = arith.constant 0 : i32
      %dma_start3A_46 = tpu.memref_slice %arg8[%mul3A_14, %dma_start3A] : memref<10112x16xf32, #tpu.memory_space<vmem_shared>> -> memref<632x16xf32, #tpu.memory_space<vmem_shared>>
      %dma_start3A_47 = arith.constant 0 : i32
      %dma_start3A_48 = tpu.memref_slice %arg4[%mul3A_12, %dma_start3A_47] : memref<10112x16xf32, #tpu.memory_space<hbm>> -> memref<632x16xf32, #tpu.memory_space<hbm>>
      tpu.enqueue_dma source(%dma_start3A_48 : memref<632x16xf32, #tpu.memory_space<hbm>>) target(%dma_start3A_46 : memref<632x16xf32, #tpu.memory_space<vmem_shared>>) target_semaphore(%run_scoped3A : memref<!tpu.dma_semaphore, #tpu.memory_space<semaphore_mem>>)
      %dma_wait3A = arith.constant 0 : i32
      %dma_wait3A_49 = tpu.memref_slice %arg8[%mul3A_14, %dma_wait3A] : memref<10112x16xf32, #tpu.memory_space<vmem_shared>> -> memref<632x16xf32, #tpu.memory_space<vmem_shared>>
      %dma_wait3A_50 = arith.constant 0 : i32
      %dma_wait3A_51 = tpu.memref_slice %arg4[%mul3A_12, %dma_wait3A_50] : memref<10112x16xf32, #tpu.memory_space<hbm>> -> memref<632x16xf32, #tpu.memory_space<hbm>>
      tpu.wait_dma2 semaphore(%run_scoped3A : memref<!tpu.dma_semaphore, #tpu.memory_space<semaphore_mem>>) src(%dma_wait3A_51 : memref<632x16xf32, #tpu.memory_space<hbm>>) dst(%dma_wait3A_49 : memref<632x16xf32, #tpu.memory_space<vmem_shared>>)
      tpu.yield
    }) : () -> ()
    "tpu.region"() ({
      %run_scoped3A = tpu.sem_alloc : memref<!tpu.dma_semaphore, #tpu.memory_space<semaphore_mem>>
      %dma_start3A = arith.constant 0 : i32
      %dma_start3A_46 = arith.constant 0 : i32
      %dma_start3A_47 = tpu.memref_slice %arg6[%dma_start3A, %dma_start3A_46] : memref<20x128xi32, #tpu.memory_space<vmem>> -> memref<19x128xi32, #tpu.memory_space<vmem>>
      %dma_start3A_48 = arith.constant 0 : i32
      %dma_start3A_49 = tpu.memref_slice %arg2[%add3A_8, %dma_start3A_48] : memref<1250x128xi32, #tpu.memory_space<hbm>> -> memref<19x128xi32, #tpu.memory_space<hbm>>
      %dma_start3A_50 = arith.constant 0 : i32
      %dma_start3A_51 = arith.constant 0 : i32
      %dma_start3A_52 = tpu.memref_slice %arg6[%dma_start3A_50, %dma_start3A_51] : memref<20x128xi32, #tpu.memory_space<vmem>> -> memref<19x128xi32, #tpu.memory_space<vmem>>
      %dma_start3A_53 = arith.constant 0 : i32
      %dma_start3A_54 = tpu.memref_slice %arg2[%add3A_8, %dma_start3A_53] : memref<1250x128xi32, #tpu.memory_space<hbm>> -> memref<19x128xi32, #tpu.memory_space<hbm>>
      tpu.enqueue_dma source(%dma_start3A_54 : memref<19x128xi32, #tpu.memory_space<hbm>>) target(%dma_start3A_52 : memref<19x128xi32, #tpu.memory_space<vmem>>) target_semaphore(%run_scoped3A : memref<!tpu.dma_semaphore, #tpu.memory_space<semaphore_mem>>)
      %dma_wait3A = arith.constant 0 : i32
      %dma_wait3A_55 = arith.constant 0 : i32
      %dma_wait3A_56 = tpu.memref_slice %arg6[%dma_wait3A, %dma_wait3A_55] : memref<20x128xi32, #tpu.memory_space<vmem>> -> memref<19x128xi32, #tpu.memory_space<vmem>>
      %dma_wait3A_57 = arith.constant 0 : i32
      %dma_wait3A_58 = tpu.memref_slice %arg2[%add3A_8, %dma_wait3A_57] : memref<1250x128xi32, #tpu.memory_space<hbm>> -> memref<19x128xi32, #tpu.memory_space<hbm>>
      %dma_wait3A_59 = arith.constant 0 : i32
      %dma_wait3A_60 = arith.constant 0 : i32
      %dma_wait3A_61 = tpu.memref_slice %arg6[%dma_wait3A_59, %dma_wait3A_60] : memref<20x128xi32, #tpu.memory_space<vmem>> -> memref<19x128xi32, #tpu.memory_space<vmem>>
      %dma_wait3A_62 = arith.constant 0 : i32
      %dma_wait3A_63 = tpu.memref_slice %arg2[%add3A_8, %dma_wait3A_62] : memref<1250x128xi32, #tpu.memory_space<hbm>> -> memref<19x128xi32, #tpu.memory_space<hbm>>
      tpu.wait_dma2 semaphore(%run_scoped3A : memref<!tpu.dma_semaphore, #tpu.memory_space<semaphore_mem>>) src(%dma_wait3A_63 : memref<19x128xi32, #tpu.memory_space<hbm>>) dst(%dma_wait3A_61 : memref<19x128xi32, #tpu.memory_space<vmem>>)
      tpu.yield
    }) : () -> ()
    %mul3A_15 = arith.constant 128 : i32
    %mul3A_16 = arith.muli %add3A_6, %mul3A_15 : i32
    "tpu.region"() ({
      %run_scoped3A = tpu.sem_alloc : memref<!tpu.dma_semaphore, #tpu.memory_space<semaphore_mem>>
      %dma_start3A = arith.constant 0 : i32
      %dma_start3A_46 = arith.constant 0 : i32
      %dma_start3A_47 = tpu.memref_slice %arg7[%dma_start3A, %dma_start3A_46] : memref<2560x16xf32, #tpu.memory_space<vmem>> -> memref<2432x16xf32, #tpu.memory_space<vmem>>
      %dma_start3A_48 = arith.constant 0 : i32
      %dma_start3A_49 = tpu.memref_slice %arg3[%mul3A_16, %dma_start3A_48] : memref<80000x16xf32, #tpu.memory_space<hbm>> -> memref<2432x16xf32, #tpu.memory_space<hbm>>
      %dma_start3A_50 = arith.constant 0 : i32
      %dma_start3A_51 = arith.constant 0 : i32
      %dma_start3A_52 = tpu.memref_slice %arg7[%dma_start3A_50, %dma_start3A_51] : memref<2560x16xf32, #tpu.memory_space<vmem>> -> memref<2432x16xf32, #tpu.memory_space<vmem>>
      %dma_start3A_53 = arith.constant 0 : i32
      %dma_start3A_54 = tpu.memref_slice %arg3[%mul3A_16, %dma_start3A_53] : memref<80000x16xf32, #tpu.memory_space<hbm>> -> memref<2432x16xf32, #tpu.memory_space<hbm>>
      tpu.enqueue_dma source(%dma_start3A_54 : memref<2432x16xf32, #tpu.memory_space<hbm>>) target(%dma_start3A_52 : memref<2432x16xf32, #tpu.memory_space<vmem>>) target_semaphore(%run_scoped3A : memref<!tpu.dma_semaphore, #tpu.memory_space<semaphore_mem>>)
      %dma_wait3A = arith.constant 0 : i32
      %dma_wait3A_55 = arith.constant 0 : i32
      %dma_wait3A_56 = tpu.memref_slice %arg7[%dma_wait3A, %dma_wait3A_55] : memref<2560x16xf32, #tpu.memory_space<vmem>> -> memref<2432x16xf32, #tpu.memory_space<vmem>>
      %dma_wait3A_57 = arith.constant 0 : i32
      %dma_wait3A_58 = tpu.memref_slice %arg3[%mul3A_16, %dma_wait3A_57] : memref<80000x16xf32, #tpu.memory_space<hbm>> -> memref<2432x16xf32, #tpu.memory_space<hbm>>
      %dma_wait3A_59 = arith.constant 0 : i32
      %dma_wait3A_60 = arith.constant 0 : i32
      %dma_wait3A_61 = tpu.memref_slice %arg7[%dma_wait3A_59, %dma_wait3A_60] : memref<2560x16xf32, #tpu.memory_space<vmem>> -> memref<2432x16xf32, #tpu.memory_space<vmem>>
      %dma_wait3A_62 = arith.constant 0 : i32
      %dma_wait3A_63 = tpu.memref_slice %arg3[%mul3A_16, %dma_wait3A_62] : memref<80000x16xf32, #tpu.memory_space<hbm>> -> memref<2432x16xf32, #tpu.memory_space<hbm>>
      tpu.wait_dma2 semaphore(%run_scoped3A : memref<!tpu.dma_semaphore, #tpu.memory_space<semaphore_mem>>) src(%dma_wait3A_63 : memref<2432x16xf32, #tpu.memory_space<hbm>>) dst(%dma_wait3A_61 : memref<2432x16xf32, #tpu.memory_space<vmem>>)
      tpu.yield
    }) : () -> ()
    %eq3A = arith.constant 1 : i32
    %eq3A_17 = arith.cmpi eq, %select_n3A, %eq3A : i32
    %convert_element_type3A = arith.extui %eq3A_17 : i1 to i32
    %cond3A = arith.constant 0 : i32
    %cond3A_18 = arith.cmpi ne, %convert_element_type3A, %cond3A : i32
    scf.if %cond3A_18 {
      %add3A_46 = arith.constant 19 : i32
      %add3A_47 = arith.addi %add3A_8, %add3A_46 : i32
      "tpu.region"() ({
        %run_scoped3A = tpu.sem_alloc : memref<!tpu.dma_semaphore, #tpu.memory_space<semaphore_mem>>
        %dma_start3A = arith.constant 19 : i32
        %dma_start3A_52 = arith.constant 0 : i32
        %dma_start3A_53 = tpu.memref_slice %arg6[%dma_start3A, %dma_start3A_52] : memref<20x128xi32, #tpu.memory_space<vmem>> -> memref<1x128xi32, #tpu.memory_space<vmem>>
        %dma_start3A_54 = arith.constant 0 : i32
        %dma_start3A_55 = tpu.memref_slice %arg2[%add3A_47, %dma_start3A_54] : memref<1250x128xi32, #tpu.memory_space<hbm>> -> memref<1x128xi32, #tpu.memory_space<hbm>>
        %dma_start3A_56 = arith.constant 19 : i32
        %dma_start3A_57 = arith.constant 0 : i32
        %dma_start3A_58 = tpu.memref_slice %arg6[%dma_start3A_56, %dma_start3A_57] : memref<20x128xi32, #tpu.memory_space<vmem>> -> memref<1x128xi32, #tpu.memory_space<vmem>>
        %dma_start3A_59 = arith.constant 0 : i32
        %dma_start3A_60 = tpu.memref_slice %arg2[%add3A_47, %dma_start3A_59] : memref<1250x128xi32, #tpu.memory_space<hbm>> -> memref<1x128xi32, #tpu.memory_space<hbm>>
        tpu.enqueue_dma source(%dma_start3A_60 : memref<1x128xi32, #tpu.memory_space<hbm>>) target(%dma_start3A_58 : memref<1x128xi32, #tpu.memory_space<vmem>>) target_semaphore(%run_scoped3A : memref<!tpu.dma_semaphore, #tpu.memory_space<semaphore_mem>>)
        %dma_wait3A = arith.constant 19 : i32
        %dma_wait3A_61 = arith.constant 0 : i32
        %dma_wait3A_62 = tpu.memref_slice %arg6[%dma_wait3A, %dma_wait3A_61] : memref<20x128xi32, #tpu.memory_space<vmem>> -> memref<1x128xi32, #tpu.memory_space<vmem>>
        %dma_wait3A_63 = arith.constant 0 : i32
        %dma_wait3A_64 = tpu.memref_slice %arg2[%add3A_47, %dma_wait3A_63] : memref<1250x128xi32, #tpu.memory_space<hbm>> -> memref<1x128xi32, #tpu.memory_space<hbm>>
        %dma_wait3A_65 = arith.constant 19 : i32
        %dma_wait3A_66 = arith.constant 0 : i32
        %dma_wait3A_67 = tpu.memref_slice %arg6[%dma_wait3A_65, %dma_wait3A_66] : memref<20x128xi32, #tpu.memory_space<vmem>> -> memref<1x128xi32, #tpu.memory_space<vmem>>
        %dma_wait3A_68 = arith.constant 0 : i32
        %dma_wait3A_69 = tpu.memref_slice %arg2[%add3A_47, %dma_wait3A_68] : memref<1250x128xi32, #tpu.memory_space<hbm>> -> memref<1x128xi32, #tpu.memory_space<hbm>>
        tpu.wait_dma2 semaphore(%run_scoped3A : memref<!tpu.dma_semaphore, #tpu.memory_space<semaphore_mem>>) src(%dma_wait3A_69 : memref<1x128xi32, #tpu.memory_space<hbm>>) dst(%dma_wait3A_67 : memref<1x128xi32, #tpu.memory_space<vmem>>)
        tpu.yield
      }) : () -> ()
      %add3A_48 = arith.constant 19 : i32
      %add3A_49 = arith.addi %add3A_6, %add3A_48 : i32
      %mul3A_50 = arith.constant 128 : i32
      %mul3A_51 = arith.muli %add3A_49, %mul3A_50 : i32
      "tpu.region"() ({
        %run_scoped3A = tpu.sem_alloc : memref<!tpu.dma_semaphore, #tpu.memory_space<semaphore_mem>>
        %dma_start3A = arith.constant 2432 : i32
        %dma_start3A_52 = arith.constant 0 : i32
        %dma_start3A_53 = tpu.memref_slice %arg7[%dma_start3A, %dma_start3A_52] : memref<2560x16xf32, #tpu.memory_space<vmem>> -> memref<128x16xf32, #tpu.memory_space<vmem>>
        %dma_start3A_54 = arith.constant 0 : i32
        %dma_start3A_55 = tpu.memref_slice %arg3[%mul3A_51, %dma_start3A_54] : memref<80000x16xf32, #tpu.memory_space<hbm>> -> memref<128x16xf32, #tpu.memory_space<hbm>>
        %dma_start3A_56 = arith.constant 2432 : i32
        %dma_start3A_57 = arith.constant 0 : i32
        %dma_start3A_58 = tpu.memref_slice %arg7[%dma_start3A_56, %dma_start3A_57] : memref<2560x16xf32, #tpu.memory_space<vmem>> -> memref<128x16xf32, #tpu.memory_space<vmem>>
        %dma_start3A_59 = arith.constant 0 : i32
        %dma_start3A_60 = tpu.memref_slice %arg3[%mul3A_51, %dma_start3A_59] : memref<80000x16xf32, #tpu.memory_space<hbm>> -> memref<128x16xf32, #tpu.memory_space<hbm>>
        tpu.enqueue_dma source(%dma_start3A_60 : memref<128x16xf32, #tpu.memory_space<hbm>>) target(%dma_start3A_58 : memref<128x16xf32, #tpu.memory_space<vmem>>) target_semaphore(%run_scoped3A : memref<!tpu.dma_semaphore, #tpu.memory_space<semaphore_mem>>)
        %dma_wait3A = arith.constant 2432 : i32
        %dma_wait3A_61 = arith.constant 0 : i32
        %dma_wait3A_62 = tpu.memref_slice %arg7[%dma_wait3A, %dma_wait3A_61] : memref<2560x16xf32, #tpu.memory_space<vmem>> -> memref<128x16xf32, #tpu.memory_space<vmem>>
        %dma_wait3A_63 = arith.constant 0 : i32
        %dma_wait3A_64 = tpu.memref_slice %arg3[%mul3A_51, %dma_wait3A_63] : memref<80000x16xf32, #tpu.memory_space<hbm>> -> memref<128x16xf32, #tpu.memory_space<hbm>>
        %dma_wait3A_65 = arith.constant 2432 : i32
        %dma_wait3A_66 = arith.constant 0 : i32
        %dma_wait3A_67 = tpu.memref_slice %arg7[%dma_wait3A_65, %dma_wait3A_66] : memref<2560x16xf32, #tpu.memory_space<vmem>> -> memref<128x16xf32, #tpu.memory_space<vmem>>
        %dma_wait3A_68 = arith.constant 0 : i32
        %dma_wait3A_69 = tpu.memref_slice %arg3[%mul3A_51, %dma_wait3A_68] : memref<80000x16xf32, #tpu.memory_space<hbm>> -> memref<128x16xf32, #tpu.memory_space<hbm>>
        tpu.wait_dma2 semaphore(%run_scoped3A : memref<!tpu.dma_semaphore, #tpu.memory_space<semaphore_mem>>) src(%dma_wait3A_69 : memref<128x16xf32, #tpu.memory_space<hbm>>) dst(%dma_wait3A_67 : memref<128x16xf32, #tpu.memory_space<vmem>>)
        tpu.yield
      }) : () -> ()
    } else {
    }
    %barrier3A = arith.constant 0 : index
    tpu.barrier barrier_id(%barrier3A)
    %while3A = arith.constant 0 : i32
    %while3A_19 = arith.constant 0 : i32
    %while3A_20 = arith.subi %add3A_10, %while3A_19 : i32
    %while3A_21 = arith.addi %while3A_19, %while3A_20 : i32
    %while3A_22 = arith.constant 1 : i32
    %while3A_23 = arith.divsi %while3A_20, %while3A_22 : i32
    %while3A_24 = arith.muli %while3A_23, %while3A_22 : i32
    %while3A_25 = arith.addi %while3A_19, %while3A_24 : i32
    %while3A_26 = arith.constant 1 : i32
    scf.for %while3A_46 = %while3A_19 to %while3A_25 step %while3A_26  : i32 {
      %mul3A_47 = arith.constant 128 : i32
      %mul3A_48 = arith.muli %while3A_46, %mul3A_47 : i32
      %dma_start3A = arith.constant 0 : i32
      %dma_start3A_49 = tpu.memref_slice %arg7[%mul3A_48, %dma_start3A] : memref<2560x16xf32, #tpu.memory_space<vmem>> -> memref<128x16xf32, #tpu.memory_space<vmem>>
      %dma_start3A_50 = arith.constant 0 : i32
      %dma_start3A_51 = tpu.memref_slice %arg6[%while3A_46, %dma_start3A_50] : memref<20x128xi32, #tpu.memory_space<vmem>> -> memref<1x128xi32, #tpu.memory_space<vmem>>
      %dma_start3A_52 = tpu.memref_squeeze %dma_start3A_51 : memref<1x128xi32, #tpu.memory_space<vmem>> -> memref<128xi32, #tpu.memory_space<vmem>>
      %dma_start3A_53 = arith.constant 0 : i32
      %dma_start3A_54 = arith.constant 0 : i32
      %dma_start3A_55 = tpu.memref_slice %arg8[%dma_start3A_53, %dma_start3A_54] : memref<10112x16xf32, #tpu.memory_space<vmem_shared>> -> memref<10112x16xf32, #tpu.memory_space<vmem_shared>>
      tpu.enqueue_indirect_dma source(%dma_start3A_49 : memref<128x16xf32, #tpu.memory_space<vmem>>) target(%dma_start3A_55 : memref<10112x16xf32, #tpu.memory_space<vmem_shared>>) offsets(%dma_start3A_52 : memref<128xi32, #tpu.memory_space<vmem>>) semaphore(%arg9 : memref<!tpu.dma_semaphore, #tpu.memory_space<semaphore_mem>>) {add = true}
    }
    %while3A_27 = arith.constant 1 : i32
    scf.for %while3A_46 = %while3A_25 to %while3A_21 step %while3A_27  : i32 {
      %mul3A_47 = arith.constant 128 : i32
      %mul3A_48 = arith.muli %while3A_46, %mul3A_47 : i32
      %dma_start3A = arith.constant 0 : i32
      %dma_start3A_49 = tpu.memref_slice %arg7[%mul3A_48, %dma_start3A] : memref<2560x16xf32, #tpu.memory_space<vmem>> -> memref<128x16xf32, #tpu.memory_space<vmem>>
      %dma_start3A_50 = arith.constant 0 : i32
      %dma_start3A_51 = tpu.memref_slice %arg6[%while3A_46, %dma_start3A_50] : memref<20x128xi32, #tpu.memory_space<vmem>> -> memref<1x128xi32, #tpu.memory_space<vmem>>
      %dma_start3A_52 = tpu.memref_squeeze %dma_start3A_51 : memref<1x128xi32, #tpu.memory_space<vmem>> -> memref<128xi32, #tpu.memory_space<vmem>>
      %dma_start3A_53 = arith.constant 0 : i32
      %dma_start3A_54 = arith.constant 0 : i32
      %dma_start3A_55 = tpu.memref_slice %arg8[%dma_start3A_53, %dma_start3A_54] : memref<10112x16xf32, #tpu.memory_space<vmem_shared>> -> memref<10112x16xf32, #tpu.memory_space<vmem_shared>>
      tpu.enqueue_indirect_dma source(%dma_start3A_49 : memref<128x16xf32, #tpu.memory_space<vmem>>) target(%dma_start3A_55 : memref<10112x16xf32, #tpu.memory_space<vmem_shared>>) offsets(%dma_start3A_52 : memref<128xi32, #tpu.memory_space<vmem>>) semaphore(%arg9 : memref<!tpu.dma_semaphore, #tpu.memory_space<semaphore_mem>>) {add = true}
    }
    %while3A_28 = arith.constant 0 : i32
    %while3A_29 = arith.constant 0 : i32
    %while3A_30 = arith.subi %add3A_10, %while3A_29 : i32
    %while3A_31 = arith.addi %while3A_29, %while3A_30 : i32
    %while3A_32 = arith.constant 1 : i32
    %while3A_33 = arith.divsi %while3A_30, %while3A_32 : i32
    %while3A_34 = arith.muli %while3A_33, %while3A_32 : i32
    %while3A_35 = arith.addi %while3A_29, %while3A_34 : i32
    %while3A_36 = arith.constant 1 : i32
    scf.for %while3A_46 = %while3A_29 to %while3A_35 step %while3A_36  : i32 {
      %dma_wait3A = arith.constant 0 : i32
      %dma_wait3A_47 = arith.constant 0 : i32
      %dma_wait3A_48 = arith.constant 0 : i32
      %dma_wait3A_49 = tpu.memref_slice %arg7[%dma_wait3A_47, %dma_wait3A_48] : memref<2560x16xf32, #tpu.memory_space<vmem>> -> memref<128x16xf32, #tpu.memory_space<vmem>>
      %dma_wait3A_50 = arith.constant 0 : i32
      %dma_wait3A_51 = tpu.memref_slice %arg6[%dma_wait3A, %dma_wait3A_50] : memref<20x128xi32, #tpu.memory_space<vmem>> -> memref<1x128xi32, #tpu.memory_space<vmem>>
      %dma_wait3A_52 = tpu.memref_squeeze %dma_wait3A_51 : memref<1x128xi32, #tpu.memory_space<vmem>> -> memref<128xi32, #tpu.memory_space<vmem>>
      %dma_wait3A_53 = arith.constant 0 : i32
      %dma_wait3A_54 = arith.constant 0 : i32
      %dma_wait3A_55 = tpu.memref_slice %arg8[%dma_wait3A_53, %dma_wait3A_54] : memref<10112x16xf32, #tpu.memory_space<vmem_shared>> -> memref<10112x16xf32, #tpu.memory_space<vmem_shared>>
      tpu.wait_indirect_dma semaphore(%arg9 : memref<!tpu.dma_semaphore, #tpu.memory_space<semaphore_mem>>) src(%dma_wait3A_49 : memref<128x16xf32, #tpu.memory_space<vmem>>) dst(%dma_wait3A_55 : memref<10112x16xf32, #tpu.memory_space<vmem_shared>>)
    }
    %while3A_37 = arith.constant 1 : i32
    scf.for %while3A_46 = %while3A_35 to %while3A_31 step %while3A_37  : i32 {
      %dma_wait3A = arith.constant 0 : i32
      %dma_wait3A_47 = arith.constant 0 : i32
      %dma_wait3A_48 = arith.constant 0 : i32
      %dma_wait3A_49 = tpu.memref_slice %arg7[%dma_wait3A_47, %dma_wait3A_48] : memref<2560x16xf32, #tpu.memory_space<vmem>> -> memref<128x16xf32, #tpu.memory_space<vmem>>
      %dma_wait3A_50 = arith.constant 0 : i32
      %dma_wait3A_51 = tpu.memref_slice %arg6[%dma_wait3A, %dma_wait3A_50] : memref<20x128xi32, #tpu.memory_space<vmem>> -> memref<1x128xi32, #tpu.memory_space<vmem>>
      %dma_wait3A_52 = tpu.memref_squeeze %dma_wait3A_51 : memref<1x128xi32, #tpu.memory_space<vmem>> -> memref<128xi32, #tpu.memory_space<vmem>>
      %dma_wait3A_53 = arith.constant 0 : i32
      %dma_wait3A_54 = arith.constant 0 : i32
      %dma_wait3A_55 = tpu.memref_slice %arg8[%dma_wait3A_53, %dma_wait3A_54] : memref<10112x16xf32, #tpu.memory_space<vmem_shared>> -> memref<10112x16xf32, #tpu.memory_space<vmem_shared>>
      tpu.wait_indirect_dma semaphore(%arg9 : memref<!tpu.dma_semaphore, #tpu.memory_space<semaphore_mem>>) src(%dma_wait3A_49 : memref<128x16xf32, #tpu.memory_space<vmem>>) dst(%dma_wait3A_55 : memref<10112x16xf32, #tpu.memory_space<vmem_shared>>)
    }
    %barrier3A_38 = arith.constant 0 : index
    tpu.barrier barrier_id(%barrier3A_38)
    %mul3A_39 = arith.constant 632 : i32
    %mul3A_40 = arith.muli %arg1, %mul3A_39 : i32
    %mul3A_41 = arith.constant 10112 : i32
    %mul3A_42 = arith.muli %arg0, %mul3A_41 : i32
    %mul3A_43 = arith.constant 632 : i32
    %mul3A_44 = arith.muli %arg1, %mul3A_43 : i32
    %add3A_45 = arith.addi %mul3A_42, %mul3A_44 : i32
    "tpu.region"() ({
      %run_scoped3A = tpu.sem_alloc : memref<!tpu.dma_semaphore, #tpu.memory_space<semaphore_mem>>
      %dma_start3A = arith.constant 0 : i32
      %dma_start3A_46 = tpu.memref_slice %arg5[%add3A_45, %dma_start3A] : memref<20224x16xf32, #tpu.memory_space<hbm>> -> memref<632x16xf32, #tpu.memory_space<hbm>>
      %dma_start3A_47 = arith.constant 0 : i32
      %dma_start3A_48 = tpu.memref_slice %arg8[%mul3A_40, %dma_start3A_47] : memref<10112x16xf32, #tpu.memory_space<vmem_shared>> -> memref<632x16xf32, #tpu.memory_space<vmem_shared>>
      tpu.enqueue_dma source(%dma_start3A_48 : memref<632x16xf32, #tpu.memory_space<vmem_shared>>) target(%dma_start3A_46 : memref<632x16xf32, #tpu.memory_space<hbm>>) target_semaphore(%run_scoped3A : memref<!tpu.dma_semaphore, #tpu.memory_space<semaphore_mem>>)
      %dma_wait3A = arith.constant 0 : i32
      %dma_wait3A_49 = tpu.memref_slice %arg5[%add3A_45, %dma_wait3A] : memref<20224x16xf32, #tpu.memory_space<hbm>> -> memref<632x16xf32, #tpu.memory_space<hbm>>
      %dma_wait3A_50 = arith.constant 0 : i32
      %dma_wait3A_51 = tpu.memref_slice %arg8[%mul3A_40, %dma_wait3A_50] : memref<10112x16xf32, #tpu.memory_space<vmem_shared>> -> memref<632x16xf32, #tpu.memory_space<vmem_shared>>
      tpu.wait_dma2 semaphore(%run_scoped3A : memref<!tpu.dma_semaphore, #tpu.memory_space<semaphore_mem>>) src(%dma_wait3A_51 : memref<632x16xf32, #tpu.memory_space<vmem_shared>>) dst(%dma_wait3A_49 : memref<632x16xf32, #tpu.memory_space<hbm>>)
      tpu.yield
    }) : () -> ()
    return
  }
}

#map = affine_map<(d0, d1) -> (0, 0)>
module attributes {stable_mosaic.version = 14 : i64} {
  func.func @gather(%arg0: i32, %arg1: i32, %arg2: memref<10000x16xf32, #tpu.memory_space<hbm>>, %arg3: memref<1250x128xi32, #tpu.memory_space<hbm>>, %arg4: memref<80000x16xf32, #tpu.memory_space<hbm>>, %arg5: memref<20x128xi32, #tpu.memory_space<vmem>>, %arg6: memref<2560x16xf32, #tpu.memory_space<vmem>>, %arg7: memref<!tpu.dma_semaphore, #tpu.memory_space<semaphore_mem>>) attributes {dimension_semantics = [#tpu.dimension_semantics<core_parallel>, #tpu.dimension_semantics<subcore_parallel>], iteration_bounds = array<i64: 2, 16>, scalar_prefetch = 0 : i64, scratch_operands = 3 : i64, tpu.core_type = #tpu.core_type<sc_vector_subcore>, window_params = [{transform_indices = #map}, {transform_indices = #map}, {transform_indices = #map}]} {
    %mul3A = arith.constant 2 : i32
    %mul3A_0 = arith.muli %arg1, %mul3A : i32
    %add3A = arith.addi %mul3A_0, %arg0 : i32
    %lt3A = arith.constant 17 : i32
    %lt3A_1 = arith.cmpi slt, %add3A, %lt3A : i32
    %jit3A = arith.constant 1 : i32
    %jit3A_2 = arith.constant 0 : i32
    %select_n3A = arith.select %lt3A_1, %jit3A, %jit3A_2 : i32
    %mul3A_3 = arith.constant 19 : i32
    %mul3A_4 = arith.muli %add3A, %mul3A_3 : i32
    %min3A = arith.constant 17 : i32
    %min3A_5 = arith.minsi %add3A, %min3A : i32
    %add3A_6 = arith.addi %mul3A_4, %min3A_5 : i32
    %add3A_7 = arith.constant 625 : i32
    %add3A_8 = arith.addi %add3A_7, %add3A_6 : i32
    %add3A_9 = arith.constant 19 : i32
    %add3A_10 = arith.addi %add3A_9, %select_n3A : i32
    "tpu.region"() ({
      %run_scoped3A = tpu.sem_alloc : memref<!tpu.dma_semaphore, #tpu.memory_space<semaphore_mem>>
      %dma_start3A = arith.constant 0 : i32
      %dma_start3A_39 = arith.constant 0 : i32
      %dma_start3A_40 = tpu.memref_slice %arg5[%dma_start3A, %dma_start3A_39] : memref<20x128xi32, #tpu.memory_space<vmem>> -> memref<19x128xi32, #tpu.memory_space<vmem>>
      %dma_start3A_41 = arith.constant 0 : i32
      %dma_start3A_42 = tpu.memref_slice %arg3[%add3A_8, %dma_start3A_41] : memref<1250x128xi32, #tpu.memory_space<hbm>> -> memref<19x128xi32, #tpu.memory_space<hbm>>
      %dma_start3A_43 = arith.constant 0 : i32
      %dma_start3A_44 = arith.constant 0 : i32
      %dma_start3A_45 = tpu.memref_slice %arg5[%dma_start3A_43, %dma_start3A_44] : memref<20x128xi32, #tpu.memory_space<vmem>> -> memref<19x128xi32, #tpu.memory_space<vmem>>
      %dma_start3A_46 = arith.constant 0 : i32
      %dma_start3A_47 = tpu.memref_slice %arg3[%add3A_8, %dma_start3A_46] : memref<1250x128xi32, #tpu.memory_space<hbm>> -> memref<19x128xi32, #tpu.memory_space<hbm>>
      tpu.enqueue_dma source(%dma_start3A_47 : memref<19x128xi32, #tpu.memory_space<hbm>>) target(%dma_start3A_45 : memref<19x128xi32, #tpu.memory_space<vmem>>) target_semaphore(%run_scoped3A : memref<!tpu.dma_semaphore, #tpu.memory_space<semaphore_mem>>)
      %dma_wait3A = arith.constant 0 : i32
      %dma_wait3A_48 = arith.constant 0 : i32
      %dma_wait3A_49 = tpu.memref_slice %arg5[%dma_wait3A, %dma_wait3A_48] : memref<20x128xi32, #tpu.memory_space<vmem>> -> memref<19x128xi32, #tpu.memory_space<vmem>>
      %dma_wait3A_50 = arith.constant 0 : i32
      %dma_wait3A_51 = tpu.memref_slice %arg3[%add3A_8, %dma_wait3A_50] : memref<1250x128xi32, #tpu.memory_space<hbm>> -> memref<19x128xi32, #tpu.memory_space<hbm>>
      %dma_wait3A_52 = arith.constant 0 : i32
      %dma_wait3A_53 = arith.constant 0 : i32
      %dma_wait3A_54 = tpu.memref_slice %arg5[%dma_wait3A_52, %dma_wait3A_53] : memref<20x128xi32, #tpu.memory_space<vmem>> -> memref<19x128xi32, #tpu.memory_space<vmem>>
      %dma_wait3A_55 = arith.constant 0 : i32
      %dma_wait3A_56 = tpu.memref_slice %arg3[%add3A_8, %dma_wait3A_55] : memref<1250x128xi32, #tpu.memory_space<hbm>> -> memref<19x128xi32, #tpu.memory_space<hbm>>
      tpu.wait_dma2 semaphore(%run_scoped3A : memref<!tpu.dma_semaphore, #tpu.memory_space<semaphore_mem>>) src(%dma_wait3A_56 : memref<19x128xi32, #tpu.memory_space<hbm>>) dst(%dma_wait3A_54 : memref<19x128xi32, #tpu.memory_space<vmem>>)
      tpu.yield
    }) : () -> ()
    %eq3A = arith.constant 1 : i32
    %eq3A_11 = arith.cmpi eq, %select_n3A, %eq3A : i32
    %convert_element_type3A = arith.extui %eq3A_11 : i1 to i32
    %cond3A = arith.constant 0 : i32
    %cond3A_12 = arith.cmpi ne, %convert_element_type3A, %cond3A : i32
    scf.if %cond3A_12 {
      %add3A_39 = arith.constant 19 : i32
      %add3A_40 = arith.addi %add3A_8, %add3A_39 : i32
      "tpu.region"() ({
        %run_scoped3A = tpu.sem_alloc : memref<!tpu.dma_semaphore, #tpu.memory_space<semaphore_mem>>
        %dma_start3A = arith.constant 19 : i32
        %dma_start3A_41 = arith.constant 0 : i32
        %dma_start3A_42 = tpu.memref_slice %arg5[%dma_start3A, %dma_start3A_41] : memref<20x128xi32, #tpu.memory_space<vmem>> -> memref<1x128xi32, #tpu.memory_space<vmem>>
        %dma_start3A_43 = arith.constant 0 : i32
        %dma_start3A_44 = tpu.memref_slice %arg3[%add3A_40, %dma_start3A_43] : memref<1250x128xi32, #tpu.memory_space<hbm>> -> memref<1x128xi32, #tpu.memory_space<hbm>>
        %dma_start3A_45 = arith.constant 19 : i32
        %dma_start3A_46 = arith.constant 0 : i32
        %dma_start3A_47 = tpu.memref_slice %arg5[%dma_start3A_45, %dma_start3A_46] : memref<20x128xi32, #tpu.memory_space<vmem>> -> memref<1x128xi32, #tpu.memory_space<vmem>>
        %dma_start3A_48 = arith.constant 0 : i32
        %dma_start3A_49 = tpu.memref_slice %arg3[%add3A_40, %dma_start3A_48] : memref<1250x128xi32, #tpu.memory_space<hbm>> -> memref<1x128xi32, #tpu.memory_space<hbm>>
        tpu.enqueue_dma source(%dma_start3A_49 : memref<1x128xi32, #tpu.memory_space<hbm>>) target(%dma_start3A_47 : memref<1x128xi32, #tpu.memory_space<vmem>>) target_semaphore(%run_scoped3A : memref<!tpu.dma_semaphore, #tpu.memory_space<semaphore_mem>>)
        %dma_wait3A = arith.constant 19 : i32
        %dma_wait3A_50 = arith.constant 0 : i32
        %dma_wait3A_51 = tpu.memref_slice %arg5[%dma_wait3A, %dma_wait3A_50] : memref<20x128xi32, #tpu.memory_space<vmem>> -> memref<1x128xi32, #tpu.memory_space<vmem>>
        %dma_wait3A_52 = arith.constant 0 : i32
        %dma_wait3A_53 = tpu.memref_slice %arg3[%add3A_40, %dma_wait3A_52] : memref<1250x128xi32, #tpu.memory_space<hbm>> -> memref<1x128xi32, #tpu.memory_space<hbm>>
        %dma_wait3A_54 = arith.constant 19 : i32
        %dma_wait3A_55 = arith.constant 0 : i32
        %dma_wait3A_56 = tpu.memref_slice %arg5[%dma_wait3A_54, %dma_wait3A_55] : memref<20x128xi32, #tpu.memory_space<vmem>> -> memref<1x128xi32, #tpu.memory_space<vmem>>
        %dma_wait3A_57 = arith.constant 0 : i32
        %dma_wait3A_58 = tpu.memref_slice %arg3[%add3A_40, %dma_wait3A_57] : memref<1250x128xi32, #tpu.memory_space<hbm>> -> memref<1x128xi32, #tpu.memory_space<hbm>>
        tpu.wait_dma2 semaphore(%run_scoped3A : memref<!tpu.dma_semaphore, #tpu.memory_space<semaphore_mem>>) src(%dma_wait3A_58 : memref<1x128xi32, #tpu.memory_space<hbm>>) dst(%dma_wait3A_56 : memref<1x128xi32, #tpu.memory_space<vmem>>)
        tpu.yield
      }) : () -> ()
    } else {
    }
    %while3A = arith.constant 0 : i32
    %while3A_13 = arith.constant 0 : i32
    %while3A_14 = arith.subi %add3A_10, %while3A_13 : i32
    %while3A_15 = arith.addi %while3A_13, %while3A_14 : i32
    %while3A_16 = arith.constant 1 : i32
    %while3A_17 = arith.divsi %while3A_14, %while3A_16 : i32
    %while3A_18 = arith.muli %while3A_17, %while3A_16 : i32
    %while3A_19 = arith.addi %while3A_13, %while3A_18 : i32
    %while3A_20 = arith.constant 1 : i32
    scf.for %while3A_39 = %while3A_13 to %while3A_19 step %while3A_20  : i32 {
      %mul3A_40 = arith.constant 128 : i32
      %mul3A_41 = arith.muli %while3A_39, %mul3A_40 : i32
      %dma_start3A = arith.constant 0 : i32
      %dma_start3A_42 = tpu.memref_slice %arg6[%mul3A_41, %dma_start3A] : memref<2560x16xf32, #tpu.memory_space<vmem>> -> memref<128x16xf32, #tpu.memory_space<vmem>>
      %dma_start3A_43 = arith.constant 0 : i32
      %dma_start3A_44 = tpu.memref_slice %arg5[%while3A_39, %dma_start3A_43] : memref<20x128xi32, #tpu.memory_space<vmem>> -> memref<1x128xi32, #tpu.memory_space<vmem>>
      %dma_start3A_45 = tpu.memref_squeeze %dma_start3A_44 : memref<1x128xi32, #tpu.memory_space<vmem>> -> memref<128xi32, #tpu.memory_space<vmem>>
      %dma_start3A_46 = arith.constant 0 : i32
      %dma_start3A_47 = arith.constant 0 : i32
      %dma_start3A_48 = tpu.memref_slice %arg2[%dma_start3A_46, %dma_start3A_47] : memref<10000x16xf32, #tpu.memory_space<hbm>> -> memref<10000x16xf32, #tpu.memory_space<hbm>>
      tpu.enqueue_indirect_dma source(%dma_start3A_48 : memref<10000x16xf32, #tpu.memory_space<hbm>>) target(%dma_start3A_42 : memref<128x16xf32, #tpu.memory_space<vmem>>) offsets(%dma_start3A_45 : memref<128xi32, #tpu.memory_space<vmem>>) semaphore(%arg7 : memref<!tpu.dma_semaphore, #tpu.memory_space<semaphore_mem>>)
    }
    %while3A_21 = arith.constant 1 : i32
    scf.for %while3A_39 = %while3A_19 to %while3A_15 step %while3A_21  : i32 {
      %mul3A_40 = arith.constant 128 : i32
      %mul3A_41 = arith.muli %while3A_39, %mul3A_40 : i32
      %dma_start3A = arith.constant 0 : i32
      %dma_start3A_42 = tpu.memref_slice %arg6[%mul3A_41, %dma_start3A] : memref<2560x16xf32, #tpu.memory_space<vmem>> -> memref<128x16xf32, #tpu.memory_space<vmem>>
      %dma_start3A_43 = arith.constant 0 : i32
      %dma_start3A_44 = tpu.memref_slice %arg5[%while3A_39, %dma_start3A_43] : memref<20x128xi32, #tpu.memory_space<vmem>> -> memref<1x128xi32, #tpu.memory_space<vmem>>
      %dma_start3A_45 = tpu.memref_squeeze %dma_start3A_44 : memref<1x128xi32, #tpu.memory_space<vmem>> -> memref<128xi32, #tpu.memory_space<vmem>>
      %dma_start3A_46 = arith.constant 0 : i32
      %dma_start3A_47 = arith.constant 0 : i32
      %dma_start3A_48 = tpu.memref_slice %arg2[%dma_start3A_46, %dma_start3A_47] : memref<10000x16xf32, #tpu.memory_space<hbm>> -> memref<10000x16xf32, #tpu.memory_space<hbm>>
      tpu.enqueue_indirect_dma source(%dma_start3A_48 : memref<10000x16xf32, #tpu.memory_space<hbm>>) target(%dma_start3A_42 : memref<128x16xf32, #tpu.memory_space<vmem>>) offsets(%dma_start3A_45 : memref<128xi32, #tpu.memory_space<vmem>>) semaphore(%arg7 : memref<!tpu.dma_semaphore, #tpu.memory_space<semaphore_mem>>)
    }
    %while3A_22 = arith.constant 0 : i32
    %while3A_23 = arith.constant 0 : i32
    %while3A_24 = arith.subi %add3A_10, %while3A_23 : i32
    %while3A_25 = arith.addi %while3A_23, %while3A_24 : i32
    %while3A_26 = arith.constant 1 : i32
    %while3A_27 = arith.divsi %while3A_24, %while3A_26 : i32
    %while3A_28 = arith.muli %while3A_27, %while3A_26 : i32
    %while3A_29 = arith.addi %while3A_23, %while3A_28 : i32
    %while3A_30 = arith.constant 1 : i32
    scf.for %while3A_39 = %while3A_23 to %while3A_29 step %while3A_30  : i32 {
      %dma_wait3A = arith.constant 0 : i32
      %dma_wait3A_40 = arith.constant 0 : i32
      %dma_wait3A_41 = arith.constant 0 : i32
      %dma_wait3A_42 = tpu.memref_slice %arg6[%dma_wait3A_40, %dma_wait3A_41] : memref<2560x16xf32, #tpu.memory_space<vmem>> -> memref<128x16xf32, #tpu.memory_space<vmem>>
      %dma_wait3A_43 = arith.constant 0 : i32
      %dma_wait3A_44 = tpu.memref_slice %arg5[%dma_wait3A, %dma_wait3A_43] : memref<20x128xi32, #tpu.memory_space<vmem>> -> memref<1x128xi32, #tpu.memory_space<vmem>>
      %dma_wait3A_45 = tpu.memref_squeeze %dma_wait3A_44 : memref<1x128xi32, #tpu.memory_space<vmem>> -> memref<128xi32, #tpu.memory_space<vmem>>
      %dma_wait3A_46 = arith.constant 0 : i32
      %dma_wait3A_47 = arith.constant 0 : i32
      %dma_wait3A_48 = tpu.memref_slice %arg2[%dma_wait3A_46, %dma_wait3A_47] : memref<10000x16xf32, #tpu.memory_space<hbm>> -> memref<10000x16xf32, #tpu.memory_space<hbm>>
      tpu.wait_indirect_dma semaphore(%arg7 : memref<!tpu.dma_semaphore, #tpu.memory_space<semaphore_mem>>) src(%dma_wait3A_48 : memref<10000x16xf32, #tpu.memory_space<hbm>>) dst(%dma_wait3A_42 : memref<128x16xf32, #tpu.memory_space<vmem>>)
    }
    %while3A_31 = arith.constant 1 : i32
    scf.for %while3A_39 = %while3A_29 to %while3A_25 step %while3A_31  : i32 {
      %dma_wait3A = arith.constant 0 : i32
      %dma_wait3A_40 = arith.constant 0 : i32
      %dma_wait3A_41 = arith.constant 0 : i32
      %dma_wait3A_42 = tpu.memref_slice %arg6[%dma_wait3A_40, %dma_wait3A_41] : memref<2560x16xf32, #tpu.memory_space<vmem>> -> memref<128x16xf32, #tpu.memory_space<vmem>>
      %dma_wait3A_43 = arith.constant 0 : i32
      %dma_wait3A_44 = tpu.memref_slice %arg5[%dma_wait3A, %dma_wait3A_43] : memref<20x128xi32, #tpu.memory_space<vmem>> -> memref<1x128xi32, #tpu.memory_space<vmem>>
      %dma_wait3A_45 = tpu.memref_squeeze %dma_wait3A_44 : memref<1x128xi32, #tpu.memory_space<vmem>> -> memref<128xi32, #tpu.memory_space<vmem>>
      %dma_wait3A_46 = arith.constant 0 : i32
      %dma_wait3A_47 = arith.constant 0 : i32
      %dma_wait3A_48 = tpu.memref_slice %arg2[%dma_wait3A_46, %dma_wait3A_47] : memref<10000x16xf32, #tpu.memory_space<hbm>> -> memref<10000x16xf32, #tpu.memory_space<hbm>>
      tpu.wait_indirect_dma semaphore(%arg7 : memref<!tpu.dma_semaphore, #tpu.memory_space<semaphore_mem>>) src(%dma_wait3A_48 : memref<10000x16xf32, #tpu.memory_space<hbm>>) dst(%dma_wait3A_42 : memref<128x16xf32, #tpu.memory_space<vmem>>)
    }
    %mul3A_32 = arith.constant 128 : i32
    %mul3A_33 = arith.muli %add3A_6, %mul3A_32 : i32
    "tpu.region"() ({
      %run_scoped3A = tpu.sem_alloc : memref<!tpu.dma_semaphore, #tpu.memory_space<semaphore_mem>>
      %dma_start3A = arith.constant 0 : i32
      %dma_start3A_39 = arith.constant 0 : i32
      %dma_start3A_40 = tpu.memref_slice %arg6[%dma_start3A, %dma_start3A_39] : memref<2560x16xf32, #tpu.memory_space<vmem>> -> memref<2432x16xf32, #tpu.memory_space<vmem>>
      %dma_start3A_41 = arith.constant 0 : i32
      %dma_start3A_42 = tpu.memref_slice %arg4[%mul3A_33, %dma_start3A_41] : memref<80000x16xf32, #tpu.memory_space<hbm>> -> memref<2432x16xf32, #tpu.memory_space<hbm>>
      %dma_start3A_43 = arith.constant 0 : i32
      %dma_start3A_44 = tpu.memref_slice %arg4[%mul3A_33, %dma_start3A_43] : memref<80000x16xf32, #tpu.memory_space<hbm>> -> memref<2432x16xf32, #tpu.memory_space<hbm>>
      %dma_start3A_45 = arith.constant 0 : i32
      %dma_start3A_46 = arith.constant 0 : i32
      %dma_start3A_47 = tpu.memref_slice %arg6[%dma_start3A_45, %dma_start3A_46] : memref<2560x16xf32, #tpu.memory_space<vmem>> -> memref<2432x16xf32, #tpu.memory_space<vmem>>
      tpu.enqueue_dma source(%dma_start3A_47 : memref<2432x16xf32, #tpu.memory_space<vmem>>) target(%dma_start3A_44 : memref<2432x16xf32, #tpu.memory_space<hbm>>) target_semaphore(%run_scoped3A : memref<!tpu.dma_semaphore, #tpu.memory_space<semaphore_mem>>)
      %dma_wait3A = arith.constant 0 : i32
      %dma_wait3A_48 = arith.constant 0 : i32
      %dma_wait3A_49 = tpu.memref_slice %arg6[%dma_wait3A, %dma_wait3A_48] : memref<2560x16xf32, #tpu.memory_space<vmem>> -> memref<2432x16xf32, #tpu.memory_space<vmem>>
      %dma_wait3A_50 = arith.constant 0 : i32
      %dma_wait3A_51 = tpu.memref_slice %arg4[%mul3A_33, %dma_wait3A_50] : memref<80000x16xf32, #tpu.memory_space<hbm>> -> memref<2432x16xf32, #tpu.memory_space<hbm>>
      %dma_wait3A_52 = arith.constant 0 : i32
      %dma_wait3A_53 = tpu.memref_slice %arg4[%mul3A_33, %dma_wait3A_52] : memref<80000x16xf32, #tpu.memory_space<hbm>> -> memref<2432x16xf32, #tpu.memory_space<hbm>>
      %dma_wait3A_54 = arith.constant 0 : i32
      %dma_wait3A_55 = arith.constant 0 : i32
      %dma_wait3A_56 = tpu.memref_slice %arg6[%dma_wait3A_54, %dma_wait3A_55] : memref<2560x16xf32, #tpu.memory_space<vmem>> -> memref<2432x16xf32, #tpu.memory_space<vmem>>
      tpu.wait_dma2 semaphore(%run_scoped3A : memref<!tpu.dma_semaphore, #tpu.memory_space<semaphore_mem>>) src(%dma_wait3A_56 : memref<2432x16xf32, #tpu.memory_space<vmem>>) dst(%dma_wait3A_53 : memref<2432x16xf32, #tpu.memory_space<hbm>>)
      tpu.yield
    }) : () -> ()
    %eq3A_34 = arith.constant 1 : i32
    %eq3A_35 = arith.cmpi eq, %select_n3A, %eq3A_34 : i32
    %convert_element_type3A_36 = arith.extui %eq3A_35 : i1 to i32
    %cond3A_37 = arith.constant 0 : i32
    %cond3A_38 = arith.cmpi ne, %convert_element_type3A_36, %cond3A_37 : i32
    scf.if %cond3A_38 {
      %add3A_39 = arith.constant 19 : i32
      %add3A_40 = arith.addi %add3A_6, %add3A_39 : i32
      %mul3A_41 = arith.constant 128 : i32
      %mul3A_42 = arith.muli %add3A_40, %mul3A_41 : i32
      "tpu.region"() ({
        %run_scoped3A = tpu.sem_alloc : memref<!tpu.dma_semaphore, #tpu.memory_space<semaphore_mem>>
        %dma_start3A = arith.constant 2432 : i32
        %dma_start3A_43 = arith.constant 0 : i32
        %dma_start3A_44 = tpu.memref_slice %arg6[%dma_start3A, %dma_start3A_43] : memref<2560x16xf32, #tpu.memory_space<vmem>> -> memref<128x16xf32, #tpu.memory_space<vmem>>
        %dma_start3A_45 = arith.constant 0 : i32
        %dma_start3A_46 = tpu.memref_slice %arg4[%mul3A_42, %dma_start3A_45] : memref<80000x16xf32, #tpu.memory_space<hbm>> -> memref<128x16xf32, #tpu.memory_space<hbm>>
        %dma_start3A_47 = arith.constant 0 : i32
        %dma_start3A_48 = tpu.memref_slice %arg4[%mul3A_42, %dma_start3A_47] : memref<80000x16xf32, #tpu.memory_space<hbm>> -> memref<128x16xf32, #tpu.memory_space<hbm>>
        %dma_start3A_49 = arith.constant 2432 : i32
        %dma_start3A_50 = arith.constant 0 : i32
        %dma_start3A_51 = tpu.memref_slice %arg6[%dma_start3A_49, %dma_start3A_50] : memref<2560x16xf32, #tpu.memory_space<vmem>> -> memref<128x16xf32, #tpu.memory_space<vmem>>
        tpu.enqueue_dma source(%dma_start3A_51 : memref<128x16xf32, #tpu.memory_space<vmem>>) target(%dma_start3A_48 : memref<128x16xf32, #tpu.memory_space<hbm>>) target_semaphore(%run_scoped3A : memref<!tpu.dma_semaphore, #tpu.memory_space<semaphore_mem>>)
        %dma_wait3A = arith.constant 2432 : i32
        %dma_wait3A_52 = arith.constant 0 : i32
        %dma_wait3A_53 = tpu.memref_slice %arg6[%dma_wait3A, %dma_wait3A_52] : memref<2560x16xf32, #tpu.memory_space<vmem>> -> memref<128x16xf32, #tpu.memory_space<vmem>>
        %dma_wait3A_54 = arith.constant 0 : i32
        %dma_wait3A_55 = tpu.memref_slice %arg4[%mul3A_42, %dma_wait3A_54] : memref<80000x16xf32, #tpu.memory_space<hbm>> -> memref<128x16xf32, #tpu.memory_space<hbm>>
        %dma_wait3A_56 = arith.constant 0 : i32
        %dma_wait3A_57 = tpu.memref_slice %arg4[%mul3A_42, %dma_wait3A_56] : memref<80000x16xf32, #tpu.memory_space<hbm>> -> memref<128x16xf32, #tpu.memory_space<hbm>>
        %dma_wait3A_58 = arith.constant 2432 : i32
        %dma_wait3A_59 = arith.constant 0 : i32
        %dma_wait3A_60 = tpu.memref_slice %arg6[%dma_wait3A_58, %dma_wait3A_59] : memref<2560x16xf32, #tpu.memory_space<vmem>> -> memref<128x16xf32, #tpu.memory_space<vmem>>
        tpu.wait_dma2 semaphore(%run_scoped3A : memref<!tpu.dma_semaphore, #tpu.memory_space<semaphore_mem>>) src(%dma_wait3A_60 : memref<128x16xf32, #tpu.memory_space<vmem>>) dst(%dma_wait3A_57 : memref<128x16xf32, #tpu.memory_space<hbm>>)
        tpu.yield
      }) : () -> ()
    } else {
    }
    return
  }
}

module attributes {stable_mosaic.version = 14 : i64} {
  func.func @_msg_body(%arg0: i32, %arg1: memref<400x128xf32, #tpu.memory_space<vmem>>, %arg2: memref<400x128xf32, #tpu.memory_space<vmem>>, %arg3: memref<16x128xf32, #tpu.memory_space<vmem>>, %arg4: memref<1x128xf32, #tpu.memory_space<vmem>>, %arg5: memref<128x256xf32, #tpu.memory_space<vmem>>, %arg6: memref<1x256xf32, #tpu.memory_space<vmem>>, %arg7: memref<16x256xf32, #tpu.memory_space<vmem>>, %arg8: memref<256x16xf32, #tpu.memory_space<vmem>>, %arg9: memref<400x128xf32, #tpu.memory_space<vmem>>) attributes {dimension_semantics = [#tpu.dimension_semantics<arbitrary>], iteration_bounds = array<i64: 25>, scalar_prefetch = 0 : i64, scratch_operands = 0 : i64, tpu.core_type = #tpu.core_type<tc>, window_params = [{transform_indices = @transform_0, window_bounds = array<i64: 400, 128>}, {transform_indices = @transform_1, window_bounds = array<i64: 400, 128>}, {pipeline_mode = #tpu.pipeline_mode<synchronous>, transform_indices = @transform_2, window_bounds = array<i64: 16, 128>}, {pipeline_mode = #tpu.pipeline_mode<synchronous>, transform_indices = @transform_3, window_bounds = array<i64: 1, 128>}, {pipeline_mode = #tpu.pipeline_mode<synchronous>, transform_indices = @transform_4, window_bounds = array<i64: 128, 256>}, {pipeline_mode = #tpu.pipeline_mode<synchronous>, transform_indices = @transform_5, window_bounds = array<i64: 1, 256>}, {pipeline_mode = #tpu.pipeline_mode<synchronous>, transform_indices = @transform_6, window_bounds = array<i64: 16, 256>}, {pipeline_mode = #tpu.pipeline_mode<synchronous>, transform_indices = @transform_7, window_bounds = array<i64: 256, 16>}, {transform_indices = @transform_8, window_bounds = array<i64: 400, 128>}]} {
    %get3A = arith.constant 0 : index
    %get3A_0 = arith.constant 0 : index
    %get3A_1 = vector.load %arg1[%get3A, %get3A_0] : memref<400x128xf32, #tpu.memory_space<vmem>>, vector<400x128xf32>
    %slice3A = vector.extract_strided_slice %get3A_1 {offsets = [0, 0], sizes = [400, 16], strides = [1, 1]} : vector<400x128xf32> to vector<400x16xf32>
    %slice3A_2 = vector.extract_strided_slice %get3A_1 {offsets = [0, 16], sizes = [400, 16], strides = [1, 1]} : vector<400x128xf32> to vector<400x16xf32>
    %slice3A_3 = vector.extract_strided_slice %get3A_1 {offsets = [0, 32], sizes = [400, 16], strides = [1, 1]} : vector<400x128xf32> to vector<400x16xf32>
    %slice3A_4 = vector.extract_strided_slice %get3A_1 {offsets = [0, 48], sizes = [400, 16], strides = [1, 1]} : vector<400x128xf32> to vector<400x16xf32>
    %slice3A_5 = vector.extract_strided_slice %get3A_1 {offsets = [0, 64], sizes = [400, 16], strides = [1, 1]} : vector<400x128xf32> to vector<400x16xf32>
    %slice3A_6 = vector.extract_strided_slice %get3A_1 {offsets = [0, 80], sizes = [400, 16], strides = [1, 1]} : vector<400x128xf32> to vector<400x16xf32>
    %slice3A_7 = vector.extract_strided_slice %get3A_1 {offsets = [0, 96], sizes = [400, 16], strides = [1, 1]} : vector<400x128xf32> to vector<400x16xf32>
    %slice3A_8 = vector.extract_strided_slice %get3A_1 {offsets = [0, 112], sizes = [400, 16], strides = [1, 1]} : vector<400x128xf32> to vector<400x16xf32>
    %concatenate3A = tpu.concatenate %slice3A, %slice3A_2, %slice3A_3, %slice3A_4, %slice3A_5, %slice3A_6, %slice3A_7, %slice3A_8 in 0 : vector<400x16xf32>, vector<400x16xf32>, vector<400x16xf32>, vector<400x16xf32>, vector<400x16xf32>, vector<400x16xf32>, vector<400x16xf32>, vector<400x16xf32> -> vector<3200x16xf32>
    %convert_element_type3A = arith.truncf %concatenate3A : vector<3200x16xf32> to vector<3200x16xbf16>
    %get3A_9 = arith.constant 0 : index
    %get3A_10 = arith.constant 0 : index
    %get3A_11 = vector.load %arg2[%get3A_9, %get3A_10] : memref<400x128xf32, #tpu.memory_space<vmem>>, vector<400x128xf32>
    %slice3A_12 = vector.extract_strided_slice %get3A_11 {offsets = [0, 0], sizes = [400, 16], strides = [1, 1]} : vector<400x128xf32> to vector<400x16xf32>
    %slice3A_13 = vector.extract_strided_slice %get3A_11 {offsets = [0, 16], sizes = [400, 16], strides = [1, 1]} : vector<400x128xf32> to vector<400x16xf32>
    %slice3A_14 = vector.extract_strided_slice %get3A_11 {offsets = [0, 32], sizes = [400, 16], strides = [1, 1]} : vector<400x128xf32> to vector<400x16xf32>
    %slice3A_15 = vector.extract_strided_slice %get3A_11 {offsets = [0, 48], sizes = [400, 16], strides = [1, 1]} : vector<400x128xf32> to vector<400x16xf32>
    %slice3A_16 = vector.extract_strided_slice %get3A_11 {offsets = [0, 64], sizes = [400, 16], strides = [1, 1]} : vector<400x128xf32> to vector<400x16xf32>
    %slice3A_17 = vector.extract_strided_slice %get3A_11 {offsets = [0, 80], sizes = [400, 16], strides = [1, 1]} : vector<400x128xf32> to vector<400x16xf32>
    %slice3A_18 = vector.extract_strided_slice %get3A_11 {offsets = [0, 96], sizes = [400, 16], strides = [1, 1]} : vector<400x128xf32> to vector<400x16xf32>
    %slice3A_19 = vector.extract_strided_slice %get3A_11 {offsets = [0, 112], sizes = [400, 16], strides = [1, 1]} : vector<400x128xf32> to vector<400x16xf32>
    %concatenate3A_20 = tpu.concatenate %slice3A_12, %slice3A_13, %slice3A_14, %slice3A_15, %slice3A_16, %slice3A_17, %slice3A_18, %slice3A_19 in 0 : vector<400x16xf32>, vector<400x16xf32>, vector<400x16xf32>, vector<400x16xf32>, vector<400x16xf32>, vector<400x16xf32>, vector<400x16xf32>, vector<400x16xf32> -> vector<3200x16xf32>
    %get3A_21 = arith.constant 0 : index
    %get3A_22 = arith.constant 0 : index
    %get3A_23 = vector.load %arg3[%get3A_21, %get3A_22] : memref<16x128xf32, #tpu.memory_space<vmem>>, vector<16x128xf32>
    %convert_element_type3A_24 = arith.truncf %get3A_23 : vector<16x128xf32> to vector<16x128xbf16>
    %dot_general3A = arith.constant dense<0.000000e+00> : vector<3200x128xf32>
    %dot_general3A_25 = tpu.matmul %convert_element_type3A, %convert_element_type3A_24, %dot_general3A {dimension_numbers = #tpu.dot_dimension_numbers<[1], [0], [0], [1], [0, 0, 1, 1], [], []>, transpose_lhs_hint = false} : vector<3200x16xbf16>, vector<16x128xbf16>, vector<3200x128xf32> -> vector<3200x128xf32>
    %get3A_26 = arith.constant 0 : index
    %get3A_27 = arith.constant 0 : index
    %get3A_28 = vector.load %arg4[%get3A_26, %get3A_27] : memref<1x128xf32, #tpu.memory_space<vmem>>, vector<1x128xf32>
    %add3A = vector.broadcast %get3A_28 : vector<1x128xf32> to vector<3200x128xf32>
    %add3A_29 = arith.addf %dot_general3A_25, %add3A : vector<3200x128xf32>
    %max3A = arith.constant 0.000000e+00 : f32
    %max3A_30 = vector.broadcast %max3A : f32 to vector<3200x128xf32>
    %max3A_31 = arith.maximumf %add3A_29, %max3A_30 : vector<3200x128xf32>
    %convert_element_type3A_32 = arith.truncf %max3A_31 : vector<3200x128xf32> to vector<3200x128xbf16>
    %get3A_33 = arith.constant 0 : index
    %get3A_34 = arith.constant 0 : index
    %get3A_35 = vector.load %arg5[%get3A_33, %get3A_34] : memref<128x256xf32, #tpu.memory_space<vmem>>, vector<128x256xf32>
    %convert_element_type3A_36 = arith.truncf %get3A_35 : vector<128x256xf32> to vector<128x256xbf16>
    %dot_general3A_37 = arith.constant dense<0.000000e+00> : vector<3200x256xf32>
    %dot_general3A_38 = tpu.matmul %convert_element_type3A_32, %convert_element_type3A_36, %dot_general3A_37 {dimension_numbers = #tpu.dot_dimension_numbers<[1], [0], [0], [1], [0, 0, 1, 1], [], []>, transpose_lhs_hint = false} : vector<3200x128xbf16>, vector<128x256xbf16>, vector<3200x256xf32> -> vector<3200x256xf32>
    %get3A_39 = arith.constant 0 : index
    %get3A_40 = arith.constant 0 : index
    %get3A_41 = vector.load %arg6[%get3A_39, %get3A_40] : memref<1x256xf32, #tpu.memory_space<vmem>>, vector<1x256xf32>
    %add3A_42 = vector.broadcast %get3A_41 : vector<1x256xf32> to vector<3200x256xf32>
    %add3A_43 = arith.addf %dot_general3A_38, %add3A_42 : vector<3200x256xf32>
    %get3A_44 = arith.constant 0 : index
    %get3A_45 = arith.constant 0 : index
    %get3A_46 = vector.load %arg7[%get3A_44, %get3A_45] : memref<16x256xf32, #tpu.memory_space<vmem>>, vector<16x256xf32>
    %dot_general3A_47 = arith.constant dense<0.000000e+00> : vector<3200x256xf32>
    %dot_general3A_48 = tpu.matmul %concatenate3A_20, %get3A_46, %dot_general3A_47 {dimension_numbers = #tpu.dot_dimension_numbers<[1], [0], [0], [1], [0, 0, 1, 1], [], []>, transpose_lhs_hint = false} : vector<3200x16xf32>, vector<16x256xf32>, vector<3200x256xf32> -> vector<3200x256xf32>
    %mul3A = arith.mulf %dot_general3A_48, %add3A_43 : vector<3200x256xf32>
    %get3A_49 = arith.constant 0 : index
    %get3A_50 = arith.constant 0 : index
    %get3A_51 = vector.load %arg8[%get3A_49, %get3A_50] : memref<256x16xf32, #tpu.memory_space<vmem>>, vector<256x16xf32>
    %dot_general3A_52 = arith.constant dense<0.000000e+00> : vector<3200x16xf32>
    %dot_general3A_53 = tpu.matmul %mul3A, %get3A_51, %dot_general3A_52 {dimension_numbers = #tpu.dot_dimension_numbers<[1], [0], [0], [1], [0, 0, 1, 1], [], []>, transpose_lhs_hint = false} : vector<3200x256xf32>, vector<256x16xf32>, vector<3200x16xf32> -> vector<3200x16xf32>
    %slice3A_54 = vector.extract_strided_slice %dot_general3A_53 {offsets = [0, 0], sizes = [400, 16], strides = [1, 1]} : vector<3200x16xf32> to vector<400x16xf32>
    %slice3A_55 = vector.extract_strided_slice %dot_general3A_53 {offsets = [400, 0], sizes = [400, 16], strides = [1, 1]} : vector<3200x16xf32> to vector<400x16xf32>
    %slice3A_56 = vector.extract_strided_slice %dot_general3A_53 {offsets = [800, 0], sizes = [400, 16], strides = [1, 1]} : vector<3200x16xf32> to vector<400x16xf32>
    %slice3A_57 = vector.extract_strided_slice %dot_general3A_53 {offsets = [1200, 0], sizes = [400, 16], strides = [1, 1]} : vector<3200x16xf32> to vector<400x16xf32>
    %slice3A_58 = vector.extract_strided_slice %dot_general3A_53 {offsets = [1600, 0], sizes = [400, 16], strides = [1, 1]} : vector<3200x16xf32> to vector<400x16xf32>
    %slice3A_59 = vector.extract_strided_slice %dot_general3A_53 {offsets = [2000, 0], sizes = [400, 16], strides = [1, 1]} : vector<3200x16xf32> to vector<400x16xf32>
    %slice3A_60 = vector.extract_strided_slice %dot_general3A_53 {offsets = [2400, 0], sizes = [400, 16], strides = [1, 1]} : vector<3200x16xf32> to vector<400x16xf32>
    %slice3A_61 = vector.extract_strided_slice %dot_general3A_53 {offsets = [2800, 0], sizes = [400, 16], strides = [1, 1]} : vector<3200x16xf32> to vector<400x16xf32>
    %concatenate3A_62 = tpu.concatenate %slice3A_54, %slice3A_55, %slice3A_56, %slice3A_57, %slice3A_58, %slice3A_59, %slice3A_60, %slice3A_61 in 1 : vector<400x16xf32>, vector<400x16xf32>, vector<400x16xf32>, vector<400x16xf32>, vector<400x16xf32>, vector<400x16xf32>, vector<400x16xf32>, vector<400x16xf32> -> vector<400x128xf32>
    %swap3A = arith.constant 0 : index
    %swap3A_63 = arith.constant 0 : index
    %swap3A_64 = vector.load %arg9[%swap3A, %swap3A_63] : memref<400x128xf32, #tpu.memory_space<vmem>>, vector<400x128xf32>
    tpu.vector_store %arg9[%swap3A, %swap3A_63], %concatenate3A_62 {strides = array<i32>} : memref<400x128xf32, #tpu.memory_space<vmem>>, vector<400x128xf32>,
    return
  }
  func.func @transform_0(%arg0: i32) -> (i32, i32) {
    %add3A = arith.constant 0 : i32
    %add3A_0 = arith.addi %arg0, %add3A : i32
    %c0_i32 = arith.constant 0 : i32
    %c0_i32_1 = arith.constant 0 : i32
    return %add3A_0, %c0_i32 : i32, i32
  }
  func.func @transform_1(%arg0: i32) -> (i32, i32) {
    %c0_i32 = arith.constant 0 : i32
    %c0_i32_0 = arith.constant 0 : i32
    return %arg0, %c0_i32 : i32, i32
  }
  func.func @transform_2(%arg0: i32) -> (i32, i32) {
    %c0_i32 = arith.constant 0 : i32
    %c0_i32_0 = arith.constant 0 : i32
    %c0_i32_1 = arith.constant 0 : i32
    return %c0_i32, %c0_i32_0 : i32, i32
  }
  func.func @transform_3(%arg0: i32) -> (i32, i32) {
    %c0_i32 = arith.constant 0 : i32
    %c0_i32_0 = arith.constant 0 : i32
    %c0_i32_1 = arith.constant 0 : i32
    return %c0_i32, %c0_i32_0 : i32, i32
  }
  func.func @transform_4(%arg0: i32) -> (i32, i32) {
    %c0_i32 = arith.constant 0 : i32
    %c0_i32_0 = arith.constant 0 : i32
    %c0_i32_1 = arith.constant 0 : i32
    return %c0_i32, %c0_i32_0 : i32, i32
  }
  func.func @transform_5(%arg0: i32) -> (i32, i32) {
    %c0_i32 = arith.constant 0 : i32
    %c0_i32_0 = arith.constant 0 : i32
    %c0_i32_1 = arith.constant 0 : i32
    return %c0_i32, %c0_i32_0 : i32, i32
  }
  func.func @transform_6(%arg0: i32) -> (i32, i32) {
    %c0_i32 = arith.constant 0 : i32
    %c0_i32_0 = arith.constant 0 : i32
    %c0_i32_1 = arith.constant 0 : i32
    return %c0_i32, %c0_i32_0 : i32, i32
  }
  func.func @transform_7(%arg0: i32) -> (i32, i32) {
    %c0_i32 = arith.constant 0 : i32
    %c0_i32_0 = arith.constant 0 : i32
    %c0_i32_1 = arith.constant 0 : i32
    return %c0_i32, %c0_i32_0 : i32, i32
  }
  func.func @transform_8(%arg0: i32) -> (i32, i32) {
    %c0_i32 = arith.constant 0 : i32
    %c0_i32_0 = arith.constant 0 : i32
    return %arg0, %c0_i32 : i32, i32
  }
}

module attributes {stable_mosaic.version = 14 : i64} {
  func.func @_msg_body(%arg0: i32, %arg1: memref<400x128xf32, #tpu.memory_space<vmem>>, %arg2: memref<400x128xf32, #tpu.memory_space<vmem>>, %arg3: memref<16x128xf32, #tpu.memory_space<vmem>>, %arg4: memref<1x128xf32, #tpu.memory_space<vmem>>, %arg5: memref<128x256xf32, #tpu.memory_space<vmem>>, %arg6: memref<1x256xf32, #tpu.memory_space<vmem>>, %arg7: memref<16x256xf32, #tpu.memory_space<vmem>>, %arg8: memref<256x16xf32, #tpu.memory_space<vmem>>, %arg9: memref<400x128xf32, #tpu.memory_space<vmem>>) attributes {dimension_semantics = [#tpu.dimension_semantics<arbitrary>], iteration_bounds = array<i64: 25>, scalar_prefetch = 0 : i64, scratch_operands = 0 : i64, tpu.core_type = #tpu.core_type<tc>, window_params = [{transform_indices = @transform_0, window_bounds = array<i64: 400, 128>}, {transform_indices = @transform_1, window_bounds = array<i64: 400, 128>}, {pipeline_mode = #tpu.pipeline_mode<synchronous>, transform_indices = @transform_2, window_bounds = array<i64: 16, 128>}, {pipeline_mode = #tpu.pipeline_mode<synchronous>, transform_indices = @transform_3, window_bounds = array<i64: 1, 128>}, {pipeline_mode = #tpu.pipeline_mode<synchronous>, transform_indices = @transform_4, window_bounds = array<i64: 128, 256>}, {pipeline_mode = #tpu.pipeline_mode<synchronous>, transform_indices = @transform_5, window_bounds = array<i64: 1, 256>}, {pipeline_mode = #tpu.pipeline_mode<synchronous>, transform_indices = @transform_6, window_bounds = array<i64: 16, 256>}, {pipeline_mode = #tpu.pipeline_mode<synchronous>, transform_indices = @transform_7, window_bounds = array<i64: 256, 16>}, {transform_indices = @transform_8, window_bounds = array<i64: 400, 128>}]} {
    %get3A = arith.constant 0 : index
    %get3A_0 = arith.constant 0 : index
    %get3A_1 = vector.load %arg1[%get3A, %get3A_0] : memref<400x128xf32, #tpu.memory_space<vmem>>, vector<400x128xf32>
    %slice3A = vector.extract_strided_slice %get3A_1 {offsets = [0, 0], sizes = [400, 16], strides = [1, 1]} : vector<400x128xf32> to vector<400x16xf32>
    %slice3A_2 = vector.extract_strided_slice %get3A_1 {offsets = [0, 16], sizes = [400, 16], strides = [1, 1]} : vector<400x128xf32> to vector<400x16xf32>
    %slice3A_3 = vector.extract_strided_slice %get3A_1 {offsets = [0, 32], sizes = [400, 16], strides = [1, 1]} : vector<400x128xf32> to vector<400x16xf32>
    %slice3A_4 = vector.extract_strided_slice %get3A_1 {offsets = [0, 48], sizes = [400, 16], strides = [1, 1]} : vector<400x128xf32> to vector<400x16xf32>
    %slice3A_5 = vector.extract_strided_slice %get3A_1 {offsets = [0, 64], sizes = [400, 16], strides = [1, 1]} : vector<400x128xf32> to vector<400x16xf32>
    %slice3A_6 = vector.extract_strided_slice %get3A_1 {offsets = [0, 80], sizes = [400, 16], strides = [1, 1]} : vector<400x128xf32> to vector<400x16xf32>
    %slice3A_7 = vector.extract_strided_slice %get3A_1 {offsets = [0, 96], sizes = [400, 16], strides = [1, 1]} : vector<400x128xf32> to vector<400x16xf32>
    %slice3A_8 = vector.extract_strided_slice %get3A_1 {offsets = [0, 112], sizes = [400, 16], strides = [1, 1]} : vector<400x128xf32> to vector<400x16xf32>
    %concatenate3A = tpu.concatenate %slice3A, %slice3A_2, %slice3A_3, %slice3A_4, %slice3A_5, %slice3A_6, %slice3A_7, %slice3A_8 in 0 : vector<400x16xf32>, vector<400x16xf32>, vector<400x16xf32>, vector<400x16xf32>, vector<400x16xf32>, vector<400x16xf32>, vector<400x16xf32>, vector<400x16xf32> -> vector<3200x16xf32>
    %convert_element_type3A = arith.truncf %concatenate3A : vector<3200x16xf32> to vector<3200x16xbf16>
    %get3A_9 = arith.constant 0 : index
    %get3A_10 = arith.constant 0 : index
    %get3A_11 = vector.load %arg2[%get3A_9, %get3A_10] : memref<400x128xf32, #tpu.memory_space<vmem>>, vector<400x128xf32>
    %slice3A_12 = vector.extract_strided_slice %get3A_11 {offsets = [0, 0], sizes = [400, 16], strides = [1, 1]} : vector<400x128xf32> to vector<400x16xf32>
    %slice3A_13 = vector.extract_strided_slice %get3A_11 {offsets = [0, 16], sizes = [400, 16], strides = [1, 1]} : vector<400x128xf32> to vector<400x16xf32>
    %slice3A_14 = vector.extract_strided_slice %get3A_11 {offsets = [0, 32], sizes = [400, 16], strides = [1, 1]} : vector<400x128xf32> to vector<400x16xf32>
    %slice3A_15 = vector.extract_strided_slice %get3A_11 {offsets = [0, 48], sizes = [400, 16], strides = [1, 1]} : vector<400x128xf32> to vector<400x16xf32>
    %slice3A_16 = vector.extract_strided_slice %get3A_11 {offsets = [0, 64], sizes = [400, 16], strides = [1, 1]} : vector<400x128xf32> to vector<400x16xf32>
    %slice3A_17 = vector.extract_strided_slice %get3A_11 {offsets = [0, 80], sizes = [400, 16], strides = [1, 1]} : vector<400x128xf32> to vector<400x16xf32>
    %slice3A_18 = vector.extract_strided_slice %get3A_11 {offsets = [0, 96], sizes = [400, 16], strides = [1, 1]} : vector<400x128xf32> to vector<400x16xf32>
    %slice3A_19 = vector.extract_strided_slice %get3A_11 {offsets = [0, 112], sizes = [400, 16], strides = [1, 1]} : vector<400x128xf32> to vector<400x16xf32>
    %concatenate3A_20 = tpu.concatenate %slice3A_12, %slice3A_13, %slice3A_14, %slice3A_15, %slice3A_16, %slice3A_17, %slice3A_18, %slice3A_19 in 0 : vector<400x16xf32>, vector<400x16xf32>, vector<400x16xf32>, vector<400x16xf32>, vector<400x16xf32>, vector<400x16xf32>, vector<400x16xf32>, vector<400x16xf32> -> vector<3200x16xf32>
    %get3A_21 = arith.constant 0 : index
    %get3A_22 = arith.constant 0 : index
    %get3A_23 = vector.load %arg3[%get3A_21, %get3A_22] : memref<16x128xf32, #tpu.memory_space<vmem>>, vector<16x128xf32>
    %convert_element_type3A_24 = arith.truncf %get3A_23 : vector<16x128xf32> to vector<16x128xbf16>
    %dot_general3A = arith.constant dense<0.000000e+00> : vector<3200x128xf32>
    %dot_general3A_25 = tpu.matmul %convert_element_type3A, %convert_element_type3A_24, %dot_general3A {dimension_numbers = #tpu.dot_dimension_numbers<[1], [0], [0], [1], [0, 0, 1, 1], [], []>, transpose_lhs_hint = false} : vector<3200x16xbf16>, vector<16x128xbf16>, vector<3200x128xf32> -> vector<3200x128xf32>
    %get3A_26 = arith.constant 0 : index
    %get3A_27 = arith.constant 0 : index
    %get3A_28 = vector.load %arg4[%get3A_26, %get3A_27] : memref<1x128xf32, #tpu.memory_space<vmem>>, vector<1x128xf32>
    %add3A = vector.broadcast %get3A_28 : vector<1x128xf32> to vector<3200x128xf32>
    %add3A_29 = arith.addf %dot_general3A_25, %add3A : vector<3200x128xf32>
    %max3A = arith.constant 0.000000e+00 : f32
    %max3A_30 = vector.broadcast %max3A : f32 to vector<3200x128xf32>
    %max3A_31 = arith.maximumf %add3A_29, %max3A_30 : vector<3200x128xf32>
    %convert_element_type3A_32 = arith.truncf %max3A_31 : vector<3200x128xf32> to vector<3200x128xbf16>
    %get3A_33 = arith.constant 0 : index
    %get3A_34 = arith.constant 0 : index
    %get3A_35 = vector.load %arg5[%get3A_33, %get3A_34] : memref<128x256xf32, #tpu.memory_space<vmem>>, vector<128x256xf32>
    %convert_element_type3A_36 = arith.truncf %get3A_35 : vector<128x256xf32> to vector<128x256xbf16>
    %dot_general3A_37 = arith.constant dense<0.000000e+00> : vector<3200x256xf32>
    %dot_general3A_38 = tpu.matmul %convert_element_type3A_32, %convert_element_type3A_36, %dot_general3A_37 {dimension_numbers = #tpu.dot_dimension_numbers<[1], [0], [0], [1], [0, 0, 1, 1], [], []>, transpose_lhs_hint = false} : vector<3200x128xbf16>, vector<128x256xbf16>, vector<3200x256xf32> -> vector<3200x256xf32>
    %get3A_39 = arith.constant 0 : index
    %get3A_40 = arith.constant 0 : index
    %get3A_41 = vector.load %arg6[%get3A_39, %get3A_40] : memref<1x256xf32, #tpu.memory_space<vmem>>, vector<1x256xf32>
    %add3A_42 = vector.broadcast %get3A_41 : vector<1x256xf32> to vector<3200x256xf32>
    %add3A_43 = arith.addf %dot_general3A_38, %add3A_42 : vector<3200x256xf32>
    %get3A_44 = arith.constant 0 : index
    %get3A_45 = arith.constant 0 : index
    %get3A_46 = vector.load %arg7[%get3A_44, %get3A_45] : memref<16x256xf32, #tpu.memory_space<vmem>>, vector<16x256xf32>
    %dot_general3A_47 = arith.constant dense<0.000000e+00> : vector<3200x256xf32>
    %dot_general3A_48 = tpu.matmul %concatenate3A_20, %get3A_46, %dot_general3A_47 {dimension_numbers = #tpu.dot_dimension_numbers<[1], [0], [0], [1], [0, 0, 1, 1], [], []>, transpose_lhs_hint = false} : vector<3200x16xf32>, vector<16x256xf32>, vector<3200x256xf32> -> vector<3200x256xf32>
    %mul3A = arith.mulf %dot_general3A_48, %add3A_43 : vector<3200x256xf32>
    %get3A_49 = arith.constant 0 : index
    %get3A_50 = arith.constant 0 : index
    %get3A_51 = vector.load %arg8[%get3A_49, %get3A_50] : memref<256x16xf32, #tpu.memory_space<vmem>>, vector<256x16xf32>
    %dot_general3A_52 = arith.constant dense<0.000000e+00> : vector<3200x16xf32>
    %dot_general3A_53 = tpu.matmul %mul3A, %get3A_51, %dot_general3A_52 {dimension_numbers = #tpu.dot_dimension_numbers<[1], [0], [0], [1], [0, 0, 1, 1], [], []>, transpose_lhs_hint = false} : vector<3200x256xf32>, vector<256x16xf32>, vector<3200x16xf32> -> vector<3200x16xf32>
    %slice3A_54 = vector.extract_strided_slice %dot_general3A_53 {offsets = [0, 0], sizes = [400, 16], strides = [1, 1]} : vector<3200x16xf32> to vector<400x16xf32>
    %slice3A_55 = vector.extract_strided_slice %dot_general3A_53 {offsets = [400, 0], sizes = [400, 16], strides = [1, 1]} : vector<3200x16xf32> to vector<400x16xf32>
    %slice3A_56 = vector.extract_strided_slice %dot_general3A_53 {offsets = [800, 0], sizes = [400, 16], strides = [1, 1]} : vector<3200x16xf32> to vector<400x16xf32>
    %slice3A_57 = vector.extract_strided_slice %dot_general3A_53 {offsets = [1200, 0], sizes = [400, 16], strides = [1, 1]} : vector<3200x16xf32> to vector<400x16xf32>
    %slice3A_58 = vector.extract_strided_slice %dot_general3A_53 {offsets = [1600, 0], sizes = [400, 16], strides = [1, 1]} : vector<3200x16xf32> to vector<400x16xf32>
    %slice3A_59 = vector.extract_strided_slice %dot_general3A_53 {offsets = [2000, 0], sizes = [400, 16], strides = [1, 1]} : vector<3200x16xf32> to vector<400x16xf32>
    %slice3A_60 = vector.extract_strided_slice %dot_general3A_53 {offsets = [2400, 0], sizes = [400, 16], strides = [1, 1]} : vector<3200x16xf32> to vector<400x16xf32>
    %slice3A_61 = vector.extract_strided_slice %dot_general3A_53 {offsets = [2800, 0], sizes = [400, 16], strides = [1, 1]} : vector<3200x16xf32> to vector<400x16xf32>
    %concatenate3A_62 = tpu.concatenate %slice3A_54, %slice3A_55, %slice3A_56, %slice3A_57, %slice3A_58, %slice3A_59, %slice3A_60, %slice3A_61 in 1 : vector<400x16xf32>, vector<400x16xf32>, vector<400x16xf32>, vector<400x16xf32>, vector<400x16xf32>, vector<400x16xf32>, vector<400x16xf32>, vector<400x16xf32> -> vector<400x128xf32>
    %swap3A = arith.constant 0 : index
    %swap3A_63 = arith.constant 0 : index
    %swap3A_64 = vector.load %arg9[%swap3A, %swap3A_63] : memref<400x128xf32, #tpu.memory_space<vmem>>, vector<400x128xf32>
    tpu.vector_store %arg9[%swap3A, %swap3A_63], %concatenate3A_62 {strides = array<i32>} : memref<400x128xf32, #tpu.memory_space<vmem>>, vector<400x128xf32>,
    return
  }
  func.func @transform_0(%arg0: i32) -> (i32, i32) {
    %add3A = arith.constant 25 : i32
    %add3A_0 = arith.addi %arg0, %add3A : i32
    %c0_i32 = arith.constant 0 : i32
    %c0_i32_1 = arith.constant 0 : i32
    return %add3A_0, %c0_i32 : i32, i32
  }
  func.func @transform_1(%arg0: i32) -> (i32, i32) {
    %c0_i32 = arith.constant 0 : i32
    %c0_i32_0 = arith.constant 0 : i32
    return %arg0, %c0_i32 : i32, i32
  }
  func.func @transform_2(%arg0: i32) -> (i32, i32) {
    %c0_i32 = arith.constant 0 : i32
    %c0_i32_0 = arith.constant 0 : i32
    %c0_i32_1 = arith.constant 0 : i32
    return %c0_i32, %c0_i32_0 : i32, i32
  }
  func.func @transform_3(%arg0: i32) -> (i32, i32) {
    %c0_i32 = arith.constant 0 : i32
    %c0_i32_0 = arith.constant 0 : i32
    %c0_i32_1 = arith.constant 0 : i32
    return %c0_i32, %c0_i32_0 : i32, i32
  }
  func.func @transform_4(%arg0: i32) -> (i32, i32) {
    %c0_i32 = arith.constant 0 : i32
    %c0_i32_0 = arith.constant 0 : i32
    %c0_i32_1 = arith.constant 0 : i32
    return %c0_i32, %c0_i32_0 : i32, i32
  }
  func.func @transform_5(%arg0: i32) -> (i32, i32) {
    %c0_i32 = arith.constant 0 : i32
    %c0_i32_0 = arith.constant 0 : i32
    %c0_i32_1 = arith.constant 0 : i32
    return %c0_i32, %c0_i32_0 : i32, i32
  }
  func.func @transform_6(%arg0: i32) -> (i32, i32) {
    %c0_i32 = arith.constant 0 : i32
    %c0_i32_0 = arith.constant 0 : i32
    %c0_i32_1 = arith.constant 0 : i32
    return %c0_i32, %c0_i32_0 : i32, i32
  }
  func.func @transform_7(%arg0: i32) -> (i32, i32) {
    %c0_i32 = arith.constant 0 : i32
    %c0_i32_0 = arith.constant 0 : i32
    %c0_i32_1 = arith.constant 0 : i32
    return %c0_i32, %c0_i32_0 : i32, i32
  }
  func.func @transform_8(%arg0: i32) -> (i32, i32) {
    %c0_i32 = arith.constant 0 : i32
    %c0_i32_0 = arith.constant 0 : i32
    return %arg0, %c0_i32 : i32, i32
  }
}

module attributes {stable_mosaic.version = 14 : i64} {
  func.func @_node_body(%arg0: memref<1250x128xf32, #tpu.memory_space<vmem>>, %arg1: memref<2528x128xf32, #tpu.memory_space<vmem>>, %arg2: memref<2528x128xf32, #tpu.memory_space<vmem>>, %arg3: memref<2528x128xf32, #tpu.memory_space<vmem>>, %arg4: memref<2528x128xf32, #tpu.memory_space<vmem>>, %arg5: memref<16x16xf32, #tpu.memory_space<vmem>>, %arg6: memref<1x128xf32, #tpu.memory_space<vmem>>, %arg7: memref<1250x128xf32, #tpu.memory_space<vmem>>) attributes {dimension_semantics = [], scalar_prefetch = 0 : i64, scratch_operands = 0 : i64, tpu.core_type = #tpu.core_type<tc>} {
    %get3A = arith.constant 0 : index
    %get3A_0 = arith.constant 0 : index
    %get3A_1 = vector.load %arg1[%get3A, %get3A_0] : memref<2528x128xf32, #tpu.memory_space<vmem>>, vector<1250x128xf32>
    %get3A_2 = arith.constant 1264 : index
    %get3A_3 = arith.constant 0 : index
    %get3A_4 = vector.load %arg1[%get3A_2, %get3A_3] : memref<2528x128xf32, #tpu.memory_space<vmem>>, vector<1250x128xf32>
    %add3A = arith.addf %get3A_1, %get3A_4 : vector<1250x128xf32>
    %add3A_5 = arith.constant 0.000000e+00 : f32
    %add3A_6 = vector.broadcast %add3A_5 : f32 to vector<1250x128xf32>
    %add3A_7 = arith.addf %add3A_6, %add3A : vector<1250x128xf32>
    %get3A_8 = arith.constant 0 : index
    %get3A_9 = arith.constant 0 : index
    %get3A_10 = vector.load %arg2[%get3A_8, %get3A_9] : memref<2528x128xf32, #tpu.memory_space<vmem>>, vector<1250x128xf32>
    %get3A_11 = arith.constant 1264 : index
    %get3A_12 = arith.constant 0 : index
    %get3A_13 = vector.load %arg2[%get3A_11, %get3A_12] : memref<2528x128xf32, #tpu.memory_space<vmem>>, vector<1250x128xf32>
    %add3A_14 = arith.addf %get3A_10, %get3A_13 : vector<1250x128xf32>
    %add3A_15 = arith.addf %add3A_7, %add3A_14 : vector<1250x128xf32>
    %get3A_16 = arith.constant 0 : index
    %get3A_17 = arith.constant 0 : index
    %get3A_18 = vector.load %arg3[%get3A_16, %get3A_17] : memref<2528x128xf32, #tpu.memory_space<vmem>>, vector<1250x128xf32>
    %get3A_19 = arith.constant 1264 : index
    %get3A_20 = arith.constant 0 : index
    %get3A_21 = vector.load %arg3[%get3A_19, %get3A_20] : memref<2528x128xf32, #tpu.memory_space<vmem>>, vector<1250x128xf32>
    %add3A_22 = arith.addf %get3A_18, %get3A_21 : vector<1250x128xf32>
    %add3A_23 = arith.constant 0.000000e+00 : f32
    %add3A_24 = vector.broadcast %add3A_23 : f32 to vector<1250x128xf32>
    %add3A_25 = arith.addf %add3A_24, %add3A_22 : vector<1250x128xf32>
    %get3A_26 = arith.constant 0 : index
    %get3A_27 = arith.constant 0 : index
    %get3A_28 = vector.load %arg4[%get3A_26, %get3A_27] : memref<2528x128xf32, #tpu.memory_space<vmem>>, vector<1250x128xf32>
    %get3A_29 = arith.constant 1264 : index
    %get3A_30 = arith.constant 0 : index
    %get3A_31 = vector.load %arg4[%get3A_29, %get3A_30] : memref<2528x128xf32, #tpu.memory_space<vmem>>, vector<1250x128xf32>
    %add3A_32 = arith.addf %get3A_28, %get3A_31 : vector<1250x128xf32>
    %add3A_33 = arith.addf %add3A_25, %add3A_32 : vector<1250x128xf32>
    %max3A = arith.constant 1.000000e+00 : f32
    %max3A_34 = vector.broadcast %max3A : f32 to vector<1250x128xf32>
    %max3A_35 = arith.maximumf %add3A_33, %max3A_34 : vector<1250x128xf32>
    %div3A = arith.constant 1.000000e+00 : f32
    %div3A_36 = vector.broadcast %div3A : f32 to vector<1250x128xf32>
    %div3A_37 = arith.divf %div3A_36, %max3A_35 : vector<1250x128xf32>
    %get3A_38 = arith.constant 0 : index
    %get3A_39 = arith.constant 0 : index
    %get3A_40 = vector.load %arg0[%get3A_38, %get3A_39] : memref<1250x128xf32, #tpu.memory_space<vmem>>, vector<1250x128xf32>
    %slice3A = vector.extract_strided_slice %get3A_40 {offsets = [0, 0], sizes = [1250, 16], strides = [1, 1]} : vector<1250x128xf32> to vector<1250x16xf32>
    %slice3A_41 = vector.extract_strided_slice %get3A_40 {offsets = [0, 16], sizes = [1250, 16], strides = [1, 1]} : vector<1250x128xf32> to vector<1250x16xf32>
    %slice3A_42 = vector.extract_strided_slice %get3A_40 {offsets = [0, 32], sizes = [1250, 16], strides = [1, 1]} : vector<1250x128xf32> to vector<1250x16xf32>
    %slice3A_43 = vector.extract_strided_slice %get3A_40 {offsets = [0, 48], sizes = [1250, 16], strides = [1, 1]} : vector<1250x128xf32> to vector<1250x16xf32>
    %slice3A_44 = vector.extract_strided_slice %get3A_40 {offsets = [0, 64], sizes = [1250, 16], strides = [1, 1]} : vector<1250x128xf32> to vector<1250x16xf32>
    %slice3A_45 = vector.extract_strided_slice %get3A_40 {offsets = [0, 80], sizes = [1250, 16], strides = [1, 1]} : vector<1250x128xf32> to vector<1250x16xf32>
    %slice3A_46 = vector.extract_strided_slice %get3A_40 {offsets = [0, 96], sizes = [1250, 16], strides = [1, 1]} : vector<1250x128xf32> to vector<1250x16xf32>
    %slice3A_47 = vector.extract_strided_slice %get3A_40 {offsets = [0, 112], sizes = [1250, 16], strides = [1, 1]} : vector<1250x128xf32> to vector<1250x16xf32>
    %concatenate3A = tpu.concatenate %slice3A, %slice3A_41, %slice3A_42, %slice3A_43, %slice3A_44, %slice3A_45, %slice3A_46, %slice3A_47 in 0 : vector<1250x16xf32>, vector<1250x16xf32>, vector<1250x16xf32>, vector<1250x16xf32>, vector<1250x16xf32>, vector<1250x16xf32>, vector<1250x16xf32>, vector<1250x16xf32> -> vector<10000x16xf32>
    %get3A_48 = arith.constant 0 : index
    %get3A_49 = arith.constant 0 : index
    %get3A_50 = vector.load %arg5[%get3A_48, %get3A_49] : memref<16x16xf32, #tpu.memory_space<vmem>>, vector<16x16xf32>
    %dot_general3A = arith.constant dense<0.000000e+00> : vector<10000x16xf32>
    %dot_general3A_51 = tpu.matmul %concatenate3A, %get3A_50, %dot_general3A {dimension_numbers = #tpu.dot_dimension_numbers<[1], [0], [0], [1], [0, 0, 1, 1], [], []>, transpose_lhs_hint = false} : vector<10000x16xf32>, vector<16x16xf32>, vector<10000x16xf32> -> vector<10000x16xf32>
    %slice3A_52 = vector.extract_strided_slice %dot_general3A_51 {offsets = [0, 0], sizes = [1250, 16], strides = [1, 1]} : vector<10000x16xf32> to vector<1250x16xf32>
    %slice3A_53 = vector.extract_strided_slice %dot_general3A_51 {offsets = [1250, 0], sizes = [1250, 16], strides = [1, 1]} : vector<10000x16xf32> to vector<1250x16xf32>
    %slice3A_54 = vector.extract_strided_slice %dot_general3A_51 {offsets = [2500, 0], sizes = [1250, 16], strides = [1, 1]} : vector<10000x16xf32> to vector<1250x16xf32>
    %slice3A_55 = vector.extract_strided_slice %dot_general3A_51 {offsets = [3750, 0], sizes = [1250, 16], strides = [1, 1]} : vector<10000x16xf32> to vector<1250x16xf32>
    %slice3A_56 = vector.extract_strided_slice %dot_general3A_51 {offsets = [5000, 0], sizes = [1250, 16], strides = [1, 1]} : vector<10000x16xf32> to vector<1250x16xf32>
    %slice3A_57 = vector.extract_strided_slice %dot_general3A_51 {offsets = [6250, 0], sizes = [1250, 16], strides = [1, 1]} : vector<10000x16xf32> to vector<1250x16xf32>
    %slice3A_58 = vector.extract_strided_slice %dot_general3A_51 {offsets = [7500, 0], sizes = [1250, 16], strides = [1, 1]} : vector<10000x16xf32> to vector<1250x16xf32>
    %slice3A_59 = vector.extract_strided_slice %dot_general3A_51 {offsets = [8750, 0], sizes = [1250, 16], strides = [1, 1]} : vector<10000x16xf32> to vector<1250x16xf32>
    %concatenate3A_60 = tpu.concatenate %slice3A_52, %slice3A_53, %slice3A_54, %slice3A_55, %slice3A_56, %slice3A_57, %slice3A_58, %slice3A_59 in 1 : vector<1250x16xf32>, vector<1250x16xf32>, vector<1250x16xf32>, vector<1250x16xf32>, vector<1250x16xf32>, vector<1250x16xf32>, vector<1250x16xf32>, vector<1250x16xf32> -> vector<1250x128xf32>
    %mul3A = arith.mulf %add3A_15, %div3A_37 : vector<1250x128xf32>
    %add3A_61 = arith.addf %concatenate3A_60, %mul3A : vector<1250x128xf32>
    %get3A_62 = arith.constant 0 : index
    %get3A_63 = arith.constant 0 : index
    %get3A_64 = vector.load %arg6[%get3A_62, %get3A_63] : memref<1x128xf32, #tpu.memory_space<vmem>>, vector<1x128xf32>
    %add3A_65 = vector.broadcast %get3A_64 : vector<1x128xf32> to vector<1250x128xf32>
    %add3A_66 = arith.addf %add3A_61, %add3A_65 : vector<1250x128xf32>
    %max3A_67 = arith.constant 0.000000e+00 : f32
    %max3A_68 = vector.broadcast %max3A_67 : f32 to vector<1250x128xf32>
    %max3A_69 = arith.maximumf %add3A_66, %max3A_68 : vector<1250x128xf32>
    %swap3A = arith.constant 0 : index
    %swap3A_70 = arith.constant 0 : index
    %swap3A_71 = vector.load %arg7[%swap3A, %swap3A_70] : memref<1250x128xf32, #tpu.memory_space<vmem>>, vector<1250x128xf32>
    tpu.vector_store %arg7[%swap3A, %swap3A_70], %max3A_69 {strides = array<i32>} : memref<1250x128xf32, #tpu.memory_space<vmem>>, vector<1250x128xf32>,
    return
  }
}

module attributes {stable_mosaic.version = 14 : i64} {
  func.func @_node_body(%arg0: memref<1250x128xf32, #tpu.memory_space<vmem>>, %arg1: memref<2528x128xf32, #tpu.memory_space<vmem>>, %arg2: memref<2528x128xf32, #tpu.memory_space<vmem>>, %arg3: memref<2528x128xf32, #tpu.memory_space<vmem>>, %arg4: memref<2528x128xf32, #tpu.memory_space<vmem>>, %arg5: memref<16x16xf32, #tpu.memory_space<vmem>>, %arg6: memref<1x128xf32, #tpu.memory_space<vmem>>, %arg7: memref<1250x128xf32, #tpu.memory_space<vmem>>) attributes {dimension_semantics = [], scalar_prefetch = 0 : i64, scratch_operands = 0 : i64, tpu.core_type = #tpu.core_type<tc>} {
    %get3A = arith.constant 0 : index
    %get3A_0 = arith.constant 0 : index
    %get3A_1 = vector.load %arg1[%get3A, %get3A_0] : memref<2528x128xf32, #tpu.memory_space<vmem>>, vector<1250x128xf32>
    %get3A_2 = arith.constant 1264 : index
    %get3A_3 = arith.constant 0 : index
    %get3A_4 = vector.load %arg1[%get3A_2, %get3A_3] : memref<2528x128xf32, #tpu.memory_space<vmem>>, vector<1250x128xf32>
    %add3A = arith.addf %get3A_1, %get3A_4 : vector<1250x128xf32>
    %add3A_5 = arith.constant 0.000000e+00 : f32
    %add3A_6 = vector.broadcast %add3A_5 : f32 to vector<1250x128xf32>
    %add3A_7 = arith.addf %add3A_6, %add3A : vector<1250x128xf32>
    %get3A_8 = arith.constant 0 : index
    %get3A_9 = arith.constant 0 : index
    %get3A_10 = vector.load %arg2[%get3A_8, %get3A_9] : memref<2528x128xf32, #tpu.memory_space<vmem>>, vector<1250x128xf32>
    %get3A_11 = arith.constant 1264 : index
    %get3A_12 = arith.constant 0 : index
    %get3A_13 = vector.load %arg2[%get3A_11, %get3A_12] : memref<2528x128xf32, #tpu.memory_space<vmem>>, vector<1250x128xf32>
    %add3A_14 = arith.addf %get3A_10, %get3A_13 : vector<1250x128xf32>
    %add3A_15 = arith.addf %add3A_7, %add3A_14 : vector<1250x128xf32>
    %get3A_16 = arith.constant 0 : index
    %get3A_17 = arith.constant 0 : index
    %get3A_18 = vector.load %arg3[%get3A_16, %get3A_17] : memref<2528x128xf32, #tpu.memory_space<vmem>>, vector<1250x128xf32>
    %get3A_19 = arith.constant 1264 : index
    %get3A_20 = arith.constant 0 : index
    %get3A_21 = vector.load %arg3[%get3A_19, %get3A_20] : memref<2528x128xf32, #tpu.memory_space<vmem>>, vector<1250x128xf32>
    %add3A_22 = arith.addf %get3A_18, %get3A_21 : vector<1250x128xf32>
    %add3A_23 = arith.constant 0.000000e+00 : f32
    %add3A_24 = vector.broadcast %add3A_23 : f32 to vector<1250x128xf32>
    %add3A_25 = arith.addf %add3A_24, %add3A_22 : vector<1250x128xf32>
    %get3A_26 = arith.constant 0 : index
    %get3A_27 = arith.constant 0 : index
    %get3A_28 = vector.load %arg4[%get3A_26, %get3A_27] : memref<2528x128xf32, #tpu.memory_space<vmem>>, vector<1250x128xf32>
    %get3A_29 = arith.constant 1264 : index
    %get3A_30 = arith.constant 0 : index
    %get3A_31 = vector.load %arg4[%get3A_29, %get3A_30] : memref<2528x128xf32, #tpu.memory_space<vmem>>, vector<1250x128xf32>
    %add3A_32 = arith.addf %get3A_28, %get3A_31 : vector<1250x128xf32>
    %add3A_33 = arith.addf %add3A_25, %add3A_32 : vector<1250x128xf32>
    %max3A = arith.constant 1.000000e+00 : f32
    %max3A_34 = vector.broadcast %max3A : f32 to vector<1250x128xf32>
    %max3A_35 = arith.maximumf %add3A_33, %max3A_34 : vector<1250x128xf32>
    %div3A = arith.constant 1.000000e+00 : f32
    %div3A_36 = vector.broadcast %div3A : f32 to vector<1250x128xf32>
    %div3A_37 = arith.divf %div3A_36, %max3A_35 : vector<1250x128xf32>
    %get3A_38 = arith.constant 0 : index
    %get3A_39 = arith.constant 0 : index
    %get3A_40 = vector.load %arg0[%get3A_38, %get3A_39] : memref<1250x128xf32, #tpu.memory_space<vmem>>, vector<1250x128xf32>
    %slice3A = vector.extract_strided_slice %get3A_40 {offsets = [0, 0], sizes = [1250, 16], strides = [1, 1]} : vector<1250x128xf32> to vector<1250x16xf32>
    %slice3A_41 = vector.extract_strided_slice %get3A_40 {offsets = [0, 16], sizes = [1250, 16], strides = [1, 1]} : vector<1250x128xf32> to vector<1250x16xf32>
    %slice3A_42 = vector.extract_strided_slice %get3A_40 {offsets = [0, 32], sizes = [1250, 16], strides = [1, 1]} : vector<1250x128xf32> to vector<1250x16xf32>
    %slice3A_43 = vector.extract_strided_slice %get3A_40 {offsets = [0, 48], sizes = [1250, 16], strides = [1, 1]} : vector<1250x128xf32> to vector<1250x16xf32>
    %slice3A_44 = vector.extract_strided_slice %get3A_40 {offsets = [0, 64], sizes = [1250, 16], strides = [1, 1]} : vector<1250x128xf32> to vector<1250x16xf32>
    %slice3A_45 = vector.extract_strided_slice %get3A_40 {offsets = [0, 80], sizes = [1250, 16], strides = [1, 1]} : vector<1250x128xf32> to vector<1250x16xf32>
    %slice3A_46 = vector.extract_strided_slice %get3A_40 {offsets = [0, 96], sizes = [1250, 16], strides = [1, 1]} : vector<1250x128xf32> to vector<1250x16xf32>
    %slice3A_47 = vector.extract_strided_slice %get3A_40 {offsets = [0, 112], sizes = [1250, 16], strides = [1, 1]} : vector<1250x128xf32> to vector<1250x16xf32>
    %concatenate3A = tpu.concatenate %slice3A, %slice3A_41, %slice3A_42, %slice3A_43, %slice3A_44, %slice3A_45, %slice3A_46, %slice3A_47 in 0 : vector<1250x16xf32>, vector<1250x16xf32>, vector<1250x16xf32>, vector<1250x16xf32>, vector<1250x16xf32>, vector<1250x16xf32>, vector<1250x16xf32>, vector<1250x16xf32> -> vector<10000x16xf32>
    %get3A_48 = arith.constant 0 : index
    %get3A_49 = arith.constant 0 : index
    %get3A_50 = vector.load %arg5[%get3A_48, %get3A_49] : memref<16x16xf32, #tpu.memory_space<vmem>>, vector<16x16xf32>
    %dot_general3A = arith.constant dense<0.000000e+00> : vector<10000x16xf32>
    %dot_general3A_51 = tpu.matmul %concatenate3A, %get3A_50, %dot_general3A {dimension_numbers = #tpu.dot_dimension_numbers<[1], [0], [0], [1], [0, 0, 1, 1], [], []>, transpose_lhs_hint = false} : vector<10000x16xf32>, vector<16x16xf32>, vector<10000x16xf32> -> vector<10000x16xf32>
    %slice3A_52 = vector.extract_strided_slice %dot_general3A_51 {offsets = [0, 0], sizes = [1250, 16], strides = [1, 1]} : vector<10000x16xf32> to vector<1250x16xf32>
    %slice3A_53 = vector.extract_strided_slice %dot_general3A_51 {offsets = [1250, 0], sizes = [1250, 16], strides = [1, 1]} : vector<10000x16xf32> to vector<1250x16xf32>
    %slice3A_54 = vector.extract_strided_slice %dot_general3A_51 {offsets = [2500, 0], sizes = [1250, 16], strides = [1, 1]} : vector<10000x16xf32> to vector<1250x16xf32>
    %slice3A_55 = vector.extract_strided_slice %dot_general3A_51 {offsets = [3750, 0], sizes = [1250, 16], strides = [1, 1]} : vector<10000x16xf32> to vector<1250x16xf32>
    %slice3A_56 = vector.extract_strided_slice %dot_general3A_51 {offsets = [5000, 0], sizes = [1250, 16], strides = [1, 1]} : vector<10000x16xf32> to vector<1250x16xf32>
    %slice3A_57 = vector.extract_strided_slice %dot_general3A_51 {offsets = [6250, 0], sizes = [1250, 16], strides = [1, 1]} : vector<10000x16xf32> to vector<1250x16xf32>
    %slice3A_58 = vector.extract_strided_slice %dot_general3A_51 {offsets = [7500, 0], sizes = [1250, 16], strides = [1, 1]} : vector<10000x16xf32> to vector<1250x16xf32>
    %slice3A_59 = vector.extract_strided_slice %dot_general3A_51 {offsets = [8750, 0], sizes = [1250, 16], strides = [1, 1]} : vector<10000x16xf32> to vector<1250x16xf32>
    %concatenate3A_60 = tpu.concatenate %slice3A_52, %slice3A_53, %slice3A_54, %slice3A_55, %slice3A_56, %slice3A_57, %slice3A_58, %slice3A_59 in 1 : vector<1250x16xf32>, vector<1250x16xf32>, vector<1250x16xf32>, vector<1250x16xf32>, vector<1250x16xf32>, vector<1250x16xf32>, vector<1250x16xf32>, vector<1250x16xf32> -> vector<1250x128xf32>
    %mul3A = arith.mulf %add3A_15, %div3A_37 : vector<1250x128xf32>
    %add3A_61 = arith.addf %concatenate3A_60, %mul3A : vector<1250x128xf32>
    %get3A_62 = arith.constant 0 : index
    %get3A_63 = arith.constant 0 : index
    %get3A_64 = vector.load %arg6[%get3A_62, %get3A_63] : memref<1x128xf32, #tpu.memory_space<vmem>>, vector<1x128xf32>
    %add3A_65 = vector.broadcast %get3A_64 : vector<1x128xf32> to vector<1250x128xf32>
    %add3A_66 = arith.addf %add3A_61, %add3A_65 : vector<1250x128xf32>
    %swap3A = arith.constant 0 : index
    %swap3A_67 = arith.constant 0 : index
    %swap3A_68 = vector.load %arg7[%swap3A, %swap3A_67] : memref<1250x128xf32, #tpu.memory_space<vmem>>, vector<1250x128xf32>
    tpu.vector_store %arg7[%swap3A, %swap3A_67], %add3A_66 {strides = array<i32>} : memref<1250x128xf32, #tpu.memory_space<vmem>>, vector<1250x128xf32>,
    return
  }
}

</mosaic_0001>

<sc_bundles>
// kernel: kernel.16.cloned.1.call-start
scs
__scs_entry_jumppad:
0x0: {  	(pc) =	sbr.rel $0x88, $3  }
0x1: {  	(tag) =	ssettag $0x0;
	lr =	simm.s32 $0x1  }
0x2: {  	[smem:$0x3F92] =	sst lr;
	_ =	strace $0xD0000000  }
0x3: {  	_ = 	snop  }
0x4: {  	_ = 	snop  }
0x5: {  	_ = 	snop  }
0x6: {  	_ = 	snop  }
0x7: {  	_ = 	snop  }
__scs_overlays_trampoline_lowered:
0x8: {  	[smem:$0x3FA1] =	sst s0  }
0x9: {  	[smem:$0x3FA2] =	sst s1  }
0xa: {  	[smem:$0x3FA3] =	sst s2  }
0xb: {  	[smem:$0x3FA4] =	sst s3  }
0xc: {  	[smem:$0x3FA5] =	sst s4  }
0xd: {  	[smem:$0x3FA6] =	sst s5  }
0xe: {  	[smem:$0x3FA7] =	sst s6  }
0xf: {  	[smem:$0x3FA8] =	sst s7  }
0x10: {  	[smem:$0x3FA9] =	sst s8  }
0x11: {  	[smem:$0x3FAA] =	sst s9;
	s0 =	simm.s32 @!p0 $0x0  }
0x12: {  	s1 =	sld [smem:$0x3F90];
	s0 =	simm.s32 @p0 $0x1  }
0x13: {  	[smem:$0x3FAB] =	sst s0;
	s0 =	simm.s32 @!p1 $0x0  }
0x14: {  	s2 =	sld [smem:$0x3F8F];
	s0 =	simm.s32 @p1 $0x1  }
0x15: {  	[smem:$0x3FAC] =	sst s0;
	s0 =	simm.s32 @!p2 $0x0  }
0x16: {  	s3 =	sld [smem:$0x3FDB];
	s0 =	simm.s32 @p2 $0x1  }
0x17: {  	s4 =	simm.s32 $0x1BF5;
	[smem:$0x3FAE] =	sst s0  }
0x18: {  	s0 =	sld [smem:$0x3F91];
	_ =	swait.ge [sflag:s4], $0x0  }
0x19: {  	s7 =	sld [smem:$0x3F92]  }
0x1a: {  	s8 =	sadd.s32 $0xFFFFE003, lr  }
0x1b: {  	s9 =	sadd.s32 $0xFFFFFEF7, lr;
	s5 =	simm.s32 $0xFFFFFFFF;
	p2 =	slt.u32 s8, $0xFFFFF086  }
0x1c: {  	p1 =	slt.u32 s9, $0xF7A;
	s5 =	simm.s32 @!p2 $0x0  }
0x1d: {  	s5 =	simm.s32 @p1 $0x1;
	p0 =	seq.s32 s7, s2  }
0x1e: {  	s7 =	smul.u32 @!p0 $0xF7A, s2;
	p2 =	seq.s32 @!p0 s5, $0x0  }
0x1f: {  	s9 =	smul.u32 $0xF7A, s1;
	s8 =	simm.s32 @!p0 $0x1BF5;
	p2 =	por !p2, p0  }
0x20: {  	[sflag:s8] =	ssyncset.s32 @!p0 $0xFFFFF086;
	s6 =	sadd.s32 @!p0 s3, s7;
	s7 =	simm.s32 @!p0 $0x108  }
0x21: {  	s3 =	sadd.s32 s3, s9;
	s6 =	sadd.s32 @!p0 $0x88, s6;
	s7 =	simm.s32 @p2 $0x1082  }
0x22: {  	[simem:s7], [sflag:s8] =	dma.local @!p0 [hbm:s6], $0xF7A  }
0x23: {  	s9 =	sor.u32 $0xD0000000, s2;
	s6 =	simm.s32 $0x108;
	_ =	swait.ge @!p0 [sflag:s8], $0x0  }
0x24: {  	s3 =	sadd.s32 $0x88, s3;
	s6 =	simm.s32 @!p1 $0x1082;
	[sflag:s4] =	ssyncset.s32 $0xFFFFF086  }
0x25: {  	[simem:s6], [sflag:s4] =	dma.local [hbm:s3], $0xF7A  }
0x26: {  	[smem:$0x3F92] =	sst s1;
	(tag) =	ssettag s2;
	_ =	strace s9  }
0x27: {  	s1 =	sld [smem:$0x3FA2]  }
0x28: {  	s2 =	sld [smem:$0x3FA3]  }
0x29: {  	s4 =	sld [smem:$0x3FA5]  }
0x2a: {  	p0 =	seq.s32 s5, $0x0;
	s5 =	sld [smem:$0x3FA6]  }
0x2b: {  	s6 =	sld [smem:$0x3FA7]  }
0x2c: {  	s7 =	sld [smem:$0x3FA8]  }
0x2d: {  	s3 =	simm.s32 $0x108;
	s8 =	sld [smem:$0x3FA9]  }
0x2e: {  	s3 =	simm.s32 @!p0 $0x1082;
	s9 =	sld [smem:$0x3FAA]  }
0x2f: {  	lr =	sadd.s32 s0, s3;
	s0 =	sld [smem:$0x3FA1]  }
0x30: {  	s3 =	sld [smem:$0x3FA4]  }
0x31: {  	[smem:$0x3FAD] =	sst s10  }
0x32: {  	s10 =	sld [smem:$0x3FAB];
	_ =	sdelay $0x3  }
0x33: {  	p0 =	seq.s32 s10, $0x1;
	s10 =	sld [smem:$0x3FAD];
	_ =	sdelay $0x3  }
0x34: {  	[smem:$0x3FAD] =	sst s10  }
0x35: {  	s10 =	sld [smem:$0x3FAC];
	_ =	sdelay $0x3  }
0x36: {  	p1 =	seq.s32 s10, $0x1;
	s10 =	sld [smem:$0x3FAD];
	_ =	sdelay $0x3  }
0x37: {  	[smem:$0x3FAD] =	sst s10  }
0x38: {  	s10 =	sld [smem:$0x3FAE]  }
0x39: {  	_ = 	snop;
	(pc) =	sbr.ind lr, $3  }
0x3a: {  	_ = 	snop  }
0x3b: {  	_ = 	snop  }
0x3c: {  	p2 =	seq.s32 s10, $0x1;
	s10 =	sld [smem:$0x3FAD]  }
0x3d: {  	_ =	shalt  }
0x3e: {  	_ =	shalt  }
0x3f: {  	_ =	shalt  }
0x40: {  	_ =	shalt  }
0x41: {  	_ =	shalt  }
0x42: {  	_ =	shalt  }
0x43: {  	_ =	shalt  }
0x44: {  	_ =	shalt  }
0x45: {  	_ =	shalt  }
0x46: {  	_ =	shalt  }
0x47: {  	_ =	shalt  }
0x48: {  	_ =	shalt  }
0x49: {  	_ =	shalt  }
0x4a: {  	_ =	shalt  }
0x4b: {  	_ =	shalt  }
0x4c: {  	_ =	shalt  }
0x4d: {  	_ =	shalt  }
0x4e: {  	_ =	shalt  }
0x4f: {  	_ =	shalt  }
0x50: {  	_ =	shalt  }
0x51: {  	_ =	shalt  }
0x52: {  	_ =	shalt  }
0x53: {  	_ =	shalt  }
0x54: {  	_ =	shalt  }
0x55: {  	_ =	shalt  }
0x56: {  	_ =	shalt  }
0x57: {  	_ =	shalt  }
0x58: {  	_ =	shalt  }
0x59: {  	_ =	shalt  }
0x5a: {  	_ =	shalt  }
0x5b: {  	_ =	shalt  }
0x5c: {  	_ =	shalt  }
0x5d: {  	_ =	shalt  }
0x5e: {  	_ =	shalt  }
0x5f: {  	_ =	shalt  }
0x60: {  	_ =	shalt  }
0x61: {  	_ =	shalt  }
0x62: {  	_ =	shalt  }
0x63: {  	_ =	shalt  }
0x64: {  	_ =	shalt  }
0x65: {  	_ =	shalt  }
0x66: {  	_ =	shalt  }
0x67: {  	_ =	shalt  }
0x68: {  	_ =	shalt  }
0x69: {  	_ =	shalt  }
0x6a: {  	_ =	shalt  }
0x6b: {  	_ =	shalt  }
0x6c: {  	_ =	shalt  }
0x6d: {  	_ =	shalt  }
0x6e: {  	_ =	shalt  }
0x6f: {  	_ =	shalt  }
0x70: {  	_ =	shalt  }
0x71: {  	_ =	shalt  }
0x72: {  	_ =	shalt  }
0x73: {  	_ =	shalt  }
0x74: {  	_ =	shalt  }
0x75: {  	_ =	shalt  }
0x76: {  	_ =	shalt  }
0x77: {  	_ =	shalt  }
0x78: {  	_ =	shalt  }
0x79: {  	_ =	shalt  }
0x7a: {  	_ =	shalt  }
0x7b: {  	_ =	shalt  }
0x7c: {  	_ =	shalt  }
0x7d: {  	_ =	shalt  }
0x7e: {  	_ =	shalt  }
0x7f: {  	_ =	shalt  }
0x80: {  	_ =	shalt  }
0x81: {  	_ =	shalt  }
0x82: {  	_ =	shalt  }
0x83: {  	_ =	shalt  }
0x84: {  	_ =	shalt  }
0x85: {  	_ =	shalt  }
0x86: {  	_ =	shalt  }
0x87: {  	_ =	shalt  }
.Lfunc_end0:
.L_simem_size_0:
called_computation_lowered:
.L_overlay_start_0:
0x88: {  	s2 =	sld [smem:$0x3FD9]  }
0x89: {  	s3 =	sld [smem:$0x3FFE];
	_ =	sdelay $0x1  }
0x8a: {  	s1 =	srdreg.scid  }
0x8b: {  	s0 =	sand.u32 $0x1, s1  }
0x8c: {  	s16 =	sshll.u32 s0, $0xA;
	s2 =	sadd.s32 s3, s2  }
0x8d: {  	s2 =	sadd.s32 s2, s16  }
0x8e: {  	[smem:$0x3FB9] =	sst s2  }
0x8f: {  	_ = 	snop  }
0x90: {  	(tm) =	ssettm $0x1  }
0x91: {  	s17 =	sld [smem:$0x3FFB];
	_ =	sdelay $0x3  }
0x92: {  	_ =	strace s17  }
0x93: {  	s2 =	sld [smem:$0x3FFC];
	_ =	sdelay $0x3  }
0x94: {  	_ =	strace s2  }
0x95: {  	s2 =	sld [smem:$0x3FFD];
	_ =	sdelay $0x3  }
0x96: {  	_ =	strace s2  }
0x97: {  	_ =	strace $0x8FFFFFFF  }
0x98: {  	s18 =	sld [smem:$0x3FDB];
	_ =	sdelay $0x1  }
0x99: {  	s19 =	simm.s32 $_scs_section_size  }
0x9a: {  	s4 =	simm.s32 $_size__tile_overlayer_lowered;
	s5 =	simm.s32 $_tile_overlayer_lowered  }
0x9b: {  	s22 =	simm.s32 $0x1BFF;
	s21 =	sshll.u32 s5, $0x1;
	s2 =	sadd.s32 s19, s18  }
0x9c: {  	s6 =	simm.s32 $0x0;
	s20 =	sshll.u32 s4, $0x1;
	s4 =	sadd.s32 s21, s2  }
0x9d: {  	[timem:s6], [sflag:s22] =	dma.local [hbm:s4], s20  }
0x9e: {  	_ =	swait.ge [sflag:s22], s20  }
0x9f: {  	s3 =	ssub.s32 $0x0, s20;
	[sflag:s22] =	ssyncset.done $0x0  }
0xa0: {  	[sflag:s22] =	ssyncadd.s32 s3;
	_ =	sdelay $0x1  }
0xa1: {  	s23 =	simm.s32 $0x1B8B  }
0xa2: {  	_ =	swait.ge [sflag:s23], $0x1  }
0xa3: {  	[sflag:s23] =	ssyncset.done $0x0  }
0xa4: {  	s25 =	simm.s32 $0x1B8E;
	s24 =	sld [smem:$0x3FFE];
	[sflag:s23] =	ssyncadd.s32 $0xFFFFFFFF  }
0xa5: {  	s26 =	simm.s32 $execute0_lowered;
	[smem:$0x3FD2] =	sst s25  }
0xa6: {  	s4 =	sshll.u32 s26, $0x1;
	_ =	strace $0x80000046;
	[dreg:$0x1] =	wrdreg $0xFFFFFFFF  }
0xa7: {  	s28 =	simm.s32 $_size_execute0_lowered;
	s2 =	sadd.s32 s2, s4;
	[dreg:$0x0] =	wrdreg $0x0  }
0xa8: {  	s4 =	sshll.u32 s28, $0x1;
	[dreg:$0x2] =	wrdreg s2  }
0xa9: {  	[dreg:$0x3] =	wrdreg s4  }
0xaa: {  	[dreg:$0x4] =	wrdreg $0xC0  }
0xab: {  	_ =	task [dreg:s6], $0x5FFFF  }
0xac: {  	[dreg:$0x1] =	wrdreg $0xFFFFFFFF  }
0xad: {  	[dreg:$0x0] =	wrdreg $0x60  }
0xae: {  	[dreg:$0x2] =	wrdreg s24  }
0xaf: {  	[dreg:$0x3] =	wrdreg $0xA  }
0xb0: {  	_ =	task.clear_ibuf [dreg:s6], $0x4FFFF;
	_ =	strace $0x90000046  }
0xb1: {  	s29 =	simm.s32 $0xA;
	_ =	strace $0x80000048  }
0xb2: {  	_ =	swait.ge [sflag:s29], $0x1  }
0xb3: {  	[sflag:s29] =	ssyncadd.s32 $0xFFFFFFFF  }
0xb4: {  	_ =	strace $0x90000048  }
0xb5: {  	_ =	sfence  }
0xb6: {  	s30 =	sld [smem:$0x0];
	_ =	sdelay $0x2  }
0xb7: {  	s31 =	sshll.u32 s1, $0xD;
	s1 =	sshrl.u32 s1, $0x2  }
0xb8: {  	s3 =	sand.u32 $0x4000, s31;
	s1 =	sadd.s32 s1, s30  }
0xb9: {  	s0 =	sor.u32 s3, s0;
	s1 =	sshll.u32 s1, $0x11  }
0xba: {  	s0 =	sor.u32 s1, s0  }
0xbb: {  	s0 =	sadd.s32 $0x8F2B, s0  }
0xbc: {  	[sflag:s0] =	ssyncadd.remote.s32 $0x1  }
0xbd: {  	_ =	sfence.sel $0xFFFF  }
0xbe: {  	[dreg:$0x0] =	wrdreg $0xFFFFFFFF;
	(pc) =	sbr.abs _section_cstart, $3  }
0xbf: {  	[dreg:$0x1] =	wrdreg $0xFFFFFFFF  }
0xc0: {  	_ =	task.clear_ibuf [dreg:s6], $0x2FFFF;
	_ =	strace $0x9FFFFFFF  }
0xc1: {  	(tm) =	ssettm $0x7FFFFFFF  }
tec
execute0_lowered:
.L_overlay_start_1:
0x0: {  	(tag) =	ssettag $0x1  }
0x1: {  	s1 =	srdreg.scid;
	s0 =	stileid.u32  }
0x2: {  	s5 =	rddreg [dreg:$0x0];
	s2 =	simm.s32 $0x0;
	s11 =	simm.s32 $0x80  }
0x3: {  	s12 =	simm.s32 $0x1;
	s13 =	simm.s32 $0xA00;
	s14 =	simm.s32 $0x0  }
0x4: {  	s4 =	sand.u32 $0x1, s1;
	s30 =	sshll.u32 s0, $0x1;
	s1 =	rddreg [dreg:$0x1]  }
0x5: {  	[smem:$0x7FF] =	sst s2;
	s3 =	sadd.s32 $0x10A00, s5;
	s10 =	sor.u32 s4, s30  }
0x6: {  	_ =	strace $0x80000047;
	s4 =	ssub.s32 $0x2, s4;
	s6 =	smul.u32 $0x13, s10  }
0x7: {  	s7 =	smin.u32 s10, $0x11;
	s31 =	sshrl.u32 s4, $0x1;
	p0 =	slt.u32 s10, $0x11  }
0x8: {  	s9 =	ssub.s32 s4, s31;
	s4 =	simm.s32 $0x14;
	s6 =	sadd.s32 s7, s6  }
0x9: {  	s4 =	simm.s32 @!p0 $0x13;
	s9 =	smax.u32 s9, $0x1;
	s7 =	sshll.u32 s6, $0x4  }
0xa: {  	p0 =	sgt.u32 s10, $0x10;
	s6 =	sshll.u32 s6, $0x8;
	s7 =	sadd.s32 s7, s5  }
0xb: {  	s10 =	simm.s32 $0x2;
	s8 =	sadd.s32 s6, s5;
	s5 =	sadd.s32 $0x6A00, s7  }
0xc: {  	s6 =	sadd.s32 $0x6B30, s7;
	s7 =	sadd.s32 $0x15A00, s8;
	s8 =	sadd.s32 $0x16D00, s8  }
.LBB2_1:
0xd: {  	[tilespmem:s2], [sflag:$0x2] =	stream.linear.gather [hbm4b:s5+s2], $0x980, $0x38;
	[tilespmem:$0xAA00] =	vst v63  }
0xe: {  	_ =	swait.ge [sflag:s10], $0x980  }
0xf: {  	s15 =	simm.s32 @!p0 $0x0;
	[sflag:s10] =	ssyncset.done $0x0  }
0x10: {  	s16 =	simm.s32 @!p0 $0x980;
	p1 =	sne.s32 s4, $0x1;
	[sflag:s10] =	ssyncadd.s32 $0xFFFFF680  }
0x11: {  	[tilespmem:s16], [sflag:$0x2] =	stream.linear.gather @!p0 [hbm4b:s6+s15], $0x80, $0x38;
	[tilespmem:$0xAA00] =	vst v63  }
.Ltmp0:
0x12: {  	s15 =	simm.s32 @!p0 $0x2;
	(pc) =	sbr.rel @!p1 .LBB2_3-.Ltmp0, $4  }
0x13: {  	_ =	swait.ge @!p0 [sflag:s15], $0x80  }
0x14: {  	s17 =	simm.s32 $0xA00;
	[sflag:s15] =	ssyncset.done @!p0 $0x0  }
0x15: {  	s16 =	simm.s32 $0x0;
	[sflag:s15] =	ssyncadd.s32 @!p0 $0xFFFFFF80;
	s15 =	sadd.s32 $0xFFFFFFFF, s4  }
0x16: {  	[tilespmem:s13], [sflag:$0x1] =	stream.indirect.gather [hbm4b:s3+s11], $0x10, s2, s11, $0xb8;
	[tilespmem:$0xAA00] =	vst v63  }
.LBB2_2:
0x17: {  	p2 =	sne.s32 s15, $0x1  }
.Ltmp1:
0x18: {  	_ = 	snop;
	(pc) =	sbr.rel @p2 .LBB2_2-.Ltmp1, $4  }
0x19: {  	_ = 	snop  }
0x1a: {  	s16 =	sadd.s32 $0x80, s16;
	s17 =	sadd.s32 $0x800, s17  }
0x1b: {  	s15 =	sadd.s32 $0xFFFFFFFF, s15  }
0x1c: {  	[tilespmem:s17], [sflag:$0x1] =	stream.indirect.gather [hbm4b:s3+s11], $0x10, s16, s11, $0xb8;
	[tilespmem:$0xAA00] =	vst v63  }
.LBB2_3:
.Ltmp2:
0x1d: {  	(pc) =	sbr.rel @!p1 .LBB2_5-.Ltmp2, $3  }
0x1e: {  	_ =	sdelay $0x1  }
0x1f: {  	_ =	swait.ge [sflag:s12], $0x800  }
0x20: {  	s15 =	sadd.s32 $0xFFFFFFFF, s4;
	[sflag:s12] =	ssyncset.done $0x0  }
.LBB2_4:
0x21: {  	p1 =	sne.s32 s15, $0x1;
	s15 =	sadd.s32 $0xFFFFFFFF, s15;
	[sflag:s12] =	ssyncadd.s32 $0xFFFFF800  }
.Ltmp3:
0x22: {  	(pc) =	sbr.rel @p1 .LBB2_4-.Ltmp3, $3  }
0x23: {  	_ =	sdelay $0x1  }
0x24: {  	_ =	swait.ge [sflag:s12], $0x800  }
0x25: {  	[sflag:s12] =	ssyncset.done $0x0  }
.LBB2_5:
0x26: {  	[sflag:s12] =	ssyncadd.s32 $0xFFFFF800  }
0x27: {  	[hbm4b:s7+s2] =	stream.linear.scatter [tilespmem:s13], [sflag:$0x2], $0x9800, $0x38;
	[tilespmem:$0xAA00] =	vst v63  }
0x28: {  	_ =	swait.ge [sflag:s10], $0x9800  }
0x29: {  	s15 =	simm.s32 @!p0 $0x0;
	s14 =	sadd.s32 $0x1, s14;
	[sflag:s10] =	ssyncset.done $0x0  }
0x2a: {  	s16 =	simm.s32 @!p0 $0xA200;
	p1 =	sne.s32 s14, s9;
	[sflag:s10] =	ssyncadd.s32 $0xFFFF6800  }
0x2b: {  	[hbm4b:s8+s15] =	stream.linear.scatter @!p0 [tilespmem:s16], [sflag:$0x2], $0x800, $0x38;
	[tilespmem:$0xAA00] =	vst v63  }
.Ltmp4:
0x2c: {  	_ = 	snop;
	(pc) =	sbr.rel @p1 .LBB2_1-.Ltmp4, $4  }
0x2d: {  	s15 =	simm.s32 @!p0 $0x2  }
0x2e: {  	_ =	swait.ge @!p0 [sflag:s15], $0x800  }
0x2f: {  	[sflag:s15] =	ssyncset.done @!p0 $0x0  }
0x30: {  	[sflag:s15] =	ssyncadd.s32 @!p0 $0xFFFFF800  }
0x31: {  	_ =	sfence.sel $0x180000  }
0x32: {  	[bflag:$0x0] =	sbarrier.arrive $0xFFFF  }
0x33: {  	p0 =	sne.s32 s0, $0x0;
	_ =	strace $0x90000047  }
0x34: {  	s0 =	sadd.s32 @!p0 $0x100000, s1;
	[bflag:$0x2] =	sbarrier.arrive $0xFFFF  }
0x35: {  	[sflag:s0] =	ssyncadd.tile.s32 @!p0 $0x1;
	_ =	shalt  }
.Lfunc_end2:
_tile_overlayer_lowered:
.L_overlay_start_2:
0x36: {  	(tag) =	ssettag $0x2  }
0x37: {  	s0 =	rddreg [dreg:$0x0];
	s2 =	stileid.u32  }
0x38: {  	s1 =	rddreg [dreg:$0x1];
	p0 =	sne.s32 s2, $0x0  }
0x39: {  	s3 =	rddreg [dreg:$0x2];
	[bflag:$0x3] =	sbarrier.arrive $0xFFFF;
	s2 =	simm.s32 @!p0 $0x1C02  }
0x3a: {  	[timem:s3], [sflag:s2] =	dma.local @!p0 [hbm:s0], s1  }
0x3b: {  	s0 =	simm.s32 @!p0 $0x2  }
0x3c: {  	_ =	swait.ge @!p0 [sflag:s0], s1  }
0x3d: {  	s1 =	ssub.s32 @!p0 $0x0, s1;
	[sflag:s0] =	ssyncset.done @!p0 $0x0  }
0x3e: {  	[sflag:s0] =	ssyncadd.s32 @!p0 s1  }
0x3f: {  	[bflag:$0x3] =	sbarrier.arrive $0xFFFF  }
0x40: {  	_ =	shalt  }

// kernel: kernel.19.cloned.1.call-start
scs
__scs_entry_jumppad:
0x0: {  	(pc) =	sbr.rel $0x88, $3  }
0x1: {  	(tag) =	ssettag $0x0;
	lr =	simm.s32 $0x1  }
0x2: {  	[smem:$0x3F92] =	sst lr;
	_ =	strace $0xD0000000  }
0x3: {  	_ = 	snop  }
0x4: {  	_ = 	snop  }
0x5: {  	_ = 	snop  }
0x6: {  	_ = 	snop  }
0x7: {  	_ = 	snop  }
__scs_overlays_trampoline_lowered:
0x8: {  	[smem:$0x3FA1] =	sst s0  }
0x9: {  	[smem:$0x3FA2] =	sst s1  }
0xa: {  	[smem:$0x3FA3] =	sst s2  }
0xb: {  	[smem:$0x3FA4] =	sst s3  }
0xc: {  	[smem:$0x3FA5] =	sst s4  }
0xd: {  	[smem:$0x3FA6] =	sst s5  }
0xe: {  	[smem:$0x3FA7] =	sst s6  }
0xf: {  	[smem:$0x3FA8] =	sst s7  }
0x10: {  	[smem:$0x3FA9] =	sst s8  }
0x11: {  	[smem:$0x3FAA] =	sst s9;
	s0 =	simm.s32 @!p0 $0x0  }
0x12: {  	s1 =	sld [smem:$0x3F90];
	s0 =	simm.s32 @p0 $0x1  }
0x13: {  	[smem:$0x3FAB] =	sst s0;
	s0 =	simm.s32 @!p1 $0x0  }
0x14: {  	s2 =	sld [smem:$0x3F8F];
	s0 =	simm.s32 @p1 $0x1  }
0x15: {  	[smem:$0x3FAC] =	sst s0;
	s0 =	simm.s32 @!p2 $0x0  }
0x16: {  	s3 =	sld [smem:$0x3FDB];
	s0 =	simm.s32 @p2 $0x1  }
0x17: {  	s4 =	simm.s32 $0x1BF5;
	[smem:$0x3FAE] =	sst s0  }
0x18: {  	s0 =	sld [smem:$0x3F91];
	_ =	swait.ge [sflag:s4], $0x0  }
0x19: {  	s7 =	sld [smem:$0x3F92]  }
0x1a: {  	s8 =	sadd.s32 $0xFFFFE003, lr  }
0x1b: {  	s9 =	sadd.s32 $0xFFFFFEF7, lr;
	s5 =	simm.s32 $0xFFFFFFFF;
	p2 =	slt.u32 s8, $0xFFFFF086  }
0x1c: {  	p1 =	slt.u32 s9, $0xF7A;
	s5 =	simm.s32 @!p2 $0x0  }
0x1d: {  	s5 =	simm.s32 @p1 $0x1;
	p0 =	seq.s32 s7, s2  }
0x1e: {  	s7 =	smul.u32 @!p0 $0xF7A, s2;
	p2 =	seq.s32 @!p0 s5, $0x0  }
0x1f: {  	s9 =	smul.u32 $0xF7A, s1;
	s8 =	simm.s32 @!p0 $0x1BF5;
	p2 =	por !p2, p0  }
0x20: {  	[sflag:s8] =	ssyncset.s32 @!p0 $0xFFFFF086;
	s6 =	sadd.s32 @!p0 s3, s7;
	s7 =	simm.s32 @!p0 $0x108  }
0x21: {  	s3 =	sadd.s32 s3, s9;
	s6 =	sadd.s32 @!p0 $0x88, s6;
	s7 =	simm.s32 @p2 $0x1082  }
0x22: {  	[simem:s7], [sflag:s8] =	dma.local @!p0 [hbm:s6], $0xF7A  }
0x23: {  	s9 =	sor.u32 $0xD0000000, s2;
	s6 =	simm.s32 $0x108;
	_ =	swait.ge @!p0 [sflag:s8], $0x0  }
0x24: {  	s3 =	sadd.s32 $0x88, s3;
	s6 =	simm.s32 @!p1 $0x1082;
	[sflag:s4] =	ssyncset.s32 $0xFFFFF086  }
0x25: {  	[simem:s6], [sflag:s4] =	dma.local [hbm:s3], $0xF7A  }
0x26: {  	[smem:$0x3F92] =	sst s1;
	(tag) =	ssettag s2;
	_ =	strace s9  }
0x27: {  	s1 =	sld [smem:$0x3FA2]  }
0x28: {  	s2 =	sld [smem:$0x3FA3]  }
0x29: {  	s4 =	sld [smem:$0x3FA5]  }
0x2a: {  	p0 =	seq.s32 s5, $0x0;
	s5 =	sld [smem:$0x3FA6]  }
0x2b: {  	s6 =	sld [smem:$0x3FA7]  }
0x2c: {  	s7 =	sld [smem:$0x3FA8]  }
0x2d: {  	s3 =	simm.s32 $0x108;
	s8 =	sld [smem:$0x3FA9]  }
0x2e: {  	s3 =	simm.s32 @!p0 $0x1082;
	s9 =	sld [smem:$0x3FAA]  }
0x2f: {  	lr =	sadd.s32 s0, s3;
	s0 =	sld [smem:$0x3FA1]  }
0x30: {  	s3 =	sld [smem:$0x3FA4]  }
0x31: {  	[smem:$0x3FAD] =	sst s10  }
0x32: {  	s10 =	sld [smem:$0x3FAB];
	_ =	sdelay $0x3  }
0x33: {  	p0 =	seq.s32 s10, $0x1;
	s10 =	sld [smem:$0x3FAD];
	_ =	sdelay $0x3  }
0x34: {  	[smem:$0x3FAD] =	sst s10  }
0x35: {  	s10 =	sld [smem:$0x3FAC];
	_ =	sdelay $0x3  }
0x36: {  	p1 =	seq.s32 s10, $0x1;
	s10 =	sld [smem:$0x3FAD];
	_ =	sdelay $0x3  }
0x37: {  	[smem:$0x3FAD] =	sst s10  }
0x38: {  	s10 =	sld [smem:$0x3FAE]  }
0x39: {  	_ = 	snop;
	(pc) =	sbr.ind lr, $3  }
0x3a: {  	_ = 	snop  }
0x3b: {  	_ = 	snop  }
0x3c: {  	p2 =	seq.s32 s10, $0x1;
	s10 =	sld [smem:$0x3FAD]  }
0x3d: {  	_ =	shalt  }
0x3e: {  	_ =	shalt  }
0x3f: {  	_ =	shalt  }
0x40: {  	_ =	shalt  }
0x41: {  	_ =	shalt  }
0x42: {  	_ =	shalt  }
0x43: {  	_ =	shalt  }
0x44: {  	_ =	shalt  }
0x45: {  	_ =	shalt  }
0x46: {  	_ =	shalt  }
0x47: {  	_ =	shalt  }
0x48: {  	_ =	shalt  }
0x49: {  	_ =	shalt  }
0x4a: {  	_ =	shalt  }
0x4b: {  	_ =	shalt  }
0x4c: {  	_ =	shalt  }
0x4d: {  	_ =	shalt  }
0x4e: {  	_ =	shalt  }
0x4f: {  	_ =	shalt  }
0x50: {  	_ =	shalt  }
0x51: {  	_ =	shalt  }
0x52: {  	_ =	shalt  }
0x53: {  	_ =	shalt  }
0x54: {  	_ =	shalt  }
0x55: {  	_ =	shalt  }
0x56: {  	_ =	shalt  }
0x57: {  	_ =	shalt  }
0x58: {  	_ =	shalt  }
0x59: {  	_ =	shalt  }
0x5a: {  	_ =	shalt  }
0x5b: {  	_ =	shalt  }
0x5c: {  	_ =	shalt  }
0x5d: {  	_ =	shalt  }
0x5e: {  	_ =	shalt  }
0x5f: {  	_ =	shalt  }
0x60: {  	_ =	shalt  }
0x61: {  	_ =	shalt  }
0x62: {  	_ =	shalt  }
0x63: {  	_ =	shalt  }
0x64: {  	_ =	shalt  }
0x65: {  	_ =	shalt  }
0x66: {  	_ =	shalt  }
0x67: {  	_ =	shalt  }
0x68: {  	_ =	shalt  }
0x69: {  	_ =	shalt  }
0x6a: {  	_ =	shalt  }
0x6b: {  	_ =	shalt  }
0x6c: {  	_ =	shalt  }
0x6d: {  	_ =	shalt  }
0x6e: {  	_ =	shalt  }
0x6f: {  	_ =	shalt  }
0x70: {  	_ =	shalt  }
0x71: {  	_ =	shalt  }
0x72: {  	_ =	shalt  }
0x73: {  	_ =	shalt  }
0x74: {  	_ =	shalt  }
0x75: {  	_ =	shalt  }
0x76: {  	_ =	shalt  }
0x77: {  	_ =	shalt  }
0x78: {  	_ =	shalt  }
0x79: {  	_ =	shalt  }
0x7a: {  	_ =	shalt  }
0x7b: {  	_ =	shalt  }
0x7c: {  	_ =	shalt  }
0x7d: {  	_ =	shalt  }
0x7e: {  	_ =	shalt  }
0x7f: {  	_ =	shalt  }
0x80: {  	_ =	shalt  }
0x81: {  	_ =	shalt  }
0x82: {  	_ =	shalt  }
0x83: {  	_ =	shalt  }
0x84: {  	_ =	shalt  }
0x85: {  	_ =	shalt  }
0x86: {  	_ =	shalt  }
0x87: {  	_ =	shalt  }
.Lfunc_end0:
.L_simem_size_0:
called_computation.1_lowered:
.L_overlay_start_0:
0x88: {  	s2 =	sld [smem:$0x3FD9]  }
0x89: {  	s3 =	sld [smem:$0x3FFE];
	_ =	sdelay $0x1  }
0x8a: {  	s1 =	srdreg.scid  }
0x8b: {  	s0 =	sand.u32 $0x1, s1  }
0x8c: {  	s17 =	sshll.u32 s0, $0xA;
	s2 =	sadd.s32 s3, s2  }
0x8d: {  	s2 =	sadd.s32 s2, s17  }
0x8e: {  	[smem:$0x3FB9] =	sst s2  }
0x8f: {  	_ = 	snop  }
0x90: {  	(tm) =	ssettm $0x1  }
0x91: {  	s18 =	sld [smem:$0x3FFB];
	_ =	sdelay $0x3  }
0x92: {  	_ =	strace s18  }
0x93: {  	s2 =	sld [smem:$0x3FFC];
	_ =	sdelay $0x3  }
0x94: {  	_ =	strace s2  }
0x95: {  	s2 =	sld [smem:$0x3FFD];
	_ =	sdelay $0x3  }
0x96: {  	_ =	strace s2  }
0x97: {  	_ =	strace $0x8FFFFFFF  }
0x98: {  	s19 =	sld [smem:$0x3FDB];
	_ =	sdelay $0x1  }
0x99: {  	s20 =	simm.s32 $_scs_section_size  }
0x9a: {  	s4 =	simm.s32 $_size__tile_overlayer_lowered;
	s5 =	simm.s32 $_tile_overlayer_lowered  }
0x9b: {  	s6 =	simm.s32 $0x1BFF;
	s21 =	sshll.u32 s5, $0x1;
	s3 =	sadd.s32 s20, s19  }
0x9c: {  	s22 =	simm.s32 $0x0;
	s4 =	sshll.u32 s4, $0x1;
	s5 =	sadd.s32 s21, s3  }
0x9d: {  	[timem:s22], [sflag:s6] =	dma.local [hbm:s5], s4  }
0x9e: {  	_ =	swait.ge [sflag:s6], s4  }
0x9f: {  	s4 =	ssub.s32 $0x0, s4;
	[sflag:s6] =	ssyncset.done $0x0  }
0xa0: {  	[sflag:s6] =	ssyncadd.s32 s4;
	_ =	sdelay $0x1  }
0xa1: {  	s23 =	simm.s32 $0x1B8B  }
0xa2: {  	_ =	swait.ge [sflag:s23], $0x1  }
0xa3: {  	[sflag:s23] =	ssyncset.done $0x0  }
0xa4: {  	[sflag:s23] =	ssyncadd.s32 $0xFFFFFFFF  }
0xa5: {  	s4 =	sld [smem:$0x0]  }
0xa6: {  	s5 =	sand.u32 $0xFFFFFFFE, s1  }
0xa7: {  	p0 =	sne.s32 s1, s5  }
0xa8: {  	s5 =	sshll.u32 @p0 s5, $0xE  }
0xa9: {  	s5 =	sadd.s32 @p0 $0x11B8D, s5;
	s6 =	sshll.u32 @p0 s4, $0x11  }
0xaa: {  	s5 =	sor.u32 @p0 s6, s5  }
0xab: {  	[sflag:s5] =	ssyncadd.remote.s32 @p0 $0x1;
	_ =	sdelay $0x1  }
0xac: {  	s5 =	simm.s32 @p0 $0x1B8D  }
0xad: {  	_ =	swait.eq @p0 [sflag:s5], $0x1  }
0xae: {  	[sflag:s5] =	ssyncadd.s32 @p0 $0xFFFFFFFF  }
0xaf: {  	s6 =	sshll.u32 @!p0 s1, $0xE  }
0xb0: {  	s6 =	sor.u32 @!p0 $0x4000, s6;
	s5 =	simm.s32 @!p0 $0x1B8D  }
0xb1: {  	s4 =	sshll.u32 @!p0 s4, $0x11;
	s6 =	sadd.s32 @!p0 $0x11B8D, s6;
	_ =	swait.eq @!p0 [sflag:s5], $0x1  }
0xb2: {  	s4 =	sor.u32 @!p0 s4, s6;
	[sflag:s5] =	ssyncadd.s32 @!p0 $0xFFFFFFFF  }
0xb3: {  	s25 =	simm.s32 $0x1B8E;
	s24 =	sld [smem:$0x3FFE];
	[sflag:s4] =	ssyncadd.remote.s32 @!p0 $0x1  }
0xb4: {  	s26 =	simm.s32 $execute0_lowered;
	[smem:$0x3FD2] =	sst s25  }
0xb5: {  	s5 =	sshll.u32 s26, $0x1;
	_ =	strace $0x80000049;
	[dreg:$0x1] =	wrdreg $0xFFFFFFFF  }
0xb6: {  	s28 =	simm.s32 $_size_execute0_lowered;
	s3 =	sadd.s32 s3, s5;
	[dreg:$0x0] =	wrdreg $0x0  }
0xb7: {  	s5 =	sshll.u32 s28, $0x1;
	[dreg:$0x2] =	wrdreg s3  }
0xb8: {  	[dreg:$0x3] =	wrdreg s5  }
0xb9: {  	[dreg:$0x4] =	wrdreg $0xC0  }
0xba: {  	_ =	task [dreg:s22], $0x5FFFF  }
0xbb: {  	[dreg:$0x1] =	wrdreg $0xFFFFFFFF  }
0xbc: {  	[dreg:$0x0] =	wrdreg $0x60  }
0xbd: {  	[dreg:$0x2] =	wrdreg s24  }
0xbe: {  	[dreg:$0x3] =	wrdreg $0x9  }
0xbf: {  	_ =	task.clear_ibuf [dreg:s22], $0x4FFFF;
	_ =	strace $0x90000049  }
0xc0: {  	s29 =	simm.s32 $0x9;
	_ =	strace $0x8000004B  }
0xc1: {  	_ =	swait.ge [sflag:s29], $0x1  }
0xc2: {  	[sflag:s29] =	ssyncadd.s32 $0xFFFFFFFF  }
0xc3: {  	_ =	strace $0x9000004B  }
0xc4: {  	_ =	sfence  }
0xc5: {  	s30 =	sld [smem:$0x0];
	_ =	sdelay $0x2  }
0xc6: {  	s31 =	sshll.u32 s1, $0xD;
	s1 =	sshrl.u32 s1, $0x2  }
0xc7: {  	s4 =	sand.u32 $0x4000, s31;
	s1 =	sadd.s32 s1, s30  }
0xc8: {  	s0 =	sor.u32 s4, s0;
	s1 =	sshll.u32 s1, $0x11  }
0xc9: {  	s0 =	sor.u32 s1, s0  }
0xca: {  	s0 =	sadd.s32 $0x8F2B, s0  }
0xcb: {  	[sflag:s0] =	ssyncadd.remote.s32 $0x1  }
0xcc: {  	_ =	sfence.sel $0xFFFF  }
0xcd: {  	[dreg:$0x0] =	wrdreg $0xFFFFFFFF;
	(pc) =	sbr.abs _section_cstart, $3  }
0xce: {  	[dreg:$0x1] =	wrdreg $0xFFFFFFFF  }
0xcf: {  	_ =	task.clear_ibuf [dreg:s22], $0x2FFFF;
	_ =	strace $0x9FFFFFFF  }
0xd0: {  	(tm) =	ssettm $0x7FFFFFFF  }
0xd1: {  	_ =	shalt  }
tec
execute0_lowered:
.L_overlay_start_1:
0x0: {  	(tag) =	ssettag $0x1  }
0x1: {  	s1 =	srdreg.scid;
	s0 =	stileid.u32  }
0x2: {  	s5 =	rddreg [dreg:$0x0];
	s2 =	simm.s32 $0x0;
	s11 =	simm.s32 $0x80  }
0x3: {  	s12 =	simm.s32 $0x1;
	s13 =	simm.s32 $0xA00;
	s14 =	simm.s32 $0x0  }
0x4: {  	s4 =	sand.u32 $0x1, s1;
	s30 =	sshll.u32 s0, $0x1;
	s1 =	rddreg [dreg:$0x1]  }
0x5: {  	[smem:$0x7FF] =	sst s2;
	s3 =	sadd.s32 $0x10A00, s5;
	s10 =	sor.u32 s4, s30  }
0x6: {  	_ =	strace $0x8000004A;
	s4 =	ssub.s32 $0x2, s4;
	s6 =	smul.u32 $0x13, s10  }
0x7: {  	s7 =	smin.u32 s10, $0x11;
	s31 =	sshrl.u32 s4, $0x1;
	p0 =	slt.u32 s10, $0x11  }
0x8: {  	s9 =	ssub.s32 s4, s31;
	s4 =	simm.s32 $0x14;
	s6 =	sadd.s32 s7, s6  }
0x9: {  	s4 =	simm.s32 @!p0 $0x13;
	s9 =	smax.u32 s9, $0x1;
	s7 =	sshll.u32 s6, $0x4  }
0xa: {  	p0 =	sgt.u32 s10, $0x10;
	s6 =	sshll.u32 s6, $0x8;
	s7 =	sadd.s32 s7, s5  }
0xb: {  	s10 =	simm.s32 $0x2;
	s8 =	sadd.s32 s6, s5;
	s5 =	sadd.s32 $0x9110, s7  }
0xc: {  	s6 =	sadd.s32 $0x9240, s7;
	s7 =	sadd.s32 $0x3CC00, s8;
	s8 =	sadd.s32 $0x3DF00, s8  }
.LBB2_1:
0xd: {  	[tilespmem:s2], [sflag:$0x2] =	stream.linear.gather [hbm4b:s5+s2], $0x980, $0x38;
	[tilespmem:$0xAA00] =	vst v63  }
0xe: {  	_ =	swait.ge [sflag:s10], $0x980  }
0xf: {  	s15 =	simm.s32 @!p0 $0x0;
	[sflag:s10] =	ssyncset.done $0x0  }
0x10: {  	s16 =	simm.s32 @!p0 $0x980;
	p1 =	sne.s32 s4, $0x1;
	[sflag:s10] =	ssyncadd.s32 $0xFFFFF680  }
0x11: {  	[tilespmem:s16], [sflag:$0x2] =	stream.linear.gather @!p0 [hbm4b:s6+s15], $0x80, $0x38;
	[tilespmem:$0xAA00] =	vst v63  }
.Ltmp0:
0x12: {  	s15 =	simm.s32 @!p0 $0x2;
	(pc) =	sbr.rel @!p1 .LBB2_3-.Ltmp0, $4  }
0x13: {  	_ =	swait.ge @!p0 [sflag:s15], $0x80  }
0x14: {  	s17 =	simm.s32 $0xA00;
	[sflag:s15] =	ssyncset.done @!p0 $0x0  }
0x15: {  	s16 =	simm.s32 $0x0;
	[sflag:s15] =	ssyncadd.s32 @!p0 $0xFFFFFF80;
	s15 =	sadd.s32 $0xFFFFFFFF, s4  }
0x16: {  	[tilespmem:s13], [sflag:$0x1] =	stream.indirect.gather [hbm4b:s3+s11], $0x10, s2, s11, $0xb8;
	[tilespmem:$0xAA00] =	vst v63  }
.LBB2_2:
0x17: {  	p2 =	sne.s32 s15, $0x1  }
.Ltmp1:
0x18: {  	_ = 	snop;
	(pc) =	sbr.rel @p2 .LBB2_2-.Ltmp1, $4  }
0x19: {  	_ = 	snop  }
0x1a: {  	s16 =	sadd.s32 $0x80, s16;
	s17 =	sadd.s32 $0x800, s17  }
0x1b: {  	s15 =	sadd.s32 $0xFFFFFFFF, s15  }
0x1c: {  	[tilespmem:s17], [sflag:$0x1] =	stream.indirect.gather [hbm4b:s3+s11], $0x10, s16, s11, $0xb8;
	[tilespmem:$0xAA00] =	vst v63  }
.LBB2_3:
.Ltmp2:
0x1d: {  	(pc) =	sbr.rel @!p1 .LBB2_5-.Ltmp2, $3  }
0x1e: {  	_ =	sdelay $0x1  }
0x1f: {  	_ =	swait.ge [sflag:s12], $0x800  }
0x20: {  	s15 =	sadd.s32 $0xFFFFFFFF, s4;
	[sflag:s12] =	ssyncset.done $0x0  }
.LBB2_4:
0x21: {  	p1 =	sne.s32 s15, $0x1;
	s15 =	sadd.s32 $0xFFFFFFFF, s15;
	[sflag:s12] =	ssyncadd.s32 $0xFFFFF800  }
.Ltmp3:
0x22: {  	(pc) =	sbr.rel @p1 .LBB2_4-.Ltmp3, $3  }
0x23: {  	_ =	sdelay $0x1  }
0x24: {  	_ =	swait.ge [sflag:s12], $0x800  }
0x25: {  	[sflag:s12] =	ssyncset.done $0x0  }
.LBB2_5:
0x26: {  	[sflag:s12] =	ssyncadd.s32 $0xFFFFF800  }
0x27: {  	[hbm4b:s7+s2] =	stream.linear.scatter [tilespmem:s13], [sflag:$0x2], $0x9800, $0x38;
	[tilespmem:$0xAA00] =	vst v63  }
0x28: {  	_ =	swait.ge [sflag:s10], $0x9800  }
0x29: {  	s15 =	simm.s32 @!p0 $0x0;
	s14 =	sadd.s32 $0x1, s14;
	[sflag:s10] =	ssyncset.done $0x0  }
0x2a: {  	s16 =	simm.s32 @!p0 $0xA200;
	p1 =	sne.s32 s14, s9;
	[sflag:s10] =	ssyncadd.s32 $0xFFFF6800  }
0x2b: {  	[hbm4b:s8+s15] =	stream.linear.scatter @!p0 [tilespmem:s16], [sflag:$0x2], $0x800, $0x38;
	[tilespmem:$0xAA00] =	vst v63  }
.Ltmp4:
0x2c: {  	_ = 	snop;
	(pc) =	sbr.rel @p1 .LBB2_1-.Ltmp4, $4  }
0x2d: {  	s15 =	simm.s32 @!p0 $0x2  }
0x2e: {  	_ =	swait.ge @!p0 [sflag:s15], $0x800  }
0x2f: {  	[sflag:s15] =	ssyncset.done @!p0 $0x0  }
0x30: {  	[sflag:s15] =	ssyncadd.s32 @!p0 $0xFFFFF800  }
0x31: {  	_ =	sfence.sel $0x180000  }
0x32: {  	[bflag:$0x0] =	sbarrier.arrive $0xFFFF  }
0x33: {  	p0 =	sne.s32 s0, $0x0;
	_ =	strace $0x9000004A  }
0x34: {  	s0 =	sadd.s32 @!p0 $0x100000, s1;
	[bflag:$0x2] =	sbarrier.arrive $0xFFFF  }
0x35: {  	[sflag:s0] =	ssyncadd.tile.s32 @!p0 $0x1;
	_ =	shalt  }
.Lfunc_end2:
_tile_overlayer_lowered:
.L_overlay_start_2:
0x36: {  	(tag) =	ssettag $0x2  }
0x37: {  	s0 =	rddreg [dreg:$0x0];
	s2 =	stileid.u32  }
0x38: {  	s1 =	rddreg [dreg:$0x1];
	p0 =	sne.s32 s2, $0x0  }
0x39: {  	s3 =	rddreg [dreg:$0x2];
	[bflag:$0x3] =	sbarrier.arrive $0xFFFF;
	s2 =	simm.s32 @!p0 $0x1C02  }
0x3a: {  	[timem:s3], [sflag:s2] =	dma.local @!p0 [hbm:s0], s1  }
0x3b: {  	s0 =	simm.s32 @!p0 $0x2  }
0x3c: {  	_ =	swait.ge @!p0 [sflag:s0], s1  }
0x3d: {  	s1 =	ssub.s32 @!p0 $0x0, s1;
	[sflag:s0] =	ssyncset.done @!p0 $0x0  }
0x3e: {  	[sflag:s0] =	ssyncadd.s32 @!p0 s1  }
0x3f: {  	[bflag:$0x3] =	sbarrier.arrive $0xFFFF  }
0x40: {  	_ =	shalt  }

// kernel: kernel.22.cloned.1.call-start
scs
__scs_entry_jumppad:
0x0: {  	(pc) =	sbr.rel $0x88, $3  }
0x1: {  	(tag) =	ssettag $0x0;
	lr =	simm.s32 $0x1  }
0x2: {  	[smem:$0x3F92] =	sst lr;
	_ =	strace $0xD0000000  }
0x3: {  	_ = 	snop  }
0x4: {  	_ = 	snop  }
0x5: {  	_ = 	snop  }
0x6: {  	_ = 	snop  }
0x7: {  	_ = 	snop  }
__scs_overlays_trampoline_lowered:
0x8: {  	[smem:$0x3FA1] =	sst s0  }
0x9: {  	[smem:$0x3FA2] =	sst s1  }
0xa: {  	[smem:$0x3FA3] =	sst s2  }
0xb: {  	[smem:$0x3FA4] =	sst s3  }
0xc: {  	[smem:$0x3FA5] =	sst s4  }
0xd: {  	[smem:$0x3FA6] =	sst s5  }
0xe: {  	[smem:$0x3FA7] =	sst s6  }
0xf: {  	[smem:$0x3FA8] =	sst s7  }
0x10: {  	[smem:$0x3FA9] =	sst s8  }
0x11: {  	[smem:$0x3FAA] =	sst s9;
	s0 =	simm.s32 @!p0 $0x0  }
0x12: {  	s1 =	sld [smem:$0x3F90];
	s0 =	simm.s32 @p0 $0x1  }
0x13: {  	[smem:$0x3FAB] =	sst s0;
	s0 =	simm.s32 @!p1 $0x0  }
0x14: {  	s2 =	sld [smem:$0x3F8F];
	s0 =	simm.s32 @p1 $0x1  }
0x15: {  	[smem:$0x3FAC] =	sst s0;
	s0 =	simm.s32 @!p2 $0x0  }
0x16: {  	s3 =	sld [smem:$0x3FDB];
	s0 =	simm.s32 @p2 $0x1  }
0x17: {  	s4 =	simm.s32 $0x1BF5;
	[smem:$0x3FAE] =	sst s0  }
0x18: {  	s0 =	sld [smem:$0x3F91];
	_ =	swait.ge [sflag:s4], $0x0  }
0x19: {  	s7 =	sld [smem:$0x3F92]  }
0x1a: {  	s8 =	sadd.s32 $0xFFFFE003, lr  }
0x1b: {  	s9 =	sadd.s32 $0xFFFFFEF7, lr;
	s5 =	simm.s32 $0xFFFFFFFF;
	p2 =	slt.u32 s8, $0xFFFFF086  }
0x1c: {  	p1 =	slt.u32 s9, $0xF7A;
	s5 =	simm.s32 @!p2 $0x0  }
0x1d: {  	s5 =	simm.s32 @p1 $0x1;
	p0 =	seq.s32 s7, s2  }
0x1e: {  	s7 =	smul.u32 @!p0 $0xF7A, s2;
	p2 =	seq.s32 @!p0 s5, $0x0  }
0x1f: {  	s9 =	smul.u32 $0xF7A, s1;
	s8 =	simm.s32 @!p0 $0x1BF5;
	p2 =	por !p2, p0  }
0x20: {  	[sflag:s8] =	ssyncset.s32 @!p0 $0xFFFFF086;
	s6 =	sadd.s32 @!p0 s3, s7;
	s7 =	simm.s32 @!p0 $0x108  }
0x21: {  	s3 =	sadd.s32 s3, s9;
	s6 =	sadd.s32 @!p0 $0x88, s6;
	s7 =	simm.s32 @p2 $0x1082  }
0x22: {  	[simem:s7], [sflag:s8] =	dma.local @!p0 [hbm:s6], $0xF7A  }
0x23: {  	s9 =	sor.u32 $0xD0000000, s2;
	s6 =	simm.s32 $0x108;
	_ =	swait.ge @!p0 [sflag:s8], $0x0  }
0x24: {  	s3 =	sadd.s32 $0x88, s3;
	s6 =	simm.s32 @!p1 $0x1082;
	[sflag:s4] =	ssyncset.s32 $0xFFFFF086  }
0x25: {  	[simem:s6], [sflag:s4] =	dma.local [hbm:s3], $0xF7A  }
0x26: {  	[smem:$0x3F92] =	sst s1;
	(tag) =	ssettag s2;
	_ =	strace s9  }
0x27: {  	s1 =	sld [smem:$0x3FA2]  }
0x28: {  	s2 =	sld [smem:$0x3FA3]  }
0x29: {  	s4 =	sld [smem:$0x3FA5]  }
0x2a: {  	p0 =	seq.s32 s5, $0x0;
	s5 =	sld [smem:$0x3FA6]  }
0x2b: {  	s6 =	sld [smem:$0x3FA7]  }
0x2c: {  	s7 =	sld [smem:$0x3FA8]  }
0x2d: {  	s3 =	simm.s32 $0x108;
	s8 =	sld [smem:$0x3FA9]  }
0x2e: {  	s3 =	simm.s32 @!p0 $0x1082;
	s9 =	sld [smem:$0x3FAA]  }
0x2f: {  	lr =	sadd.s32 s0, s3;
	s0 =	sld [smem:$0x3FA1]  }
0x30: {  	s3 =	sld [smem:$0x3FA4]  }
0x31: {  	[smem:$0x3FAD] =	sst s10  }
0x32: {  	s10 =	sld [smem:$0x3FAB];
	_ =	sdelay $0x3  }
0x33: {  	p0 =	seq.s32 s10, $0x1;
	s10 =	sld [smem:$0x3FAD];
	_ =	sdelay $0x3  }
0x34: {  	[smem:$0x3FAD] =	sst s10  }
0x35: {  	s10 =	sld [smem:$0x3FAC];
	_ =	sdelay $0x3  }
0x36: {  	p1 =	seq.s32 s10, $0x1;
	s10 =	sld [smem:$0x3FAD];
	_ =	sdelay $0x3  }
0x37: {  	[smem:$0x3FAD] =	sst s10  }
0x38: {  	s10 =	sld [smem:$0x3FAE]  }
0x39: {  	_ = 	snop;
	(pc) =	sbr.ind lr, $3  }
0x3a: {  	_ = 	snop  }
0x3b: {  	_ = 	snop  }
0x3c: {  	p2 =	seq.s32 s10, $0x1;
	s10 =	sld [smem:$0x3FAD]  }
0x3d: {  	_ =	shalt  }
0x3e: {  	_ =	shalt  }
0x3f: {  	_ =	shalt  }
0x40: {  	_ =	shalt  }
0x41: {  	_ =	shalt  }
0x42: {  	_ =	shalt  }
0x43: {  	_ =	shalt  }
0x44: {  	_ =	shalt  }
0x45: {  	_ =	shalt  }
0x46: {  	_ =	shalt  }
0x47: {  	_ =	shalt  }
0x48: {  	_ =	shalt  }
0x49: {  	_ =	shalt  }
0x4a: {  	_ =	shalt  }
0x4b: {  	_ =	shalt  }
0x4c: {  	_ =	shalt  }
0x4d: {  	_ =	shalt  }
0x4e: {  	_ =	shalt  }
0x4f: {  	_ =	shalt  }
0x50: {  	_ =	shalt  }
0x51: {  	_ =	shalt  }
0x52: {  	_ =	shalt  }
0x53: {  	_ =	shalt  }
0x54: {  	_ =	shalt  }
0x55: {  	_ =	shalt  }
0x56: {  	_ =	shalt  }
0x57: {  	_ =	shalt  }
0x58: {  	_ =	shalt  }
0x59: {  	_ =	shalt  }
0x5a: {  	_ =	shalt  }
0x5b: {  	_ =	shalt  }
0x5c: {  	_ =	shalt  }
0x5d: {  	_ =	shalt  }
0x5e: {  	_ =	shalt  }
0x5f: {  	_ =	shalt  }
0x60: {  	_ =	shalt  }
0x61: {  	_ =	shalt  }
0x62: {  	_ =	shalt  }
0x63: {  	_ =	shalt  }
0x64: {  	_ =	shalt  }
0x65: {  	_ =	shalt  }
0x66: {  	_ =	shalt  }
0x67: {  	_ =	shalt  }
0x68: {  	_ =	shalt  }
0x69: {  	_ =	shalt  }
0x6a: {  	_ =	shalt  }
0x6b: {  	_ =	shalt  }
0x6c: {  	_ =	shalt  }
0x6d: {  	_ =	shalt  }
0x6e: {  	_ =	shalt  }
0x6f: {  	_ =	shalt  }
0x70: {  	_ =	shalt  }
0x71: {  	_ =	shalt  }
0x72: {  	_ =	shalt  }
0x73: {  	_ =	shalt  }
0x74: {  	_ =	shalt  }
0x75: {  	_ =	shalt  }
0x76: {  	_ =	shalt  }
0x77: {  	_ =	shalt  }
0x78: {  	_ =	shalt  }
0x79: {  	_ =	shalt  }
0x7a: {  	_ =	shalt  }
0x7b: {  	_ =	shalt  }
0x7c: {  	_ =	shalt  }
0x7d: {  	_ =	shalt  }
0x7e: {  	_ =	shalt  }
0x7f: {  	_ =	shalt  }
0x80: {  	_ =	shalt  }
0x81: {  	_ =	shalt  }
0x82: {  	_ =	shalt  }
0x83: {  	_ =	shalt  }
0x84: {  	_ =	shalt  }
0x85: {  	_ =	shalt  }
0x86: {  	_ =	shalt  }
0x87: {  	_ =	shalt  }
.Lfunc_end0:
.L_simem_size_0:
called_computation.2_lowered:
.L_overlay_start_0:
0x88: {  	s2 =	sld [smem:$0x3FD9]  }
0x89: {  	s3 =	sld [smem:$0x3FFE];
	_ =	sdelay $0x1  }
0x8a: {  	s1 =	srdreg.scid  }
0x8b: {  	s0 =	sand.u32 $0x1, s1  }
0x8c: {  	s17 =	sshll.u32 s0, $0xA;
	s2 =	sadd.s32 s3, s2  }
0x8d: {  	s2 =	sadd.s32 s2, s17  }
0x8e: {  	[smem:$0x3FB9] =	sst s2  }
0x8f: {  	_ = 	snop  }
0x90: {  	s18 =	sld [smem:$0x3FD0];
	(tm) =	ssettm $0x1  }
0x91: {  	s19 =	sld [smem:$0x3FFB];
	_ =	sdelay $0x3  }
0x92: {  	_ =	strace s19  }
0x93: {  	s2 =	sld [smem:$0x3FFC];
	_ =	sdelay $0x3  }
0x94: {  	_ =	strace s2  }
0x95: {  	s2 =	sld [smem:$0x3FFD];
	_ =	sdelay $0x3  }
0x96: {  	_ =	strace s2  }
0x97: {  	_ =	strace $0x8FFFFFFF  }
0x98: {  	s20 =	sld [smem:$0x3FDB];
	_ =	sdelay $0x1  }
0x99: {  	s4 =	simm.s32 $_scs_section_size  }
0x9a: {  	s5 =	simm.s32 $_size__tile_overlayer_lowered;
	s6 =	simm.s32 $_tile_overlayer_lowered  }
0x9b: {  	s7 =	simm.s32 $0x1BFF;
	s21 =	sshll.u32 s6, $0x1;
	s4 =	sadd.s32 s4, s20  }
0x9c: {  	s22 =	simm.s32 $0x0;
	s5 =	sshll.u32 s5, $0x1;
	s6 =	sadd.s32 s21, s4  }
0x9d: {  	[timem:s22], [sflag:s7] =	dma.local [hbm:s6], s5  }
0x9e: {  	_ =	swait.ge [sflag:s7], s5  }
0x9f: {  	s5 =	ssub.s32 $0x0, s5;
	[sflag:s7] =	ssyncset.done $0x0  }
0xa0: {  	[sflag:s7] =	ssyncadd.s32 s5;
	_ =	sdelay $0x1  }
0xa1: {  	s23 =	simm.s32 $0x1B8B  }
0xa2: {  	_ =	swait.ge [sflag:s23], $0x1  }
0xa3: {  	[sflag:s23] =	ssyncset.done $0x0  }
0xa4: {  	[sflag:s23] =	ssyncadd.s32 $0xFFFFFFFF  }
0xa5: {  	s5 =	sld [smem:$0x0]  }
0xa6: {  	s6 =	sand.u32 $0xFFFFFFFE, s1  }
0xa7: {  	p0 =	sne.s32 s1, s6  }
0xa8: {  	s6 =	sshll.u32 @p0 s6, $0xE  }
0xa9: {  	s6 =	sadd.s32 @p0 $0x11B8D, s6;
	s7 =	sshll.u32 @p0 s5, $0x11  }
0xaa: {  	s6 =	sor.u32 @p0 s7, s6  }
0xab: {  	[sflag:s6] =	ssyncadd.remote.s32 @p0 $0x1;
	_ =	sdelay $0x1  }
0xac: {  	s6 =	simm.s32 @p0 $0x1B8D  }
0xad: {  	_ =	swait.eq @p0 [sflag:s6], $0x1  }
0xae: {  	[sflag:s6] =	ssyncadd.s32 @p0 $0xFFFFFFFF  }
0xaf: {  	s7 =	sshll.u32 @!p0 s1, $0xE  }
0xb0: {  	s7 =	sor.u32 @!p0 $0x4000, s7;
	s6 =	simm.s32 @!p0 $0x1B8D  }
0xb1: {  	s5 =	sshll.u32 @!p0 s5, $0x11;
	s7 =	sadd.s32 @!p0 $0x11B8D, s7;
	_ =	swait.eq @!p0 [sflag:s6], $0x1  }
0xb2: {  	s5 =	sor.u32 @!p0 s5, s7;
	[sflag:s6] =	ssyncadd.s32 @!p0 $0xFFFFFFFF  }
0xb3: {  	s25 =	simm.s32 $0x1B8E;
	s24 =	sld [smem:$0x3FFE];
	[sflag:s5] =	ssyncadd.remote.s32 @!p0 $0x1  }
0xb4: {  	s26 =	simm.s32 $execute0_lowered;
	[smem:$0x3FD2] =	sst s25  }
0xb5: {  	s6 =	sshll.u32 s26, $0x1;
	_ =	strace $0x8000004C;
	[dreg:$0x1] =	wrdreg $0xFFFFFFFF  }
0xb6: {  	s28 =	simm.s32 $_size_execute0_lowered;
	s4 =	sadd.s32 s4, s6;
	[dreg:$0x0] =	wrdreg $0x0  }
0xb7: {  	s6 =	sshll.u32 s28, $0x1;
	[dreg:$0x2] =	wrdreg s4  }
0xb8: {  	[dreg:$0x3] =	wrdreg s6  }
0xb9: {  	[dreg:$0x4] =	wrdreg $0xC0  }
0xba: {  	_ =	task [dreg:s22], $0x5FFFF  }
0xbb: {  	[dreg:$0x1] =	wrdreg $0xFFFFFFFF  }
0xbc: {  	[dreg:$0x0] =	wrdreg $0x60  }
0xbd: {  	[dreg:$0x2] =	wrdreg s24  }
0xbe: {  	[dreg:$0x3] =	wrdreg s18  }
0xbf: {  	[dreg:$0x4] =	wrdreg $0xD9800  }
0xc0: {  	[dreg:$0x5] =	wrdreg $0xB2000  }
0xc1: {  	[dreg:$0x6] =	wrdreg $0xA  }
0xc2: {  	_ =	task.clear_ibuf [dreg:s22], $0x7FFFF;
	_ =	strace $0x9000004C  }
0xc3: {  	s29 =	simm.s32 $0xA;
	_ =	strace $0x8000004E  }
0xc4: {  	_ =	swait.ge [sflag:s29], $0x1  }
0xc5: {  	[sflag:s29] =	ssyncadd.s32 $0xFFFFFFFF  }
0xc6: {  	_ =	strace $0x9000004E  }
0xc7: {  	_ =	sfence  }
0xc8: {  	s30 =	sld [smem:$0x0];
	_ =	sdelay $0x2  }
0xc9: {  	s31 =	sshll.u32 s1, $0xD;
	s1 =	sshrl.u32 s1, $0x2  }
0xca: {  	s4 =	sand.u32 $0x4000, s31;
	s1 =	sadd.s32 s1, s30  }
0xcb: {  	s0 =	sor.u32 s4, s0;
	s1 =	sshll.u32 s1, $0x11  }
0xcc: {  	s0 =	sor.u32 s1, s0  }
0xcd: {  	s0 =	sadd.s32 $0x8F2B, s0  }
0xce: {  	[sflag:s0] =	ssyncadd.remote.s32 $0x1  }
0xcf: {  	_ =	sfence.sel $0xFFFF  }
0xd0: {  	[dreg:$0x0] =	wrdreg $0xFFFFFFFF;
	(pc) =	sbr.abs _section_cstart, $3  }
0xd1: {  	[dreg:$0x1] =	wrdreg $0xFFFFFFFF  }
0xd2: {  	_ =	task.clear_ibuf [dreg:s22], $0x2FFFF;
	_ =	strace $0x9FFFFFFF  }
0xd3: {  	(tm) =	ssettm $0x7FFFFFFF  }
tec
execute0_lowered:
.L_overlay_start_1:
0x0: {  	(tag) =	ssettag $0x1  }
0x1: {  	s6 =	rddreg [dreg:$0x0]  }
0x2: {  	s7 =	rddreg [dreg:$0x1]  }
0x3: {  	s2 =	rddreg [dreg:$0x2]  }
0x4: {  	s3 =	rddreg [dreg:$0x3]  }
0x5: {  	s0 =	rddreg [dreg:$0x4];
	s5 =	srdreg.scid  }
0x6: {  	s1 =	stileid.u32;
	s4 =	simm.s32 $0x0;
	s20 =	simm.s32 $0xAA00  }
0x7: {  	s21 =	simm.s32 $0xA00;
	s8 =	sand.u32 $0x1, s5;
	s9 =	smul.u32 $0x278, s1  }
0x8: {  	[smem:$0x7FF] =	sst s4;
	s12 =	sadd.s32 $0xBA00, s6;
	s13 =	sadd.s32 $0x15A00, s6  }
0x9: {  	s5 =	sadd.s32 $0x63E00, s6;
	s22 =	sshll.u32 s1, $0x1;
	s25 =	smul.u32 $0x2780, s1  }
0xa: {  	s29 =	sshll.u32 s1, $0x6;
	s10 =	smul.u32 $0x2780, s8;
	_ =	strace $0x8000004D  }
0xb: {  	s11 =	ssub.s32 $0x2, s8;
	s18 =	sor.u32 s8, s22;
	s22 =	simm.s32 $0x80  }
0xc: {  	s23 =	sshrl.u32 s11, $0x1;
	s8 =	smul.u32 $0x13, s18;
	s24 =	smin.u32 s18, $0x11  }
0xd: {  	p0 =	slt.u32 s18, $0x11;
	s19 =	sadd.s32 s25, s2;
	s28 =	sshrl.u32 s25, $0x3  }
0xe: {  	s9 =	sadd.s32 s9, s10;
	s17 =	ssub.s32 s11, s23;
	s7 =	sadd.s32 s7, s28  }
0xf: {  	s23 =	simm.s32 $0x1;
	s9 =	sshll.u32 s9, $0x1;
	s26 =	sadd.s32 s24, s8  }
0x10: {  	s8 =	sor.u32 $0x1C02, s29;
	s17 =	smax.u32 s17, $0x1;
	s24 =	simm.s32 $0x0  }
0x11: {  	s16 =	sadd.s32 s9, s6;
	s6 =	simm.s32 $0x14;
	s30 =	sshll.u32 s26, $0x7  }
0x12: {  	s14 =	sshll.u32 s26, $0x4;
	s9 =	sadd.s32 s25, s3;
	s11 =	sshll.u32 s26, $0x8  }
0x13: {  	s6 =	simm.s32 @!p0 $0x13;
	s15 =	sadd.s32 $0x980, s30;
	s10 =	sadd.s32 s12, s14  }
0x14: {  	s11 =	sadd.s32 s13, s11;
	p0 =	sgt.u32 s18, $0x10;
	s18 =	sshrl.u32 s19, $0x3  }
0x15: {  	s19 =	simm.s32 $0x2;
	s31 =	sshll.u32 s15, $0x1;
	s15 =	sshrl.u32 s15, $0x3  }
0x16: {  	s14 =	sand.u32 $0x1FFFFF00, s31;
	s12 =	sadd.s32 s12, s15;
	s15 =	sadd.s32 $0x64000, s16  }
0x17: {  	s16 =	sadd.s32 $0x6DE00, s16;
	s13 =	sadd.s32 s13, s14;
	s14 =	sshll.u32 s6, $0x1  }
.LBB2_1:
0x18: {  	[spmem:s18], [sflag:s8] =	dma.local [hbm:s7], $0x4F0  }
0x19: {  	_ =	swait.ge [sflag:s19], $0x4F0  }
0x1a: {  	[sflag:s19] =	ssyncset.done $0x0  }
0x1b: {  	s25 =	sshrl.u32 s9, $0x3;
	[sflag:s19] =	ssyncadd.s32 $0xFFFFFB10  }
0x1c: {  	[spmem:s25], [sflag:s8] =	dma.local [hbm:s7], $0x4F0  }
0x1d: {  	_ =	swait.ge [sflag:s19], $0x4F0  }
0x1e: {  	[sflag:s19] =	ssyncset.done $0x0  }
0x1f: {  	[sflag:s19] =	ssyncadd.s32 $0xFFFFFB10  }
0x20: {  	[tilespmem:s20], [sflag:$0x2] =	stream.linear.gather [hbm4b:s5+s4], $0x800, $0x38;
	[tilespmem:$0x10100] =	vst v63  }
0x21: {  	_ =	swait.ge [sflag:s19], $0x800  }
0x22: {  	[sflag:s19] =	ssyncset.done $0x0  }
0x23: {  	[sflag:s19] =	ssyncadd.s32 $0xFFFFF800  }
0x24: {  	[tilespmem:s4], [sflag:$0x2] =	stream.linear.gather [hbm4b:s10+s4], $0x980, $0x38;
	[tilespmem:$0x10100] =	vst v63  }
0x25: {  	_ =	swait.ge [sflag:s19], $0x980  }
0x26: {  	[sflag:s19] =	ssyncset.done $0x0  }
0x27: {  	[sflag:s19] =	ssyncadd.s32 $0xFFFFF680  }
0x28: {  	[tilespmem:s21], [sflag:$0x2] =	stream.linear.gather [hbm4b:s11+s4], $0x9800, $0x38;
	[tilespmem:$0x10100] =	vst v63  }
0x29: {  	_ =	swait.ge [sflag:s19], $0x9800  }
0x2a: {  	[sflag:s19] =	ssyncset.done $0x0  }
0x2b: {  	s26 =	simm.s32 @!p0 $0x0;
	s28 =	simm.s32 @!p0 $0x980;
	[sflag:s19] =	ssyncadd.s32 $0xFFFF6800  }
0x2c: {  	[tilespmem:s28], [sflag:$0x2] =	stream.linear.gather @!p0 [hbm4b:s12+s26], $0x80, $0x38;
	[tilespmem:$0x10100] =	vst v63  }
0x2d: {  	s28 =	simm.s32 @!p0 $0x2  }
0x2e: {  	_ =	swait.ge @!p0 [sflag:s28], $0x80  }
0x2f: {  	[sflag:s28] =	ssyncset.done @!p0 $0x0  }
0x30: {  	s29 =	simm.s32 @!p0 $0xA200;
	p1 =	sne.s32 s6, $0x1;
	[sflag:s28] =	ssyncadd.s32 @!p0 $0xFFFFFF80  }
0x31: {  	[tilespmem:s29], [sflag:$0x2] =	stream.linear.gather @!p0 [hbm4b:s13+s26], $0x800, $0x38;
	[tilespmem:$0x10100] =	vst v63  }
.Ltmp0:
0x32: {  	_ =	swait.ge @!p0 [sflag:s28], $0x800;
	(pc) =	sbr.rel @!p1 .LBB2_3-.Ltmp0, $4  }
0x33: {  	[sflag:s28] =	ssyncset.done @!p0 $0x0  }
0x34: {  	s30 =	simm.s32 $0x0;
	s26 =	sadd.s32 $0xFFFFFFFF, s6;
	[sflag:s28] =	ssyncadd.s32 @!p0 $0xFFFFF800  }
0x35: {  	s29 =	simm.s32 $0x1200;
	s28 =	simm.s32 $0x80;
	[bflag:$0x0] =	sbarrier.arrive $0xFFFF  }
0x36: {  	[spmem:s2] =	stream.indirect.scatter.add.f32 [tilespmem:s21], [sflag:$0x1], $0x10, s4, s22, $0xb8;
	[tilespmem:$0x10100] =	vst v63  }
.LBB2_2:
0x37: {  	[spmem:s3] =	stream.indirect.scatter.add.f32 [tilespmem:s20], [sflag:$0x1], $0x10, s30, s22, $0xb8;
	[tilespmem:$0x10100] =	vst v63  }
0x38: {  	p1 =	sne.s32 s26, $0x1  }
.Ltmp1:
0x39: {  	s26 =	sadd.s32 $0xFFFFFFFF, s26;
	(pc) =	sbr.rel @p1 .LBB2_2-.Ltmp1, $3  }
0x3a: {  	s30 =	smov.u32 s28;
	_ =	sdelay $0x1  }
0x3b: {  	[spmem:s2] =	stream.indirect.scatter.add.f32 [tilespmem:s29], [sflag:$0x1], $0x10, s28, s22, $0xb8;
	[tilespmem:$0x10100] =	vst v63  }
0x3c: {  	s28 =	sadd.s32 $0x80, s28;
	s29 =	sadd.s32 $0x800, s29  }
.LBB2_3:
0x3d: {  	p1 =	sne.s32 s14, $0x1  }
.Ltmp2:
0x3e: {  	_ = 	snop;
	(pc) =	sbr.rel @!p1 .LBB2_5-.Ltmp2, $4  }
0x3f: {  	_ = 	snop  }
0x40: {  	[spmem:s3] =	stream.indirect.scatter.add.f32 [tilespmem:s20], [sflag:$0x1], $0x10, s30, s22, $0xb8;
	[tilespmem:$0x10100] =	vst v63  }
0x41: {  	_ =	swait.ge [sflag:s23], $0x800  }
0x42: {  	s26 =	sadd.s32 $0xFFFFFFFF, s14;
	[sflag:s23] =	ssyncset.done $0x0  }
.LBB2_4:
0x43: {  	p1 =	sne.s32 s26, $0x1;
	s26 =	sadd.s32 $0xFFFFFFFF, s26;
	[sflag:s23] =	ssyncadd.s32 $0xFFFFF800  }
.Ltmp3:
0x44: {  	(pc) =	sbr.rel @p1 .LBB2_4-.Ltmp3, $3  }
0x45: {  	_ =	sdelay $0x1  }
0x46: {  	_ =	swait.ge [sflag:s23], $0x800  }
0x47: {  	[sflag:s23] =	ssyncset.done $0x0  }
.LBB2_5:
0x48: {  	[sflag:s23] =	ssyncadd.s32 $0xFFFFF800  }
0x49: {  	[bflag:$0x0] =	sbarrier.arrive $0xFFFF  }
0x4a: {  	[hbm:s15], [sflag:s8] =	dma.local [spmem:s18], $0x4F0  }
0x4b: {  	s24 =	sadd.s32 $0x1, s24;
	_ =	swait.ge [sflag:s19], $0x4F0  }
0x4c: {  	p1 =	sne.s32 s24, s17;
	[sflag:s19] =	ssyncset.done $0x0  }
.Ltmp4:
0x4d: {  	[sflag:s19] =	ssyncadd.s32 $0xFFFFFB10;
	(pc) =	sbr.rel @p1 .LBB2_1-.Ltmp4, $4  }
0x4e: {  	[hbm:s16], [sflag:s8] =	dma.local [spmem:s25], $0x4F0  }
0x4f: {  	_ =	swait.ge [sflag:s19], $0x4F0  }
0x50: {  	[sflag:s19] =	ssyncset.done $0x0  }
0x51: {  	[sflag:s19] =	ssyncadd.s32 $0xFFFFFB10  }
0x52: {  	_ =	sfence.sel $0x180000  }
0x53: {  	[bflag:$0x0] =	sbarrier.arrive $0xFFFF  }
0x54: {  	p0 =	sne.s32 s1, $0x0;
	_ =	strace $0x9000004D  }
0x55: {  	s0 =	sadd.s32 @!p0 $0x100000, s0;
	[bflag:$0x2] =	sbarrier.arrive $0xFFFF  }
0x56: {  	[sflag:s0] =	ssyncadd.tile.s32 @!p0 $0x1;
	_ =	shalt  }
.Lfunc_end2:
_tile_overlayer_lowered:
.L_overlay_start_2:
0x57: {  	(tag) =	ssettag $0x2  }
0x58: {  	s0 =	rddreg [dreg:$0x0];
	s2 =	stileid.u32  }
0x59: {  	s1 =	rddreg [dreg:$0x1];
	p0 =	sne.s32 s2, $0x0  }
0x5a: {  	s3 =	rddreg [dreg:$0x2];
	[bflag:$0x3] =	sbarrier.arrive $0xFFFF;
	s2 =	simm.s32 @!p0 $0x1C02  }
0x5b: {  	[timem:s3], [sflag:s2] =	dma.local @!p0 [hbm:s0], s1  }
0x5c: {  	s0 =	simm.s32 @!p0 $0x2  }
0x5d: {  	_ =	swait.ge @!p0 [sflag:s0], s1  }
0x5e: {  	s1 =	ssub.s32 @!p0 $0x0, s1;
	[sflag:s0] =	ssyncset.done @!p0 $0x0  }
0x5f: {  	[sflag:s0] =	ssyncadd.s32 @!p0 s1  }
0x60: {  	[bflag:$0x3] =	sbarrier.arrive $0xFFFF  }
0x61: {  	_ =	shalt  }

// kernel: kernel.25.cloned.1.call-start
scs
__scs_entry_jumppad:
0x0: {  	(pc) =	sbr.rel $0x88, $3  }
0x1: {  	(tag) =	ssettag $0x0;
	lr =	simm.s32 $0x1  }
0x2: {  	[smem:$0x3F92] =	sst lr;
	_ =	strace $0xD0000000  }
0x3: {  	_ = 	snop  }
0x4: {  	_ = 	snop  }
0x5: {  	_ = 	snop  }
0x6: {  	_ = 	snop  }
0x7: {  	_ = 	snop  }
__scs_overlays_trampoline_lowered:
0x8: {  	[smem:$0x3FA1] =	sst s0  }
0x9: {  	[smem:$0x3FA2] =	sst s1  }
0xa: {  	[smem:$0x3FA3] =	sst s2  }
0xb: {  	[smem:$0x3FA4] =	sst s3  }
0xc: {  	[smem:$0x3FA5] =	sst s4  }
0xd: {  	[smem:$0x3FA6] =	sst s5  }
0xe: {  	[smem:$0x3FA7] =	sst s6  }
0xf: {  	[smem:$0x3FA8] =	sst s7  }
0x10: {  	[smem:$0x3FA9] =	sst s8  }
0x11: {  	[smem:$0x3FAA] =	sst s9;
	s0 =	simm.s32 @!p0 $0x0  }
0x12: {  	s1 =	sld [smem:$0x3F90];
	s0 =	simm.s32 @p0 $0x1  }
0x13: {  	[smem:$0x3FAB] =	sst s0;
	s0 =	simm.s32 @!p1 $0x0  }
0x14: {  	s2 =	sld [smem:$0x3F8F];
	s0 =	simm.s32 @p1 $0x1  }
0x15: {  	[smem:$0x3FAC] =	sst s0;
	s0 =	simm.s32 @!p2 $0x0  }
0x16: {  	s3 =	sld [smem:$0x3FDB];
	s0 =	simm.s32 @p2 $0x1  }
0x17: {  	s4 =	simm.s32 $0x1BF5;
	[smem:$0x3FAE] =	sst s0  }
0x18: {  	s0 =	sld [smem:$0x3F91];
	_ =	swait.ge [sflag:s4], $0x0  }
0x19: {  	s7 =	sld [smem:$0x3F92]  }
0x1a: {  	s8 =	sadd.s32 $0xFFFFE003, lr  }
0x1b: {  	s9 =	sadd.s32 $0xFFFFFEF7, lr;
	s5 =	simm.s32 $0xFFFFFFFF;
	p2 =	slt.u32 s8, $0xFFFFF086  }
0x1c: {  	p1 =	slt.u32 s9, $0xF7A;
	s5 =	simm.s32 @!p2 $0x0  }
0x1d: {  	s5 =	simm.s32 @p1 $0x1;
	p0 =	seq.s32 s7, s2  }
0x1e: {  	s7 =	smul.u32 @!p0 $0xF7A, s2;
	p2 =	seq.s32 @!p0 s5, $0x0  }
0x1f: {  	s9 =	smul.u32 $0xF7A, s1;
	s8 =	simm.s32 @!p0 $0x1BF5;
	p2 =	por !p2, p0  }
0x20: {  	[sflag:s8] =	ssyncset.s32 @!p0 $0xFFFFF086;
	s6 =	sadd.s32 @!p0 s3, s7;
	s7 =	simm.s32 @!p0 $0x108  }
0x21: {  	s3 =	sadd.s32 s3, s9;
	s6 =	sadd.s32 @!p0 $0x88, s6;
	s7 =	simm.s32 @p2 $0x1082  }
0x22: {  	[simem:s7], [sflag:s8] =	dma.local @!p0 [hbm:s6], $0xF7A  }
0x23: {  	s9 =	sor.u32 $0xD0000000, s2;
	s6 =	simm.s32 $0x108;
	_ =	swait.ge @!p0 [sflag:s8], $0x0  }
0x24: {  	s3 =	sadd.s32 $0x88, s3;
	s6 =	simm.s32 @!p1 $0x1082;
	[sflag:s4] =	ssyncset.s32 $0xFFFFF086  }
0x25: {  	[simem:s6], [sflag:s4] =	dma.local [hbm:s3], $0xF7A  }
0x26: {  	[smem:$0x3F92] =	sst s1;
	(tag) =	ssettag s2;
	_ =	strace s9  }
0x27: {  	s1 =	sld [smem:$0x3FA2]  }
0x28: {  	s2 =	sld [smem:$0x3FA3]  }
0x29: {  	s4 =	sld [smem:$0x3FA5]  }
0x2a: {  	p0 =	seq.s32 s5, $0x0;
	s5 =	sld [smem:$0x3FA6]  }
0x2b: {  	s6 =	sld [smem:$0x3FA7]  }
0x2c: {  	s7 =	sld [smem:$0x3FA8]  }
0x2d: {  	s3 =	simm.s32 $0x108;
	s8 =	sld [smem:$0x3FA9]  }
0x2e: {  	s3 =	simm.s32 @!p0 $0x1082;
	s9 =	sld [smem:$0x3FAA]  }
0x2f: {  	lr =	sadd.s32 s0, s3;
	s0 =	sld [smem:$0x3FA1]  }
0x30: {  	s3 =	sld [smem:$0x3FA4]  }
0x31: {  	[smem:$0x3FAD] =	sst s10  }
0x32: {  	s10 =	sld [smem:$0x3FAB];
	_ =	sdelay $0x3  }
0x33: {  	p0 =	seq.s32 s10, $0x1;
	s10 =	sld [smem:$0x3FAD];
	_ =	sdelay $0x3  }
0x34: {  	[smem:$0x3FAD] =	sst s10  }
0x35: {  	s10 =	sld [smem:$0x3FAC];
	_ =	sdelay $0x3  }
0x36: {  	p1 =	seq.s32 s10, $0x1;
	s10 =	sld [smem:$0x3FAD];
	_ =	sdelay $0x3  }
0x37: {  	[smem:$0x3FAD] =	sst s10  }
0x38: {  	s10 =	sld [smem:$0x3FAE]  }
0x39: {  	_ = 	snop;
	(pc) =	sbr.ind lr, $3  }
0x3a: {  	_ = 	snop  }
0x3b: {  	_ = 	snop  }
0x3c: {  	p2 =	seq.s32 s10, $0x1;
	s10 =	sld [smem:$0x3FAD]  }
0x3d: {  	_ =	shalt  }
0x3e: {  	_ =	shalt  }
0x3f: {  	_ =	shalt  }
0x40: {  	_ =	shalt  }
0x41: {  	_ =	shalt  }
0x42: {  	_ =	shalt  }
0x43: {  	_ =	shalt  }
0x44: {  	_ =	shalt  }
0x45: {  	_ =	shalt  }
0x46: {  	_ =	shalt  }
0x47: {  	_ =	shalt  }
0x48: {  	_ =	shalt  }
0x49: {  	_ =	shalt  }
0x4a: {  	_ =	shalt  }
0x4b: {  	_ =	shalt  }
0x4c: {  	_ =	shalt  }
0x4d: {  	_ =	shalt  }
0x4e: {  	_ =	shalt  }
0x4f: {  	_ =	shalt  }
0x50: {  	_ =	shalt  }
0x51: {  	_ =	shalt  }
0x52: {  	_ =	shalt  }
0x53: {  	_ =	shalt  }
0x54: {  	_ =	shalt  }
0x55: {  	_ =	shalt  }
0x56: {  	_ =	shalt  }
0x57: {  	_ =	shalt  }
0x58: {  	_ =	shalt  }
0x59: {  	_ =	shalt  }
0x5a: {  	_ =	shalt  }
0x5b: {  	_ =	shalt  }
0x5c: {  	_ =	shalt  }
0x5d: {  	_ =	shalt  }
0x5e: {  	_ =	shalt  }
0x5f: {  	_ =	shalt  }
0x60: {  	_ =	shalt  }
0x61: {  	_ =	shalt  }
0x62: {  	_ =	shalt  }
0x63: {  	_ =	shalt  }
0x64: {  	_ =	shalt  }
0x65: {  	_ =	shalt  }
0x66: {  	_ =	shalt  }
0x67: {  	_ =	shalt  }
0x68: {  	_ =	shalt  }
0x69: {  	_ =	shalt  }
0x6a: {  	_ =	shalt  }
0x6b: {  	_ =	shalt  }
0x6c: {  	_ =	shalt  }
0x6d: {  	_ =	shalt  }
0x6e: {  	_ =	shalt  }
0x6f: {  	_ =	shalt  }
0x70: {  	_ =	shalt  }
0x71: {  	_ =	shalt  }
0x72: {  	_ =	shalt  }
0x73: {  	_ =	shalt  }
0x74: {  	_ =	shalt  }
0x75: {  	_ =	shalt  }
0x76: {  	_ =	shalt  }
0x77: {  	_ =	shalt  }
0x78: {  	_ =	shalt  }
0x79: {  	_ =	shalt  }
0x7a: {  	_ =	shalt  }
0x7b: {  	_ =	shalt  }
0x7c: {  	_ =	shalt  }
0x7d: {  	_ =	shalt  }
0x7e: {  	_ =	shalt  }
0x7f: {  	_ =	shalt  }
0x80: {  	_ =	shalt  }
0x81: {  	_ =	shalt  }
0x82: {  	_ =	shalt  }
0x83: {  	_ =	shalt  }
0x84: {  	_ =	shalt  }
0x85: {  	_ =	shalt  }
0x86: {  	_ =	shalt  }
0x87: {  	_ =	shalt  }
.Lfunc_end0:
.L_simem_size_0:
called_computation.3_lowered:
.L_overlay_start_0:
0x88: {  	s2 =	sld [smem:$0x3FD9]  }
0x89: {  	s3 =	sld [smem:$0x3FFE];
	_ =	sdelay $0x1  }
0x8a: {  	s1 =	srdreg.scid  }
0x8b: {  	s0 =	sand.u32 $0x1, s1  }
0x8c: {  	s17 =	sshll.u32 s0, $0xA;
	s2 =	sadd.s32 s3, s2  }
0x8d: {  	s2 =	sadd.s32 s2, s17  }
0x8e: {  	[smem:$0x3FB9] =	sst s2  }
0x8f: {  	_ = 	snop  }
0x90: {  	s18 =	sld [smem:$0x3FD0];
	(tm) =	ssettm $0x1  }
0x91: {  	s19 =	sld [smem:$0x3FFB];
	_ =	sdelay $0x3  }
0x92: {  	_ =	strace s19  }
0x93: {  	s2 =	sld [smem:$0x3FFC];
	_ =	sdelay $0x3  }
0x94: {  	_ =	strace s2  }
0x95: {  	s2 =	sld [smem:$0x3FFD];
	_ =	sdelay $0x3  }
0x96: {  	_ =	strace s2  }
0x97: {  	_ =	strace $0x8FFFFFFF  }
0x98: {  	s20 =	sld [smem:$0x3FDB];
	_ =	sdelay $0x1  }
0x99: {  	s4 =	simm.s32 $_scs_section_size  }
0x9a: {  	s5 =	simm.s32 $_size__tile_overlayer_lowered;
	s6 =	simm.s32 $_tile_overlayer_lowered  }
0x9b: {  	s7 =	simm.s32 $0x1BFF;
	s21 =	sshll.u32 s6, $0x1;
	s4 =	sadd.s32 s4, s20  }
0x9c: {  	s22 =	simm.s32 $0x0;
	s5 =	sshll.u32 s5, $0x1;
	s6 =	sadd.s32 s21, s4  }
0x9d: {  	[timem:s22], [sflag:s7] =	dma.local [hbm:s6], s5  }
0x9e: {  	_ =	swait.ge [sflag:s7], s5  }
0x9f: {  	s5 =	ssub.s32 $0x0, s5;
	[sflag:s7] =	ssyncset.done $0x0  }
0xa0: {  	[sflag:s7] =	ssyncadd.s32 s5;
	_ =	sdelay $0x1  }
0xa1: {  	s23 =	simm.s32 $0x1B8B  }
0xa2: {  	_ =	swait.ge [sflag:s23], $0x1  }
0xa3: {  	[sflag:s23] =	ssyncset.done $0x0  }
0xa4: {  	[sflag:s23] =	ssyncadd.s32 $0xFFFFFFFF  }
0xa5: {  	s5 =	sld [smem:$0x0]  }
0xa6: {  	s6 =	sand.u32 $0xFFFFFFFE, s1  }
0xa7: {  	p0 =	sne.s32 s1, s6  }
0xa8: {  	s6 =	sshll.u32 @p0 s6, $0xE  }
0xa9: {  	s6 =	sadd.s32 @p0 $0x11B8D, s6;
	s7 =	sshll.u32 @p0 s5, $0x11  }
0xaa: {  	s6 =	sor.u32 @p0 s7, s6  }
0xab: {  	[sflag:s6] =	ssyncadd.remote.s32 @p0 $0x1;
	_ =	sdelay $0x1  }
0xac: {  	s6 =	simm.s32 @p0 $0x1B8D  }
0xad: {  	_ =	swait.eq @p0 [sflag:s6], $0x1  }
0xae: {  	[sflag:s6] =	ssyncadd.s32 @p0 $0xFFFFFFFF  }
0xaf: {  	s7 =	sshll.u32 @!p0 s1, $0xE  }
0xb0: {  	s7 =	sor.u32 @!p0 $0x4000, s7;
	s6 =	simm.s32 @!p0 $0x1B8D  }
0xb1: {  	s5 =	sshll.u32 @!p0 s5, $0x11;
	s7 =	sadd.s32 @!p0 $0x11B8D, s7;
	_ =	swait.eq @!p0 [sflag:s6], $0x1  }
0xb2: {  	s5 =	sor.u32 @!p0 s5, s7;
	[sflag:s6] =	ssyncadd.s32 @!p0 $0xFFFFFFFF  }
0xb3: {  	s25 =	simm.s32 $0x1B8E;
	s24 =	sld [smem:$0x3FFE];
	[sflag:s5] =	ssyncadd.remote.s32 @!p0 $0x1  }
0xb4: {  	s26 =	simm.s32 $execute0_lowered;
	[smem:$0x3FD2] =	sst s25  }
0xb5: {  	s6 =	sshll.u32 s26, $0x1;
	_ =	strace $0x8000004F;
	[dreg:$0x1] =	wrdreg $0xFFFFFFFF  }
0xb6: {  	s28 =	simm.s32 $_size_execute0_lowered;
	s4 =	sadd.s32 s4, s6;
	[dreg:$0x0] =	wrdreg $0x0  }
0xb7: {  	s6 =	sshll.u32 s28, $0x1;
	[dreg:$0x2] =	wrdreg s4  }
0xb8: {  	[dreg:$0x3] =	wrdreg s6  }
0xb9: {  	[dreg:$0x4] =	wrdreg $0xC0  }
0xba: {  	_ =	task [dreg:s22], $0x5FFFF  }
0xbb: {  	[dreg:$0x1] =	wrdreg $0xFFFFFFFF  }
0xbc: {  	[dreg:$0x0] =	wrdreg $0x60  }
0xbd: {  	[dreg:$0x2] =	wrdreg s24  }
0xbe: {  	[dreg:$0x3] =	wrdreg s18  }
0xbf: {  	[dreg:$0x4] =	wrdreg $0xD9800  }
0xc0: {  	[dreg:$0x5] =	wrdreg $0xB2000  }
0xc1: {  	[dreg:$0x6] =	wrdreg $0x9  }
0xc2: {  	_ =	task.clear_ibuf [dreg:s22], $0x7FFFF;
	_ =	strace $0x9000004F  }
0xc3: {  	s29 =	simm.s32 $0x9;
	_ =	strace $0x80000051  }
0xc4: {  	_ =	swait.ge [sflag:s29], $0x1  }
0xc5: {  	[sflag:s29] =	ssyncadd.s32 $0xFFFFFFFF  }
0xc6: {  	_ =	strace $0x90000051  }
0xc7: {  	_ =	sfence  }
0xc8: {  	s30 =	sld [smem:$0x0];
	_ =	sdelay $0x2  }
0xc9: {  	s31 =	sshll.u32 s1, $0xD;
	s1 =	sshrl.u32 s1, $0x2  }
0xca: {  	s4 =	sand.u32 $0x4000, s31;
	s1 =	sadd.s32 s1, s30  }
0xcb: {  	s0 =	sor.u32 s4, s0;
	s1 =	sshll.u32 s1, $0x11  }
0xcc: {  	s0 =	sor.u32 s1, s0  }
0xcd: {  	s0 =	sadd.s32 $0x8F2B, s0  }
0xce: {  	[sflag:s0] =	ssyncadd.remote.s32 $0x1  }
0xcf: {  	_ =	sfence.sel $0xFFFF  }
0xd0: {  	[dreg:$0x0] =	wrdreg $0xFFFFFFFF;
	(pc) =	sbr.abs _section_cstart, $3  }
0xd1: {  	[dreg:$0x1] =	wrdreg $0xFFFFFFFF  }
0xd2: {  	_ =	task.clear_ibuf [dreg:s22], $0x2FFFF;
	_ =	strace $0x9FFFFFFF  }
0xd3: {  	(tm) =	ssettm $0x7FFFFFFF  }
tec
execute0_lowered:
.L_overlay_start_1:
0x0: {  	(tag) =	ssettag $0x1  }
0x1: {  	s6 =	rddreg [dreg:$0x0]  }
0x2: {  	s7 =	rddreg [dreg:$0x1];
	s1 =	srdreg.scid  }
0x3: {  	s0 =	stileid.u32;
	s2 =	rddreg [dreg:$0x2]  }
0x4: {  	s3 =	rddreg [dreg:$0x3];
	s4 =	simm.s32 $0x0;
	s20 =	simm.s32 $0xAA00  }
0x5: {  	s21 =	simm.s32 $0xA00;
	s22 =	simm.s32 $0x80;
	s23 =	simm.s32 $0x1  }
0x6: {  	s24 =	simm.s32 $0x0;
	s8 =	sand.u32 $0x1, s1;
	s1 =	rddreg [dreg:$0x4]  }
0x7: {  	s25 =	sshll.u32 s0, $0x1;
	s10 =	smul.u32 $0x278, s0;
	[smem:$0x7FF] =	sst s4  }
0x8: {  	s29 =	smul.u32 $0x2780, s0;
	s31 =	sshll.u32 s0, $0x6;
	s17 =	sor.u32 s8, s25  }
0x9: {  	s26 =	smul.u32 $0x2780, s8;
	_ =	strace $0x80000050;
	s8 =	ssub.s32 $0x2, s8  }
0xa: {  	s5 =	smul.u32 $0x13, s17;
	s9 =	smin.u32 s17, $0x11;
	s28 =	sshrl.u32 s8, $0x1  }
0xb: {  	p0 =	slt.u32 s17, $0x11;
	s30 =	sshrl.u32 s29, $0x3;
	s18 =	sadd.s32 s29, s2  }
0xc: {  	s19 =	sadd.s32 s29, s3;
	s16 =	ssub.s32 s8, s28;
	s7 =	sadd.s32 s7, s30  }
0xd: {  	s8 =	sor.u32 $0x1C02, s31;
	s19 =	sshrl.u32 s19, $0x3;
	s5 =	sadd.s32 s9, s5  }
0xe: {  	s9 =	sadd.s32 s10, s26;
	s11 =	sshll.u32 s5, $0x4;
	s5 =	sshll.u32 s5, $0x8  }
0xf: {  	s9 =	sshll.u32 s9, $0x1;
	s11 =	sadd.s32 s11, s6;
	s12 =	sadd.s32 s5, s6  }
0x10: {  	s5 =	sadd.s32 $0x63E00, s6;
	s15 =	sadd.s32 s9, s6;
	s6 =	simm.s32 $0x14  }
0x11: {  	s16 =	smax.u32 s16, $0x1;
	s6 =	simm.s32 @!p0 $0x13;
	s9 =	sadd.s32 $0xE110, s11  }
0x12: {  	s10 =	sadd.s32 $0x3CC00, s12;
	s11 =	sadd.s32 $0xE240, s11;
	s12 =	sadd.s32 $0x3DF00, s12  }
0x13: {  	s14 =	sadd.s32 $0x77C00, s15;
	s15 =	sadd.s32 $0x81A00, s15;
	p0 =	sgt.u32 s17, $0x10  }
0x14: {  	s17 =	sshrl.u32 s18, $0x3;
	s18 =	simm.s32 $0x2;
	s13 =	sshll.u32 s6, $0x1  }
.LBB2_1:
0x15: {  	[spmem:s17], [sflag:s8] =	dma.local [hbm:s7], $0x4F0  }
0x16: {  	_ =	swait.ge [sflag:s18], $0x4F0  }
0x17: {  	[sflag:s18] =	ssyncset.done $0x0  }
0x18: {  	[sflag:s18] =	ssyncadd.s32 $0xFFFFFB10  }
0x19: {  	[spmem:s19], [sflag:s8] =	dma.local [hbm:s7], $0x4F0  }
0x1a: {  	_ =	swait.ge [sflag:s18], $0x4F0  }
0x1b: {  	[sflag:s18] =	ssyncset.done $0x0  }
0x1c: {  	[sflag:s18] =	ssyncadd.s32 $0xFFFFFB10  }
0x1d: {  	[tilespmem:s20], [sflag:$0x2] =	stream.linear.gather [hbm4b:s5+s4], $0x800, $0x38;
	[tilespmem:$0x10100] =	vst v63  }
0x1e: {  	_ =	swait.ge [sflag:s18], $0x800  }
0x1f: {  	[sflag:s18] =	ssyncset.done $0x0  }
0x20: {  	[sflag:s18] =	ssyncadd.s32 $0xFFFFF800  }
0x21: {  	[tilespmem:s4], [sflag:$0x2] =	stream.linear.gather [hbm4b:s9+s4], $0x980, $0x38;
	[tilespmem:$0x10100] =	vst v63  }
0x22: {  	_ =	swait.ge [sflag:s18], $0x980  }
0x23: {  	[sflag:s18] =	ssyncset.done $0x0  }
0x24: {  	[sflag:s18] =	ssyncadd.s32 $0xFFFFF680  }
0x25: {  	[tilespmem:s21], [sflag:$0x2] =	stream.linear.gather [hbm4b:s10+s4], $0x9800, $0x38;
	[tilespmem:$0x10100] =	vst v63  }
0x26: {  	_ =	swait.ge [sflag:s18], $0x9800  }
0x27: {  	[sflag:s18] =	ssyncset.done $0x0  }
0x28: {  	s25 =	simm.s32 @!p0 $0x0;
	s26 =	simm.s32 @!p0 $0x980;
	[sflag:s18] =	ssyncadd.s32 $0xFFFF6800  }
0x29: {  	[tilespmem:s26], [sflag:$0x2] =	stream.linear.gather @!p0 [hbm4b:s11+s25], $0x80, $0x38;
	[tilespmem:$0x10100] =	vst v63  }
0x2a: {  	s26 =	simm.s32 @!p0 $0x2  }
0x2b: {  	_ =	swait.ge @!p0 [sflag:s26], $0x80  }
0x2c: {  	[sflag:s26] =	ssyncset.done @!p0 $0x0  }
0x2d: {  	s28 =	simm.s32 @!p0 $0xA200;
	p1 =	sne.s32 s6, $0x1;
	[sflag:s26] =	ssyncadd.s32 @!p0 $0xFFFFFF80  }
0x2e: {  	[tilespmem:s28], [sflag:$0x2] =	stream.linear.gather @!p0 [hbm4b:s12+s25], $0x800, $0x38;
	[tilespmem:$0x10100] =	vst v63  }
.Ltmp0:
0x2f: {  	_ =	swait.ge @!p0 [sflag:s26], $0x800;
	(pc) =	sbr.rel @!p1 .LBB2_3-.Ltmp0, $4  }
0x30: {  	[sflag:s26] =	ssyncset.done @!p0 $0x0  }
0x31: {  	s29 =	simm.s32 $0x0;
	s25 =	sadd.s32 $0xFFFFFFFF, s6;
	[sflag:s26] =	ssyncadd.s32 @!p0 $0xFFFFF800  }
0x32: {  	s28 =	simm.s32 $0x1200;
	s26 =	simm.s32 $0x80;
	[bflag:$0x0] =	sbarrier.arrive $0xFFFF  }
0x33: {  	[spmem:s2] =	stream.indirect.scatter.add.f32 [tilespmem:s21], [sflag:$0x1], $0x10, s4, s22, $0xb8;
	[tilespmem:$0x10100] =	vst v63  }
.LBB2_2:
0x34: {  	[spmem:s3] =	stream.indirect.scatter.add.f32 [tilespmem:s20], [sflag:$0x1], $0x10, s29, s22, $0xb8;
	[tilespmem:$0x10100] =	vst v63  }
0x35: {  	p1 =	sne.s32 s25, $0x1  }
.Ltmp1:
0x36: {  	s25 =	sadd.s32 $0xFFFFFFFF, s25;
	(pc) =	sbr.rel @p1 .LBB2_2-.Ltmp1, $3  }
0x37: {  	s29 =	smov.u32 s26;
	_ =	sdelay $0x1  }
0x38: {  	[spmem:s2] =	stream.indirect.scatter.add.f32 [tilespmem:s28], [sflag:$0x1], $0x10, s26, s22, $0xb8;
	[tilespmem:$0x10100] =	vst v63  }
0x39: {  	s26 =	sadd.s32 $0x80, s26;
	s28 =	sadd.s32 $0x800, s28  }
.LBB2_3:
0x3a: {  	p1 =	sne.s32 s13, $0x1  }
.Ltmp2:
0x3b: {  	_ = 	snop;
	(pc) =	sbr.rel @!p1 .LBB2_5-.Ltmp2, $4  }
0x3c: {  	_ = 	snop  }
0x3d: {  	[spmem:s3] =	stream.indirect.scatter.add.f32 [tilespmem:s20], [sflag:$0x1], $0x10, s29, s22, $0xb8;
	[tilespmem:$0x10100] =	vst v63  }
0x3e: {  	_ =	swait.ge [sflag:s23], $0x800  }
0x3f: {  	s25 =	sadd.s32 $0xFFFFFFFF, s13;
	[sflag:s23] =	ssyncset.done $0x0  }
.LBB2_4:
0x40: {  	p1 =	sne.s32 s25, $0x1;
	s25 =	sadd.s32 $0xFFFFFFFF, s25;
	[sflag:s23] =	ssyncadd.s32 $0xFFFFF800  }
.Ltmp3:
0x41: {  	(pc) =	sbr.rel @p1 .LBB2_4-.Ltmp3, $3  }
0x42: {  	_ =	sdelay $0x1  }
0x43: {  	_ =	swait.ge [sflag:s23], $0x800  }
0x44: {  	[sflag:s23] =	ssyncset.done $0x0  }
.LBB2_5:
0x45: {  	[sflag:s23] =	ssyncadd.s32 $0xFFFFF800  }
0x46: {  	[bflag:$0x0] =	sbarrier.arrive $0xFFFF  }
0x47: {  	[hbm:s14], [sflag:s8] =	dma.local [spmem:s17], $0x4F0  }
0x48: {  	s24 =	sadd.s32 $0x1, s24;
	_ =	swait.ge [sflag:s18], $0x4F0  }
0x49: {  	p1 =	sne.s32 s24, s16;
	[sflag:s18] =	ssyncset.done $0x0  }
.Ltmp4:
0x4a: {  	[sflag:s18] =	ssyncadd.s32 $0xFFFFFB10;
	(pc) =	sbr.rel @p1 .LBB2_1-.Ltmp4, $4  }
0x4b: {  	[hbm:s15], [sflag:s8] =	dma.local [spmem:s19], $0x4F0  }
0x4c: {  	_ =	swait.ge [sflag:s18], $0x4F0  }
0x4d: {  	[sflag:s18] =	ssyncset.done $0x0  }
0x4e: {  	[sflag:s18] =	ssyncadd.s32 $0xFFFFFB10  }
0x4f: {  	_ =	sfence.sel $0x180000  }
0x50: {  	[bflag:$0x0] =	sbarrier.arrive $0xFFFF  }
0x51: {  	p0 =	sne.s32 s0, $0x0;
	_ =	strace $0x90000050  }
0x52: {  	s0 =	sadd.s32 @!p0 $0x100000, s1;
	[bflag:$0x2] =	sbarrier.arrive $0xFFFF  }
0x53: {  	[sflag:s0] =	ssyncadd.tile.s32 @!p0 $0x1;
	_ =	shalt  }
.Lfunc_end2:
_tile_overlayer_lowered:
.L_overlay_start_2:
0x54: {  	(tag) =	ssettag $0x2  }
0x55: {  	s0 =	rddreg [dreg:$0x0];
	s2 =	stileid.u32  }
0x56: {  	s1 =	rddreg [dreg:$0x1];
	p0 =	sne.s32 s2, $0x0  }
0x57: {  	s3 =	rddreg [dreg:$0x2];
	[bflag:$0x3] =	sbarrier.arrive $0xFFFF;
	s2 =	simm.s32 @!p0 $0x1C02  }
0x58: {  	[timem:s3], [sflag:s2] =	dma.local @!p0 [hbm:s0], s1  }
0x59: {  	s0 =	simm.s32 @!p0 $0x2  }
0x5a: {  	_ =	swait.ge @!p0 [sflag:s0], s1  }
0x5b: {  	s1 =	ssub.s32 @!p0 $0x0, s1;
	[sflag:s0] =	ssyncset.done @!p0 $0x0  }
0x5c: {  	[sflag:s0] =	ssyncadd.s32 @!p0 s1  }
0x5d: {  	[bflag:$0x3] =	sbarrier.arrive $0xFFFF  }
0x5e: {  	_ =	shalt  }

// kernel: kernel.28.cloned.1.call-start
scs
__scs_entry_jumppad:
0x0: {  	(pc) =	sbr.rel $0x88, $3  }
0x1: {  	(tag) =	ssettag $0x0;
	lr =	simm.s32 $0x1  }
0x2: {  	[smem:$0x3F92] =	sst lr;
	_ =	strace $0xD0000000  }
0x3: {  	_ = 	snop  }
0x4: {  	_ = 	snop  }
0x5: {  	_ = 	snop  }
0x6: {  	_ = 	snop  }
0x7: {  	_ = 	snop  }
__scs_overlays_trampoline_lowered:
0x8: {  	[smem:$0x3FA1] =	sst s0  }
0x9: {  	[smem:$0x3FA2] =	sst s1  }
0xa: {  	[smem:$0x3FA3] =	sst s2  }
0xb: {  	[smem:$0x3FA4] =	sst s3  }
0xc: {  	[smem:$0x3FA5] =	sst s4  }
0xd: {  	[smem:$0x3FA6] =	sst s5  }
0xe: {  	[smem:$0x3FA7] =	sst s6  }
0xf: {  	[smem:$0x3FA8] =	sst s7  }
0x10: {  	[smem:$0x3FA9] =	sst s8  }
0x11: {  	[smem:$0x3FAA] =	sst s9;
	s0 =	simm.s32 @!p0 $0x0  }
0x12: {  	s1 =	sld [smem:$0x3F90];
	s0 =	simm.s32 @p0 $0x1  }
0x13: {  	[smem:$0x3FAB] =	sst s0;
	s0 =	simm.s32 @!p1 $0x0  }
0x14: {  	s2 =	sld [smem:$0x3F8F];
	s0 =	simm.s32 @p1 $0x1  }
0x15: {  	[smem:$0x3FAC] =	sst s0;
	s0 =	simm.s32 @!p2 $0x0  }
0x16: {  	s3 =	sld [smem:$0x3FDB];
	s0 =	simm.s32 @p2 $0x1  }
0x17: {  	s4 =	simm.s32 $0x1BF5;
	[smem:$0x3FAE] =	sst s0  }
0x18: {  	s0 =	sld [smem:$0x3F91];
	_ =	swait.ge [sflag:s4], $0x0  }
0x19: {  	s7 =	sld [smem:$0x3F92]  }
0x1a: {  	s8 =	sadd.s32 $0xFFFFE003, lr  }
0x1b: {  	s9 =	sadd.s32 $0xFFFFFEF7, lr;
	s5 =	simm.s32 $0xFFFFFFFF;
	p2 =	slt.u32 s8, $0xFFFFF086  }
0x1c: {  	p1 =	slt.u32 s9, $0xF7A;
	s5 =	simm.s32 @!p2 $0x0  }
0x1d: {  	s5 =	simm.s32 @p1 $0x1;
	p0 =	seq.s32 s7, s2  }
0x1e: {  	s7 =	smul.u32 @!p0 $0xF7A, s2;
	p2 =	seq.s32 @!p0 s5, $0x0  }
0x1f: {  	s9 =	smul.u32 $0xF7A, s1;
	s8 =	simm.s32 @!p0 $0x1BF5;
	p2 =	por !p2, p0  }
0x20: {  	[sflag:s8] =	ssyncset.s32 @!p0 $0xFFFFF086;
	s6 =	sadd.s32 @!p0 s3, s7;
	s7 =	simm.s32 @!p0 $0x108  }
0x21: {  	s3 =	sadd.s32 s3, s9;
	s6 =	sadd.s32 @!p0 $0x88, s6;
	s7 =	simm.s32 @p2 $0x1082  }
0x22: {  	[simem:s7], [sflag:s8] =	dma.local @!p0 [hbm:s6], $0xF7A  }
0x23: {  	s9 =	sor.u32 $0xD0000000, s2;
	s6 =	simm.s32 $0x108;
	_ =	swait.ge @!p0 [sflag:s8], $0x0  }
0x24: {  	s3 =	sadd.s32 $0x88, s3;
	s6 =	simm.s32 @!p1 $0x1082;
	[sflag:s4] =	ssyncset.s32 $0xFFFFF086  }
0x25: {  	[simem:s6], [sflag:s4] =	dma.local [hbm:s3], $0xF7A  }
0x26: {  	[smem:$0x3F92] =	sst s1;
	(tag) =	ssettag s2;
	_ =	strace s9  }
0x27: {  	s1 =	sld [smem:$0x3FA2]  }
0x28: {  	s2 =	sld [smem:$0x3FA3]  }
0x29: {  	s4 =	sld [smem:$0x3FA5]  }
0x2a: {  	p0 =	seq.s32 s5, $0x0;
	s5 =	sld [smem:$0x3FA6]  }
0x2b: {  	s6 =	sld [smem:$0x3FA7]  }
0x2c: {  	s7 =	sld [smem:$0x3FA8]  }
0x2d: {  	s3 =	simm.s32 $0x108;
	s8 =	sld [smem:$0x3FA9]  }
0x2e: {  	s3 =	simm.s32 @!p0 $0x1082;
	s9 =	sld [smem:$0x3FAA]  }
0x2f: {  	lr =	sadd.s32 s0, s3;
	s0 =	sld [smem:$0x3FA1]  }
0x30: {  	s3 =	sld [smem:$0x3FA4]  }
0x31: {  	[smem:$0x3FAD] =	sst s10  }
0x32: {  	s10 =	sld [smem:$0x3FAB];
	_ =	sdelay $0x3  }
0x33: {  	p0 =	seq.s32 s10, $0x1;
	s10 =	sld [smem:$0x3FAD];
	_ =	sdelay $0x3  }
0x34: {  	[smem:$0x3FAD] =	sst s10  }
0x35: {  	s10 =	sld [smem:$0x3FAC];
	_ =	sdelay $0x3  }
0x36: {  	p1 =	seq.s32 s10, $0x1;
	s10 =	sld [smem:$0x3FAD];
	_ =	sdelay $0x3  }
0x37: {  	[smem:$0x3FAD] =	sst s10  }
0x38: {  	s10 =	sld [smem:$0x3FAE]  }
0x39: {  	_ = 	snop;
	(pc) =	sbr.ind lr, $3  }
0x3a: {  	_ = 	snop  }
0x3b: {  	_ = 	snop  }
0x3c: {  	p2 =	seq.s32 s10, $0x1;
	s10 =	sld [smem:$0x3FAD]  }
0x3d: {  	_ =	shalt  }
0x3e: {  	_ =	shalt  }
0x3f: {  	_ =	shalt  }
0x40: {  	_ =	shalt  }
0x41: {  	_ =	shalt  }
0x42: {  	_ =	shalt  }
0x43: {  	_ =	shalt  }
0x44: {  	_ =	shalt  }
0x45: {  	_ =	shalt  }
0x46: {  	_ =	shalt  }
0x47: {  	_ =	shalt  }
0x48: {  	_ =	shalt  }
0x49: {  	_ =	shalt  }
0x4a: {  	_ =	shalt  }
0x4b: {  	_ =	shalt  }
0x4c: {  	_ =	shalt  }
0x4d: {  	_ =	shalt  }
0x4e: {  	_ =	shalt  }
0x4f: {  	_ =	shalt  }
0x50: {  	_ =	shalt  }
0x51: {  	_ =	shalt  }
0x52: {  	_ =	shalt  }
0x53: {  	_ =	shalt  }
0x54: {  	_ =	shalt  }
0x55: {  	_ =	shalt  }
0x56: {  	_ =	shalt  }
0x57: {  	_ =	shalt  }
0x58: {  	_ =	shalt  }
0x59: {  	_ =	shalt  }
0x5a: {  	_ =	shalt  }
0x5b: {  	_ =	shalt  }
0x5c: {  	_ =	shalt  }
0x5d: {  	_ =	shalt  }
0x5e: {  	_ =	shalt  }
0x5f: {  	_ =	shalt  }
0x60: {  	_ =	shalt  }
0x61: {  	_ =	shalt  }
0x62: {  	_ =	shalt  }
0x63: {  	_ =	shalt  }
0x64: {  	_ =	shalt  }
0x65: {  	_ =	shalt  }
0x66: {  	_ =	shalt  }
0x67: {  	_ =	shalt  }
0x68: {  	_ =	shalt  }
0x69: {  	_ =	shalt  }
0x6a: {  	_ =	shalt  }
0x6b: {  	_ =	shalt  }
0x6c: {  	_ =	shalt  }
0x6d: {  	_ =	shalt  }
0x6e: {  	_ =	shalt  }
0x6f: {  	_ =	shalt  }
0x70: {  	_ =	shalt  }
0x71: {  	_ =	shalt  }
0x72: {  	_ =	shalt  }
0x73: {  	_ =	shalt  }
0x74: {  	_ =	shalt  }
0x75: {  	_ =	shalt  }
0x76: {  	_ =	shalt  }
0x77: {  	_ =	shalt  }
0x78: {  	_ =	shalt  }
0x79: {  	_ =	shalt  }
0x7a: {  	_ =	shalt  }
0x7b: {  	_ =	shalt  }
0x7c: {  	_ =	shalt  }
0x7d: {  	_ =	shalt  }
0x7e: {  	_ =	shalt  }
0x7f: {  	_ =	shalt  }
0x80: {  	_ =	shalt  }
0x81: {  	_ =	shalt  }
0x82: {  	_ =	shalt  }
0x83: {  	_ =	shalt  }
0x84: {  	_ =	shalt  }
0x85: {  	_ =	shalt  }
0x86: {  	_ =	shalt  }
0x87: {  	_ =	shalt  }
.Lfunc_end0:
.L_simem_size_0:
called_computation.4_lowered:
.L_overlay_start_0:
0x88: {  	s2 =	sld [smem:$0x3FD9]  }
0x89: {  	s3 =	sld [smem:$0x3FFE];
	_ =	sdelay $0x1  }
0x8a: {  	s1 =	srdreg.scid  }
0x8b: {  	s0 =	sand.u32 $0x1, s1  }
0x8c: {  	s16 =	sshll.u32 s0, $0xA;
	s2 =	sadd.s32 s3, s2  }
0x8d: {  	s2 =	sadd.s32 s2, s16  }
0x8e: {  	[smem:$0x3FB9] =	sst s2  }
0x8f: {  	_ = 	snop  }
0x90: {  	(tm) =	ssettm $0x1  }
0x91: {  	s17 =	sld [smem:$0x3FFB];
	_ =	sdelay $0x3  }
0x92: {  	_ =	strace s17  }
0x93: {  	s2 =	sld [smem:$0x3FFC];
	_ =	sdelay $0x3  }
0x94: {  	_ =	strace s2  }
0x95: {  	s2 =	sld [smem:$0x3FFD];
	_ =	sdelay $0x3  }
0x96: {  	_ =	strace s2  }
0x97: {  	_ =	strace $0x8FFFFFFF  }
0x98: {  	s18 =	sld [smem:$0x3FDB];
	_ =	sdelay $0x1  }
0x99: {  	s19 =	simm.s32 $_scs_section_size  }
0x9a: {  	s4 =	simm.s32 $_size__tile_overlayer_lowered;
	s5 =	simm.s32 $_tile_overlayer_lowered  }
0x9b: {  	s22 =	simm.s32 $0x1BFF;
	s21 =	sshll.u32 s5, $0x1;
	s2 =	sadd.s32 s19, s18  }
0x9c: {  	s6 =	simm.s32 $0x0;
	s20 =	sshll.u32 s4, $0x1;
	s4 =	sadd.s32 s21, s2  }
0x9d: {  	[timem:s6], [sflag:s22] =	dma.local [hbm:s4], s20  }
0x9e: {  	_ =	swait.ge [sflag:s22], s20  }
0x9f: {  	s3 =	ssub.s32 $0x0, s20;
	[sflag:s22] =	ssyncset.done $0x0  }
0xa0: {  	[sflag:s22] =	ssyncadd.s32 s3;
	_ =	sdelay $0x1  }
0xa1: {  	s23 =	simm.s32 $0x1B8B  }
0xa2: {  	_ =	swait.ge [sflag:s23], $0x1  }
0xa3: {  	[sflag:s23] =	ssyncset.done $0x0  }
0xa4: {  	s25 =	simm.s32 $0x1B8E;
	s24 =	sld [smem:$0x3FFE];
	[sflag:s23] =	ssyncadd.s32 $0xFFFFFFFF  }
0xa5: {  	s26 =	simm.s32 $execute0_lowered;
	[smem:$0x3FD2] =	sst s25  }
0xa6: {  	s4 =	sshll.u32 s26, $0x1;
	_ =	strace $0x80000052;
	[dreg:$0x1] =	wrdreg $0xFFFFFFFF  }
0xa7: {  	s28 =	simm.s32 $_size_execute0_lowered;
	s2 =	sadd.s32 s2, s4;
	[dreg:$0x0] =	wrdreg $0x0  }
0xa8: {  	s4 =	sshll.u32 s28, $0x1;
	[dreg:$0x2] =	wrdreg s2  }
0xa9: {  	[dreg:$0x3] =	wrdreg s4  }
0xaa: {  	[dreg:$0x4] =	wrdreg $0xC0  }
0xab: {  	_ =	task [dreg:s6], $0x5FFFF  }
0xac: {  	[dreg:$0x1] =	wrdreg $0xFFFFFFFF  }
0xad: {  	[dreg:$0x0] =	wrdreg $0x60  }
0xae: {  	[dreg:$0x2] =	wrdreg s24  }
0xaf: {  	[dreg:$0x3] =	wrdreg $0xA  }
0xb0: {  	_ =	task.clear_ibuf [dreg:s6], $0x4FFFF;
	_ =	strace $0x90000052  }
0xb1: {  	s29 =	simm.s32 $0xA;
	_ =	strace $0x80000054  }
0xb2: {  	_ =	swait.ge [sflag:s29], $0x1  }
0xb3: {  	[sflag:s29] =	ssyncadd.s32 $0xFFFFFFFF  }
0xb4: {  	_ =	strace $0x90000054  }
0xb5: {  	_ =	sfence  }
0xb6: {  	s30 =	sld [smem:$0x0];
	_ =	sdelay $0x2  }
0xb7: {  	s31 =	sshll.u32 s1, $0xD;
	s1 =	sshrl.u32 s1, $0x2  }
0xb8: {  	s3 =	sand.u32 $0x4000, s31;
	s1 =	sadd.s32 s1, s30  }
0xb9: {  	s0 =	sor.u32 s3, s0;
	s1 =	sshll.u32 s1, $0x11  }
0xba: {  	s0 =	sor.u32 s1, s0  }
0xbb: {  	s0 =	sadd.s32 $0x8F2B, s0  }
0xbc: {  	[sflag:s0] =	ssyncadd.remote.s32 $0x1  }
0xbd: {  	_ =	sfence.sel $0xFFFF  }
0xbe: {  	[dreg:$0x0] =	wrdreg $0xFFFFFFFF;
	(pc) =	sbr.abs _section_cstart, $3  }
0xbf: {  	[dreg:$0x1] =	wrdreg $0xFFFFFFFF  }
0xc0: {  	_ =	task.clear_ibuf [dreg:s6], $0x2FFFF;
	_ =	strace $0x9FFFFFFF  }
0xc1: {  	(tm) =	ssettm $0x7FFFFFFF  }
tec
execute0_lowered:
.L_overlay_start_1:
0x0: {  	(tag) =	ssettag $0x1  }
0x1: {  	s1 =	srdreg.scid;
	s0 =	stileid.u32  }
0x2: {  	s5 =	rddreg [dreg:$0x0];
	s2 =	simm.s32 $0x0;
	s11 =	simm.s32 $0x80  }
0x3: {  	s12 =	simm.s32 $0x1;
	s13 =	simm.s32 $0xA00;
	s14 =	simm.s32 $0x0  }
0x4: {  	s4 =	sand.u32 $0x1, s1;
	s30 =	sshll.u32 s0, $0x1;
	s1 =	rddreg [dreg:$0x1]  }
0x5: {  	[smem:$0x7FF] =	sst s2;
	s3 =	sadd.s32 $0x77C00, s5;
	s10 =	sor.u32 s4, s30  }
0x6: {  	_ =	strace $0x80000053;
	s4 =	ssub.s32 $0x2, s4;
	s6 =	smul.u32 $0x13, s10  }
0x7: {  	s7 =	smin.u32 s10, $0x11;
	s31 =	sshrl.u32 s4, $0x1;
	p0 =	slt.u32 s10, $0x11  }
0x8: {  	s9 =	ssub.s32 s4, s31;
	s4 =	simm.s32 $0x14;
	s6 =	sadd.s32 s7, s6  }
0x9: {  	s4 =	simm.s32 @!p0 $0x13;
	s9 =	smax.u32 s9, $0x1;
	s7 =	sshll.u32 s6, $0x4  }
0xa: {  	p0 =	sgt.u32 s10, $0x10;
	s6 =	sshll.u32 s6, $0x8;
	s7 =	sadd.s32 s7, s5  }
0xb: {  	s10 =	simm.s32 $0x2;
	s8 =	sadd.s32 s6, s5;
	s5 =	sadd.s32 $0x6A00, s7  }
0xc: {  	s6 =	sadd.s32 $0x6B30, s7;
	s7 =	sadd.s32 $0x10A00, s8;
	s8 =	sadd.s32 $0x11D00, s8  }
.LBB2_1:
0xd: {  	[tilespmem:s2], [sflag:$0x2] =	stream.linear.gather [hbm4b:s5+s2], $0x980, $0x38;
	[tilespmem:$0xAA00] =	vst v63  }
0xe: {  	_ =	swait.ge [sflag:s10], $0x980  }
0xf: {  	s15 =	simm.s32 @!p0 $0x0;
	[sflag:s10] =	ssyncset.done $0x0  }
0x10: {  	s16 =	simm.s32 @!p0 $0x980;
	p1 =	sne.s32 s4, $0x1;
	[sflag:s10] =	ssyncadd.s32 $0xFFFFF680  }
0x11: {  	[tilespmem:s16], [sflag:$0x2] =	stream.linear.gather @!p0 [hbm4b:s6+s15], $0x80, $0x38;
	[tilespmem:$0xAA00] =	vst v63  }
.Ltmp0:
0x12: {  	s15 =	simm.s32 @!p0 $0x2;
	(pc) =	sbr.rel @!p1 .LBB2_3-.Ltmp0, $4  }
0x13: {  	_ =	swait.ge @!p0 [sflag:s15], $0x80  }
0x14: {  	s17 =	simm.s32 $0xA00;
	[sflag:s15] =	ssyncset.done @!p0 $0x0  }
0x15: {  	s16 =	simm.s32 $0x0;
	[sflag:s15] =	ssyncadd.s32 @!p0 $0xFFFFFF80;
	s15 =	sadd.s32 $0xFFFFFFFF, s4  }
0x16: {  	[tilespmem:s13], [sflag:$0x1] =	stream.indirect.gather [hbm4b:s3+s11], $0x10, s2, s11, $0xb8;
	[tilespmem:$0xAA00] =	vst v63  }
.LBB2_2:
0x17: {  	p2 =	sne.s32 s15, $0x1  }
.Ltmp1:
0x18: {  	_ = 	snop;
	(pc) =	sbr.rel @p2 .LBB2_2-.Ltmp1, $4  }
0x19: {  	_ = 	snop  }
0x1a: {  	s16 =	sadd.s32 $0x80, s16;
	s17 =	sadd.s32 $0x800, s17  }
0x1b: {  	s15 =	sadd.s32 $0xFFFFFFFF, s15  }
0x1c: {  	[tilespmem:s17], [sflag:$0x1] =	stream.indirect.gather [hbm4b:s3+s11], $0x10, s16, s11, $0xb8;
	[tilespmem:$0xAA00] =	vst v63  }
.LBB2_3:
.Ltmp2:
0x1d: {  	(pc) =	sbr.rel @!p1 .LBB2_5-.Ltmp2, $3  }
0x1e: {  	_ =	sdelay $0x1  }
0x1f: {  	_ =	swait.ge [sflag:s12], $0x800  }
0x20: {  	s15 =	sadd.s32 $0xFFFFFFFF, s4;
	[sflag:s12] =	ssyncset.done $0x0  }
.LBB2_4:
0x21: {  	p1 =	sne.s32 s15, $0x1;
	s15 =	sadd.s32 $0xFFFFFFFF, s15;
	[sflag:s12] =	ssyncadd.s32 $0xFFFFF800  }
.Ltmp3:
0x22: {  	(pc) =	sbr.rel @p1 .LBB2_4-.Ltmp3, $3  }
0x23: {  	_ =	sdelay $0x1  }
0x24: {  	_ =	swait.ge [sflag:s12], $0x800  }
0x25: {  	[sflag:s12] =	ssyncset.done $0x0  }
.LBB2_5:
0x26: {  	[sflag:s12] =	ssyncadd.s32 $0xFFFFF800  }
0x27: {  	[hbm4b:s7+s2] =	stream.linear.scatter [tilespmem:s13], [sflag:$0x2], $0x9800, $0x38;
	[tilespmem:$0xAA00] =	vst v63  }
0x28: {  	_ =	swait.ge [sflag:s10], $0x9800  }
0x29: {  	s15 =	simm.s32 @!p0 $0x0;
	s14 =	sadd.s32 $0x1, s14;
	[sflag:s10] =	ssyncset.done $0x0  }
0x2a: {  	s16 =	simm.s32 @!p0 $0xA200;
	p1 =	sne.s32 s14, s9;
	[sflag:s10] =	ssyncadd.s32 $0xFFFF6800  }
0x2b: {  	[hbm4b:s8+s15] =	stream.linear.scatter @!p0 [tilespmem:s16], [sflag:$0x2], $0x800, $0x38;
	[tilespmem:$0xAA00] =	vst v63  }
.Ltmp4:
0x2c: {  	_ = 	snop;
	(pc) =	sbr.rel @p1 .LBB2_1-.Ltmp4, $4  }
0x2d: {  	s15 =	simm.s32 @!p0 $0x2  }
0x2e: {  	_ =	swait.ge @!p0 [sflag:s15], $0x800  }
0x2f: {  	[sflag:s15] =	ssyncset.done @!p0 $0x0  }
0x30: {  	[sflag:s15] =	ssyncadd.s32 @!p0 $0xFFFFF800  }
0x31: {  	_ =	sfence.sel $0x180000  }
0x32: {  	[bflag:$0x0] =	sbarrier.arrive $0xFFFF  }
0x33: {  	p0 =	sne.s32 s0, $0x0;
	_ =	strace $0x90000053  }
0x34: {  	s0 =	sadd.s32 @!p0 $0x100000, s1;
	[bflag:$0x2] =	sbarrier.arrive $0xFFFF  }
0x35: {  	[sflag:s0] =	ssyncadd.tile.s32 @!p0 $0x1;
	_ =	shalt  }
.Lfunc_end2:
_tile_overlayer_lowered:
.L_overlay_start_2:
0x36: {  	(tag) =	ssettag $0x2  }
0x37: {  	s0 =	rddreg [dreg:$0x0];
	s2 =	stileid.u32  }
0x38: {  	s1 =	rddreg [dreg:$0x1];
	p0 =	sne.s32 s2, $0x0  }
0x39: {  	s3 =	rddreg [dreg:$0x2];
	[bflag:$0x3] =	sbarrier.arrive $0xFFFF;
	s2 =	simm.s32 @!p0 $0x1C02  }
0x3a: {  	[timem:s3], [sflag:s2] =	dma.local @!p0 [hbm:s0], s1  }
0x3b: {  	s0 =	simm.s32 @!p0 $0x2  }
0x3c: {  	_ =	swait.ge @!p0 [sflag:s0], s1  }
0x3d: {  	s1 =	ssub.s32 @!p0 $0x0, s1;
	[sflag:s0] =	ssyncset.done @!p0 $0x0  }
0x3e: {  	[sflag:s0] =	ssyncadd.s32 @!p0 s1  }
0x3f: {  	[bflag:$0x3] =	sbarrier.arrive $0xFFFF  }
0x40: {  	_ =	shalt  }

// kernel: kernel.31.cloned.1.call-start
scs
__scs_entry_jumppad:
0x0: {  	(pc) =	sbr.rel $0x88, $3  }
0x1: {  	(tag) =	ssettag $0x0;
	lr =	simm.s32 $0x1  }
0x2: {  	[smem:$0x3F92] =	sst lr;
	_ =	strace $0xD0000000  }
0x3: {  	_ = 	snop  }
0x4: {  	_ = 	snop  }
0x5: {  	_ = 	snop  }
0x6: {  	_ = 	snop  }
0x7: {  	_ = 	snop  }
__scs_overlays_trampoline_lowered:
0x8: {  	[smem:$0x3FA1] =	sst s0  }
0x9: {  	[smem:$0x3FA2] =	sst s1  }
0xa: {  	[smem:$0x3FA3] =	sst s2  }
0xb: {  	[smem:$0x3FA4] =	sst s3  }
0xc: {  	[smem:$0x3FA5] =	sst s4  }
0xd: {  	[smem:$0x3FA6] =	sst s5  }
0xe: {  	[smem:$0x3FA7] =	sst s6  }
0xf: {  	[smem:$0x3FA8] =	sst s7  }
0x10: {  	[smem:$0x3FA9] =	sst s8  }
0x11: {  	[smem:$0x3FAA] =	sst s9;
	s0 =	simm.s32 @!p0 $0x0  }
0x12: {  	s1 =	sld [smem:$0x3F90];
	s0 =	simm.s32 @p0 $0x1  }
0x13: {  	[smem:$0x3FAB] =	sst s0;
	s0 =	simm.s32 @!p1 $0x0  }
0x14: {  	s2 =	sld [smem:$0x3F8F];
	s0 =	simm.s32 @p1 $0x1  }
0x15: {  	[smem:$0x3FAC] =	sst s0;
	s0 =	simm.s32 @!p2 $0x0  }
0x16: {  	s3 =	sld [smem:$0x3FDB];
	s0 =	simm.s32 @p2 $0x1  }
0x17: {  	s4 =	simm.s32 $0x1BF5;
	[smem:$0x3FAE] =	sst s0  }
0x18: {  	s0 =	sld [smem:$0x3F91];
	_ =	swait.ge [sflag:s4], $0x0  }
0x19: {  	s7 =	sld [smem:$0x3F92]  }
0x1a: {  	s8 =	sadd.s32 $0xFFFFE003, lr  }
0x1b: {  	s9 =	sadd.s32 $0xFFFFFEF7, lr;
	s5 =	simm.s32 $0xFFFFFFFF;
	p2 =	slt.u32 s8, $0xFFFFF086  }
0x1c: {  	p1 =	slt.u32 s9, $0xF7A;
	s5 =	simm.s32 @!p2 $0x0  }
0x1d: {  	s5 =	simm.s32 @p1 $0x1;
	p0 =	seq.s32 s7, s2  }
0x1e: {  	s7 =	smul.u32 @!p0 $0xF7A, s2;
	p2 =	seq.s32 @!p0 s5, $0x0  }
0x1f: {  	s9 =	smul.u32 $0xF7A, s1;
	s8 =	simm.s32 @!p0 $0x1BF5;
	p2 =	por !p2, p0  }
0x20: {  	[sflag:s8] =	ssyncset.s32 @!p0 $0xFFFFF086;
	s6 =	sadd.s32 @!p0 s3, s7;
	s7 =	simm.s32 @!p0 $0x108  }
0x21: {  	s3 =	sadd.s32 s3, s9;
	s6 =	sadd.s32 @!p0 $0x88, s6;
	s7 =	simm.s32 @p2 $0x1082  }
0x22: {  	[simem:s7], [sflag:s8] =	dma.local @!p0 [hbm:s6], $0xF7A  }
0x23: {  	s9 =	sor.u32 $0xD0000000, s2;
	s6 =	simm.s32 $0x108;
	_ =	swait.ge @!p0 [sflag:s8], $0x0  }
0x24: {  	s3 =	sadd.s32 $0x88, s3;
	s6 =	simm.s32 @!p1 $0x1082;
	[sflag:s4] =	ssyncset.s32 $0xFFFFF086  }
0x25: {  	[simem:s6], [sflag:s4] =	dma.local [hbm:s3], $0xF7A  }
0x26: {  	[smem:$0x3F92] =	sst s1;
	(tag) =	ssettag s2;
	_ =	strace s9  }
0x27: {  	s1 =	sld [smem:$0x3FA2]  }
0x28: {  	s2 =	sld [smem:$0x3FA3]  }
0x29: {  	s4 =	sld [smem:$0x3FA5]  }
0x2a: {  	p0 =	seq.s32 s5, $0x0;
	s5 =	sld [smem:$0x3FA6]  }
0x2b: {  	s6 =	sld [smem:$0x3FA7]  }
0x2c: {  	s7 =	sld [smem:$0x3FA8]  }
0x2d: {  	s3 =	simm.s32 $0x108;
	s8 =	sld [smem:$0x3FA9]  }
0x2e: {  	s3 =	simm.s32 @!p0 $0x1082;
	s9 =	sld [smem:$0x3FAA]  }
0x2f: {  	lr =	sadd.s32 s0, s3;
	s0 =	sld [smem:$0x3FA1]  }
0x30: {  	s3 =	sld [smem:$0x3FA4]  }
0x31: {  	[smem:$0x3FAD] =	sst s10  }
0x32: {  	s10 =	sld [smem:$0x3FAB];
	_ =	sdelay $0x3  }
0x33: {  	p0 =	seq.s32 s10, $0x1;
	s10 =	sld [smem:$0x3FAD];
	_ =	sdelay $0x3  }
0x34: {  	[smem:$0x3FAD] =	sst s10  }
0x35: {  	s10 =	sld [smem:$0x3FAC];
	_ =	sdelay $0x3  }
0x36: {  	p1 =	seq.s32 s10, $0x1;
	s10 =	sld [smem:$0x3FAD];
	_ =	sdelay $0x3  }
0x37: {  	[smem:$0x3FAD] =	sst s10  }
0x38: {  	s10 =	sld [smem:$0x3FAE]  }
0x39: {  	_ = 	snop;
	(pc) =	sbr.ind lr, $3  }
0x3a: {  	_ = 	snop  }
0x3b: {  	_ = 	snop  }
0x3c: {  	p2 =	seq.s32 s10, $0x1;
	s10 =	sld [smem:$0x3FAD]  }
0x3d: {  	_ =	shalt  }
0x3e: {  	_ =	shalt  }
0x3f: {  	_ =	shalt  }
0x40: {  	_ =	shalt  }
0x41: {  	_ =	shalt  }
0x42: {  	_ =	shalt  }
0x43: {  	_ =	shalt  }
0x44: {  	_ =	shalt  }
0x45: {  	_ =	shalt  }
0x46: {  	_ =	shalt  }
0x47: {  	_ =	shalt  }
0x48: {  	_ =	shalt  }
0x49: {  	_ =	shalt  }
0x4a: {  	_ =	shalt  }
0x4b: {  	_ =	shalt  }
0x4c: {  	_ =	shalt  }
0x4d: {  	_ =	shalt  }
0x4e: {  	_ =	shalt  }
0x4f: {  	_ =	shalt  }
0x50: {  	_ =	shalt  }
0x51: {  	_ =	shalt  }
0x52: {  	_ =	shalt  }
0x53: {  	_ =	shalt  }
0x54: {  	_ =	shalt  }
0x55: {  	_ =	shalt  }
0x56: {  	_ =	shalt  }
0x57: {  	_ =	shalt  }
0x58: {  	_ =	shalt  }
0x59: {  	_ =	shalt  }
0x5a: {  	_ =	shalt  }
0x5b: {  	_ =	shalt  }
0x5c: {  	_ =	shalt  }
0x5d: {  	_ =	shalt  }
0x5e: {  	_ =	shalt  }
0x5f: {  	_ =	shalt  }
0x60: {  	_ =	shalt  }
0x61: {  	_ =	shalt  }
0x62: {  	_ =	shalt  }
0x63: {  	_ =	shalt  }
0x64: {  	_ =	shalt  }
0x65: {  	_ =	shalt  }
0x66: {  	_ =	shalt  }
0x67: {  	_ =	shalt  }
0x68: {  	_ =	shalt  }
0x69: {  	_ =	shalt  }
0x6a: {  	_ =	shalt  }
0x6b: {  	_ =	shalt  }
0x6c: {  	_ =	shalt  }
0x6d: {  	_ =	shalt  }
0x6e: {  	_ =	shalt  }
0x6f: {  	_ =	shalt  }
0x70: {  	_ =	shalt  }
0x71: {  	_ =	shalt  }
0x72: {  	_ =	shalt  }
0x73: {  	_ =	shalt  }
0x74: {  	_ =	shalt  }
0x75: {  	_ =	shalt  }
0x76: {  	_ =	shalt  }
0x77: {  	_ =	shalt  }
0x78: {  	_ =	shalt  }
0x79: {  	_ =	shalt  }
0x7a: {  	_ =	shalt  }
0x7b: {  	_ =	shalt  }
0x7c: {  	_ =	shalt  }
0x7d: {  	_ =	shalt  }
0x7e: {  	_ =	shalt  }
0x7f: {  	_ =	shalt  }
0x80: {  	_ =	shalt  }
0x81: {  	_ =	shalt  }
0x82: {  	_ =	shalt  }
0x83: {  	_ =	shalt  }
0x84: {  	_ =	shalt  }
0x85: {  	_ =	shalt  }
0x86: {  	_ =	shalt  }
0x87: {  	_ =	shalt  }
.Lfunc_end0:
.L_simem_size_0:
called_computation.5_lowered:
.L_overlay_start_0:
0x88: {  	s2 =	sld [smem:$0x3FD9]  }
0x89: {  	s3 =	sld [smem:$0x3FFE];
	_ =	sdelay $0x1  }
0x8a: {  	s1 =	srdreg.scid  }
0x8b: {  	s0 =	sand.u32 $0x1, s1  }
0x8c: {  	s17 =	sshll.u32 s0, $0xA;
	s2 =	sadd.s32 s3, s2  }
0x8d: {  	s2 =	sadd.s32 s2, s17  }
0x8e: {  	[smem:$0x3FB9] =	sst s2  }
0x8f: {  	_ = 	snop  }
0x90: {  	(tm) =	ssettm $0x1  }
0x91: {  	s18 =	sld [smem:$0x3FFB];
	_ =	sdelay $0x3  }
0x92: {  	_ =	strace s18  }
0x93: {  	s2 =	sld [smem:$0x3FFC];
	_ =	sdelay $0x3  }
0x94: {  	_ =	strace s2  }
0x95: {  	s2 =	sld [smem:$0x3FFD];
	_ =	sdelay $0x3  }
0x96: {  	_ =	strace s2  }
0x97: {  	_ =	strace $0x8FFFFFFF  }
0x98: {  	s19 =	sld [smem:$0x3FDB];
	_ =	sdelay $0x1  }
0x99: {  	s20 =	simm.s32 $_scs_section_size  }
0x9a: {  	s4 =	simm.s32 $_size__tile_overlayer_lowered;
	s5 =	simm.s32 $_tile_overlayer_lowered  }
0x9b: {  	s6 =	simm.s32 $0x1BFF;
	s21 =	sshll.u32 s5, $0x1;
	s3 =	sadd.s32 s20, s19  }
0x9c: {  	s22 =	simm.s32 $0x0;
	s4 =	sshll.u32 s4, $0x1;
	s5 =	sadd.s32 s21, s3  }
0x9d: {  	[timem:s22], [sflag:s6] =	dma.local [hbm:s5], s4  }
0x9e: {  	_ =	swait.ge [sflag:s6], s4  }
0x9f: {  	s4 =	ssub.s32 $0x0, s4;
	[sflag:s6] =	ssyncset.done $0x0  }
0xa0: {  	[sflag:s6] =	ssyncadd.s32 s4;
	_ =	sdelay $0x1  }
0xa1: {  	s23 =	simm.s32 $0x1B8B  }
0xa2: {  	_ =	swait.ge [sflag:s23], $0x1  }
0xa3: {  	[sflag:s23] =	ssyncset.done $0x0  }
0xa4: {  	[sflag:s23] =	ssyncadd.s32 $0xFFFFFFFF  }
0xa5: {  	s4 =	sld [smem:$0x0]  }
0xa6: {  	s5 =	sand.u32 $0xFFFFFFFE, s1  }
0xa7: {  	p0 =	sne.s32 s1, s5  }
0xa8: {  	s5 =	sshll.u32 @p0 s5, $0xE  }
0xa9: {  	s5 =	sadd.s32 @p0 $0x11B8D, s5;
	s6 =	sshll.u32 @p0 s4, $0x11  }
0xaa: {  	s5 =	sor.u32 @p0 s6, s5  }
0xab: {  	[sflag:s5] =	ssyncadd.remote.s32 @p0 $0x1;
	_ =	sdelay $0x1  }
0xac: {  	s5 =	simm.s32 @p0 $0x1B8D  }
0xad: {  	_ =	swait.eq @p0 [sflag:s5], $0x1  }
0xae: {  	[sflag:s5] =	ssyncadd.s32 @p0 $0xFFFFFFFF  }
0xaf: {  	s6 =	sshll.u32 @!p0 s1, $0xE  }
0xb0: {  	s6 =	sor.u32 @!p0 $0x4000, s6;
	s5 =	simm.s32 @!p0 $0x1B8D  }
0xb1: {  	s4 =	sshll.u32 @!p0 s4, $0x11;
	s6 =	sadd.s32 @!p0 $0x11B8D, s6;
	_ =	swait.eq @!p0 [sflag:s5], $0x1  }
0xb2: {  	s4 =	sor.u32 @!p0 s4, s6;
	[sflag:s5] =	ssyncadd.s32 @!p0 $0xFFFFFFFF  }
0xb3: {  	s25 =	simm.s32 $0x1B8E;
	s24 =	sld [smem:$0x3FFE];
	[sflag:s4] =	ssyncadd.remote.s32 @!p0 $0x1  }
0xb4: {  	s26 =	simm.s32 $execute0_lowered;
	[smem:$0x3FD2] =	sst s25  }
0xb5: {  	s5 =	sshll.u32 s26, $0x1;
	_ =	strace $0x80000055;
	[dreg:$0x1] =	wrdreg $0xFFFFFFFF  }
0xb6: {  	s28 =	simm.s32 $_size_execute0_lowered;
	s3 =	sadd.s32 s3, s5;
	[dreg:$0x0] =	wrdreg $0x0  }
0xb7: {  	s5 =	sshll.u32 s28, $0x1;
	[dreg:$0x2] =	wrdreg s3  }
0xb8: {  	[dreg:$0x3] =	wrdreg s5  }
0xb9: {  	[dreg:$0x4] =	wrdreg $0xC0  }
0xba: {  	_ =	task [dreg:s22], $0x5FFFF  }
0xbb: {  	[dreg:$0x1] =	wrdreg $0xFFFFFFFF  }
0xbc: {  	[dreg:$0x0] =	wrdreg $0x60  }
0xbd: {  	[dreg:$0x2] =	wrdreg s24  }
0xbe: {  	[dreg:$0x3] =	wrdreg $0x9  }
0xbf: {  	_ =	task.clear_ibuf [dreg:s22], $0x4FFFF;
	_ =	strace $0x90000055  }
0xc0: {  	s29 =	simm.s32 $0x9;
	_ =	strace $0x80000057  }
0xc1: {  	_ =	swait.ge [sflag:s29], $0x1  }
0xc2: {  	[sflag:s29] =	ssyncadd.s32 $0xFFFFFFFF  }
0xc3: {  	_ =	strace $0x90000057  }
0xc4: {  	_ =	sfence  }
0xc5: {  	s30 =	sld [smem:$0x0];
	_ =	sdelay $0x2  }
0xc6: {  	s31 =	sshll.u32 s1, $0xD;
	s1 =	sshrl.u32 s1, $0x2  }
0xc7: {  	s4 =	sand.u32 $0x4000, s31;
	s1 =	sadd.s32 s1, s30  }
0xc8: {  	s0 =	sor.u32 s4, s0;
	s1 =	sshll.u32 s1, $0x11  }
0xc9: {  	s0 =	sor.u32 s1, s0  }
0xca: {  	s0 =	sadd.s32 $0x8F2B, s0  }
0xcb: {  	[sflag:s0] =	ssyncadd.remote.s32 $0x1  }
0xcc: {  	_ =	sfence.sel $0xFFFF  }
0xcd: {  	[dreg:$0x0] =	wrdreg $0xFFFFFFFF;
	(pc) =	sbr.abs _section_cstart, $3  }
0xce: {  	[dreg:$0x1] =	wrdreg $0xFFFFFFFF  }
0xcf: {  	_ =	task.clear_ibuf [dreg:s22], $0x2FFFF;
	_ =	strace $0x9FFFFFFF  }
0xd0: {  	(tm) =	ssettm $0x7FFFFFFF  }
0xd1: {  	_ =	shalt  }
tec
execute0_lowered:
.L_overlay_start_1:
0x0: {  	(tag) =	ssettag $0x1  }
0x1: {  	s1 =	srdreg.scid;
	s0 =	stileid.u32  }
0x2: {  	s5 =	rddreg [dreg:$0x0];
	s2 =	simm.s32 $0x0;
	s11 =	simm.s32 $0x80  }
0x3: {  	s12 =	simm.s32 $0x1;
	s13 =	simm.s32 $0xA00;
	s14 =	simm.s32 $0x0  }
0x4: {  	s4 =	sand.u32 $0x1, s1;
	s30 =	sshll.u32 s0, $0x1;
	s1 =	rddreg [dreg:$0x1]  }
0x5: {  	[smem:$0x7FF] =	sst s2;
	s3 =	sadd.s32 $0x77C00, s5;
	s10 =	sor.u32 s4, s30  }
0x6: {  	_ =	strace $0x80000056;
	s4 =	ssub.s32 $0x2, s4;
	s6 =	smul.u32 $0x13, s10  }
0x7: {  	s7 =	smin.u32 s10, $0x11;
	s31 =	sshrl.u32 s4, $0x1;
	p0 =	slt.u32 s10, $0x11  }
0x8: {  	s9 =	ssub.s32 s4, s31;
	s4 =	simm.s32 $0x14;
	s6 =	sadd.s32 s7, s6  }
0x9: {  	s4 =	simm.s32 @!p0 $0x13;
	s9 =	smax.u32 s9, $0x1;
	s7 =	sshll.u32 s6, $0x4  }
0xa: {  	p0 =	sgt.u32 s10, $0x10;
	s6 =	sshll.u32 s6, $0x8;
	s7 =	sadd.s32 s7, s5  }
0xb: {  	s10 =	simm.s32 $0x2;
	s8 =	sadd.s32 s6, s5;
	s5 =	sadd.s32 $0x9110, s7  }
0xc: {  	s6 =	sadd.s32 $0x9240, s7;
	s7 =	sadd.s32 $0x37C00, s8;
	s8 =	sadd.s32 $0x38F00, s8  }
.LBB2_1:
0xd: {  	[tilespmem:s2], [sflag:$0x2] =	stream.linear.gather [hbm4b:s5+s2], $0x980, $0x38;
	[tilespmem:$0xAA00] =	vst v63  }
0xe: {  	_ =	swait.ge [sflag:s10], $0x980  }
0xf: {  	s15 =	simm.s32 @!p0 $0x0;
	[sflag:s10] =	ssyncset.done $0x0  }
0x10: {  	s16 =	simm.s32 @!p0 $0x980;
	p1 =	sne.s32 s4, $0x1;
	[sflag:s10] =	ssyncadd.s32 $0xFFFFF680  }
0x11: {  	[tilespmem:s16], [sflag:$0x2] =	stream.linear.gather @!p0 [hbm4b:s6+s15], $0x80, $0x38;
	[tilespmem:$0xAA00] =	vst v63  }
.Ltmp0:
0x12: {  	s15 =	simm.s32 @!p0 $0x2;
	(pc) =	sbr.rel @!p1 .LBB2_3-.Ltmp0, $4  }
0x13: {  	_ =	swait.ge @!p0 [sflag:s15], $0x80  }
0x14: {  	s17 =	simm.s32 $0xA00;
	[sflag:s15] =	ssyncset.done @!p0 $0x0  }
0x15: {  	s16 =	simm.s32 $0x0;
	[sflag:s15] =	ssyncadd.s32 @!p0 $0xFFFFFF80;
	s15 =	sadd.s32 $0xFFFFFFFF, s4  }
0x16: {  	[tilespmem:s13], [sflag:$0x1] =	stream.indirect.gather [hbm4b:s3+s11], $0x10, s2, s11, $0xb8;
	[tilespmem:$0xAA00] =	vst v63  }
.LBB2_2:
0x17: {  	p2 =	sne.s32 s15, $0x1  }
.Ltmp1:
0x18: {  	_ = 	snop;
	(pc) =	sbr.rel @p2 .LBB2_2-.Ltmp1, $4  }
0x19: {  	_ = 	snop  }
0x1a: {  	s16 =	sadd.s32 $0x80, s16;
	s17 =	sadd.s32 $0x800, s17  }
0x1b: {  	s15 =	sadd.s32 $0xFFFFFFFF, s15  }
0x1c: {  	[tilespmem:s17], [sflag:$0x1] =	stream.indirect.gather [hbm4b:s3+s11], $0x10, s16, s11, $0xb8;
	[tilespmem:$0xAA00] =	vst v63  }
.LBB2_3:
.Ltmp2:
0x1d: {  	(pc) =	sbr.rel @!p1 .LBB2_5-.Ltmp2, $3  }
0x1e: {  	_ =	sdelay $0x1  }
0x1f: {  	_ =	swait.ge [sflag:s12], $0x800  }
0x20: {  	s15 =	sadd.s32 $0xFFFFFFFF, s4;
	[sflag:s12] =	ssyncset.done $0x0  }
.LBB2_4:
0x21: {  	p1 =	sne.s32 s15, $0x1;
	s15 =	sadd.s32 $0xFFFFFFFF, s15;
	[sflag:s12] =	ssyncadd.s32 $0xFFFFF800  }
.Ltmp3:
0x22: {  	(pc) =	sbr.rel @p1 .LBB2_4-.Ltmp3, $3  }
0x23: {  	_ =	sdelay $0x1  }
0x24: {  	_ =	swait.ge [sflag:s12], $0x800  }
0x25: {  	[sflag:s12] =	ssyncset.done $0x0  }
.LBB2_5:
0x26: {  	[sflag:s12] =	ssyncadd.s32 $0xFFFFF800  }
0x27: {  	[hbm4b:s7+s2] =	stream.linear.scatter [tilespmem:s13], [sflag:$0x2], $0x9800, $0x38;
	[tilespmem:$0xAA00] =	vst v63  }
0x28: {  	_ =	swait.ge [sflag:s10], $0x9800  }
0x29: {  	s15 =	simm.s32 @!p0 $0x0;
	s14 =	sadd.s32 $0x1, s14;
	[sflag:s10] =	ssyncset.done $0x0  }
0x2a: {  	s16 =	simm.s32 @!p0 $0xA200;
	p1 =	sne.s32 s14, s9;
	[sflag:s10] =	ssyncadd.s32 $0xFFFF6800  }
0x2b: {  	[hbm4b:s8+s15] =	stream.linear.scatter @!p0 [tilespmem:s16], [sflag:$0x2], $0x800, $0x38;
	[tilespmem:$0xAA00] =	vst v63  }
.Ltmp4:
0x2c: {  	_ = 	snop;
	(pc) =	sbr.rel @p1 .LBB2_1-.Ltmp4, $4  }
0x2d: {  	s15 =	simm.s32 @!p0 $0x2  }
0x2e: {  	_ =	swait.ge @!p0 [sflag:s15], $0x800  }
0x2f: {  	[sflag:s15] =	ssyncset.done @!p0 $0x0  }
0x30: {  	[sflag:s15] =	ssyncadd.s32 @!p0 $0xFFFFF800  }
0x31: {  	_ =	sfence.sel $0x180000  }
0x32: {  	[bflag:$0x0] =	sbarrier.arrive $0xFFFF  }
0x33: {  	p0 =	sne.s32 s0, $0x0;
	_ =	strace $0x90000056  }
0x34: {  	s0 =	sadd.s32 @!p0 $0x100000, s1;
	[bflag:$0x2] =	sbarrier.arrive $0xFFFF  }
0x35: {  	[sflag:s0] =	ssyncadd.tile.s32 @!p0 $0x1;
	_ =	shalt  }
.Lfunc_end2:
_tile_overlayer_lowered:
.L_overlay_start_2:
0x36: {  	(tag) =	ssettag $0x2  }
0x37: {  	s0 =	rddreg [dreg:$0x0];
	s2 =	stileid.u32  }
0x38: {  	s1 =	rddreg [dreg:$0x1];
	p0 =	sne.s32 s2, $0x0  }
0x39: {  	s3 =	rddreg [dreg:$0x2];
	[bflag:$0x3] =	sbarrier.arrive $0xFFFF;
	s2 =	simm.s32 @!p0 $0x1C02  }
0x3a: {  	[timem:s3], [sflag:s2] =	dma.local @!p0 [hbm:s0], s1  }
0x3b: {  	s0 =	simm.s32 @!p0 $0x2  }
0x3c: {  	_ =	swait.ge @!p0 [sflag:s0], s1  }
0x3d: {  	s1 =	ssub.s32 @!p0 $0x0, s1;
	[sflag:s0] =	ssyncset.done @!p0 $0x0  }
0x3e: {  	[sflag:s0] =	ssyncadd.s32 @!p0 s1  }
0x3f: {  	[bflag:$0x3] =	sbarrier.arrive $0xFFFF  }
0x40: {  	_ =	shalt  }

// kernel: kernel.34.cloned.1.call-start
scs
__scs_entry_jumppad:
0x0: {  	(pc) =	sbr.rel $0x88, $3  }
0x1: {  	(tag) =	ssettag $0x0;
	lr =	simm.s32 $0x1  }
0x2: {  	[smem:$0x3F92] =	sst lr;
	_ =	strace $0xD0000000  }
0x3: {  	_ = 	snop  }
0x4: {  	_ = 	snop  }
0x5: {  	_ = 	snop  }
0x6: {  	_ = 	snop  }
0x7: {  	_ = 	snop  }
__scs_overlays_trampoline_lowered:
0x8: {  	[smem:$0x3FA1] =	sst s0  }
0x9: {  	[smem:$0x3FA2] =	sst s1  }
0xa: {  	[smem:$0x3FA3] =	sst s2  }
0xb: {  	[smem:$0x3FA4] =	sst s3  }
0xc: {  	[smem:$0x3FA5] =	sst s4  }
0xd: {  	[smem:$0x3FA6] =	sst s5  }
0xe: {  	[smem:$0x3FA7] =	sst s6  }
0xf: {  	[smem:$0x3FA8] =	sst s7  }
0x10: {  	[smem:$0x3FA9] =	sst s8  }
0x11: {  	[smem:$0x3FAA] =	sst s9;
	s0 =	simm.s32 @!p0 $0x0  }
0x12: {  	s1 =	sld [smem:$0x3F90];
	s0 =	simm.s32 @p0 $0x1  }
0x13: {  	[smem:$0x3FAB] =	sst s0;
	s0 =	simm.s32 @!p1 $0x0  }
0x14: {  	s2 =	sld [smem:$0x3F8F];
	s0 =	simm.s32 @p1 $0x1  }
0x15: {  	[smem:$0x3FAC] =	sst s0;
	s0 =	simm.s32 @!p2 $0x0  }
0x16: {  	s3 =	sld [smem:$0x3FDB];
	s0 =	simm.s32 @p2 $0x1  }
0x17: {  	s4 =	simm.s32 $0x1BF5;
	[smem:$0x3FAE] =	sst s0  }
0x18: {  	s0 =	sld [smem:$0x3F91];
	_ =	swait.ge [sflag:s4], $0x0  }
0x19: {  	s7 =	sld [smem:$0x3F92]  }
0x1a: {  	s8 =	sadd.s32 $0xFFFFE003, lr  }
0x1b: {  	s9 =	sadd.s32 $0xFFFFFEF7, lr;
	s5 =	simm.s32 $0xFFFFFFFF;
	p2 =	slt.u32 s8, $0xFFFFF086  }
0x1c: {  	p1 =	slt.u32 s9, $0xF7A;
	s5 =	simm.s32 @!p2 $0x0  }
0x1d: {  	s5 =	simm.s32 @p1 $0x1;
	p0 =	seq.s32 s7, s2  }
0x1e: {  	s7 =	smul.u32 @!p0 $0xF7A, s2;
	p2 =	seq.s32 @!p0 s5, $0x0  }
0x1f: {  	s9 =	smul.u32 $0xF7A, s1;
	s8 =	simm.s32 @!p0 $0x1BF5;
	p2 =	por !p2, p0  }
0x20: {  	[sflag:s8] =	ssyncset.s32 @!p0 $0xFFFFF086;
	s6 =	sadd.s32 @!p0 s3, s7;
	s7 =	simm.s32 @!p0 $0x108  }
0x21: {  	s3 =	sadd.s32 s3, s9;
	s6 =	sadd.s32 @!p0 $0x88, s6;
	s7 =	simm.s32 @p2 $0x1082  }
0x22: {  	[simem:s7], [sflag:s8] =	dma.local @!p0 [hbm:s6], $0xF7A  }
0x23: {  	s9 =	sor.u32 $0xD0000000, s2;
	s6 =	simm.s32 $0x108;
	_ =	swait.ge @!p0 [sflag:s8], $0x0  }
0x24: {  	s3 =	sadd.s32 $0x88, s3;
	s6 =	simm.s32 @!p1 $0x1082;
	[sflag:s4] =	ssyncset.s32 $0xFFFFF086  }
0x25: {  	[simem:s6], [sflag:s4] =	dma.local [hbm:s3], $0xF7A  }
0x26: {  	[smem:$0x3F92] =	sst s1;
	(tag) =	ssettag s2;
	_ =	strace s9  }
0x27: {  	s1 =	sld [smem:$0x3FA2]  }
0x28: {  	s2 =	sld [smem:$0x3FA3]  }
0x29: {  	s4 =	sld [smem:$0x3FA5]  }
0x2a: {  	p0 =	seq.s32 s5, $0x0;
	s5 =	sld [smem:$0x3FA6]  }
0x2b: {  	s6 =	sld [smem:$0x3FA7]  }
0x2c: {  	s7 =	sld [smem:$0x3FA8]  }
0x2d: {  	s3 =	simm.s32 $0x108;
	s8 =	sld [smem:$0x3FA9]  }
0x2e: {  	s3 =	simm.s32 @!p0 $0x1082;
	s9 =	sld [smem:$0x3FAA]  }
0x2f: {  	lr =	sadd.s32 s0, s3;
	s0 =	sld [smem:$0x3FA1]  }
0x30: {  	s3 =	sld [smem:$0x3FA4]  }
0x31: {  	[smem:$0x3FAD] =	sst s10  }
0x32: {  	s10 =	sld [smem:$0x3FAB];
	_ =	sdelay $0x3  }
0x33: {  	p0 =	seq.s32 s10, $0x1;
	s10 =	sld [smem:$0x3FAD];
	_ =	sdelay $0x3  }
0x34: {  	[smem:$0x3FAD] =	sst s10  }
0x35: {  	s10 =	sld [smem:$0x3FAC];
	_ =	sdelay $0x3  }
0x36: {  	p1 =	seq.s32 s10, $0x1;
	s10 =	sld [smem:$0x3FAD];
	_ =	sdelay $0x3  }
0x37: {  	[smem:$0x3FAD] =	sst s10  }
0x38: {  	s10 =	sld [smem:$0x3FAE]  }
0x39: {  	_ = 	snop;
	(pc) =	sbr.ind lr, $3  }
0x3a: {  	_ = 	snop  }
0x3b: {  	_ = 	snop  }
0x3c: {  	p2 =	seq.s32 s10, $0x1;
	s10 =	sld [smem:$0x3FAD]  }
0x3d: {  	_ =	shalt  }
0x3e: {  	_ =	shalt  }
0x3f: {  	_ =	shalt  }
0x40: {  	_ =	shalt  }
0x41: {  	_ =	shalt  }
0x42: {  	_ =	shalt  }
0x43: {  	_ =	shalt  }
0x44: {  	_ =	shalt  }
0x45: {  	_ =	shalt  }
0x46: {  	_ =	shalt  }
0x47: {  	_ =	shalt  }
0x48: {  	_ =	shalt  }
0x49: {  	_ =	shalt  }
0x4a: {  	_ =	shalt  }
0x4b: {  	_ =	shalt  }
0x4c: {  	_ =	shalt  }
0x4d: {  	_ =	shalt  }
0x4e: {  	_ =	shalt  }
0x4f: {  	_ =	shalt  }
0x50: {  	_ =	shalt  }
0x51: {  	_ =	shalt  }
0x52: {  	_ =	shalt  }
0x53: {  	_ =	shalt  }
0x54: {  	_ =	shalt  }
0x55: {  	_ =	shalt  }
0x56: {  	_ =	shalt  }
0x57: {  	_ =	shalt  }
0x58: {  	_ =	shalt  }
0x59: {  	_ =	shalt  }
0x5a: {  	_ =	shalt  }
0x5b: {  	_ =	shalt  }
0x5c: {  	_ =	shalt  }
0x5d: {  	_ =	shalt  }
0x5e: {  	_ =	shalt  }
0x5f: {  	_ =	shalt  }
0x60: {  	_ =	shalt  }
0x61: {  	_ =	shalt  }
0x62: {  	_ =	shalt  }
0x63: {  	_ =	shalt  }
0x64: {  	_ =	shalt  }
0x65: {  	_ =	shalt  }
0x66: {  	_ =	shalt  }
0x67: {  	_ =	shalt  }
0x68: {  	_ =	shalt  }
0x69: {  	_ =	shalt  }
0x6a: {  	_ =	shalt  }
0x6b: {  	_ =	shalt  }
0x6c: {  	_ =	shalt  }
0x6d: {  	_ =	shalt  }
0x6e: {  	_ =	shalt  }
0x6f: {  	_ =	shalt  }
0x70: {  	_ =	shalt  }
0x71: {  	_ =	shalt  }
0x72: {  	_ =	shalt  }
0x73: {  	_ =	shalt  }
0x74: {  	_ =	shalt  }
0x75: {  	_ =	shalt  }
0x76: {  	_ =	shalt  }
0x77: {  	_ =	shalt  }
0x78: {  	_ =	shalt  }
0x79: {  	_ =	shalt  }
0x7a: {  	_ =	shalt  }
0x7b: {  	_ =	shalt  }
0x7c: {  	_ =	shalt  }
0x7d: {  	_ =	shalt  }
0x7e: {  	_ =	shalt  }
0x7f: {  	_ =	shalt  }
0x80: {  	_ =	shalt  }
0x81: {  	_ =	shalt  }
0x82: {  	_ =	shalt  }
0x83: {  	_ =	shalt  }
0x84: {  	_ =	shalt  }
0x85: {  	_ =	shalt  }
0x86: {  	_ =	shalt  }
0x87: {  	_ =	shalt  }
.Lfunc_end0:
.L_simem_size_0:
called_computation.6_lowered:
.L_overlay_start_0:
0x88: {  	s2 =	sld [smem:$0x3FD9]  }
0x89: {  	s3 =	sld [smem:$0x3FFE];
	_ =	sdelay $0x1  }
0x8a: {  	s1 =	srdreg.scid  }
0x8b: {  	s0 =	sand.u32 $0x1, s1  }
0x8c: {  	s17 =	sshll.u32 s0, $0xA;
	s2 =	sadd.s32 s3, s2  }
0x8d: {  	s2 =	sadd.s32 s2, s17  }
0x8e: {  	[smem:$0x3FB9] =	sst s2  }
0x8f: {  	_ = 	snop  }
0x90: {  	s18 =	sld [smem:$0x3FD0];
	(tm) =	ssettm $0x1  }
0x91: {  	s19 =	sld [smem:$0x3FFB];
	_ =	sdelay $0x3  }
0x92: {  	_ =	strace s19  }
0x93: {  	s2 =	sld [smem:$0x3FFC];
	_ =	sdelay $0x3  }
0x94: {  	_ =	strace s2  }
0x95: {  	s2 =	sld [smem:$0x3FFD];
	_ =	sdelay $0x3  }
0x96: {  	_ =	strace s2  }
0x97: {  	_ =	strace $0x8FFFFFFF  }
0x98: {  	s20 =	sld [smem:$0x3FDB];
	_ =	sdelay $0x1  }
0x99: {  	s4 =	simm.s32 $_scs_section_size  }
0x9a: {  	s5 =	simm.s32 $_size__tile_overlayer_lowered;
	s6 =	simm.s32 $_tile_overlayer_lowered  }
0x9b: {  	s7 =	simm.s32 $0x1BFF;
	s21 =	sshll.u32 s6, $0x1;
	s4 =	sadd.s32 s4, s20  }
0x9c: {  	s22 =	simm.s32 $0x0;
	s5 =	sshll.u32 s5, $0x1;
	s6 =	sadd.s32 s21, s4  }
0x9d: {  	[timem:s22], [sflag:s7] =	dma.local [hbm:s6], s5  }
0x9e: {  	_ =	swait.ge [sflag:s7], s5  }
0x9f: {  	s5 =	ssub.s32 $0x0, s5;
	[sflag:s7] =	ssyncset.done $0x0  }
0xa0: {  	[sflag:s7] =	ssyncadd.s32 s5;
	_ =	sdelay $0x1  }
0xa1: {  	s23 =	simm.s32 $0x1B8B  }
0xa2: {  	_ =	swait.ge [sflag:s23], $0x1  }
0xa3: {  	[sflag:s23] =	ssyncset.done $0x0  }
0xa4: {  	[sflag:s23] =	ssyncadd.s32 $0xFFFFFFFF  }
0xa5: {  	s5 =	sld [smem:$0x0]  }
0xa6: {  	s6 =	sand.u32 $0xFFFFFFFE, s1  }
0xa7: {  	p0 =	sne.s32 s1, s6  }
0xa8: {  	s6 =	sshll.u32 @p0 s6, $0xE  }
0xa9: {  	s6 =	sadd.s32 @p0 $0x11B8D, s6;
	s7 =	sshll.u32 @p0 s5, $0x11  }
0xaa: {  	s6 =	sor.u32 @p0 s7, s6  }
0xab: {  	[sflag:s6] =	ssyncadd.remote.s32 @p0 $0x1;
	_ =	sdelay $0x1  }
0xac: {  	s6 =	simm.s32 @p0 $0x1B8D  }
0xad: {  	_ =	swait.eq @p0 [sflag:s6], $0x1  }
0xae: {  	[sflag:s6] =	ssyncadd.s32 @p0 $0xFFFFFFFF  }
0xaf: {  	s7 =	sshll.u32 @!p0 s1, $0xE  }
0xb0: {  	s7 =	sor.u32 @!p0 $0x4000, s7;
	s6 =	simm.s32 @!p0 $0x1B8D  }
0xb1: {  	s5 =	sshll.u32 @!p0 s5, $0x11;
	s7 =	sadd.s32 @!p0 $0x11B8D, s7;
	_ =	swait.eq @!p0 [sflag:s6], $0x1  }
0xb2: {  	s5 =	sor.u32 @!p0 s5, s7;
	[sflag:s6] =	ssyncadd.s32 @!p0 $0xFFFFFFFF  }
0xb3: {  	s25 =	simm.s32 $0x1B8E;
	s24 =	sld [smem:$0x3FFE];
	[sflag:s5] =	ssyncadd.remote.s32 @!p0 $0x1  }
0xb4: {  	s26 =	simm.s32 $execute0_lowered;
	[smem:$0x3FD2] =	sst s25  }
0xb5: {  	s6 =	sshll.u32 s26, $0x1;
	_ =	strace $0x80000058;
	[dreg:$0x1] =	wrdreg $0xFFFFFFFF  }
0xb6: {  	s28 =	simm.s32 $_size_execute0_lowered;
	s4 =	sadd.s32 s4, s6;
	[dreg:$0x0] =	wrdreg $0x0  }
0xb7: {  	s6 =	sshll.u32 s28, $0x1;
	[dreg:$0x2] =	wrdreg s4  }
0xb8: {  	[dreg:$0x3] =	wrdreg s6  }
0xb9: {  	[dreg:$0x4] =	wrdreg $0xC0  }
0xba: {  	_ =	task [dreg:s22], $0x5FFFF  }
0xbb: {  	[dreg:$0x1] =	wrdreg $0xFFFFFFFF  }
0xbc: {  	[dreg:$0x0] =	wrdreg $0x60  }
0xbd: {  	[dreg:$0x2] =	wrdreg s24  }
0xbe: {  	[dreg:$0x3] =	wrdreg s18  }
0xbf: {  	[dreg:$0x4] =	wrdreg $0xAA000  }
0xc0: {  	[dreg:$0x5] =	wrdreg $0xA  }
0xc1: {  	_ =	task.clear_ibuf [dreg:s22], $0x6FFFF;
	_ =	strace $0x90000058  }
0xc2: {  	s29 =	simm.s32 $0xA;
	_ =	strace $0x8000005A  }
0xc3: {  	_ =	swait.ge [sflag:s29], $0x1  }
0xc4: {  	[sflag:s29] =	ssyncadd.s32 $0xFFFFFFFF  }
0xc5: {  	_ =	strace $0x9000005A  }
0xc6: {  	_ =	sfence  }
0xc7: {  	s30 =	sld [smem:$0x0];
	_ =	sdelay $0x2  }
0xc8: {  	s31 =	sshll.u32 s1, $0xD;
	s1 =	sshrl.u32 s1, $0x2  }
0xc9: {  	s4 =	sand.u32 $0x4000, s31;
	s1 =	sadd.s32 s1, s30  }
0xca: {  	s0 =	sor.u32 s4, s0;
	s1 =	sshll.u32 s1, $0x11  }
0xcb: {  	s0 =	sor.u32 s1, s0  }
0xcc: {  	s0 =	sadd.s32 $0x8F2B, s0  }
0xcd: {  	[sflag:s0] =	ssyncadd.remote.s32 $0x1  }
0xce: {  	_ =	sfence.sel $0xFFFF  }
0xcf: {  	[dreg:$0x0] =	wrdreg $0xFFFFFFFF;
	(pc) =	sbr.abs _section_cstart, $3  }
0xd0: {  	[dreg:$0x1] =	wrdreg $0xFFFFFFFF  }
0xd1: {  	_ =	task.clear_ibuf [dreg:s22], $0x2FFFF;
	_ =	strace $0x9FFFFFFF  }
0xd2: {  	(tm) =	ssettm $0x7FFFFFFF  }
0xd3: {  	_ =	shalt  }
tec
execute0_lowered:
.L_overlay_start_1:
0x0: {  	(tag) =	ssettag $0x1  }
0x1: {  	s4 =	rddreg [dreg:$0x0]  }
0x2: {  	s5 =	rddreg [dreg:$0x1]  }
0x3: {  	s1 =	rddreg [dreg:$0x2]  }
0x4: {  	s0 =	rddreg [dreg:$0x3];
	s3 =	simm.s32 $0x0  }
0x5: {  	s6 =	srdreg.scid;
	s2 =	stileid.u32;
	s17 =	simm.s32 $0x1  }
0x6: {  	s18 =	simm.s32 $0x0;
	[smem:$0x7FF] =	sst s3;
	s6 =	sand.u32 $0x1, s6  }
0x7: {  	s7 =	smul.u32 $0x4F0, s2;
	s9 =	sadd.s32 $0xBA00, s4;
	s10 =	sshll.u32 s2, $0x1  }
0x8: {  	s11 =	sadd.s32 $0x10A00, s4;
	s24 =	smul.u32 $0x2780, s2;
	s29 =	sshll.u32 s2, $0x6  }
0x9: {  	_ =	strace $0x80000059;
	s8 =	smul.u32 $0x4F00, s6;
	s12 =	ssub.s32 $0x2, s6  }
0xa: {  	s13 =	sor.u32 s6, s10;
	s6 =	sor.u32 $0x1C02, s29;
	s22 =	sshrl.u32 s12, $0x1  }
0xb: {  	s23 =	smul.u32 $0x13, s13;
	p0 =	slt.u32 s13, $0x11;
	s25 =	smin.u32 s13, $0x11  }
0xc: {  	s26 =	sshrl.u32 s24, $0x3;
	s15 =	sadd.s32 s24, s1;
	s21 =	sadd.s32 s7, s8  }
0xd: {  	s12 =	ssub.s32 s12, s22;
	s5 =	sadd.s32 s5, s26;
	s14 =	sadd.s32 s21, s4  }
0xe: {  	s4 =	simm.s32 $0x14;
	s8 =	sadd.s32 s25, s23;
	s12 =	smax.u32 s12, $0x1  }
0xf: {  	s4 =	simm.s32 @!p0 $0x13;
	s28 =	sshll.u32 s8, $0x7;
	s30 =	sshll.u32 s8, $0x4  }
0x10: {  	s8 =	sshll.u32 s8, $0x8;
	p0 =	sgt.u32 s13, $0x10;
	s13 =	sshrl.u32 s15, $0x3  }
0x11: {  	s15 =	simm.s32 $0xA00;
	s16 =	sadd.s32 $0x980, s28;
	s7 =	sadd.s32 s9, s30  }
0x12: {  	s8 =	sadd.s32 s11, s8;
	s31 =	sshll.u32 s16, $0x1;
	s16 =	sshrl.u32 s16, $0x3  }
0x13: {  	s10 =	sand.u32 $0x1FFFFF00, s31;
	s9 =	sadd.s32 s9, s16;
	s16 =	simm.s32 $0x80  }
0x14: {  	s10 =	sadd.s32 s11, s10;
	s11 =	sadd.s32 $0x5EE00, s14;
	s14 =	simm.s32 $0x2  }
.LBB2_1:
0x15: {  	[spmem:s13], [sflag:s6] =	dma.local [hbm:s5], $0x4F0  }
0x16: {  	_ =	swait.ge [sflag:s14], $0x4F0  }
0x17: {  	[sflag:s14] =	ssyncset.done $0x0  }
0x18: {  	[sflag:s14] =	ssyncadd.s32 $0xFFFFFB10  }
0x19: {  	[tilespmem:s3], [sflag:$0x2] =	stream.linear.gather [hbm4b:s7+s3], $0x980, $0x38;
	[tilespmem:$0xD180] =	vst v63  }
0x1a: {  	_ =	swait.ge [sflag:s14], $0x980  }
0x1b: {  	[sflag:s14] =	ssyncset.done $0x0  }
0x1c: {  	[sflag:s14] =	ssyncadd.s32 $0xFFFFF680  }
0x1d: {  	[tilespmem:s15], [sflag:$0x2] =	stream.linear.gather [hbm4b:s8+s3], $0x9800, $0x38;
	[tilespmem:$0xD180] =	vst v63  }
0x1e: {  	_ =	swait.ge [sflag:s14], $0x9800  }
0x1f: {  	[sflag:s14] =	ssyncset.done $0x0  }
0x20: {  	s19 =	simm.s32 @!p0 $0x0;
	s20 =	simm.s32 @!p0 $0x980;
	[sflag:s14] =	ssyncadd.s32 $0xFFFF6800  }
0x21: {  	[tilespmem:s20], [sflag:$0x2] =	stream.linear.gather @!p0 [hbm4b:s9+s19], $0x80, $0x38;
	[tilespmem:$0xD180] =	vst v63  }
0x22: {  	s20 =	simm.s32 @!p0 $0x2  }
0x23: {  	_ =	swait.ge @!p0 [sflag:s20], $0x80  }
0x24: {  	[sflag:s20] =	ssyncset.done @!p0 $0x0  }
0x25: {  	s21 =	simm.s32 @!p0 $0xA200;
	p1 =	sne.s32 s4, $0x1;
	[sflag:s20] =	ssyncadd.s32 @!p0 $0xFFFFFF80  }
0x26: {  	[tilespmem:s21], [sflag:$0x2] =	stream.linear.gather @!p0 [hbm4b:s10+s19], $0x800, $0x38;
	[tilespmem:$0xD180] =	vst v63  }
.Ltmp0:
0x27: {  	_ =	swait.ge @!p0 [sflag:s20], $0x800;
	(pc) =	sbr.rel @!p1 .LBB2_3-.Ltmp0, $4  }
0x28: {  	[sflag:s20] =	ssyncset.done @!p0 $0x0  }
0x29: {  	s19 =	sadd.s32 $0xFFFFFFFF, s4;
	[sflag:s20] =	ssyncadd.s32 @!p0 $0xFFFFF800  }
0x2a: {  	s21 =	simm.s32 $0xA00;
	s20 =	simm.s32 $0x0;
	[bflag:$0x0] =	sbarrier.arrive $0xFFFF  }
0x2b: {  	[spmem:s1] =	stream.indirect.scatter.add.f32 [tilespmem:s15], [sflag:$0x1], $0x10, s3, s16, $0xb8;
	[tilespmem:$0xD180] =	vst v63  }
.LBB2_2:
0x2c: {  	p2 =	sne.s32 s19, $0x1  }
.Ltmp1:
0x2d: {  	_ = 	snop;
	(pc) =	sbr.rel @p2 .LBB2_2-.Ltmp1, $4  }
0x2e: {  	_ = 	snop  }
0x2f: {  	s20 =	sadd.s32 $0x80, s20;
	s21 =	sadd.s32 $0x800, s21  }
0x30: {  	s19 =	sadd.s32 $0xFFFFFFFF, s19  }
0x31: {  	[spmem:s1] =	stream.indirect.scatter.add.f32 [tilespmem:s21], [sflag:$0x1], $0x10, s20, s16, $0xb8;
	[tilespmem:$0xD180] =	vst v63  }
.LBB2_3:
.Ltmp2:
0x32: {  	(pc) =	sbr.rel @!p1 .LBB2_5-.Ltmp2, $3  }
0x33: {  	_ =	sdelay $0x1  }
0x34: {  	_ =	swait.ge [sflag:s17], $0x800  }
0x35: {  	s19 =	sadd.s32 $0xFFFFFFFF, s4;
	[sflag:s17] =	ssyncset.done $0x0  }
.LBB2_4:
0x36: {  	p1 =	sne.s32 s19, $0x1;
	s19 =	sadd.s32 $0xFFFFFFFF, s19;
	[sflag:s17] =	ssyncadd.s32 $0xFFFFF800  }
.Ltmp3:
0x37: {  	(pc) =	sbr.rel @p1 .LBB2_4-.Ltmp3, $3  }
0x38: {  	_ =	sdelay $0x1  }
0x39: {  	_ =	swait.ge [sflag:s17], $0x800  }
0x3a: {  	[sflag:s17] =	ssyncset.done $0x0  }
.LBB2_5:
0x3b: {  	s18 =	sadd.s32 $0x1, s18  }
0x3c: {  	[sflag:s17] =	ssyncadd.s32 $0xFFFFF800;
	p1 =	sne.s32 s18, s12  }
.Ltmp4:
0x3d: {  	[bflag:$0x0] =	sbarrier.arrive $0xFFFF;
	(pc) =	sbr.rel @p1 .LBB2_1-.Ltmp4, $4  }
0x3e: {  	[hbm:s11], [sflag:s6] =	dma.local [spmem:s13], $0x4F0  }
0x3f: {  	_ =	swait.ge [sflag:s14], $0x4F0  }
0x40: {  	[sflag:s14] =	ssyncset.done $0x0  }
0x41: {  	[sflag:s14] =	ssyncadd.s32 $0xFFFFFB10  }
0x42: {  	_ =	sfence.sel $0x180000  }
0x43: {  	[bflag:$0x0] =	sbarrier.arrive $0xFFFF  }
0x44: {  	p0 =	sne.s32 s2, $0x0;
	_ =	strace $0x90000059  }
0x45: {  	s0 =	sadd.s32 @!p0 $0x100000, s0;
	[bflag:$0x2] =	sbarrier.arrive $0xFFFF  }
0x46: {  	[sflag:s0] =	ssyncadd.tile.s32 @!p0 $0x1;
	_ =	shalt  }
.Lfunc_end2:
_tile_overlayer_lowered:
.L_overlay_start_2:
0x47: {  	(tag) =	ssettag $0x2  }
0x48: {  	s0 =	rddreg [dreg:$0x0];
	s2 =	stileid.u32  }
0x49: {  	s1 =	rddreg [dreg:$0x1];
	p0 =	sne.s32 s2, $0x0  }
0x4a: {  	s3 =	rddreg [dreg:$0x2];
	[bflag:$0x3] =	sbarrier.arrive $0xFFFF;
	s2 =	simm.s32 @!p0 $0x1C02  }
0x4b: {  	[timem:s3], [sflag:s2] =	dma.local @!p0 [hbm:s0], s1  }
0x4c: {  	s0 =	simm.s32 @!p0 $0x2  }
0x4d: {  	_ =	swait.ge @!p0 [sflag:s0], s1  }
0x4e: {  	s1 =	ssub.s32 @!p0 $0x0, s1;
	[sflag:s0] =	ssyncset.done @!p0 $0x0  }
0x4f: {  	[sflag:s0] =	ssyncadd.s32 @!p0 s1  }
0x50: {  	[bflag:$0x3] =	sbarrier.arrive $0xFFFF  }
0x51: {  	_ =	shalt  }

// kernel: kernel.37.cloned.1.call-start
scs
__scs_entry_jumppad:
0x0: {  	(pc) =	sbr.rel $0x88, $3  }
0x1: {  	(tag) =	ssettag $0x0;
	lr =	simm.s32 $0x1  }
0x2: {  	[smem:$0x3F92] =	sst lr;
	_ =	strace $0xD0000000  }
0x3: {  	_ = 	snop  }
0x4: {  	_ = 	snop  }
0x5: {  	_ = 	snop  }
0x6: {  	_ = 	snop  }
0x7: {  	_ = 	snop  }
__scs_overlays_trampoline_lowered:
0x8: {  	[smem:$0x3FA1] =	sst s0  }
0x9: {  	[smem:$0x3FA2] =	sst s1  }
0xa: {  	[smem:$0x3FA3] =	sst s2  }
0xb: {  	[smem:$0x3FA4] =	sst s3  }
0xc: {  	[smem:$0x3FA5] =	sst s4  }
0xd: {  	[smem:$0x3FA6] =	sst s5  }
0xe: {  	[smem:$0x3FA7] =	sst s6  }
0xf: {  	[smem:$0x3FA8] =	sst s7  }
0x10: {  	[smem:$0x3FA9] =	sst s8  }
0x11: {  	[smem:$0x3FAA] =	sst s9;
	s0 =	simm.s32 @!p0 $0x0  }
0x12: {  	s1 =	sld [smem:$0x3F90];
	s0 =	simm.s32 @p0 $0x1  }
0x13: {  	[smem:$0x3FAB] =	sst s0;
	s0 =	simm.s32 @!p1 $0x0  }
0x14: {  	s2 =	sld [smem:$0x3F8F];
	s0 =	simm.s32 @p1 $0x1  }
0x15: {  	[smem:$0x3FAC] =	sst s0;
	s0 =	simm.s32 @!p2 $0x0  }
0x16: {  	s3 =	sld [smem:$0x3FDB];
	s0 =	simm.s32 @p2 $0x1  }
0x17: {  	s4 =	simm.s32 $0x1BF5;
	[smem:$0x3FAE] =	sst s0  }
0x18: {  	s0 =	sld [smem:$0x3F91];
	_ =	swait.ge [sflag:s4], $0x0  }
0x19: {  	s7 =	sld [smem:$0x3F92]  }
0x1a: {  	s8 =	sadd.s32 $0xFFFFE003, lr  }
0x1b: {  	s9 =	sadd.s32 $0xFFFFFEF7, lr;
	s5 =	simm.s32 $0xFFFFFFFF;
	p2 =	slt.u32 s8, $0xFFFFF086  }
0x1c: {  	p1 =	slt.u32 s9, $0xF7A;
	s5 =	simm.s32 @!p2 $0x0  }
0x1d: {  	s5 =	simm.s32 @p1 $0x1;
	p0 =	seq.s32 s7, s2  }
0x1e: {  	s7 =	smul.u32 @!p0 $0xF7A, s2;
	p2 =	seq.s32 @!p0 s5, $0x0  }
0x1f: {  	s9 =	smul.u32 $0xF7A, s1;
	s8 =	simm.s32 @!p0 $0x1BF5;
	p2 =	por !p2, p0  }
0x20: {  	[sflag:s8] =	ssyncset.s32 @!p0 $0xFFFFF086;
	s6 =	sadd.s32 @!p0 s3, s7;
	s7 =	simm.s32 @!p0 $0x108  }
0x21: {  	s3 =	sadd.s32 s3, s9;
	s6 =	sadd.s32 @!p0 $0x88, s6;
	s7 =	simm.s32 @p2 $0x1082  }
0x22: {  	[simem:s7], [sflag:s8] =	dma.local @!p0 [hbm:s6], $0xF7A  }
0x23: {  	s9 =	sor.u32 $0xD0000000, s2;
	s6 =	simm.s32 $0x108;
	_ =	swait.ge @!p0 [sflag:s8], $0x0  }
0x24: {  	s3 =	sadd.s32 $0x88, s3;
	s6 =	simm.s32 @!p1 $0x1082;
	[sflag:s4] =	ssyncset.s32 $0xFFFFF086  }
0x25: {  	[simem:s6], [sflag:s4] =	dma.local [hbm:s3], $0xF7A  }
0x26: {  	[smem:$0x3F92] =	sst s1;
	(tag) =	ssettag s2;
	_ =	strace s9  }
0x27: {  	s1 =	sld [smem:$0x3FA2]  }
0x28: {  	s2 =	sld [smem:$0x3FA3]  }
0x29: {  	s4 =	sld [smem:$0x3FA5]  }
0x2a: {  	p0 =	seq.s32 s5, $0x0;
	s5 =	sld [smem:$0x3FA6]  }
0x2b: {  	s6 =	sld [smem:$0x3FA7]  }
0x2c: {  	s7 =	sld [smem:$0x3FA8]  }
0x2d: {  	s3 =	simm.s32 $0x108;
	s8 =	sld [smem:$0x3FA9]  }
0x2e: {  	s3 =	simm.s32 @!p0 $0x1082;
	s9 =	sld [smem:$0x3FAA]  }
0x2f: {  	lr =	sadd.s32 s0, s3;
	s0 =	sld [smem:$0x3FA1]  }
0x30: {  	s3 =	sld [smem:$0x3FA4]  }
0x31: {  	[smem:$0x3FAD] =	sst s10  }
0x32: {  	s10 =	sld [smem:$0x3FAB];
	_ =	sdelay $0x3  }
0x33: {  	p0 =	seq.s32 s10, $0x1;
	s10 =	sld [smem:$0x3FAD];
	_ =	sdelay $0x3  }
0x34: {  	[smem:$0x3FAD] =	sst s10  }
0x35: {  	s10 =	sld [smem:$0x3FAC];
	_ =	sdelay $0x3  }
0x36: {  	p1 =	seq.s32 s10, $0x1;
	s10 =	sld [smem:$0x3FAD];
	_ =	sdelay $0x3  }
0x37: {  	[smem:$0x3FAD] =	sst s10  }
0x38: {  	s10 =	sld [smem:$0x3FAE]  }
0x39: {  	_ = 	snop;
	(pc) =	sbr.ind lr, $3  }
0x3a: {  	_ = 	snop  }
0x3b: {  	_ = 	snop  }
0x3c: {  	p2 =	seq.s32 s10, $0x1;
	s10 =	sld [smem:$0x3FAD]  }
0x3d: {  	_ =	shalt  }
0x3e: {  	_ =	shalt  }
0x3f: {  	_ =	shalt  }
0x40: {  	_ =	shalt  }
0x41: {  	_ =	shalt  }
0x42: {  	_ =	shalt  }
0x43: {  	_ =	shalt  }
0x44: {  	_ =	shalt  }
0x45: {  	_ =	shalt  }
0x46: {  	_ =	shalt  }
0x47: {  	_ =	shalt  }
0x48: {  	_ =	shalt  }
0x49: {  	_ =	shalt  }
0x4a: {  	_ =	shalt  }
0x4b: {  	_ =	shalt  }
0x4c: {  	_ =	shalt  }
0x4d: {  	_ =	shalt  }
0x4e: {  	_ =	shalt  }
0x4f: {  	_ =	shalt  }
0x50: {  	_ =	shalt  }
0x51: {  	_ =	shalt  }
0x52: {  	_ =	shalt  }
0x53: {  	_ =	shalt  }
0x54: {  	_ =	shalt  }
0x55: {  	_ =	shalt  }
0x56: {  	_ =	shalt  }
0x57: {  	_ =	shalt  }
0x58: {  	_ =	shalt  }
0x59: {  	_ =	shalt  }
0x5a: {  	_ =	shalt  }
0x5b: {  	_ =	shalt  }
0x5c: {  	_ =	shalt  }
0x5d: {  	_ =	shalt  }
0x5e: {  	_ =	shalt  }
0x5f: {  	_ =	shalt  }
0x60: {  	_ =	shalt  }
0x61: {  	_ =	shalt  }
0x62: {  	_ =	shalt  }
0x63: {  	_ =	shalt  }
0x64: {  	_ =	shalt  }
0x65: {  	_ =	shalt  }
0x66: {  	_ =	shalt  }
0x67: {  	_ =	shalt  }
0x68: {  	_ =	shalt  }
0x69: {  	_ =	shalt  }
0x6a: {  	_ =	shalt  }
0x6b: {  	_ =	shalt  }
0x6c: {  	_ =	shalt  }
0x6d: {  	_ =	shalt  }
0x6e: {  	_ =	shalt  }
0x6f: {  	_ =	shalt  }
0x70: {  	_ =	shalt  }
0x71: {  	_ =	shalt  }
0x72: {  	_ =	shalt  }
0x73: {  	_ =	shalt  }
0x74: {  	_ =	shalt  }
0x75: {  	_ =	shalt  }
0x76: {  	_ =	shalt  }
0x77: {  	_ =	shalt  }
0x78: {  	_ =	shalt  }
0x79: {  	_ =	shalt  }
0x7a: {  	_ =	shalt  }
0x7b: {  	_ =	shalt  }
0x7c: {  	_ =	shalt  }
0x7d: {  	_ =	shalt  }
0x7e: {  	_ =	shalt  }
0x7f: {  	_ =	shalt  }
0x80: {  	_ =	shalt  }
0x81: {  	_ =	shalt  }
0x82: {  	_ =	shalt  }
0x83: {  	_ =	shalt  }
0x84: {  	_ =	shalt  }
0x85: {  	_ =	shalt  }
0x86: {  	_ =	shalt  }
0x87: {  	_ =	shalt  }
.Lfunc_end0:
.L_simem_size_0:
called_computation.7_lowered:
.L_overlay_start_0:
0x88: {  	s2 =	sld [smem:$0x3FD9]  }
0x89: {  	s3 =	sld [smem:$0x3FFE];
	_ =	sdelay $0x1  }
0x8a: {  	s1 =	srdreg.scid  }
0x8b: {  	s0 =	sand.u32 $0x1, s1  }
0x8c: {  	s17 =	sshll.u32 s0, $0xA;
	s2 =	sadd.s32 s3, s2  }
0x8d: {  	s2 =	sadd.s32 s2, s17  }
0x8e: {  	[smem:$0x3FB9] =	sst s2  }
0x8f: {  	_ = 	snop  }
0x90: {  	s18 =	sld [smem:$0x3FD0];
	(tm) =	ssettm $0x1  }
0x91: {  	s19 =	sld [smem:$0x3FFB];
	_ =	sdelay $0x3  }
0x92: {  	_ =	strace s19  }
0x93: {  	s2 =	sld [smem:$0x3FFC];
	_ =	sdelay $0x3  }
0x94: {  	_ =	strace s2  }
0x95: {  	s2 =	sld [smem:$0x3FFD];
	_ =	sdelay $0x3  }
0x96: {  	_ =	strace s2  }
0x97: {  	_ =	strace $0x8FFFFFFF  }
0x98: {  	s20 =	sld [smem:$0x3FDB];
	_ =	sdelay $0x1  }
0x99: {  	s4 =	simm.s32 $_scs_section_size  }
0x9a: {  	s5 =	simm.s32 $_size__tile_overlayer_lowered;
	s6 =	simm.s32 $_tile_overlayer_lowered  }
0x9b: {  	s7 =	simm.s32 $0x1BFF;
	s21 =	sshll.u32 s6, $0x1;
	s4 =	sadd.s32 s4, s20  }
0x9c: {  	s22 =	simm.s32 $0x0;
	s5 =	sshll.u32 s5, $0x1;
	s6 =	sadd.s32 s21, s4  }
0x9d: {  	[timem:s22], [sflag:s7] =	dma.local [hbm:s6], s5  }
0x9e: {  	_ =	swait.ge [sflag:s7], s5  }
0x9f: {  	s5 =	ssub.s32 $0x0, s5;
	[sflag:s7] =	ssyncset.done $0x0  }
0xa0: {  	[sflag:s7] =	ssyncadd.s32 s5;
	_ =	sdelay $0x1  }
0xa1: {  	s23 =	simm.s32 $0x1B8B  }
0xa2: {  	_ =	swait.ge [sflag:s23], $0x1  }
0xa3: {  	[sflag:s23] =	ssyncset.done $0x0  }
0xa4: {  	[sflag:s23] =	ssyncadd.s32 $0xFFFFFFFF  }
0xa5: {  	s5 =	sld [smem:$0x0]  }
0xa6: {  	s6 =	sand.u32 $0xFFFFFFFE, s1  }
0xa7: {  	p0 =	sne.s32 s1, s6  }
0xa8: {  	s6 =	sshll.u32 @p0 s6, $0xE  }
0xa9: {  	s6 =	sadd.s32 @p0 $0x11B8D, s6;
	s7 =	sshll.u32 @p0 s5, $0x11  }
0xaa: {  	s6 =	sor.u32 @p0 s7, s6  }
0xab: {  	[sflag:s6] =	ssyncadd.remote.s32 @p0 $0x1;
	_ =	sdelay $0x1  }
0xac: {  	s6 =	simm.s32 @p0 $0x1B8D  }
0xad: {  	_ =	swait.eq @p0 [sflag:s6], $0x1  }
0xae: {  	[sflag:s6] =	ssyncadd.s32 @p0 $0xFFFFFFFF  }
0xaf: {  	s7 =	sshll.u32 @!p0 s1, $0xE  }
0xb0: {  	s7 =	sor.u32 @!p0 $0x4000, s7;
	s6 =	simm.s32 @!p0 $0x1B8D  }
0xb1: {  	s5 =	sshll.u32 @!p0 s5, $0x11;
	s7 =	sadd.s32 @!p0 $0x11B8D, s7;
	_ =	swait.eq @!p0 [sflag:s6], $0x1  }
0xb2: {  	s5 =	sor.u32 @!p0 s5, s7;
	[sflag:s6] =	ssyncadd.s32 @!p0 $0xFFFFFFFF  }
0xb3: {  	s25 =	simm.s32 $0x1B8E;
	s24 =	sld [smem:$0x3FFE];
	[sflag:s5] =	ssyncadd.remote.s32 @!p0 $0x1  }
0xb4: {  	s26 =	simm.s32 $execute0_lowered;
	[smem:$0x3FD2] =	sst s25  }
0xb5: {  	s6 =	sshll.u32 s26, $0x1;
	_ =	strace $0x8000005B;
	[dreg:$0x1] =	wrdreg $0xFFFFFFFF  }
0xb6: {  	s28 =	simm.s32 $_size_execute0_lowered;
	s4 =	sadd.s32 s4, s6;
	[dreg:$0x0] =	wrdreg $0x0  }
0xb7: {  	s6 =	sshll.u32 s28, $0x1;
	[dreg:$0x2] =	wrdreg s4  }
0xb8: {  	[dreg:$0x3] =	wrdreg s6  }
0xb9: {  	[dreg:$0x4] =	wrdreg $0xC0  }
0xba: {  	_ =	task [dreg:s22], $0x5FFFF  }
0xbb: {  	[dreg:$0x1] =	wrdreg $0xFFFFFFFF  }
0xbc: {  	[dreg:$0x0] =	wrdreg $0x60  }
0xbd: {  	[dreg:$0x2] =	wrdreg s24  }
0xbe: {  	[dreg:$0x3] =	wrdreg s18  }
0xbf: {  	[dreg:$0x4] =	wrdreg $0xAA000  }
0xc0: {  	[dreg:$0x5] =	wrdreg $0x9  }
0xc1: {  	_ =	task.clear_ibuf [dreg:s22], $0x6FFFF;
	_ =	strace $0x9000005B  }
0xc2: {  	s29 =	simm.s32 $0x9;
	_ =	strace $0x8000005D  }
0xc3: {  	_ =	swait.ge [sflag:s29], $0x1  }
0xc4: {  	[sflag:s29] =	ssyncadd.s32 $0xFFFFFFFF  }
0xc5: {  	_ =	strace $0x9000005D  }
0xc6: {  	_ =	sfence  }
0xc7: {  	s30 =	sld [smem:$0x0];
	_ =	sdelay $0x2  }
0xc8: {  	s31 =	sshll.u32 s1, $0xD;
	s1 =	sshrl.u32 s1, $0x2  }
0xc9: {  	s4 =	sand.u32 $0x4000, s31;
	s1 =	sadd.s32 s1, s30  }
0xca: {  	s0 =	sor.u32 s4, s0;
	s1 =	sshll.u32 s1, $0x11  }
0xcb: {  	s0 =	sor.u32 s1, s0  }
0xcc: {  	s0 =	sadd.s32 $0x8F2B, s0  }
0xcd: {  	[sflag:s0] =	ssyncadd.remote.s32 $0x1  }
0xce: {  	_ =	sfence.sel $0xFFFF  }
0xcf: {  	[dreg:$0x0] =	wrdreg $0xFFFFFFFF;
	(pc) =	sbr.abs _section_cstart, $3  }
0xd0: {  	[dreg:$0x1] =	wrdreg $0xFFFFFFFF  }
0xd1: {  	_ =	task.clear_ibuf [dreg:s22], $0x2FFFF;
	_ =	strace $0x9FFFFFFF  }
0xd2: {  	(tm) =	ssettm $0x7FFFFFFF  }
0xd3: {  	_ =	shalt  }
tec
execute0_lowered:
.L_overlay_start_1:
0x0: {  	(tag) =	ssettag $0x1  }
0x1: {  	s5 =	rddreg [dreg:$0x0]  }
0x2: {  	s1 =	srdreg.scid;
	s6 =	rddreg [dreg:$0x1]  }
0x3: {  	s0 =	stileid.u32;
	s2 =	rddreg [dreg:$0x2];
	s3 =	simm.s32 $0x0  }
0x4: {  	s17 =	simm.s32 $0x1;
	s18 =	simm.s32 $0x0;
	s4 =	sand.u32 $0x1, s1  }
0x5: {  	s24 =	sshll.u32 s0, $0x1;
	s1 =	rddreg [dreg:$0x3];
	s25 =	smul.u32 $0x4F0, s0  }
0x6: {  	[smem:$0x7FF] =	sst s3;
	s29 =	smul.u32 $0x2780, s0;
	s31 =	sshll.u32 s0, $0x6  }
0x7: {  	s13 =	sor.u32 s4, s24;
	_ =	strace $0x8000005C;
	s10 =	smul.u32 $0x4F00, s4  }
0x8: {  	s11 =	ssub.s32 $0x2, s4;
	s4 =	simm.s32 $0x14;
	s7 =	smul.u32 $0x13, s13  }
0x9: {  	s8 =	smin.u32 s13, $0x11;
	s28 =	sshrl.u32 s11, $0x1;
	p0 =	slt.u32 s13, $0x11  }
0xa: {  	s16 =	sadd.s32 s29, s2;
	s30 =	sshrl.u32 s29, $0x3;
	s26 =	sadd.s32 s25, s10  }
0xb: {  	s15 =	ssub.s32 s11, s28;
	s4 =	simm.s32 @!p0 $0x13;
	p0 =	sgt.u32 s13, $0x10  }
0xc: {  	s13 =	sshrl.u32 s16, $0x3;
	s16 =	simm.s32 $0x80;
	s7 =	sadd.s32 s8, s7  }
0xd: {  	s14 =	sadd.s32 s26, s5;
	s9 =	sshll.u32 s7, $0x4;
	s7 =	sshll.u32 s7, $0x8  }
0xe: {  	s11 =	sadd.s32 $0x8B800, s14;
	s14 =	simm.s32 $0x2;
	s9 =	sadd.s32 s9, s5  }
0xf: {  	s12 =	sadd.s32 s7, s5;
	s5 =	sadd.s32 s6, s30;
	s6 =	sor.u32 $0x1C02, s31  }
0x10: {  	s7 =	sadd.s32 $0xE110, s9;
	s8 =	sadd.s32 $0x37C00, s12;
	s9 =	sadd.s32 $0xE240, s9  }
0x11: {  	s10 =	sadd.s32 $0x38F00, s12;
	s12 =	smax.u32 s15, $0x1;
	s15 =	simm.s32 $0xA00  }
.LBB2_1:
0x12: {  	[spmem:s13], [sflag:s6] =	dma.local [hbm:s5], $0x4F0  }
0x13: {  	_ =	swait.ge [sflag:s14], $0x4F0  }
0x14: {  	[sflag:s14] =	ssyncset.done $0x0  }
0x15: {  	[sflag:s14] =	ssyncadd.s32 $0xFFFFFB10  }
0x16: {  	[tilespmem:s3], [sflag:$0x2] =	stream.linear.gather [hbm4b:s7+s3], $0x980, $0x38;
	[tilespmem:$0xD180] =	vst v63  }
0x17: {  	_ =	swait.ge [sflag:s14], $0x980  }
0x18: {  	[sflag:s14] =	ssyncset.done $0x0  }
0x19: {  	[sflag:s14] =	ssyncadd.s32 $0xFFFFF680  }
0x1a: {  	[tilespmem:s15], [sflag:$0x2] =	stream.linear.gather [hbm4b:s8+s3], $0x9800, $0x38;
	[tilespmem:$0xD180] =	vst v63  }
0x1b: {  	_ =	swait.ge [sflag:s14], $0x9800  }
0x1c: {  	[sflag:s14] =	ssyncset.done $0x0  }
0x1d: {  	s19 =	simm.s32 @!p0 $0x0;
	s20 =	simm.s32 @!p0 $0x980;
	[sflag:s14] =	ssyncadd.s32 $0xFFFF6800  }
0x1e: {  	[tilespmem:s20], [sflag:$0x2] =	stream.linear.gather @!p0 [hbm4b:s9+s19], $0x80, $0x38;
	[tilespmem:$0xD180] =	vst v63  }
0x1f: {  	s20 =	simm.s32 @!p0 $0x2  }
0x20: {  	_ =	swait.ge @!p0 [sflag:s20], $0x80  }
0x21: {  	[sflag:s20] =	ssyncset.done @!p0 $0x0  }
0x22: {  	s21 =	simm.s32 @!p0 $0xA200;
	p1 =	sne.s32 s4, $0x1;
	[sflag:s20] =	ssyncadd.s32 @!p0 $0xFFFFFF80  }
0x23: {  	[tilespmem:s21], [sflag:$0x2] =	stream.linear.gather @!p0 [hbm4b:s10+s19], $0x800, $0x38;
	[tilespmem:$0xD180] =	vst v63  }
.Ltmp0:
0x24: {  	_ =	swait.ge @!p0 [sflag:s20], $0x800;
	(pc) =	sbr.rel @!p1 .LBB2_3-.Ltmp0, $4  }
0x25: {  	[sflag:s20] =	ssyncset.done @!p0 $0x0  }
0x26: {  	s19 =	sadd.s32 $0xFFFFFFFF, s4;
	[sflag:s20] =	ssyncadd.s32 @!p0 $0xFFFFF800  }
0x27: {  	s21 =	simm.s32 $0xA00;
	s20 =	simm.s32 $0x0;
	[bflag:$0x0] =	sbarrier.arrive $0xFFFF  }
0x28: {  	[spmem:s2] =	stream.indirect.scatter.add.f32 [tilespmem:s15], [sflag:$0x1], $0x10, s3, s16, $0xb8;
	[tilespmem:$0xD180] =	vst v63  }
.LBB2_2:
0x29: {  	p2 =	sne.s32 s19, $0x1  }
.Ltmp1:
0x2a: {  	_ = 	snop;
	(pc) =	sbr.rel @p2 .LBB2_2-.Ltmp1, $4  }
0x2b: {  	_ = 	snop  }
0x2c: {  	s20 =	sadd.s32 $0x80, s20;
	s21 =	sadd.s32 $0x800, s21  }
0x2d: {  	s19 =	sadd.s32 $0xFFFFFFFF, s19  }
0x2e: {  	[spmem:s2] =	stream.indirect.scatter.add.f32 [tilespmem:s21], [sflag:$0x1], $0x10, s20, s16, $0xb8;
	[tilespmem:$0xD180] =	vst v63  }
.LBB2_3:
.Ltmp2:
0x2f: {  	(pc) =	sbr.rel @!p1 .LBB2_5-.Ltmp2, $3  }
0x30: {  	_ =	sdelay $0x1  }
0x31: {  	_ =	swait.ge [sflag:s17], $0x800  }
0x32: {  	s19 =	sadd.s32 $0xFFFFFFFF, s4;
	[sflag:s17] =	ssyncset.done $0x0  }
.LBB2_4:
0x33: {  	p1 =	sne.s32 s19, $0x1;
	s19 =	sadd.s32 $0xFFFFFFFF, s19;
	[sflag:s17] =	ssyncadd.s32 $0xFFFFF800  }
.Ltmp3:
0x34: {  	(pc) =	sbr.rel @p1 .LBB2_4-.Ltmp3, $3  }
0x35: {  	_ =	sdelay $0x1  }
0x36: {  	_ =	swait.ge [sflag:s17], $0x800  }
0x37: {  	[sflag:s17] =	ssyncset.done $0x0  }
.LBB2_5:
0x38: {  	s18 =	sadd.s32 $0x1, s18  }
0x39: {  	[sflag:s17] =	ssyncadd.s32 $0xFFFFF800;
	p1 =	sne.s32 s18, s12  }
.Ltmp4:
0x3a: {  	[bflag:$0x0] =	sbarrier.arrive $0xFFFF;
	(pc) =	sbr.rel @p1 .LBB2_1-.Ltmp4, $4  }
0x3b: {  	[hbm:s11], [sflag:s6] =	dma.local [spmem:s13], $0x4F0  }
0x3c: {  	_ =	swait.ge [sflag:s14], $0x4F0  }
0x3d: {  	[sflag:s14] =	ssyncset.done $0x0  }
0x3e: {  	[sflag:s14] =	ssyncadd.s32 $0xFFFFFB10  }
0x3f: {  	_ =	sfence.sel $0x180000  }
0x40: {  	[bflag:$0x0] =	sbarrier.arrive $0xFFFF  }
0x41: {  	p0 =	sne.s32 s0, $0x0;
	_ =	strace $0x9000005C  }
0x42: {  	s0 =	sadd.s32 @!p0 $0x100000, s1;
	[bflag:$0x2] =	sbarrier.arrive $0xFFFF  }
0x43: {  	[sflag:s0] =	ssyncadd.tile.s32 @!p0 $0x1;
	_ =	shalt  }
.Lfunc_end2:
_tile_overlayer_lowered:
.L_overlay_start_2:
0x44: {  	(tag) =	ssettag $0x2  }
0x45: {  	s0 =	rddreg [dreg:$0x0];
	s2 =	stileid.u32  }
0x46: {  	s1 =	rddreg [dreg:$0x1];
	p0 =	sne.s32 s2, $0x0  }
0x47: {  	s3 =	rddreg [dreg:$0x2];
	[bflag:$0x3] =	sbarrier.arrive $0xFFFF;
	s2 =	simm.s32 @!p0 $0x1C02  }
0x48: {  	[timem:s3], [sflag:s2] =	dma.local @!p0 [hbm:s0], s1  }
0x49: {  	s0 =	simm.s32 @!p0 $0x2  }
0x4a: {  	_ =	swait.ge @!p0 [sflag:s0], s1  }
0x4b: {  	s1 =	ssub.s32 @!p0 $0x0, s1;
	[sflag:s0] =	ssyncset.done @!p0 $0x0  }
0x4c: {  	[sflag:s0] =	ssyncadd.s32 @!p0 s1  }
0x4d: {  	[bflag:$0x3] =	sbarrier.arrive $0xFFFF  }
0x4e: {  	_ =	shalt  }

</sc_bundles>
